<compile_context>
chip_gen: v7x
topology: tpu7x:2x2x1
jax: 0.10.2.dev20260603
libtpu: 0.0.44.dev20260713+nightly
codegen_flags: <defaults>
</compile_context>

<pallas_src>
import functools

import jax
import jax.numpy as jnp
import numpy as np
from jax import lax
from jax.experimental import pallas as pl
from jax.experimental.pallas import tpu as pltpu
from jax.experimental.pallas import tpu_sc as plsc

N = 10000
E = 320000
B = 64
C = 10
F = 128
DIM = 16
NW = 32
NS = 16
EPW = E // NW
EPT = E // NS
CH = 40
NCHA = EPW // CH
NCHB = EPT // CH
NP = 10240
RPT = NP // NS

_HI = lax.Precision.HIGHEST


def _leaky(v):
    return jnp.where(v >= 0, v, 0.01 * v)



NBLK = 2000


def _k1_body(x_ref, b_ref, y_ref, linW_ref, linb_ref, wcat_ref,
             h0_ref, td_ref, ts_ref):
    bcol = b_ref[...]
    iota_g = lax.broadcasted_iota(jnp.int32, (1, B), 1)
    bmat = (bcol == iota_g).astype(jnp.float32)
    ycol = y_ref[...]
    iota_c = lax.broadcasted_iota(jnp.int32, (1, C), 1)
    ymat = (ycol == iota_c).astype(jnp.float32)
    ohw = jnp.dot(ymat, linW_ref[F:, :])
    h = (jnp.dot(x_ref[...], linW_ref[:F, :])
         + jnp.dot(bmat, ohw) + linb_ref[...])
    h = _leaky(h)
    h0_ref[...] = h
    t = jnp.dot(h, wcat_ref[...])
    td_ref[...] = t[:, :2 * F]
    ts_ref[...] = t[:, 2 * F:]


def _k1(x, batch_col, y_col, lin_W, lin_b, wcat):
    return pl.pallas_call(
        _k1_body,
        grid=(N // NBLK,),
        in_specs=[
            pl.BlockSpec((NBLK, F), lambda i: (i, 0)),
            pl.BlockSpec((NBLK, 1), lambda i: (i, 0)),
            pl.BlockSpec((B, 1), lambda i: (0, 0)),
            pl.BlockSpec((F + C, F), lambda i: (0, 0)),
            pl.BlockSpec((1, F), lambda i: (0, 0)),
            pl.BlockSpec((F, 4 * F), lambda i: (0, 0)),
        ],
        out_specs=(
            pl.BlockSpec((NBLK, F), lambda i: (i, 0)),
            pl.BlockSpec((NBLK, 2 * F), lambda i: (i, 0)),
            pl.BlockSpec((NBLK, 2 * F), lambda i: (i, 0)),
        ),
        out_shape=(
            jax.ShapeDtypeStruct((N, F), jnp.float32),
            jax.ShapeDtypeStruct((N, 2 * F), jnp.float32),
            jax.ShapeDtypeStruct((N, 2 * F), jnp.float32),
        ),
    )(x, batch_col, y_col, lin_W, lin_b, wcat)


def _k3_body(g_ref, ea_ref, we_ref, be_ref, msg_ref):
    t = g_ref[...] + jnp.dot(ea_ref[...], we_ref[...]) + be_ref[...]
    gf = t[:, :F]
    gs = t[:, F:]
    sig = 1.0 / (1.0 + jnp.exp(-gf))
    m = jnp.maximum(gs, 0.0)
    sp = m + jnp.log(1.0 + jnp.exp(-jnp.abs(gs)))
    msg_ref[...] = sig * sp


def _k3(g, edge_attr, we, be):
    blk = 2000
    return pl.pallas_call(
        _k3_body,
        grid=(E // blk,),
        in_specs=[
            pl.BlockSpec((blk, 2 * F), lambda i: (i, 0)),
            pl.BlockSpec((blk, DIM), lambda i: (i, 0)),
            pl.BlockSpec((DIM, 2 * F), lambda i: (0, 0)),
            pl.BlockSpec((1, 2 * F), lambda i: (0, 0)),
        ],
        out_specs=pl.BlockSpec((blk, F), lambda i: (i, 0)),
        out_shape=jax.ShapeDtypeStruct((E, F), jnp.float32),
    )(g, edge_attr, we, be)


def _k4_body(h0_ref, agg_ref, wcat_ref, h1_ref, td_ref, ts_ref):
    h = _leaky(h0_ref[...] + agg_ref[...])
    h1_ref[...] = h
    t = jnp.dot(h, wcat_ref[...])
    td_ref[...] = t[:, :2 * F]
    ts_ref[...] = t[:, 2 * F:]


def _k4(h0, agg, wcat):
    return pl.pallas_call(
        _k4_body,
        grid=(N // NBLK,),
        in_specs=[
            pl.BlockSpec((NBLK, F), lambda i: (i, 0)),
            pl.BlockSpec((NBLK, F), lambda i: (i, 0)),
            pl.BlockSpec((F, 4 * F), lambda i: (0, 0)),
        ],
        out_specs=(
            pl.BlockSpec((NBLK, F), lambda i: (i, 0)),
            pl.BlockSpec((NBLK, 2 * F), lambda i: (i, 0)),
            pl.BlockSpec((NBLK, 2 * F), lambda i: (i, 0)),
        ),
        out_shape=(
            jax.ShapeDtypeStruct((N, F), jnp.float32),
            jax.ShapeDtypeStruct((N, 2 * F), jnp.float32),
            jax.ShapeDtypeStruct((N, 2 * F), jnp.float32),
        ),
    )(h0, agg, wcat)


def _k6_body(h1_ref, agg_ref, brow_ref, y_ref, fc1W_ref, fc1b_ref,
             fc2W_ref, fc2b_ref, out_ref):
    h2 = h1_ref[...] + agg_ref[...]
    brow = brow_ref[...]
    iota_g = lax.broadcasted_iota(jnp.int32, (B, 1), 0)
    bmat_t = (iota_g == brow).astype(jnp.float32)
    sums = jnp.dot(bmat_t, h2, precision=_HI)
    counts = jnp.sum(bmat_t, axis=1, keepdims=True)
    pooled = sums / jnp.maximum(counts, 1.0)
    ycol = y_ref[...]
    iota_c = lax.broadcasted_iota(jnp.int32, (1, C), 1)
    ymat = (ycol == iota_c).astype(jnp.float32)
    t = (jnp.dot(pooled, fc1W_ref[:F, :])
         + jnp.dot(ymat, fc1W_ref[F:, :]) + fc1b_ref[...])
    t = _leaky(t)
    o = jnp.dot(t, fc2W_ref[...]) + fc2b_ref[...]
    out_ref[...] = 1.0 / (1.0 + jnp.exp(-o))


def _k6(h1, agg, batch_row, y_col, fc1_W, fc1_b, fc2_W, fc2_b):
    return pl.pallas_call(
        _k6_body,
        in_specs=[
            pl.BlockSpec((N, F), lambda: (0, 0)),
            pl.BlockSpec((N, F), lambda: (0, 0)),
            pl.BlockSpec((1, N), lambda: (0, 0)),
            pl.BlockSpec((B, 1), lambda: (0, 0)),
            pl.BlockSpec((F + C, 32), lambda: (0, 0)),
            pl.BlockSpec((1, 32), lambda: (0, 0)),
            pl.BlockSpec((32, 1), lambda: (0, 0)),
            pl.BlockSpec((1, 1), lambda: (0, 0)),
        ],
        out_specs=pl.BlockSpec((B, 1), lambda: (0, 0)),
        out_shape=jax.ShapeDtypeStruct((B, 1), jnp.float32),
    )(h1, agg[:N], batch_row, y_col, fc1_W, fc1_b, fc2_W, fc2_b)



def _gather_body(td_hbm, ts_hbm, dst_hbm, src_hbm, g_hbm,
                 idx_d, idx_s, ad0, ad1, as0, as1,
                 sem_a0, sem_a1, sem_b0, sem_b1):
    c = lax.axis_index("c")
    s = lax.axis_index("s")
    wid = c * NS + s
    base0 = wid * EPW
    pltpu.sync_copy(dst_hbm.at[pl.ds(base0, EPW)], idx_d)
    pltpu.sync_copy(src_hbm.at[pl.ds(base0, EPW)], idx_s)

    def start(i, ad, as_, sa, sb):
        sl = pl.ds(i * CH, CH)
        pltpu.async_copy(td_hbm.at[idx_d.at[sl]], ad, sa)
        pltpu.async_copy(ts_hbm.at[idx_s.at[sl]], as_, sb)

    def drain(ad, as_, sa, sb):
        pltpu.make_async_copy(td_hbm.at[pl.ds(0, CH)], ad, sa).wait()
        pltpu.make_async_copy(ts_hbm.at[pl.ds(0, CH)], as_, sb).wait()

    def accum_write(i, ad, as_):
        def row_body(e, carry):
            for j in range(2 * F // 16):
                sl = pl.ds(16 * j, 16)
                ad[e, sl] = ad[e, sl] + as_[e, sl]
            return carry
        lax.fori_loop(0, CH, row_body, 0, unroll=False)
        pltpu.sync_copy(ad, g_hbm.at[pl.ds(base0 + i * CH, CH)])

    start(0, ad0, as0, sem_a0, sem_b0)

    def pair_body(k, carry):
        i0 = 2 * k
        i1 = i0 + 1
        start(i1, ad1, as1, sem_a1, sem_b1)
        drain(ad0, as0, sem_a0, sem_b0)
        accum_write(i0, ad0, as0)

        @pl.when(i1 + 1 < NCHA)
        def _():
            start(i1 + 1, ad0, as0, sem_a0, sem_b0)

        drain(ad1, as1, sem_a1, sem_b1)
        accum_write(i1, ad1, as1)
        return carry

    lax.fori_loop(0, NCHA // 2, pair_body, 0, unroll=False)


@functools.cache
def _get_gather_kernel():
    return pl.kernel(
        _gather_body,
        mesh=plsc.VectorSubcoreMesh(core_axis_name="c", subcore_axis_name="s"),
        out_type=jax.ShapeDtypeStruct((E, 2 * F), jnp.float32),
        scratch_types=[
            pltpu.VMEM((EPW,), jnp.int32),
            pltpu.VMEM((EPW,), jnp.int32),
            pltpu.VMEM((CH, 2 * F), jnp.float32),
            pltpu.VMEM((CH, 2 * F), jnp.float32),
            pltpu.VMEM((CH, 2 * F), jnp.float32),
            pltpu.VMEM((CH, 2 * F), jnp.float32),
            pltpu.SemaphoreType.DMA,
            pltpu.SemaphoreType.DMA,
            pltpu.SemaphoreType.DMA,
            pltpu.SemaphoreType.DMA,
        ],
    )



def _scat_body(msg_hbm, dst_hbm, zeros_hbm, out_hbm,
               i0v, i1v, m0, m1, agg_sp, sem0, sem1):
    s = lax.axis_index("s")
    pltpu.sync_copy(zeros_hbm, agg_sp.at[pl.ds(s * RPT, RPT)])
    plsc.subcore_barrier()
    base0 = s * EPT

    def start(i, buf, iv, sem):
        pltpu.async_copy(msg_hbm.at[pl.ds(base0 + i * CH, CH)], buf, sem)
        pltpu.sync_copy(dst_hbm.at[pl.ds(base0 + i * CH, CH)], iv)

    def drain(buf, sem):
        pltpu.make_async_copy(msg_hbm.at[pl.ds(0, CH)], buf, sem).wait()

    start(0, m0, i0v, sem0)

    def pair_body(k, carry):
        i0 = 2 * k
        i1 = i0 + 1
        start(i1, m1, i1v, sem1)
        drain(m0, sem0)
        pltpu.sync_copy(m0, agg_sp.at[i0v], add=True)

        @pl.when(i1 + 1 < NCHB)
        def _():
            start(i1 + 1, m0, i0v, sem0)

        drain(m1, sem1)
        pltpu.sync_copy(m1, agg_sp.at[i1v], add=True)
        return carry

    lax.fori_loop(0, NCHB // 2, pair_body, 0, unroll=False)
    plsc.subcore_barrier()
    pltpu.sync_copy(agg_sp.at[pl.ds(s * RPT, RPT)],
                    out_hbm.at[pl.ds(s * RPT, RPT)])


@functools.cache
def _get_scat_kernel():
    return pl.kernel(
        _scat_body,
        mesh=plsc.VectorSubcoreMesh(core_axis_name="c", subcore_axis_name="s",
                                    num_cores=1),
        out_type=jax.ShapeDtypeStruct((NP, F), jnp.float32),
        scratch_types=[
            pltpu.VMEM((CH,), jnp.int32),
            pltpu.VMEM((CH,), jnp.int32),
            pltpu.VMEM((CH, F), jnp.float32),
            pltpu.VMEM((CH, F), jnp.float32),
            pltpu.VMEM_SHARED((NP, F), jnp.float32),
            pltpu.SemaphoreType.DMA,
            pltpu.SemaphoreType.DMA,
        ],
    )


def kernel(x, y, edge_index, edge_attr, batch, lin_W, lin_b,
           c1_Wf, c1_bf, c1_Ws, c1_bs, c2_Wf, c2_bf, c2_Ws, c2_bs,
           fc1_W, fc1_b, fc2_W, fc2_b):
    src = edge_index[0].astype(jnp.int32)
    dst = edge_index[1].astype(jnp.int32)
    batch_col = batch.astype(jnp.int32).reshape(N, 1)
    batch_row = batch.astype(jnp.int32).reshape(1, N)
    y_col = y.astype(jnp.int32).reshape(B, 1)
    lin_b2 = lin_b.reshape(1, F)
    fc1_b2 = fc1_b.reshape(1, 32)
    fc2_b2 = fc2_b.reshape(1, 1)
    zeros = jnp.zeros((RPT, F), jnp.float32)

    def wcat_layer(Wf, Ws):
        return jnp.concatenate(
            [Wf[:F], Ws[:F], Wf[F:2 * F], Ws[F:2 * F]], axis=1)

    wcat1 = wcat_layer(c1_Wf, c1_Ws)
    wcat2 = wcat_layer(c2_Wf, c2_Ws)
    we1 = jnp.concatenate([c1_Wf[2 * F:], c1_Ws[2 * F:]], axis=1)
    we2 = jnp.concatenate([c2_Wf[2 * F:], c2_Ws[2 * F:]], axis=1)
    be1 = jnp.concatenate([c1_bf, c1_bs]).reshape(1, 2 * F)
    be2 = jnp.concatenate([c2_bf, c2_bs]).reshape(1, 2 * F)

    h0, td1, ts1 = _k1(x, batch_col, y_col, lin_W, lin_b2, wcat1)

    gather = _get_gather_kernel()
    scat = _get_scat_kernel()
    g1 = gather(td1, ts1, dst, src)
    agg1 = scat(_k3(g1, edge_attr, we1, be1), dst, zeros)
    h1, td2, ts2 = _k4(h0, agg1[:N], wcat2)
    g2 = gather(td2, ts2, dst, src)
    agg2 = scat(_k3(g2, edge_attr, we2, be2), dst, zeros)
    return _k6(h1, agg2[:N], batch_row, y_col, fc1_W, fc1_b2, fc2_W, fc2_b2)

# --- scband reference (transcript-rebuilt; emitter-appended) ---
"""Pipeline reference for scband-dis-gnn-82918638617117 (READ-ONLY COPY).

The authoritative reference and input builder live on the scoring server;
editing this copy changes nothing except your own understanding.
"""

import jax, jax.numpy as jnp
import numpy as np

N = 10000
E = 320000
B = 64
C = 10
IN = 128
OUT = 128
DIM = 16


def setup_inputs(seed: int = 0) -> dict:
    key = jax.random.key(seed)
    ks = jax.random.split(key, 24)
    s = 0.05
    inp = {
        "x": jax.random.normal(ks[0], (N, IN), dtype=jnp.float32),
        "y": jax.random.randint(ks[1], (B,), 0, C),
        "edge_index": jax.random.randint(ks[2], (2, E), 0, N),
        "edge_attr": jax.random.normal(ks[3], (E, DIM), dtype=jnp.float32),
        "batch": jnp.sort(jax.random.randint(ks[4], (N,), 0, B)),
        "lin_W": jax.random.normal(ks[5], (IN + C, OUT), dtype=jnp.float32) * s,
        "lin_b": jnp.zeros((OUT,), dtype=jnp.float32),
        "c1_Wf": jax.random.normal(ks[6], (2 * OUT + DIM, OUT), dtype=jnp.float32) * s,
        "c1_bf": jnp.zeros((OUT,), dtype=jnp.float32),
        "c1_Ws": jax.random.normal(ks[7], (2 * OUT + DIM, OUT), dtype=jnp.float32) * s,
        "c1_bs": jnp.zeros((OUT,), dtype=jnp.float32),
        "c2_Wf": jax.random.normal(ks[8], (2 * OUT + DIM, OUT), dtype=jnp.float32) * s,
        "c2_bf": jnp.zeros((OUT,), dtype=jnp.float32),
        "c2_Ws": jax.random.normal(ks[9], (2 * OUT + DIM, OUT), dtype=jnp.float32) * s,
        "c2_bs": jnp.zeros((OUT,), dtype=jnp.float32),
        "fc1_W": jax.random.normal(ks[10], (OUT + C, 32), dtype=jnp.float32) * s,
        "fc1_b": jnp.zeros((32,), dtype=jnp.float32),
        "fc2_W": jax.random.normal(ks[11], (32, 1), dtype=jnp.float32) * s,
        "fc2_b": jnp.zeros((1,), dtype=jnp.float32),
    }
    return inp


def reference(x, y, edge_index, edge_attr, batch, lin_W, lin_b, c1_Wf, c1_bf, c1_Ws, c1_bs, c2_Wf, c2_bf, c2_Ws, c2_bs, fc1_W, fc1_b, fc2_W, fc2_b):
    # one-hot label per node via graph label gathered by batch assignment
    oh = jax.nn.one_hot(y[batch], C, dtype=x.dtype)
    h = jnp.concatenate([x, oh], axis=1)
    h = jax.nn.leaky_relu(h @ lin_W + lin_b, negative_slope=0.01)

    def cgconv(h, Wf, bf, Ws, bs):
        src = edge_index[0]
        dst = edge_index[1]
        z = jnp.concatenate([h[dst], h[src], edge_attr], axis=1)
        msg = jax.nn.sigmoid(z @ Wf + bf) * jax.nn.softplus(z @ Ws + bs)
        agg = jax.ops.segment_sum(msg, dst, num_segments=h.shape[0])
        return h + agg

    h = jax.nn.leaky_relu(cgconv(h, c1_Wf, c1_bf, c1_Ws, c1_bs), negative_slope=0.01)
    h = cgconv(h, c2_Wf, c2_bf, c2_Ws, c2_bs)
    h = jnp.concatenate([h, oh], axis=1)
    sums = jax.ops.segment_sum(h, batch, num_segments=B)
    counts = jax.ops.segment_sum(jnp.ones((h.shape[0],), h.dtype), batch, num_segments=B)
    pooled = sums / jnp.maximum(counts, 1.0)[:, None]
    out = jax.nn.leaky_relu(pooled @ fc1_W + fc1_b, negative_slope=0.01)
    out = out @ fc2_W + fc2_b
    return jax.nn.sigmoid(out)

if __name__ == "__main__":
    import jax
    _d = setup_inputs()
    print(jax.jit(kernel)(*tuple(_d.values())))

</pallas_src>

<mosaic_0001>
#map = affine_map<(d0, d1) -> (0, 0)>
#map1 = affine_map<(d0, d1) -> (0)>
module attributes {stable_mosaic.version = 14 : i64} {
  func.func @_gather_body(%arg0: i32, %arg1: i32, %arg2: memref<10000x256xf32, #tpu.memory_space<hbm>>, %arg3: memref<10000x256xf32, #tpu.memory_space<hbm>>, %arg4: memref<320000xi32, #tpu.memory_space<hbm>>, %arg5: memref<320000xi32, #tpu.memory_space<hbm>>, %arg6: memref<320000x256xf32, #tpu.memory_space<hbm>>, %arg7: memref<10000xi32, #tpu.memory_space<vmem>>, %arg8: memref<10000xi32, #tpu.memory_space<vmem>>, %arg9: memref<40x256xf32, #tpu.memory_space<vmem>>, %arg10: memref<40x256xf32, #tpu.memory_space<vmem>>, %arg11: memref<40x256xf32, #tpu.memory_space<vmem>>, %arg12: memref<40x256xf32, #tpu.memory_space<vmem>>, %arg13: memref<!tpu.dma_semaphore, #tpu.memory_space<semaphore_mem>>, %arg14: memref<!tpu.dma_semaphore, #tpu.memory_space<semaphore_mem>>, %arg15: memref<!tpu.dma_semaphore, #tpu.memory_space<semaphore_mem>>, %arg16: memref<!tpu.dma_semaphore, #tpu.memory_space<semaphore_mem>>) attributes {dimension_semantics = [#tpu.dimension_semantics<core_parallel>, #tpu.dimension_semantics<subcore_parallel>], iteration_bounds = array<i64: 2, 16>, scalar_prefetch = 0 : i64, scratch_operands = 10 : i64, tpu.core_type = #tpu.core_type<sc_vector_subcore>, window_params = [{transform_indices = #map}, {transform_indices = #map}, {transform_indices = #map1}, {transform_indices = #map1}, {transform_indices = #map}]} {
    %mul3A = arith.constant 16 : i32
    %mul3A_0 = arith.muli %arg0, %mul3A : i32
    %add3A = arith.addi %mul3A_0, %arg1 : i32
    %mul3A_1 = arith.constant 10000 : i32
    %mul3A_2 = arith.muli %add3A, %mul3A_1 : i32
    "tpu.region"() ({
      %run_scoped3A = tpu.sem_alloc : memref<!tpu.dma_semaphore, #tpu.memory_space<semaphore_mem>>
      %dma_start3A_17 = tpu.memref_slice %arg4[%mul3A_2] : memref<320000xi32, #tpu.memory_space<hbm>> -> memref<10000xi32, #tpu.memory_space<hbm>>
      %dma_start3A_18 = tpu.memref_slice %arg4[%mul3A_2] : memref<320000xi32, #tpu.memory_space<hbm>> -> memref<10000xi32, #tpu.memory_space<hbm>>
      tpu.enqueue_dma source(%dma_start3A_18 : memref<10000xi32, #tpu.memory_space<hbm>>) target(%arg7 : memref<10000xi32, #tpu.memory_space<vmem>>) target_semaphore(%run_scoped3A : memref<!tpu.dma_semaphore, #tpu.memory_space<semaphore_mem>>)
      %dma_wait3A = tpu.memref_slice %arg4[%mul3A_2] : memref<320000xi32, #tpu.memory_space<hbm>> -> memref<10000xi32, #tpu.memory_space<hbm>>
      %dma_wait3A_19 = tpu.memref_slice %arg4[%mul3A_2] : memref<320000xi32, #tpu.memory_space<hbm>> -> memref<10000xi32, #tpu.memory_space<hbm>>
      tpu.wait_dma2 semaphore(%run_scoped3A : memref<!tpu.dma_semaphore, #tpu.memory_space<semaphore_mem>>) src(%dma_wait3A_19 : memref<10000xi32, #tpu.memory_space<hbm>>) dst(%arg7 : memref<10000xi32, #tpu.memory_space<vmem>>)
      tpu.yield
    }) : () -> ()
    "tpu.region"() ({
      %run_scoped3A = tpu.sem_alloc : memref<!tpu.dma_semaphore, #tpu.memory_space<semaphore_mem>>
      %dma_start3A_17 = tpu.memref_slice %arg5[%mul3A_2] : memref<320000xi32, #tpu.memory_space<hbm>> -> memref<10000xi32, #tpu.memory_space<hbm>>
      %dma_start3A_18 = tpu.memref_slice %arg5[%mul3A_2] : memref<320000xi32, #tpu.memory_space<hbm>> -> memref<10000xi32, #tpu.memory_space<hbm>>
      tpu.enqueue_dma source(%dma_start3A_18 : memref<10000xi32, #tpu.memory_space<hbm>>) target(%arg8 : memref<10000xi32, #tpu.memory_space<vmem>>) target_semaphore(%run_scoped3A : memref<!tpu.dma_semaphore, #tpu.memory_space<semaphore_mem>>)
      %dma_wait3A = tpu.memref_slice %arg5[%mul3A_2] : memref<320000xi32, #tpu.memory_space<hbm>> -> memref<10000xi32, #tpu.memory_space<hbm>>
      %dma_wait3A_19 = tpu.memref_slice %arg5[%mul3A_2] : memref<320000xi32, #tpu.memory_space<hbm>> -> memref<10000xi32, #tpu.memory_space<hbm>>
      tpu.wait_dma2 semaphore(%run_scoped3A : memref<!tpu.dma_semaphore, #tpu.memory_space<semaphore_mem>>) src(%dma_wait3A_19 : memref<10000xi32, #tpu.memory_space<hbm>>) dst(%arg8 : memref<10000xi32, #tpu.memory_space<vmem>>)
      tpu.yield
    }) : () -> ()
    %dma_start3A = arith.constant 0 : i32
    %dma_start3A_3 = tpu.memref_slice %arg7[%dma_start3A] : memref<10000xi32, #tpu.memory_space<vmem>> -> memref<40xi32, #tpu.memory_space<vmem>>
    %dma_start3A_4 = arith.constant 0 : i32
    %dma_start3A_5 = arith.constant 0 : i32
    %dma_start3A_6 = tpu.memref_slice %arg2[%dma_start3A_4, %dma_start3A_5] : memref<10000x256xf32, #tpu.memory_space<hbm>> -> memref<10000x256xf32, #tpu.memory_space<hbm>>
    tpu.enqueue_indirect_dma source(%dma_start3A_6 : memref<10000x256xf32, #tpu.memory_space<hbm>>) target(%arg9 : memref<40x256xf32, #tpu.memory_space<vmem>>) offsets(%dma_start3A_3 : memref<40xi32, #tpu.memory_space<vmem>>) semaphore(%arg13 : memref<!tpu.dma_semaphore, #tpu.memory_space<semaphore_mem>>)
    %dma_start3A_7 = arith.constant 0 : i32
    %dma_start3A_8 = tpu.memref_slice %arg8[%dma_start3A_7] : memref<10000xi32, #tpu.memory_space<vmem>> -> memref<40xi32, #tpu.memory_space<vmem>>
    %dma_start3A_9 = arith.constant 0 : i32
    %dma_start3A_10 = arith.constant 0 : i32
    %dma_start3A_11 = tpu.memref_slice %arg3[%dma_start3A_9, %dma_start3A_10] : memref<10000x256xf32, #tpu.memory_space<hbm>> -> memref<10000x256xf32, #tpu.memory_space<hbm>>
    tpu.enqueue_indirect_dma source(%dma_start3A_11 : memref<10000x256xf32, #tpu.memory_space<hbm>>) target(%arg11 : memref<40x256xf32, #tpu.memory_space<vmem>>) offsets(%dma_start3A_8 : memref<40xi32, #tpu.memory_space<vmem>>) semaphore(%arg15 : memref<!tpu.dma_semaphore, #tpu.memory_space<semaphore_mem>>)
    %scan3A = arith.constant 0 : i32
    %scan3A_12 = arith.constant 0 : i32
    %scan3A_13 = arith.constant 125 : i32
    %scan3A_14 = arith.addi %scan3A_12, %scan3A_13 : i32
    %scan3A_15 = arith.constant 1 : i32
    scf.for %scan3A_17 = %scan3A_12 to %scan3A_14 step %scan3A_15  : i32 {
      %mul3A_18 = arith.constant 2 : i32
      %mul3A_19 = arith.muli %mul3A_18, %scan3A_17 : i32
      %add3A_20 = arith.constant 1 : i32
      %add3A_21 = arith.addi %mul3A_19, %add3A_20 : i32
      %mul3A_22 = arith.constant 40 : i32
      %mul3A_23 = arith.muli %add3A_21, %mul3A_22 : i32
      %dma_start3A_24 = tpu.memref_slice %arg7[%mul3A_23] : memref<10000xi32, #tpu.memory_space<vmem>> -> memref<40xi32, #tpu.memory_space<vmem>>
      %dma_start3A_25 = arith.constant 0 : i32
      %dma_start3A_26 = arith.constant 0 : i32
      %dma_start3A_27 = tpu.memref_slice %arg2[%dma_start3A_25, %dma_start3A_26] : memref<10000x256xf32, #tpu.memory_space<hbm>> -> memref<10000x256xf32, #tpu.memory_space<hbm>>
      tpu.enqueue_indirect_dma source(%dma_start3A_27 : memref<10000x256xf32, #tpu.memory_space<hbm>>) target(%arg10 : memref<40x256xf32, #tpu.memory_space<vmem>>) offsets(%dma_start3A_24 : memref<40xi32, #tpu.memory_space<vmem>>) semaphore(%arg14 : memref<!tpu.dma_semaphore, #tpu.memory_space<semaphore_mem>>)
      %dma_start3A_28 = tpu.memref_slice %arg8[%mul3A_23] : memref<10000xi32, #tpu.memory_space<vmem>> -> memref<40xi32, #tpu.memory_space<vmem>>
      %dma_start3A_29 = arith.constant 0 : i32
      %dma_start3A_30 = arith.constant 0 : i32
      %dma_start3A_31 = tpu.memref_slice %arg3[%dma_start3A_29, %dma_start3A_30] : memref<10000x256xf32, #tpu.memory_space<hbm>> -> memref<10000x256xf32, #tpu.memory_space<hbm>>
      tpu.enqueue_indirect_dma source(%dma_start3A_31 : memref<10000x256xf32, #tpu.memory_space<hbm>>) target(%arg12 : memref<40x256xf32, #tpu.memory_space<vmem>>) offsets(%dma_start3A_28 : memref<40xi32, #tpu.memory_space<vmem>>) semaphore(%arg16 : memref<!tpu.dma_semaphore, #tpu.memory_space<semaphore_mem>>)
      %dma_wait3A = arith.constant 0 : i32
      %dma_wait3A_32 = arith.constant 0 : i32
      %dma_wait3A_33 = tpu.memref_slice %arg2[%dma_wait3A, %dma_wait3A_32] : memref<10000x256xf32, #tpu.memory_space<hbm>> -> memref<40x256xf32, #tpu.memory_space<hbm>>
      %dma_wait3A_34 = arith.constant 0 : i32
      %dma_wait3A_35 = arith.constant 0 : i32
      %dma_wait3A_36 = tpu.memref_slice %arg2[%dma_wait3A_34, %dma_wait3A_35] : memref<10000x256xf32, #tpu.memory_space<hbm>> -> memref<40x256xf32, #tpu.memory_space<hbm>>
      tpu.wait_dma2 semaphore(%arg13 : memref<!tpu.dma_semaphore, #tpu.memory_space<semaphore_mem>>) src(%dma_wait3A_36 : memref<40x256xf32, #tpu.memory_space<hbm>>) dst(%arg9 : memref<40x256xf32, #tpu.memory_space<vmem>>)
      %dma_wait3A_37 = arith.constant 0 : i32
      %dma_wait3A_38 = arith.constant 0 : i32
      %dma_wait3A_39 = tpu.memref_slice %arg3[%dma_wait3A_37, %dma_wait3A_38] : memref<10000x256xf32, #tpu.memory_space<hbm>> -> memref<40x256xf32, #tpu.memory_space<hbm>>
      %dma_wait3A_40 = arith.constant 0 : i32
      %dma_wait3A_41 = arith.constant 0 : i32
      %dma_wait3A_42 = tpu.memref_slice %arg3[%dma_wait3A_40, %dma_wait3A_41] : memref<10000x256xf32, #tpu.memory_space<hbm>> -> memref<40x256xf32, #tpu.memory_space<hbm>>
      tpu.wait_dma2 semaphore(%arg15 : memref<!tpu.dma_semaphore, #tpu.memory_space<semaphore_mem>>) src(%dma_wait3A_42 : memref<40x256xf32, #tpu.memory_space<hbm>>) dst(%arg11 : memref<40x256xf32, #tpu.memory_space<vmem>>)
      %scan3A_43 = arith.constant 0 : i32
      %scan3A_44 = arith.constant 0 : i32
      %scan3A_45 = arith.constant 40 : i32
      %scan3A_46 = arith.addi %scan3A_44, %scan3A_45 : i32
      %scan3A_47 = arith.constant 1 : i32
      scf.for %scan3A_77 = %scan3A_44 to %scan3A_46 step %scan3A_47  : i32 {
        %get3A = arith.index_cast %scan3A_77 : i32 to index
        %get3A_78 = arith.constant 0 : index
        %get3A_79 = tpu.vector_load %arg9[%get3A, %get3A_78] {strides = array<i32>} : memref<40x256xf32, #tpu.memory_space<vmem>>, vector<1x16xf32>,
        %get3A_80 = vector.shape_cast %get3A_79 : vector<1x16xf32> to vector<16xf32>
        %get3A_81 = arith.index_cast %scan3A_77 : i32 to index
        %get3A_82 = arith.constant 0 : index
        %get3A_83 = tpu.vector_load %arg11[%get3A_81, %get3A_82] {strides = array<i32>} : memref<40x256xf32, #tpu.memory_space<vmem>>, vector<1x16xf32>,
        %get3A_84 = vector.shape_cast %get3A_83 : vector<1x16xf32> to vector<16xf32>
        %add3A_85 = arith.addf %get3A_80, %get3A_84 : vector<16xf32>
        %swap3A = arith.index_cast %scan3A_77 : i32 to index
        %swap3A_86 = arith.constant 0 : index
        %swap3A_87 = tpu.vector_load %arg9[%swap3A, %swap3A_86] {strides = array<i32>} : memref<40x256xf32, #tpu.memory_space<vmem>>, vector<1x16xf32>,
        %swap3A_88 = vector.shape_cast %swap3A_87 : vector<1x16xf32> to vector<16xf32>
        %swap3A_89 = vector.shape_cast %add3A_85 : vector<16xf32> to vector<1x16xf32>
        tpu.vector_store %arg9[%swap3A, %swap3A_86], %swap3A_89 {strides = array<i32>} : memref<40x256xf32, #tpu.memory_space<vmem>>, vector<1x16xf32>,
        %get3A_90 = arith.index_cast %scan3A_77 : i32 to index
        %get3A_91 = arith.constant 16 : index
        %get3A_92 = tpu.vector_load %arg9[%get3A_90, %get3A_91] {strides = array<i32>} : memref<40x256xf32, #tpu.memory_space<vmem>>, vector<1x16xf32>,
        %get3A_93 = vector.shape_cast %get3A_92 : vector<1x16xf32> to vector<16xf32>
        %get3A_94 = arith.index_cast %scan3A_77 : i32 to index
        %get3A_95 = arith.constant 16 : index
        %get3A_96 = tpu.vector_load %arg11[%get3A_94, %get3A_95] {strides = array<i32>} : memref<40x256xf32, #tpu.memory_space<vmem>>, vector<1x16xf32>,
        %get3A_97 = vector.shape_cast %get3A_96 : vector<1x16xf32> to vector<16xf32>
        %add3A_98 = arith.addf %get3A_93, %get3A_97 : vector<16xf32>
        %swap3A_99 = arith.index_cast %scan3A_77 : i32 to index
        %swap3A_100 = arith.constant 16 : index
        %swap3A_101 = tpu.vector_load %arg9[%swap3A_99, %swap3A_100] {strides = array<i32>} : memref<40x256xf32, #tpu.memory_space<vmem>>, vector<1x16xf32>,
        %swap3A_102 = vector.shape_cast %swap3A_101 : vector<1x16xf32> to vector<16xf32>
        %swap3A_103 = vector.shape_cast %add3A_98 : vector<16xf32> to vector<1x16xf32>
        tpu.vector_store %arg9[%swap3A_99, %swap3A_100], %swap3A_103 {strides = array<i32>} : memref<40x256xf32, #tpu.memory_space<vmem>>, vector<1x16xf32>,
        %get3A_104 = arith.index_cast %scan3A_77 : i32 to index
        %get3A_105 = arith.constant 32 : index
        %get3A_106 = tpu.vector_load %arg9[%get3A_104, %get3A_105] {strides = array<i32>} : memref<40x256xf32, #tpu.memory_space<vmem>>, vector<1x16xf32>,
        %get3A_107 = vector.shape_cast %get3A_106 : vector<1x16xf32> to vector<16xf32>
        %get3A_108 = arith.index_cast %scan3A_77 : i32 to index
        %get3A_109 = arith.constant 32 : index
        %get3A_110 = tpu.vector_load %arg11[%get3A_108, %get3A_109] {strides = array<i32>} : memref<40x256xf32, #tpu.memory_space<vmem>>, vector<1x16xf32>,
        %get3A_111 = vector.shape_cast %get3A_110 : vector<1x16xf32> to vector<16xf32>
        %add3A_112 = arith.addf %get3A_107, %get3A_111 : vector<16xf32>
        %swap3A_113 = arith.index_cast %scan3A_77 : i32 to index
        %swap3A_114 = arith.constant 32 : index
        %swap3A_115 = tpu.vector_load %arg9[%swap3A_113, %swap3A_114] {strides = array<i32>} : memref<40x256xf32, #tpu.memory_space<vmem>>, vector<1x16xf32>,
        %swap3A_116 = vector.shape_cast %swap3A_115 : vector<1x16xf32> to vector<16xf32>
        %swap3A_117 = vector.shape_cast %add3A_112 : vector<16xf32> to vector<1x16xf32>
        tpu.vector_store %arg9[%swap3A_113, %swap3A_114], %swap3A_117 {strides = array<i32>} : memref<40x256xf32, #tpu.memory_space<vmem>>, vector<1x16xf32>,
        %get3A_118 = arith.index_cast %scan3A_77 : i32 to index
        %get3A_119 = arith.constant 48 : index
        %get3A_120 = tpu.vector_load %arg9[%get3A_118, %get3A_119] {strides = array<i32>} : memref<40x256xf32, #tpu.memory_space<vmem>>, vector<1x16xf32>,
        %get3A_121 = vector.shape_cast %get3A_120 : vector<1x16xf32> to vector<16xf32>
        %get3A_122 = arith.index_cast %scan3A_77 : i32 to index
        %get3A_123 = arith.constant 48 : index
        %get3A_124 = tpu.vector_load %arg11[%get3A_122, %get3A_123] {strides = array<i32>} : memref<40x256xf32, #tpu.memory_space<vmem>>, vector<1x16xf32>,
        %get3A_125 = vector.shape_cast %get3A_124 : vector<1x16xf32> to vector<16xf32>
        %add3A_126 = arith.addf %get3A_121, %get3A_125 : vector<16xf32>
        %swap3A_127 = arith.index_cast %scan3A_77 : i32 to index
        %swap3A_128 = arith.constant 48 : index
        %swap3A_129 = tpu.vector_load %arg9[%swap3A_127, %swap3A_128] {strides = array<i32>} : memref<40x256xf32, #tpu.memory_space<vmem>>, vector<1x16xf32>,
        %swap3A_130 = vector.shape_cast %swap3A_129 : vector<1x16xf32> to vector<16xf32>
        %swap3A_131 = vector.shape_cast %add3A_126 : vector<16xf32> to vector<1x16xf32>
        tpu.vector_store %arg9[%swap3A_127, %swap3A_128], %swap3A_131 {strides = array<i32>} : memref<40x256xf32, #tpu.memory_space<vmem>>, vector<1x16xf32>,
        %get3A_132 = arith.index_cast %scan3A_77 : i32 to index
        %get3A_133 = arith.constant 64 : index
        %get3A_134 = tpu.vector_load %arg9[%get3A_132, %get3A_133] {strides = array<i32>} : memref<40x256xf32, #tpu.memory_space<vmem>>, vector<1x16xf32>,
        %get3A_135 = vector.shape_cast %get3A_134 : vector<1x16xf32> to vector<16xf32>
        %get3A_136 = arith.index_cast %scan3A_77 : i32 to index
        %get3A_137 = arith.constant 64 : index
        %get3A_138 = tpu.vector_load %arg11[%get3A_136, %get3A_137] {strides = array<i32>} : memref<40x256xf32, #tpu.memory_space<vmem>>, vector<1x16xf32>,
        %get3A_139 = vector.shape_cast %get3A_138 : vector<1x16xf32> to vector<16xf32>
        %add3A_140 = arith.addf %get3A_135, %get3A_139 : vector<16xf32>
        %swap3A_141 = arith.index_cast %scan3A_77 : i32 to index
        %swap3A_142 = arith.constant 64 : index
        %swap3A_143 = tpu.vector_load %arg9[%swap3A_141, %swap3A_142] {strides = array<i32>} : memref<40x256xf32, #tpu.memory_space<vmem>>, vector<1x16xf32>,
        %swap3A_144 = vector.shape_cast %swap3A_143 : vector<1x16xf32> to vector<16xf32>
        %swap3A_145 = vector.shape_cast %add3A_140 : vector<16xf32> to vector<1x16xf32>
        tpu.vector_store %arg9[%swap3A_141, %swap3A_142], %swap3A_145 {strides = array<i32>} : memref<40x256xf32, #tpu.memory_space<vmem>>, vector<1x16xf32>,
        %get3A_146 = arith.index_cast %scan3A_77 : i32 to index
        %get3A_147 = arith.constant 80 : index
        %get3A_148 = tpu.vector_load %arg9[%get3A_146, %get3A_147] {strides = array<i32>} : memref<40x256xf32, #tpu.memory_space<vmem>>, vector<1x16xf32>,
        %get3A_149 = vector.shape_cast %get3A_148 : vector<1x16xf32> to vector<16xf32>
        %get3A_150 = arith.index_cast %scan3A_77 : i32 to index
        %get3A_151 = arith.constant 80 : index
        %get3A_152 = tpu.vector_load %arg11[%get3A_150, %get3A_151] {strides = array<i32>} : memref<40x256xf32, #tpu.memory_space<vmem>>, vector<1x16xf32>,
        %get3A_153 = vector.shape_cast %get3A_152 : vector<1x16xf32> to vector<16xf32>
        %add3A_154 = arith.addf %get3A_149, %get3A_153 : vector<16xf32>
        %swap3A_155 = arith.index_cast %scan3A_77 : i32 to index
        %swap3A_156 = arith.constant 80 : index
        %swap3A_157 = tpu.vector_load %arg9[%swap3A_155, %swap3A_156] {strides = array<i32>} : memref<40x256xf32, #tpu.memory_space<vmem>>, vector<1x16xf32>,
        %swap3A_158 = vector.shape_cast %swap3A_157 : vector<1x16xf32> to vector<16xf32>
        %swap3A_159 = vector.shape_cast %add3A_154 : vector<16xf32> to vector<1x16xf32>
        tpu.vector_store %arg9[%swap3A_155, %swap3A_156], %swap3A_159 {strides = array<i32>} : memref<40x256xf32, #tpu.memory_space<vmem>>, vector<1x16xf32>,
        %get3A_160 = arith.index_cast %scan3A_77 : i32 to index
        %get3A_161 = arith.constant 96 : index
        %get3A_162 = tpu.vector_load %arg9[%get3A_160, %get3A_161] {strides = array<i32>} : memref<40x256xf32, #tpu.memory_space<vmem>>, vector<1x16xf32>,
        %get3A_163 = vector.shape_cast %get3A_162 : vector<1x16xf32> to vector<16xf32>
        %get3A_164 = arith.index_cast %scan3A_77 : i32 to index
        %get3A_165 = arith.constant 96 : index
        %get3A_166 = tpu.vector_load %arg11[%get3A_164, %get3A_165] {strides = array<i32>} : memref<40x256xf32, #tpu.memory_space<vmem>>, vector<1x16xf32>,
        %get3A_167 = vector.shape_cast %get3A_166 : vector<1x16xf32> to vector<16xf32>
        %add3A_168 = arith.addf %get3A_163, %get3A_167 : vector<16xf32>
        %swap3A_169 = arith.index_cast %scan3A_77 : i32 to index
        %swap3A_170 = arith.constant 96 : index
        %swap3A_171 = tpu.vector_load %arg9[%swap3A_169, %swap3A_170] {strides = array<i32>} : memref<40x256xf32, #tpu.memory_space<vmem>>, vector<1x16xf32>,
        %swap3A_172 = vector.shape_cast %swap3A_171 : vector<1x16xf32> to vector<16xf32>
        %swap3A_173 = vector.shape_cast %add3A_168 : vector<16xf32> to vector<1x16xf32>
        tpu.vector_store %arg9[%swap3A_169, %swap3A_170], %swap3A_173 {strides = array<i32>} : memref<40x256xf32, #tpu.memory_space<vmem>>, vector<1x16xf32>,
        %get3A_174 = arith.index_cast %scan3A_77 : i32 to index
        %get3A_175 = arith.constant 112 : index
        %get3A_176 = tpu.vector_load %arg9[%get3A_174, %get3A_175] {strides = array<i32>} : memref<40x256xf32, #tpu.memory_space<vmem>>, vector<1x16xf32>,
        %get3A_177 = vector.shape_cast %get3A_176 : vector<1x16xf32> to vector<16xf32>
        %get3A_178 = arith.index_cast %scan3A_77 : i32 to index
        %get3A_179 = arith.constant 112 : index
        %get3A_180 = tpu.vector_load %arg11[%get3A_178, %get3A_179] {strides = array<i32>} : memref<40x256xf32, #tpu.memory_space<vmem>>, vector<1x16xf32>,
        %get3A_181 = vector.shape_cast %get3A_180 : vector<1x16xf32> to vector<16xf32>
        %add3A_182 = arith.addf %get3A_177, %get3A_181 : vector<16xf32>
        %swap3A_183 = arith.index_cast %scan3A_77 : i32 to index
        %swap3A_184 = arith.constant 112 : index
        %swap3A_185 = tpu.vector_load %arg9[%swap3A_183, %swap3A_184] {strides = array<i32>} : memref<40x256xf32, #tpu.memory_space<vmem>>, vector<1x16xf32>,
        %swap3A_186 = vector.shape_cast %swap3A_185 : vector<1x16xf32> to vector<16xf32>
        %swap3A_187 = vector.shape_cast %add3A_182 : vector<16xf32> to vector<1x16xf32>
        tpu.vector_store %arg9[%swap3A_183, %swap3A_184], %swap3A_187 {strides = array<i32>} : memref<40x256xf32, #tpu.memory_space<vmem>>, vector<1x16xf32>,
        %get3A_188 = arith.index_cast %scan3A_77 : i32 to index
        %get3A_189 = arith.constant 128 : index
        %get3A_190 = tpu.vector_load %arg9[%get3A_188, %get3A_189] {strides = array<i32>} : memref<40x256xf32, #tpu.memory_space<vmem>>, vector<1x16xf32>,
        %get3A_191 = vector.shape_cast %get3A_190 : vector<1x16xf32> to vector<16xf32>
        %get3A_192 = arith.index_cast %scan3A_77 : i32 to index
        %get3A_193 = arith.constant 128 : index
        %get3A_194 = tpu.vector_load %arg11[%get3A_192, %get3A_193] {strides = array<i32>} : memref<40x256xf32, #tpu.memory_space<vmem>>, vector<1x16xf32>,
        %get3A_195 = vector.shape_cast %get3A_194 : vector<1x16xf32> to vector<16xf32>
        %add3A_196 = arith.addf %get3A_191, %get3A_195 : vector<16xf32>
        %swap3A_197 = arith.index_cast %scan3A_77 : i32 to index
        %swap3A_198 = arith.constant 128 : index
        %swap3A_199 = tpu.vector_load %arg9[%swap3A_197, %swap3A_198] {strides = array<i32>} : memref<40x256xf32, #tpu.memory_space<vmem>>, vector<1x16xf32>,
        %swap3A_200 = vector.shape_cast %swap3A_199 : vector<1x16xf32> to vector<16xf32>
        %swap3A_201 = vector.shape_cast %add3A_196 : vector<16xf32> to vector<1x16xf32>
        tpu.vector_store %arg9[%swap3A_197, %swap3A_198], %swap3A_201 {strides = array<i32>} : memref<40x256xf32, #tpu.memory_space<vmem>>, vector<1x16xf32>,
        %get3A_202 = arith.index_cast %scan3A_77 : i32 to index
        %get3A_203 = arith.constant 144 : index
        %get3A_204 = tpu.vector_load %arg9[%get3A_202, %get3A_203] {strides = array<i32>} : memref<40x256xf32, #tpu.memory_space<vmem>>, vector<1x16xf32>,
        %get3A_205 = vector.shape_cast %get3A_204 : vector<1x16xf32> to vector<16xf32>
        %get3A_206 = arith.index_cast %scan3A_77 : i32 to index
        %get3A_207 = arith.constant 144 : index
        %get3A_208 = tpu.vector_load %arg11[%get3A_206, %get3A_207] {strides = array<i32>} : memref<40x256xf32, #tpu.memory_space<vmem>>, vector<1x16xf32>,
        %get3A_209 = vector.shape_cast %get3A_208 : vector<1x16xf32> to vector<16xf32>
        %add3A_210 = arith.addf %get3A_205, %get3A_209 : vector<16xf32>
        %swap3A_211 = arith.index_cast %scan3A_77 : i32 to index
        %swap3A_212 = arith.constant 144 : index
        %swap3A_213 = tpu.vector_load %arg9[%swap3A_211, %swap3A_212] {strides = array<i32>} : memref<40x256xf32, #tpu.memory_space<vmem>>, vector<1x16xf32>,
        %swap3A_214 = vector.shape_cast %swap3A_213 : vector<1x16xf32> to vector<16xf32>
        %swap3A_215 = vector.shape_cast %add3A_210 : vector<16xf32> to vector<1x16xf32>
        tpu.vector_store %arg9[%swap3A_211, %swap3A_212], %swap3A_215 {strides = array<i32>} : memref<40x256xf32, #tpu.memory_space<vmem>>, vector<1x16xf32>,
        %get3A_216 = arith.index_cast %scan3A_77 : i32 to index
        %get3A_217 = arith.constant 160 : index
        %get3A_218 = tpu.vector_load %arg9[%get3A_216, %get3A_217] {strides = array<i32>} : memref<40x256xf32, #tpu.memory_space<vmem>>, vector<1x16xf32>,
        %get3A_219 = vector.shape_cast %get3A_218 : vector<1x16xf32> to vector<16xf32>
        %get3A_220 = arith.index_cast %scan3A_77 : i32 to index
        %get3A_221 = arith.constant 160 : index
        %get3A_222 = tpu.vector_load %arg11[%get3A_220, %get3A_221] {strides = array<i32>} : memref<40x256xf32, #tpu.memory_space<vmem>>, vector<1x16xf32>,
        %get3A_223 = vector.shape_cast %get3A_222 : vector<1x16xf32> to vector<16xf32>
        %add3A_224 = arith.addf %get3A_219, %get3A_223 : vector<16xf32>
        %swap3A_225 = arith.index_cast %scan3A_77 : i32 to index
        %swap3A_226 = arith.constant 160 : index
        %swap3A_227 = tpu.vector_load %arg9[%swap3A_225, %swap3A_226] {strides = array<i32>} : memref<40x256xf32, #tpu.memory_space<vmem>>, vector<1x16xf32>,
        %swap3A_228 = vector.shape_cast %swap3A_227 : vector<1x16xf32> to vector<16xf32>
        %swap3A_229 = vector.shape_cast %add3A_224 : vector<16xf32> to vector<1x16xf32>
        tpu.vector_store %arg9[%swap3A_225, %swap3A_226], %swap3A_229 {strides = array<i32>} : memref<40x256xf32, #tpu.memory_space<vmem>>, vector<1x16xf32>,
        %get3A_230 = arith.index_cast %scan3A_77 : i32 to index
        %get3A_231 = arith.constant 176 : index
        %get3A_232 = tpu.vector_load %arg9[%get3A_230, %get3A_231] {strides = array<i32>} : memref<40x256xf32, #tpu.memory_space<vmem>>, vector<1x16xf32>,
        %get3A_233 = vector.shape_cast %get3A_232 : vector<1x16xf32> to vector<16xf32>
        %get3A_234 = arith.index_cast %scan3A_77 : i32 to index
        %get3A_235 = arith.constant 176 : index
        %get3A_236 = tpu.vector_load %arg11[%get3A_234, %get3A_235] {strides = array<i32>} : memref<40x256xf32, #tpu.memory_space<vmem>>, vector<1x16xf32>,
        %get3A_237 = vector.shape_cast %get3A_236 : vector<1x16xf32> to vector<16xf32>
        %add3A_238 = arith.addf %get3A_233, %get3A_237 : vector<16xf32>
        %swap3A_239 = arith.index_cast %scan3A_77 : i32 to index
        %swap3A_240 = arith.constant 176 : index
        %swap3A_241 = tpu.vector_load %arg9[%swap3A_239, %swap3A_240] {strides = array<i32>} : memref<40x256xf32, #tpu.memory_space<vmem>>, vector<1x16xf32>,
        %swap3A_242 = vector.shape_cast %swap3A_241 : vector<1x16xf32> to vector<16xf32>
        %swap3A_243 = vector.shape_cast %add3A_238 : vector<16xf32> to vector<1x16xf32>
        tpu.vector_store %arg9[%swap3A_239, %swap3A_240], %swap3A_243 {strides = array<i32>} : memref<40x256xf32, #tpu.memory_space<vmem>>, vector<1x16xf32>,
        %get3A_244 = arith.index_cast %scan3A_77 : i32 to index
        %get3A_245 = arith.constant 192 : index
        %get3A_246 = tpu.vector_load %arg9[%get3A_244, %get3A_245] {strides = array<i32>} : memref<40x256xf32, #tpu.memory_space<vmem>>, vector<1x16xf32>,
        %get3A_247 = vector.shape_cast %get3A_246 : vector<1x16xf32> to vector<16xf32>
        %get3A_248 = arith.index_cast %scan3A_77 : i32 to index
        %get3A_249 = arith.constant 192 : index
        %get3A_250 = tpu.vector_load %arg11[%get3A_248, %get3A_249] {strides = array<i32>} : memref<40x256xf32, #tpu.memory_space<vmem>>, vector<1x16xf32>,
        %get3A_251 = vector.shape_cast %get3A_250 : vector<1x16xf32> to vector<16xf32>
        %add3A_252 = arith.addf %get3A_247, %get3A_251 : vector<16xf32>
        %swap3A_253 = arith.index_cast %scan3A_77 : i32 to index
        %swap3A_254 = arith.constant 192 : index
        %swap3A_255 = tpu.vector_load %arg9[%swap3A_253, %swap3A_254] {strides = array<i32>} : memref<40x256xf32, #tpu.memory_space<vmem>>, vector<1x16xf32>,
        %swap3A_256 = vector.shape_cast %swap3A_255 : vector<1x16xf32> to vector<16xf32>
        %swap3A_257 = vector.shape_cast %add3A_252 : vector<16xf32> to vector<1x16xf32>
        tpu.vector_store %arg9[%swap3A_253, %swap3A_254], %swap3A_257 {strides = array<i32>} : memref<40x256xf32, #tpu.memory_space<vmem>>, vector<1x16xf32>,
        %get3A_258 = arith.index_cast %scan3A_77 : i32 to index
        %get3A_259 = arith.constant 208 : index
        %get3A_260 = tpu.vector_load %arg9[%get3A_258, %get3A_259] {strides = array<i32>} : memref<40x256xf32, #tpu.memory_space<vmem>>, vector<1x16xf32>,
        %get3A_261 = vector.shape_cast %get3A_260 : vector<1x16xf32> to vector<16xf32>
        %get3A_262 = arith.index_cast %scan3A_77 : i32 to index
        %get3A_263 = arith.constant 208 : index
        %get3A_264 = tpu.vector_load %arg11[%get3A_262, %get3A_263] {strides = array<i32>} : memref<40x256xf32, #tpu.memory_space<vmem>>, vector<1x16xf32>,
        %get3A_265 = vector.shape_cast %get3A_264 : vector<1x16xf32> to vector<16xf32>
        %add3A_266 = arith.addf %get3A_261, %get3A_265 : vector<16xf32>
        %swap3A_267 = arith.index_cast %scan3A_77 : i32 to index
        %swap3A_268 = arith.constant 208 : index
        %swap3A_269 = tpu.vector_load %arg9[%swap3A_267, %swap3A_268] {strides = array<i32>} : memref<40x256xf32, #tpu.memory_space<vmem>>, vector<1x16xf32>,
        %swap3A_270 = vector.shape_cast %swap3A_269 : vector<1x16xf32> to vector<16xf32>
        %swap3A_271 = vector.shape_cast %add3A_266 : vector<16xf32> to vector<1x16xf32>
        tpu.vector_store %arg9[%swap3A_267, %swap3A_268], %swap3A_271 {strides = array<i32>} : memref<40x256xf32, #tpu.memory_space<vmem>>, vector<1x16xf32>,
        %get3A_272 = arith.index_cast %scan3A_77 : i32 to index
        %get3A_273 = arith.constant 224 : index
        %get3A_274 = tpu.vector_load %arg9[%get3A_272, %get3A_273] {strides = array<i32>} : memref<40x256xf32, #tpu.memory_space<vmem>>, vector<1x16xf32>,
        %get3A_275 = vector.shape_cast %get3A_274 : vector<1x16xf32> to vector<16xf32>
        %get3A_276 = arith.index_cast %scan3A_77 : i32 to index
        %get3A_277 = arith.constant 224 : index
        %get3A_278 = tpu.vector_load %arg11[%get3A_276, %get3A_277] {strides = array<i32>} : memref<40x256xf32, #tpu.memory_space<vmem>>, vector<1x16xf32>,
        %get3A_279 = vector.shape_cast %get3A_278 : vector<1x16xf32> to vector<16xf32>
        %add3A_280 = arith.addf %get3A_275, %get3A_279 : vector<16xf32>
        %swap3A_281 = arith.index_cast %scan3A_77 : i32 to index
        %swap3A_282 = arith.constant 224 : index
        %swap3A_283 = tpu.vector_load %arg9[%swap3A_281, %swap3A_282] {strides = array<i32>} : memref<40x256xf32, #tpu.memory_space<vmem>>, vector<1x16xf32>,
        %swap3A_284 = vector.shape_cast %swap3A_283 : vector<1x16xf32> to vector<16xf32>
        %swap3A_285 = vector.shape_cast %add3A_280 : vector<16xf32> to vector<1x16xf32>
        tpu.vector_store %arg9[%swap3A_281, %swap3A_282], %swap3A_285 {strides = array<i32>} : memref<40x256xf32, #tpu.memory_space<vmem>>, vector<1x16xf32>,
        %get3A_286 = arith.index_cast %scan3A_77 : i32 to index
        %get3A_287 = arith.constant 240 : index
        %get3A_288 = tpu.vector_load %arg9[%get3A_286, %get3A_287] {strides = array<i32>} : memref<40x256xf32, #tpu.memory_space<vmem>>, vector<1x16xf32>,
        %get3A_289 = vector.shape_cast %get3A_288 : vector<1x16xf32> to vector<16xf32>
        %get3A_290 = arith.index_cast %scan3A_77 : i32 to index
        %get3A_291 = arith.constant 240 : index
        %get3A_292 = tpu.vector_load %arg11[%get3A_290, %get3A_291] {strides = array<i32>} : memref<40x256xf32, #tpu.memory_space<vmem>>, vector<1x16xf32>,
        %get3A_293 = vector.shape_cast %get3A_292 : vector<1x16xf32> to vector<16xf32>
        %add3A_294 = arith.addf %get3A_289, %get3A_293 : vector<16xf32>
        %swap3A_295 = arith.index_cast %scan3A_77 : i32 to index
        %swap3A_296 = arith.constant 240 : index
        %swap3A_297 = tpu.vector_load %arg9[%swap3A_295, %swap3A_296] {strides = array<i32>} : memref<40x256xf32, #tpu.memory_space<vmem>>, vector<1x16xf32>,
        %swap3A_298 = vector.shape_cast %swap3A_297 : vector<1x16xf32> to vector<16xf32>
        %swap3A_299 = vector.shape_cast %add3A_294 : vector<16xf32> to vector<1x16xf32>
        tpu.vector_store %arg9[%swap3A_295, %swap3A_296], %swap3A_299 {strides = array<i32>} : memref<40x256xf32, #tpu.memory_space<vmem>>, vector<1x16xf32>,
      }
      %scan3A_48 = arith.constant 40 : i32
      %mul3A_49 = arith.constant 40 : i32
      %mul3A_50 = arith.muli %mul3A_19, %mul3A_49 : i32
      %add3A_51 = arith.addi %mul3A_2, %mul3A_50 : i32
      "tpu.region"() ({
        %run_scoped3A = tpu.sem_alloc : memref<!tpu.dma_semaphore, #tpu.memory_space<semaphore_mem>>
        %dma_start3A_77 = arith.constant 0 : i32
        %dma_start3A_78 = tpu.memref_slice %arg6[%add3A_51, %dma_start3A_77] : memref<320000x256xf32, #tpu.memory_space<hbm>> -> memref<40x256xf32, #tpu.memory_space<hbm>>
        %dma_start3A_79 = arith.constant 0 : i32
        %dma_start3A_80 = tpu.memref_slice %arg6[%add3A_51, %dma_start3A_79] : memref<320000x256xf32, #tpu.memory_space<hbm>> -> memref<40x256xf32, #tpu.memory_space<hbm>>
        tpu.enqueue_dma source(%arg9 : memref<40x256xf32, #tpu.memory_space<vmem>>) target(%dma_start3A_80 : memref<40x256xf32, #tpu.memory_space<hbm>>) target_semaphore(%run_scoped3A : memref<!tpu.dma_semaphore, #tpu.memory_space<semaphore_mem>>)
        %dma_wait3A_81 = arith.constant 0 : i32
        %dma_wait3A_82 = tpu.memref_slice %arg6[%add3A_51, %dma_wait3A_81] : memref<320000x256xf32, #tpu.memory_space<hbm>> -> memref<40x256xf32, #tpu.memory_space<hbm>>
        %dma_wait3A_83 = arith.constant 0 : i32
        %dma_wait3A_84 = tpu.memref_slice %arg6[%add3A_51, %dma_wait3A_83] : memref<320000x256xf32, #tpu.memory_space<hbm>> -> memref<40x256xf32, #tpu.memory_space<hbm>>
        tpu.wait_dma2 semaphore(%run_scoped3A : memref<!tpu.dma_semaphore, #tpu.memory_space<semaphore_mem>>) src(%arg9 : memref<40x256xf32, #tpu.memory_space<vmem>>) dst(%dma_wait3A_84 : memref<40x256xf32, #tpu.memory_space<hbm>>)
        tpu.yield
      }) : () -> ()
      %add3A_52 = arith.constant 1 : i32
      %add3A_53 = arith.addi %add3A_21, %add3A_52 : i32
      %lt3A = arith.constant 250 : i32
      %lt3A_54 = arith.cmpi slt, %add3A_53, %lt3A : i32
      %convert_element_type3A = arith.extui %lt3A_54 : i1 to i32
      %cond3A = arith.constant 0 : i32
      %cond3A_55 = arith.cmpi ne, %convert_element_type3A, %cond3A : i32
      scf.if %cond3A_55 {
        %add3A_77 = arith.constant 1 : i32
        %add3A_78 = arith.addi %add3A_21, %add3A_77 : i32
        %mul3A_79 = arith.constant 40 : i32
        %mul3A_80 = arith.muli %add3A_78, %mul3A_79 : i32
        %dma_start3A_81 = tpu.memref_slice %arg7[%mul3A_80] : memref<10000xi32, #tpu.memory_space<vmem>> -> memref<40xi32, #tpu.memory_space<vmem>>
        %dma_start3A_82 = arith.constant 0 : i32
        %dma_start3A_83 = arith.constant 0 : i32
        %dma_start3A_84 = tpu.memref_slice %arg2[%dma_start3A_82, %dma_start3A_83] : memref<10000x256xf32, #tpu.memory_space<hbm>> -> memref<10000x256xf32, #tpu.memory_space<hbm>>
        tpu.enqueue_indirect_dma source(%dma_start3A_84 : memref<10000x256xf32, #tpu.memory_space<hbm>>) target(%arg9 : memref<40x256xf32, #tpu.memory_space<vmem>>) offsets(%dma_start3A_81 : memref<40xi32, #tpu.memory_space<vmem>>) semaphore(%arg13 : memref<!tpu.dma_semaphore, #tpu.memory_space<semaphore_mem>>)
        %dma_start3A_85 = tpu.memref_slice %arg8[%mul3A_80] : memref<10000xi32, #tpu.memory_space<vmem>> -> memref<40xi32, #tpu.memory_space<vmem>>
        %dma_start3A_86 = arith.constant 0 : i32
        %dma_start3A_87 = arith.constant 0 : i32
        %dma_start3A_88 = tpu.memref_slice %arg3[%dma_start3A_86, %dma_start3A_87] : memref<10000x256xf32, #tpu.memory_space<hbm>> -> memref<10000x256xf32, #tpu.memory_space<hbm>>
        tpu.enqueue_indirect_dma source(%dma_start3A_88 : memref<10000x256xf32, #tpu.memory_space<hbm>>) target(%arg11 : memref<40x256xf32, #tpu.memory_space<vmem>>) offsets(%dma_start3A_85 : memref<40xi32, #tpu.memory_space<vmem>>) semaphore(%arg15 : memref<!tpu.dma_semaphore, #tpu.memory_space<semaphore_mem>>)
      } else {
      }
      %dma_wait3A_56 = arith.constant 0 : i32
      %dma_wait3A_57 = arith.constant 0 : i32
      %dma_wait3A_58 = tpu.memref_slice %arg2[%dma_wait3A_56, %dma_wait3A_57] : memref<10000x256xf32, #tpu.memory_space<hbm>> -> memref<40x256xf32, #tpu.memory_space<hbm>>
      %dma_wait3A_59 = arith.constant 0 : i32
      %dma_wait3A_60 = arith.constant 0 : i32
      %dma_wait3A_61 = tpu.memref_slice %arg2[%dma_wait3A_59, %dma_wait3A_60] : memref<10000x256xf32, #tpu.memory_space<hbm>> -> memref<40x256xf32, #tpu.memory_space<hbm>>
      tpu.wait_dma2 semaphore(%arg14 : memref<!tpu.dma_semaphore, #tpu.memory_space<semaphore_mem>>) src(%dma_wait3A_61 : memref<40x256xf32, #tpu.memory_space<hbm>>) dst(%arg10 : memref<40x256xf32, #tpu.memory_space<vmem>>)
      %dma_wait3A_62 = arith.constant 0 : i32
      %dma_wait3A_63 = arith.constant 0 : i32
      %dma_wait3A_64 = tpu.memref_slice %arg3[%dma_wait3A_62, %dma_wait3A_63] : memref<10000x256xf32, #tpu.memory_space<hbm>> -> memref<40x256xf32, #tpu.memory_space<hbm>>
      %dma_wait3A_65 = arith.constant 0 : i32
      %dma_wait3A_66 = arith.constant 0 : i32
      %dma_wait3A_67 = tpu.memref_slice %arg3[%dma_wait3A_65, %dma_wait3A_66] : memref<10000x256xf32, #tpu.memory_space<hbm>> -> memref<40x256xf32, #tpu.memory_space<hbm>>
      tpu.wait_dma2 semaphore(%arg16 : memref<!tpu.dma_semaphore, #tpu.memory_space<semaphore_mem>>) src(%dma_wait3A_67 : memref<40x256xf32, #tpu.memory_space<hbm>>) dst(%arg12 : memref<40x256xf32, #tpu.memory_space<vmem>>)
      %scan3A_68 = arith.constant 0 : i32
      %scan3A_69 = arith.constant 0 : i32
      %scan3A_70 = arith.constant 40 : i32
      %scan3A_71 = arith.addi %scan3A_69, %scan3A_70 : i32
      %scan3A_72 = arith.constant 1 : i32
      scf.for %scan3A_77 = %scan3A_69 to %scan3A_71 step %scan3A_72  : i32 {
        %get3A = arith.index_cast %scan3A_77 : i32 to index
        %get3A_78 = arith.constant 0 : index
        %get3A_79 = tpu.vector_load %arg10[%get3A, %get3A_78] {strides = array<i32>} : memref<40x256xf32, #tpu.memory_space<vmem>>, vector<1x16xf32>,
        %get3A_80 = vector.shape_cast %get3A_79 : vector<1x16xf32> to vector<16xf32>
        %get3A_81 = arith.index_cast %scan3A_77 : i32 to index
        %get3A_82 = arith.constant 0 : index
        %get3A_83 = tpu.vector_load %arg12[%get3A_81, %get3A_82] {strides = array<i32>} : memref<40x256xf32, #tpu.memory_space<vmem>>, vector<1x16xf32>,
        %get3A_84 = vector.shape_cast %get3A_83 : vector<1x16xf32> to vector<16xf32>
        %add3A_85 = arith.addf %get3A_80, %get3A_84 : vector<16xf32>
        %swap3A = arith.index_cast %scan3A_77 : i32 to index
        %swap3A_86 = arith.constant 0 : index
        %swap3A_87 = tpu.vector_load %arg10[%swap3A, %swap3A_86] {strides = array<i32>} : memref<40x256xf32, #tpu.memory_space<vmem>>, vector<1x16xf32>,
        %swap3A_88 = vector.shape_cast %swap3A_87 : vector<1x16xf32> to vector<16xf32>
        %swap3A_89 = vector.shape_cast %add3A_85 : vector<16xf32> to vector<1x16xf32>
        tpu.vector_store %arg10[%swap3A, %swap3A_86], %swap3A_89 {strides = array<i32>} : memref<40x256xf32, #tpu.memory_space<vmem>>, vector<1x16xf32>,
        %get3A_90 = arith.index_cast %scan3A_77 : i32 to index
        %get3A_91 = arith.constant 16 : index
        %get3A_92 = tpu.vector_load %arg10[%get3A_90, %get3A_91] {strides = array<i32>} : memref<40x256xf32, #tpu.memory_space<vmem>>, vector<1x16xf32>,
        %get3A_93 = vector.shape_cast %get3A_92 : vector<1x16xf32> to vector<16xf32>
        %get3A_94 = arith.index_cast %scan3A_77 : i32 to index
        %get3A_95 = arith.constant 16 : index
        %get3A_96 = tpu.vector_load %arg12[%get3A_94, %get3A_95] {strides = array<i32>} : memref<40x256xf32, #tpu.memory_space<vmem>>, vector<1x16xf32>,
        %get3A_97 = vector.shape_cast %get3A_96 : vector<1x16xf32> to vector<16xf32>
        %add3A_98 = arith.addf %get3A_93, %get3A_97 : vector<16xf32>
        %swap3A_99 = arith.index_cast %scan3A_77 : i32 to index
        %swap3A_100 = arith.constant 16 : index
        %swap3A_101 = tpu.vector_load %arg10[%swap3A_99, %swap3A_100] {strides = array<i32>} : memref<40x256xf32, #tpu.memory_space<vmem>>, vector<1x16xf32>,
        %swap3A_102 = vector.shape_cast %swap3A_101 : vector<1x16xf32> to vector<16xf32>
        %swap3A_103 = vector.shape_cast %add3A_98 : vector<16xf32> to vector<1x16xf32>
        tpu.vector_store %arg10[%swap3A_99, %swap3A_100], %swap3A_103 {strides = array<i32>} : memref<40x256xf32, #tpu.memory_space<vmem>>, vector<1x16xf32>,
        %get3A_104 = arith.index_cast %scan3A_77 : i32 to index
        %get3A_105 = arith.constant 32 : index
        %get3A_106 = tpu.vector_load %arg10[%get3A_104, %get3A_105] {strides = array<i32>} : memref<40x256xf32, #tpu.memory_space<vmem>>, vector<1x16xf32>,
        %get3A_107 = vector.shape_cast %get3A_106 : vector<1x16xf32> to vector<16xf32>
        %get3A_108 = arith.index_cast %scan3A_77 : i32 to index
        %get3A_109 = arith.constant 32 : index
        %get3A_110 = tpu.vector_load %arg12[%get3A_108, %get3A_109] {strides = array<i32>} : memref<40x256xf32, #tpu.memory_space<vmem>>, vector<1x16xf32>,
        %get3A_111 = vector.shape_cast %get3A_110 : vector<1x16xf32> to vector<16xf32>
        %add3A_112 = arith.addf %get3A_107, %get3A_111 : vector<16xf32>
        %swap3A_113 = arith.index_cast %scan3A_77 : i32 to index
        %swap3A_114 = arith.constant 32 : index
        %swap3A_115 = tpu.vector_load %arg10[%swap3A_113, %swap3A_114] {strides = array<i32>} : memref<40x256xf32, #tpu.memory_space<vmem>>, vector<1x16xf32>,
        %swap3A_116 = vector.shape_cast %swap3A_115 : vector<1x16xf32> to vector<16xf32>
        %swap3A_117 = vector.shape_cast %add3A_112 : vector<16xf32> to vector<1x16xf32>
        tpu.vector_store %arg10[%swap3A_113, %swap3A_114], %swap3A_117 {strides = array<i32>} : memref<40x256xf32, #tpu.memory_space<vmem>>, vector<1x16xf32>,
        %get3A_118 = arith.index_cast %scan3A_77 : i32 to index
        %get3A_119 = arith.constant 48 : index
        %get3A_120 = tpu.vector_load %arg10[%get3A_118, %get3A_119] {strides = array<i32>} : memref<40x256xf32, #tpu.memory_space<vmem>>, vector<1x16xf32>,
        %get3A_121 = vector.shape_cast %get3A_120 : vector<1x16xf32> to vector<16xf32>
        %get3A_122 = arith.index_cast %scan3A_77 : i32 to index
        %get3A_123 = arith.constant 48 : index
        %get3A_124 = tpu.vector_load %arg12[%get3A_122, %get3A_123] {strides = array<i32>} : memref<40x256xf32, #tpu.memory_space<vmem>>, vector<1x16xf32>,
        %get3A_125 = vector.shape_cast %get3A_124 : vector<1x16xf32> to vector<16xf32>
        %add3A_126 = arith.addf %get3A_121, %get3A_125 : vector<16xf32>
        %swap3A_127 = arith.index_cast %scan3A_77 : i32 to index
        %swap3A_128 = arith.constant 48 : index
        %swap3A_129 = tpu.vector_load %arg10[%swap3A_127, %swap3A_128] {strides = array<i32>} : memref<40x256xf32, #tpu.memory_space<vmem>>, vector<1x16xf32>,
        %swap3A_130 = vector.shape_cast %swap3A_129 : vector<1x16xf32> to vector<16xf32>
        %swap3A_131 = vector.shape_cast %add3A_126 : vector<16xf32> to vector<1x16xf32>
        tpu.vector_store %arg10[%swap3A_127, %swap3A_128], %swap3A_131 {strides = array<i32>} : memref<40x256xf32, #tpu.memory_space<vmem>>, vector<1x16xf32>,
        %get3A_132 = arith.index_cast %scan3A_77 : i32 to index
        %get3A_133 = arith.constant 64 : index
        %get3A_134 = tpu.vector_load %arg10[%get3A_132, %get3A_133] {strides = array<i32>} : memref<40x256xf32, #tpu.memory_space<vmem>>, vector<1x16xf32>,
        %get3A_135 = vector.shape_cast %get3A_134 : vector<1x16xf32> to vector<16xf32>
        %get3A_136 = arith.index_cast %scan3A_77 : i32 to index
        %get3A_137 = arith.constant 64 : index
        %get3A_138 = tpu.vector_load %arg12[%get3A_136, %get3A_137] {strides = array<i32>} : memref<40x256xf32, #tpu.memory_space<vmem>>, vector<1x16xf32>,
        %get3A_139 = vector.shape_cast %get3A_138 : vector<1x16xf32> to vector<16xf32>
        %add3A_140 = arith.addf %get3A_135, %get3A_139 : vector<16xf32>
        %swap3A_141 = arith.index_cast %scan3A_77 : i32 to index
        %swap3A_142 = arith.constant 64 : index
        %swap3A_143 = tpu.vector_load %arg10[%swap3A_141, %swap3A_142] {strides = array<i32>} : memref<40x256xf32, #tpu.memory_space<vmem>>, vector<1x16xf32>,
        %swap3A_144 = vector.shape_cast %swap3A_143 : vector<1x16xf32> to vector<16xf32>
        %swap3A_145 = vector.shape_cast %add3A_140 : vector<16xf32> to vector<1x16xf32>
        tpu.vector_store %arg10[%swap3A_141, %swap3A_142], %swap3A_145 {strides = array<i32>} : memref<40x256xf32, #tpu.memory_space<vmem>>, vector<1x16xf32>,
        %get3A_146 = arith.index_cast %scan3A_77 : i32 to index
        %get3A_147 = arith.constant 80 : index
        %get3A_148 = tpu.vector_load %arg10[%get3A_146, %get3A_147] {strides = array<i32>} : memref<40x256xf32, #tpu.memory_space<vmem>>, vector<1x16xf32>,
        %get3A_149 = vector.shape_cast %get3A_148 : vector<1x16xf32> to vector<16xf32>
        %get3A_150 = arith.index_cast %scan3A_77 : i32 to index
        %get3A_151 = arith.constant 80 : index
        %get3A_152 = tpu.vector_load %arg12[%get3A_150, %get3A_151] {strides = array<i32>} : memref<40x256xf32, #tpu.memory_space<vmem>>, vector<1x16xf32>,
        %get3A_153 = vector.shape_cast %get3A_152 : vector<1x16xf32> to vector<16xf32>
        %add3A_154 = arith.addf %get3A_149, %get3A_153 : vector<16xf32>
        %swap3A_155 = arith.index_cast %scan3A_77 : i32 to index
        %swap3A_156 = arith.constant 80 : index
        %swap3A_157 = tpu.vector_load %arg10[%swap3A_155, %swap3A_156] {strides = array<i32>} : memref<40x256xf32, #tpu.memory_space<vmem>>, vector<1x16xf32>,
        %swap3A_158 = vector.shape_cast %swap3A_157 : vector<1x16xf32> to vector<16xf32>
        %swap3A_159 = vector.shape_cast %add3A_154 : vector<16xf32> to vector<1x16xf32>
        tpu.vector_store %arg10[%swap3A_155, %swap3A_156], %swap3A_159 {strides = array<i32>} : memref<40x256xf32, #tpu.memory_space<vmem>>, vector<1x16xf32>,
        %get3A_160 = arith.index_cast %scan3A_77 : i32 to index
        %get3A_161 = arith.constant 96 : index
        %get3A_162 = tpu.vector_load %arg10[%get3A_160, %get3A_161] {strides = array<i32>} : memref<40x256xf32, #tpu.memory_space<vmem>>, vector<1x16xf32>,
        %get3A_163 = vector.shape_cast %get3A_162 : vector<1x16xf32> to vector<16xf32>
        %get3A_164 = arith.index_cast %scan3A_77 : i32 to index
        %get3A_165 = arith.constant 96 : index
        %get3A_166 = tpu.vector_load %arg12[%get3A_164, %get3A_165] {strides = array<i32>} : memref<40x256xf32, #tpu.memory_space<vmem>>, vector<1x16xf32>,
        %get3A_167 = vector.shape_cast %get3A_166 : vector<1x16xf32> to vector<16xf32>
        %add3A_168 = arith.addf %get3A_163, %get3A_167 : vector<16xf32>
        %swap3A_169 = arith.index_cast %scan3A_77 : i32 to index
        %swap3A_170 = arith.constant 96 : index
        %swap3A_171 = tpu.vector_load %arg10[%swap3A_169, %swap3A_170] {strides = array<i32>} : memref<40x256xf32, #tpu.memory_space<vmem>>, vector<1x16xf32>,
        %swap3A_172 = vector.shape_cast %swap3A_171 : vector<1x16xf32> to vector<16xf32>
        %swap3A_173 = vector.shape_cast %add3A_168 : vector<16xf32> to vector<1x16xf32>
        tpu.vector_store %arg10[%swap3A_169, %swap3A_170], %swap3A_173 {strides = array<i32>} : memref<40x256xf32, #tpu.memory_space<vmem>>, vector<1x16xf32>,
        %get3A_174 = arith.index_cast %scan3A_77 : i32 to index
        %get3A_175 = arith.constant 112 : index
        %get3A_176 = tpu.vector_load %arg10[%get3A_174, %get3A_175] {strides = array<i32>} : memref<40x256xf32, #tpu.memory_space<vmem>>, vector<1x16xf32>,
        %get3A_177 = vector.shape_cast %get3A_176 : vector<1x16xf32> to vector<16xf32>
        %get3A_178 = arith.index_cast %scan3A_77 : i32 to index
        %get3A_179 = arith.constant 112 : index
        %get3A_180 = tpu.vector_load %arg12[%get3A_178, %get3A_179] {strides = array<i32>} : memref<40x256xf32, #tpu.memory_space<vmem>>, vector<1x16xf32>,
        %get3A_181 = vector.shape_cast %get3A_180 : vector<1x16xf32> to vector<16xf32>
        %add3A_182 = arith.addf %get3A_177, %get3A_181 : vector<16xf32>
        %swap3A_183 = arith.index_cast %scan3A_77 : i32 to index
        %swap3A_184 = arith.constant 112 : index
        %swap3A_185 = tpu.vector_load %arg10[%swap3A_183, %swap3A_184] {strides = array<i32>} : memref<40x256xf32, #tpu.memory_space<vmem>>, vector<1x16xf32>,
        %swap3A_186 = vector.shape_cast %swap3A_185 : vector<1x16xf32> to vector<16xf32>
        %swap3A_187 = vector.shape_cast %add3A_182 : vector<16xf32> to vector<1x16xf32>
        tpu.vector_store %arg10[%swap3A_183, %swap3A_184], %swap3A_187 {strides = array<i32>} : memref<40x256xf32, #tpu.memory_space<vmem>>, vector<1x16xf32>,
        %get3A_188 = arith.index_cast %scan3A_77 : i32 to index
        %get3A_189 = arith.constant 128 : index
        %get3A_190 = tpu.vector_load %arg10[%get3A_188, %get3A_189] {strides = array<i32>} : memref<40x256xf32, #tpu.memory_space<vmem>>, vector<1x16xf32>,
        %get3A_191 = vector.shape_cast %get3A_190 : vector<1x16xf32> to vector<16xf32>
        %get3A_192 = arith.index_cast %scan3A_77 : i32 to index
        %get3A_193 = arith.constant 128 : index
        %get3A_194 = tpu.vector_load %arg12[%get3A_192, %get3A_193] {strides = array<i32>} : memref<40x256xf32, #tpu.memory_space<vmem>>, vector<1x16xf32>,
        %get3A_195 = vector.shape_cast %get3A_194 : vector<1x16xf32> to vector<16xf32>
        %add3A_196 = arith.addf %get3A_191, %get3A_195 : vector<16xf32>
        %swap3A_197 = arith.index_cast %scan3A_77 : i32 to index
        %swap3A_198 = arith.constant 128 : index
        %swap3A_199 = tpu.vector_load %arg10[%swap3A_197, %swap3A_198] {strides = array<i32>} : memref<40x256xf32, #tpu.memory_space<vmem>>, vector<1x16xf32>,
        %swap3A_200 = vector.shape_cast %swap3A_199 : vector<1x16xf32> to vector<16xf32>
        %swap3A_201 = vector.shape_cast %add3A_196 : vector<16xf32> to vector<1x16xf32>
        tpu.vector_store %arg10[%swap3A_197, %swap3A_198], %swap3A_201 {strides = array<i32>} : memref<40x256xf32, #tpu.memory_space<vmem>>, vector<1x16xf32>,
        %get3A_202 = arith.index_cast %scan3A_77 : i32 to index
        %get3A_203 = arith.constant 144 : index
        %get3A_204 = tpu.vector_load %arg10[%get3A_202, %get3A_203] {strides = array<i32>} : memref<40x256xf32, #tpu.memory_space<vmem>>, vector<1x16xf32>,
        %get3A_205 = vector.shape_cast %get3A_204 : vector<1x16xf32> to vector<16xf32>
        %get3A_206 = arith.index_cast %scan3A_77 : i32 to index
        %get3A_207 = arith.constant 144 : index
        %get3A_208 = tpu.vector_load %arg12[%get3A_206, %get3A_207] {strides = array<i32>} : memref<40x256xf32, #tpu.memory_space<vmem>>, vector<1x16xf32>,
        %get3A_209 = vector.shape_cast %get3A_208 : vector<1x16xf32> to vector<16xf32>
        %add3A_210 = arith.addf %get3A_205, %get3A_209 : vector<16xf32>
        %swap3A_211 = arith.index_cast %scan3A_77 : i32 to index
        %swap3A_212 = arith.constant 144 : index
        %swap3A_213 = tpu.vector_load %arg10[%swap3A_211, %swap3A_212] {strides = array<i32>} : memref<40x256xf32, #tpu.memory_space<vmem>>, vector<1x16xf32>,
        %swap3A_214 = vector.shape_cast %swap3A_213 : vector<1x16xf32> to vector<16xf32>
        %swap3A_215 = vector.shape_cast %add3A_210 : vector<16xf32> to vector<1x16xf32>
        tpu.vector_store %arg10[%swap3A_211, %swap3A_212], %swap3A_215 {strides = array<i32>} : memref<40x256xf32, #tpu.memory_space<vmem>>, vector<1x16xf32>,
        %get3A_216 = arith.index_cast %scan3A_77 : i32 to index
        %get3A_217 = arith.constant 160 : index
        %get3A_218 = tpu.vector_load %arg10[%get3A_216, %get3A_217] {strides = array<i32>} : memref<40x256xf32, #tpu.memory_space<vmem>>, vector<1x16xf32>,
        %get3A_219 = vector.shape_cast %get3A_218 : vector<1x16xf32> to vector<16xf32>
        %get3A_220 = arith.index_cast %scan3A_77 : i32 to index
        %get3A_221 = arith.constant 160 : index
        %get3A_222 = tpu.vector_load %arg12[%get3A_220, %get3A_221] {strides = array<i32>} : memref<40x256xf32, #tpu.memory_space<vmem>>, vector<1x16xf32>,
        %get3A_223 = vector.shape_cast %get3A_222 : vector<1x16xf32> to vector<16xf32>
        %add3A_224 = arith.addf %get3A_219, %get3A_223 : vector<16xf32>
        %swap3A_225 = arith.index_cast %scan3A_77 : i32 to index
        %swap3A_226 = arith.constant 160 : index
        %swap3A_227 = tpu.vector_load %arg10[%swap3A_225, %swap3A_226] {strides = array<i32>} : memref<40x256xf32, #tpu.memory_space<vmem>>, vector<1x16xf32>,
        %swap3A_228 = vector.shape_cast %swap3A_227 : vector<1x16xf32> to vector<16xf32>
        %swap3A_229 = vector.shape_cast %add3A_224 : vector<16xf32> to vector<1x16xf32>
        tpu.vector_store %arg10[%swap3A_225, %swap3A_226], %swap3A_229 {strides = array<i32>} : memref<40x256xf32, #tpu.memory_space<vmem>>, vector<1x16xf32>,
        %get3A_230 = arith.index_cast %scan3A_77 : i32 to index
        %get3A_231 = arith.constant 176 : index
        %get3A_232 = tpu.vector_load %arg10[%get3A_230, %get3A_231] {strides = array<i32>} : memref<40x256xf32, #tpu.memory_space<vmem>>, vector<1x16xf32>,
        %get3A_233 = vector.shape_cast %get3A_232 : vector<1x16xf32> to vector<16xf32>
        %get3A_234 = arith.index_cast %scan3A_77 : i32 to index
        %get3A_235 = arith.constant 176 : index
        %get3A_236 = tpu.vector_load %arg12[%get3A_234, %get3A_235] {strides = array<i32>} : memref<40x256xf32, #tpu.memory_space<vmem>>, vector<1x16xf32>,
        %get3A_237 = vector.shape_cast %get3A_236 : vector<1x16xf32> to vector<16xf32>
        %add3A_238 = arith.addf %get3A_233, %get3A_237 : vector<16xf32>
        %swap3A_239 = arith.index_cast %scan3A_77 : i32 to index
        %swap3A_240 = arith.constant 176 : index
        %swap3A_241 = tpu.vector_load %arg10[%swap3A_239, %swap3A_240] {strides = array<i32>} : memref<40x256xf32, #tpu.memory_space<vmem>>, vector<1x16xf32>,
        %swap3A_242 = vector.shape_cast %swap3A_241 : vector<1x16xf32> to vector<16xf32>
        %swap3A_243 = vector.shape_cast %add3A_238 : vector<16xf32> to vector<1x16xf32>
        tpu.vector_store %arg10[%swap3A_239, %swap3A_240], %swap3A_243 {strides = array<i32>} : memref<40x256xf32, #tpu.memory_space<vmem>>, vector<1x16xf32>,
        %get3A_244 = arith.index_cast %scan3A_77 : i32 to index
        %get3A_245 = arith.constant 192 : index
        %get3A_246 = tpu.vector_load %arg10[%get3A_244, %get3A_245] {strides = array<i32>} : memref<40x256xf32, #tpu.memory_space<vmem>>, vector<1x16xf32>,
        %get3A_247 = vector.shape_cast %get3A_246 : vector<1x16xf32> to vector<16xf32>
        %get3A_248 = arith.index_cast %scan3A_77 : i32 to index
        %get3A_249 = arith.constant 192 : index
        %get3A_250 = tpu.vector_load %arg12[%get3A_248, %get3A_249] {strides = array<i32>} : memref<40x256xf32, #tpu.memory_space<vmem>>, vector<1x16xf32>,
        %get3A_251 = vector.shape_cast %get3A_250 : vector<1x16xf32> to vector<16xf32>
        %add3A_252 = arith.addf %get3A_247, %get3A_251 : vector<16xf32>
        %swap3A_253 = arith.index_cast %scan3A_77 : i32 to index
        %swap3A_254 = arith.constant 192 : index
        %swap3A_255 = tpu.vector_load %arg10[%swap3A_253, %swap3A_254] {strides = array<i32>} : memref<40x256xf32, #tpu.memory_space<vmem>>, vector<1x16xf32>,
        %swap3A_256 = vector.shape_cast %swap3A_255 : vector<1x16xf32> to vector<16xf32>
        %swap3A_257 = vector.shape_cast %add3A_252 : vector<16xf32> to vector<1x16xf32>
        tpu.vector_store %arg10[%swap3A_253, %swap3A_254], %swap3A_257 {strides = array<i32>} : memref<40x256xf32, #tpu.memory_space<vmem>>, vector<1x16xf32>,
        %get3A_258 = arith.index_cast %scan3A_77 : i32 to index
        %get3A_259 = arith.constant 208 : index
        %get3A_260 = tpu.vector_load %arg10[%get3A_258, %get3A_259] {strides = array<i32>} : memref<40x256xf32, #tpu.memory_space<vmem>>, vector<1x16xf32>,
        %get3A_261 = vector.shape_cast %get3A_260 : vector<1x16xf32> to vector<16xf32>
        %get3A_262 = arith.index_cast %scan3A_77 : i32 to index
        %get3A_263 = arith.constant 208 : index
        %get3A_264 = tpu.vector_load %arg12[%get3A_262, %get3A_263] {strides = array<i32>} : memref<40x256xf32, #tpu.memory_space<vmem>>, vector<1x16xf32>,
        %get3A_265 = vector.shape_cast %get3A_264 : vector<1x16xf32> to vector<16xf32>
        %add3A_266 = arith.addf %get3A_261, %get3A_265 : vector<16xf32>
        %swap3A_267 = arith.index_cast %scan3A_77 : i32 to index
        %swap3A_268 = arith.constant 208 : index
        %swap3A_269 = tpu.vector_load %arg10[%swap3A_267, %swap3A_268] {strides = array<i32>} : memref<40x256xf32, #tpu.memory_space<vmem>>, vector<1x16xf32>,
        %swap3A_270 = vector.shape_cast %swap3A_269 : vector<1x16xf32> to vector<16xf32>
        %swap3A_271 = vector.shape_cast %add3A_266 : vector<16xf32> to vector<1x16xf32>
        tpu.vector_store %arg10[%swap3A_267, %swap3A_268], %swap3A_271 {strides = array<i32>} : memref<40x256xf32, #tpu.memory_space<vmem>>, vector<1x16xf32>,
        %get3A_272 = arith.index_cast %scan3A_77 : i32 to index
        %get3A_273 = arith.constant 224 : index
        %get3A_274 = tpu.vector_load %arg10[%get3A_272, %get3A_273] {strides = array<i32>} : memref<40x256xf32, #tpu.memory_space<vmem>>, vector<1x16xf32>,
        %get3A_275 = vector.shape_cast %get3A_274 : vector<1x16xf32> to vector<16xf32>
        %get3A_276 = arith.index_cast %scan3A_77 : i32 to index
        %get3A_277 = arith.constant 224 : index
        %get3A_278 = tpu.vector_load %arg12[%get3A_276, %get3A_277] {strides = array<i32>} : memref<40x256xf32, #tpu.memory_space<vmem>>, vector<1x16xf32>,
        %get3A_279 = vector.shape_cast %get3A_278 : vector<1x16xf32> to vector<16xf32>
        %add3A_280 = arith.addf %get3A_275, %get3A_279 : vector<16xf32>
        %swap3A_281 = arith.index_cast %scan3A_77 : i32 to index
        %swap3A_282 = arith.constant 224 : index
        %swap3A_283 = tpu.vector_load %arg10[%swap3A_281, %swap3A_282] {strides = array<i32>} : memref<40x256xf32, #tpu.memory_space<vmem>>, vector<1x16xf32>,
        %swap3A_284 = vector.shape_cast %swap3A_283 : vector<1x16xf32> to vector<16xf32>
        %swap3A_285 = vector.shape_cast %add3A_280 : vector<16xf32> to vector<1x16xf32>
        tpu.vector_store %arg10[%swap3A_281, %swap3A_282], %swap3A_285 {strides = array<i32>} : memref<40x256xf32, #tpu.memory_space<vmem>>, vector<1x16xf32>,
        %get3A_286 = arith.index_cast %scan3A_77 : i32 to index
        %get3A_287 = arith.constant 240 : index
        %get3A_288 = tpu.vector_load %arg10[%get3A_286, %get3A_287] {strides = array<i32>} : memref<40x256xf32, #tpu.memory_space<vmem>>, vector<1x16xf32>,
        %get3A_289 = vector.shape_cast %get3A_288 : vector<1x16xf32> to vector<16xf32>
        %get3A_290 = arith.index_cast %scan3A_77 : i32 to index
        %get3A_291 = arith.constant 240 : index
        %get3A_292 = tpu.vector_load %arg12[%get3A_290, %get3A_291] {strides = array<i32>} : memref<40x256xf32, #tpu.memory_space<vmem>>, vector<1x16xf32>,
        %get3A_293 = vector.shape_cast %get3A_292 : vector<1x16xf32> to vector<16xf32>
        %add3A_294 = arith.addf %get3A_289, %get3A_293 : vector<16xf32>
        %swap3A_295 = arith.index_cast %scan3A_77 : i32 to index
        %swap3A_296 = arith.constant 240 : index
        %swap3A_297 = tpu.vector_load %arg10[%swap3A_295, %swap3A_296] {strides = array<i32>} : memref<40x256xf32, #tpu.memory_space<vmem>>, vector<1x16xf32>,
        %swap3A_298 = vector.shape_cast %swap3A_297 : vector<1x16xf32> to vector<16xf32>
        %swap3A_299 = vector.shape_cast %add3A_294 : vector<16xf32> to vector<1x16xf32>
        tpu.vector_store %arg10[%swap3A_295, %swap3A_296], %swap3A_299 {strides = array<i32>} : memref<40x256xf32, #tpu.memory_space<vmem>>, vector<1x16xf32>,
      }
      %scan3A_73 = arith.constant 40 : i32
      %mul3A_74 = arith.constant 40 : i32
      %mul3A_75 = arith.muli %add3A_21, %mul3A_74 : i32
      %add3A_76 = arith.addi %mul3A_2, %mul3A_75 : i32
      "tpu.region"() ({
        %run_scoped3A = tpu.sem_alloc : memref<!tpu.dma_semaphore, #tpu.memory_space<semaphore_mem>>
        %dma_start3A_77 = arith.constant 0 : i32
        %dma_start3A_78 = tpu.memref_slice %arg6[%add3A_76, %dma_start3A_77] : memref<320000x256xf32, #tpu.memory_space<hbm>> -> memref<40x256xf32, #tpu.memory_space<hbm>>
        %dma_start3A_79 = arith.constant 0 : i32
        %dma_start3A_80 = tpu.memref_slice %arg6[%add3A_76, %dma_start3A_79] : memref<320000x256xf32, #tpu.memory_space<hbm>> -> memref<40x256xf32, #tpu.memory_space<hbm>>
        tpu.enqueue_dma source(%arg10 : memref<40x256xf32, #tpu.memory_space<vmem>>) target(%dma_start3A_80 : memref<40x256xf32, #tpu.memory_space<hbm>>) target_semaphore(%run_scoped3A : memref<!tpu.dma_semaphore, #tpu.memory_space<semaphore_mem>>)
        %dma_wait3A_81 = arith.constant 0 : i32
        %dma_wait3A_82 = tpu.memref_slice %arg6[%add3A_76, %dma_wait3A_81] : memref<320000x256xf32, #tpu.memory_space<hbm>> -> memref<40x256xf32, #tpu.memory_space<hbm>>
        %dma_wait3A_83 = arith.constant 0 : i32
        %dma_wait3A_84 = tpu.memref_slice %arg6[%add3A_76, %dma_wait3A_83] : memref<320000x256xf32, #tpu.memory_space<hbm>> -> memref<40x256xf32, #tpu.memory_space<hbm>>
        tpu.wait_dma2 semaphore(%run_scoped3A : memref<!tpu.dma_semaphore, #tpu.memory_space<semaphore_mem>>) src(%arg10 : memref<40x256xf32, #tpu.memory_space<vmem>>) dst(%dma_wait3A_84 : memref<40x256xf32, #tpu.memory_space<hbm>>)
        tpu.yield
      }) : () -> ()
    }
    %scan3A_16 = arith.constant 125 : i32
    return
  }
}

#map = affine_map<(d0, d1) -> (0, 0)>
#map1 = affine_map<(d0, d1) -> (0)>
module attributes {stable_mosaic.version = 14 : i64} {
  func.func @_gather_body(%arg0: i32, %arg1: i32, %arg2: memref<10000x256xf32, #tpu.memory_space<hbm>>, %arg3: memref<10000x256xf32, #tpu.memory_space<hbm>>, %arg4: memref<320000xi32, #tpu.memory_space<hbm>>, %arg5: memref<320000xi32, #tpu.memory_space<hbm>>, %arg6: memref<320000x256xf32, #tpu.memory_space<hbm>>, %arg7: memref<10000xi32, #tpu.memory_space<vmem>>, %arg8: memref<10000xi32, #tpu.memory_space<vmem>>, %arg9: memref<40x256xf32, #tpu.memory_space<vmem>>, %arg10: memref<40x256xf32, #tpu.memory_space<vmem>>, %arg11: memref<40x256xf32, #tpu.memory_space<vmem>>, %arg12: memref<40x256xf32, #tpu.memory_space<vmem>>, %arg13: memref<!tpu.dma_semaphore, #tpu.memory_space<semaphore_mem>>, %arg14: memref<!tpu.dma_semaphore, #tpu.memory_space<semaphore_mem>>, %arg15: memref<!tpu.dma_semaphore, #tpu.memory_space<semaphore_mem>>, %arg16: memref<!tpu.dma_semaphore, #tpu.memory_space<semaphore_mem>>) attributes {dimension_semantics = [#tpu.dimension_semantics<core_parallel>, #tpu.dimension_semantics<subcore_parallel>], iteration_bounds = array<i64: 2, 16>, scalar_prefetch = 0 : i64, scratch_operands = 10 : i64, tpu.core_type = #tpu.core_type<sc_vector_subcore>, window_params = [{transform_indices = #map}, {transform_indices = #map}, {transform_indices = #map1}, {transform_indices = #map1}, {transform_indices = #map}]} {
    %mul3A = arith.constant 16 : i32
    %mul3A_0 = arith.muli %arg0, %mul3A : i32
    %add3A = arith.addi %mul3A_0, %arg1 : i32
    %mul3A_1 = arith.constant 10000 : i32
    %mul3A_2 = arith.muli %add3A, %mul3A_1 : i32
    "tpu.region"() ({
      %run_scoped3A = tpu.sem_alloc : memref<!tpu.dma_semaphore, #tpu.memory_space<semaphore_mem>>
      %dma_start3A_17 = tpu.memref_slice %arg4[%mul3A_2] : memref<320000xi32, #tpu.memory_space<hbm>> -> memref<10000xi32, #tpu.memory_space<hbm>>
      %dma_start3A_18 = tpu.memref_slice %arg4[%mul3A_2] : memref<320000xi32, #tpu.memory_space<hbm>> -> memref<10000xi32, #tpu.memory_space<hbm>>
      tpu.enqueue_dma source(%dma_start3A_18 : memref<10000xi32, #tpu.memory_space<hbm>>) target(%arg7 : memref<10000xi32, #tpu.memory_space<vmem>>) target_semaphore(%run_scoped3A : memref<!tpu.dma_semaphore, #tpu.memory_space<semaphore_mem>>)
      %dma_wait3A = tpu.memref_slice %arg4[%mul3A_2] : memref<320000xi32, #tpu.memory_space<hbm>> -> memref<10000xi32, #tpu.memory_space<hbm>>
      %dma_wait3A_19 = tpu.memref_slice %arg4[%mul3A_2] : memref<320000xi32, #tpu.memory_space<hbm>> -> memref<10000xi32, #tpu.memory_space<hbm>>
      tpu.wait_dma2 semaphore(%run_scoped3A : memref<!tpu.dma_semaphore, #tpu.memory_space<semaphore_mem>>) src(%dma_wait3A_19 : memref<10000xi32, #tpu.memory_space<hbm>>) dst(%arg7 : memref<10000xi32, #tpu.memory_space<vmem>>)
      tpu.yield
    }) : () -> ()
    "tpu.region"() ({
      %run_scoped3A = tpu.sem_alloc : memref<!tpu.dma_semaphore, #tpu.memory_space<semaphore_mem>>
      %dma_start3A_17 = tpu.memref_slice %arg5[%mul3A_2] : memref<320000xi32, #tpu.memory_space<hbm>> -> memref<10000xi32, #tpu.memory_space<hbm>>
      %dma_start3A_18 = tpu.memref_slice %arg5[%mul3A_2] : memref<320000xi32, #tpu.memory_space<hbm>> -> memref<10000xi32, #tpu.memory_space<hbm>>
      tpu.enqueue_dma source(%dma_start3A_18 : memref<10000xi32, #tpu.memory_space<hbm>>) target(%arg8 : memref<10000xi32, #tpu.memory_space<vmem>>) target_semaphore(%run_scoped3A : memref<!tpu.dma_semaphore, #tpu.memory_space<semaphore_mem>>)
      %dma_wait3A = tpu.memref_slice %arg5[%mul3A_2] : memref<320000xi32, #tpu.memory_space<hbm>> -> memref<10000xi32, #tpu.memory_space<hbm>>
      %dma_wait3A_19 = tpu.memref_slice %arg5[%mul3A_2] : memref<320000xi32, #tpu.memory_space<hbm>> -> memref<10000xi32, #tpu.memory_space<hbm>>
      tpu.wait_dma2 semaphore(%run_scoped3A : memref<!tpu.dma_semaphore, #tpu.memory_space<semaphore_mem>>) src(%dma_wait3A_19 : memref<10000xi32, #tpu.memory_space<hbm>>) dst(%arg8 : memref<10000xi32, #tpu.memory_space<vmem>>)
      tpu.yield
    }) : () -> ()
    %dma_start3A = arith.constant 0 : i32
    %dma_start3A_3 = tpu.memref_slice %arg7[%dma_start3A] : memref<10000xi32, #tpu.memory_space<vmem>> -> memref<40xi32, #tpu.memory_space<vmem>>
    %dma_start3A_4 = arith.constant 0 : i32
    %dma_start3A_5 = arith.constant 0 : i32
    %dma_start3A_6 = tpu.memref_slice %arg2[%dma_start3A_4, %dma_start3A_5] : memref<10000x256xf32, #tpu.memory_space<hbm>> -> memref<10000x256xf32, #tpu.memory_space<hbm>>
    tpu.enqueue_indirect_dma source(%dma_start3A_6 : memref<10000x256xf32, #tpu.memory_space<hbm>>) target(%arg9 : memref<40x256xf32, #tpu.memory_space<vmem>>) offsets(%dma_start3A_3 : memref<40xi32, #tpu.memory_space<vmem>>) semaphore(%arg13 : memref<!tpu.dma_semaphore, #tpu.memory_space<semaphore_mem>>)
    %dma_start3A_7 = arith.constant 0 : i32
    %dma_start3A_8 = tpu.memref_slice %arg8[%dma_start3A_7] : memref<10000xi32, #tpu.memory_space<vmem>> -> memref<40xi32, #tpu.memory_space<vmem>>
    %dma_start3A_9 = arith.constant 0 : i32
    %dma_start3A_10 = arith.constant 0 : i32
    %dma_start3A_11 = tpu.memref_slice %arg3[%dma_start3A_9, %dma_start3A_10] : memref<10000x256xf32, #tpu.memory_space<hbm>> -> memref<10000x256xf32, #tpu.memory_space<hbm>>
    tpu.enqueue_indirect_dma source(%dma_start3A_11 : memref<10000x256xf32, #tpu.memory_space<hbm>>) target(%arg11 : memref<40x256xf32, #tpu.memory_space<vmem>>) offsets(%dma_start3A_8 : memref<40xi32, #tpu.memory_space<vmem>>) semaphore(%arg15 : memref<!tpu.dma_semaphore, #tpu.memory_space<semaphore_mem>>)
    %scan3A = arith.constant 0 : i32
    %scan3A_12 = arith.constant 0 : i32
    %scan3A_13 = arith.constant 125 : i32
    %scan3A_14 = arith.addi %scan3A_12, %scan3A_13 : i32
    %scan3A_15 = arith.constant 1 : i32
    scf.for %scan3A_17 = %scan3A_12 to %scan3A_14 step %scan3A_15  : i32 {
      %mul3A_18 = arith.constant 2 : i32
      %mul3A_19 = arith.muli %mul3A_18, %scan3A_17 : i32
      %add3A_20 = arith.constant 1 : i32
      %add3A_21 = arith.addi %mul3A_19, %add3A_20 : i32
      %mul3A_22 = arith.constant 40 : i32
      %mul3A_23 = arith.muli %add3A_21, %mul3A_22 : i32
      %dma_start3A_24 = tpu.memref_slice %arg7[%mul3A_23] : memref<10000xi32, #tpu.memory_space<vmem>> -> memref<40xi32, #tpu.memory_space<vmem>>
      %dma_start3A_25 = arith.constant 0 : i32
      %dma_start3A_26 = arith.constant 0 : i32
      %dma_start3A_27 = tpu.memref_slice %arg2[%dma_start3A_25, %dma_start3A_26] : memref<10000x256xf32, #tpu.memory_space<hbm>> -> memref<10000x256xf32, #tpu.memory_space<hbm>>
      tpu.enqueue_indirect_dma source(%dma_start3A_27 : memref<10000x256xf32, #tpu.memory_space<hbm>>) target(%arg10 : memref<40x256xf32, #tpu.memory_space<vmem>>) offsets(%dma_start3A_24 : memref<40xi32, #tpu.memory_space<vmem>>) semaphore(%arg14 : memref<!tpu.dma_semaphore, #tpu.memory_space<semaphore_mem>>)
      %dma_start3A_28 = tpu.memref_slice %arg8[%mul3A_23] : memref<10000xi32, #tpu.memory_space<vmem>> -> memref<40xi32, #tpu.memory_space<vmem>>
      %dma_start3A_29 = arith.constant 0 : i32
      %dma_start3A_30 = arith.constant 0 : i32
      %dma_start3A_31 = tpu.memref_slice %arg3[%dma_start3A_29, %dma_start3A_30] : memref<10000x256xf32, #tpu.memory_space<hbm>> -> memref<10000x256xf32, #tpu.memory_space<hbm>>
      tpu.enqueue_indirect_dma source(%dma_start3A_31 : memref<10000x256xf32, #tpu.memory_space<hbm>>) target(%arg12 : memref<40x256xf32, #tpu.memory_space<vmem>>) offsets(%dma_start3A_28 : memref<40xi32, #tpu.memory_space<vmem>>) semaphore(%arg16 : memref<!tpu.dma_semaphore, #tpu.memory_space<semaphore_mem>>)
      %dma_wait3A = arith.constant 0 : i32
      %dma_wait3A_32 = arith.constant 0 : i32
      %dma_wait3A_33 = tpu.memref_slice %arg2[%dma_wait3A, %dma_wait3A_32] : memref<10000x256xf32, #tpu.memory_space<hbm>> -> memref<40x256xf32, #tpu.memory_space<hbm>>
      %dma_wait3A_34 = arith.constant 0 : i32
      %dma_wait3A_35 = arith.constant 0 : i32
      %dma_wait3A_36 = tpu.memref_slice %arg2[%dma_wait3A_34, %dma_wait3A_35] : memref<10000x256xf32, #tpu.memory_space<hbm>> -> memref<40x256xf32, #tpu.memory_space<hbm>>
      tpu.wait_dma2 semaphore(%arg13 : memref<!tpu.dma_semaphore, #tpu.memory_space<semaphore_mem>>) src(%dma_wait3A_36 : memref<40x256xf32, #tpu.memory_space<hbm>>) dst(%arg9 : memref<40x256xf32, #tpu.memory_space<vmem>>)
      %dma_wait3A_37 = arith.constant 0 : i32
      %dma_wait3A_38 = arith.constant 0 : i32
      %dma_wait3A_39 = tpu.memref_slice %arg3[%dma_wait3A_37, %dma_wait3A_38] : memref<10000x256xf32, #tpu.memory_space<hbm>> -> memref<40x256xf32, #tpu.memory_space<hbm>>
      %dma_wait3A_40 = arith.constant 0 : i32
      %dma_wait3A_41 = arith.constant 0 : i32
      %dma_wait3A_42 = tpu.memref_slice %arg3[%dma_wait3A_40, %dma_wait3A_41] : memref<10000x256xf32, #tpu.memory_space<hbm>> -> memref<40x256xf32, #tpu.memory_space<hbm>>
      tpu.wait_dma2 semaphore(%arg15 : memref<!tpu.dma_semaphore, #tpu.memory_space<semaphore_mem>>) src(%dma_wait3A_42 : memref<40x256xf32, #tpu.memory_space<hbm>>) dst(%arg11 : memref<40x256xf32, #tpu.memory_space<vmem>>)
      %scan3A_43 = arith.constant 0 : i32
      %scan3A_44 = arith.constant 0 : i32
      %scan3A_45 = arith.constant 40 : i32
      %scan3A_46 = arith.addi %scan3A_44, %scan3A_45 : i32
      %scan3A_47 = arith.constant 1 : i32
      scf.for %scan3A_77 = %scan3A_44 to %scan3A_46 step %scan3A_47  : i32 {
        %get3A = arith.index_cast %scan3A_77 : i32 to index
        %get3A_78 = arith.constant 0 : index
        %get3A_79 = tpu.vector_load %arg9[%get3A, %get3A_78] {strides = array<i32>} : memref<40x256xf32, #tpu.memory_space<vmem>>, vector<1x16xf32>,
        %get3A_80 = vector.shape_cast %get3A_79 : vector<1x16xf32> to vector<16xf32>
        %get3A_81 = arith.index_cast %scan3A_77 : i32 to index
        %get3A_82 = arith.constant 0 : index
        %get3A_83 = tpu.vector_load %arg11[%get3A_81, %get3A_82] {strides = array<i32>} : memref<40x256xf32, #tpu.memory_space<vmem>>, vector<1x16xf32>,
        %get3A_84 = vector.shape_cast %get3A_83 : vector<1x16xf32> to vector<16xf32>
        %add3A_85 = arith.addf %get3A_80, %get3A_84 : vector<16xf32>
        %swap3A = arith.index_cast %scan3A_77 : i32 to index
        %swap3A_86 = arith.constant 0 : index
        %swap3A_87 = tpu.vector_load %arg9[%swap3A, %swap3A_86] {strides = array<i32>} : memref<40x256xf32, #tpu.memory_space<vmem>>, vector<1x16xf32>,
        %swap3A_88 = vector.shape_cast %swap3A_87 : vector<1x16xf32> to vector<16xf32>
        %swap3A_89 = vector.shape_cast %add3A_85 : vector<16xf32> to vector<1x16xf32>
        tpu.vector_store %arg9[%swap3A, %swap3A_86], %swap3A_89 {strides = array<i32>} : memref<40x256xf32, #tpu.memory_space<vmem>>, vector<1x16xf32>,
        %get3A_90 = arith.index_cast %scan3A_77 : i32 to index
        %get3A_91 = arith.constant 16 : index
        %get3A_92 = tpu.vector_load %arg9[%get3A_90, %get3A_91] {strides = array<i32>} : memref<40x256xf32, #tpu.memory_space<vmem>>, vector<1x16xf32>,
        %get3A_93 = vector.shape_cast %get3A_92 : vector<1x16xf32> to vector<16xf32>
        %get3A_94 = arith.index_cast %scan3A_77 : i32 to index
        %get3A_95 = arith.constant 16 : index
        %get3A_96 = tpu.vector_load %arg11[%get3A_94, %get3A_95] {strides = array<i32>} : memref<40x256xf32, #tpu.memory_space<vmem>>, vector<1x16xf32>,
        %get3A_97 = vector.shape_cast %get3A_96 : vector<1x16xf32> to vector<16xf32>
        %add3A_98 = arith.addf %get3A_93, %get3A_97 : vector<16xf32>
        %swap3A_99 = arith.index_cast %scan3A_77 : i32 to index
        %swap3A_100 = arith.constant 16 : index
        %swap3A_101 = tpu.vector_load %arg9[%swap3A_99, %swap3A_100] {strides = array<i32>} : memref<40x256xf32, #tpu.memory_space<vmem>>, vector<1x16xf32>,
        %swap3A_102 = vector.shape_cast %swap3A_101 : vector<1x16xf32> to vector<16xf32>
        %swap3A_103 = vector.shape_cast %add3A_98 : vector<16xf32> to vector<1x16xf32>
        tpu.vector_store %arg9[%swap3A_99, %swap3A_100], %swap3A_103 {strides = array<i32>} : memref<40x256xf32, #tpu.memory_space<vmem>>, vector<1x16xf32>,
        %get3A_104 = arith.index_cast %scan3A_77 : i32 to index
        %get3A_105 = arith.constant 32 : index
        %get3A_106 = tpu.vector_load %arg9[%get3A_104, %get3A_105] {strides = array<i32>} : memref<40x256xf32, #tpu.memory_space<vmem>>, vector<1x16xf32>,
        %get3A_107 = vector.shape_cast %get3A_106 : vector<1x16xf32> to vector<16xf32>
        %get3A_108 = arith.index_cast %scan3A_77 : i32 to index
        %get3A_109 = arith.constant 32 : index
        %get3A_110 = tpu.vector_load %arg11[%get3A_108, %get3A_109] {strides = array<i32>} : memref<40x256xf32, #tpu.memory_space<vmem>>, vector<1x16xf32>,
        %get3A_111 = vector.shape_cast %get3A_110 : vector<1x16xf32> to vector<16xf32>
        %add3A_112 = arith.addf %get3A_107, %get3A_111 : vector<16xf32>
        %swap3A_113 = arith.index_cast %scan3A_77 : i32 to index
        %swap3A_114 = arith.constant 32 : index
        %swap3A_115 = tpu.vector_load %arg9[%swap3A_113, %swap3A_114] {strides = array<i32>} : memref<40x256xf32, #tpu.memory_space<vmem>>, vector<1x16xf32>,
        %swap3A_116 = vector.shape_cast %swap3A_115 : vector<1x16xf32> to vector<16xf32>
        %swap3A_117 = vector.shape_cast %add3A_112 : vector<16xf32> to vector<1x16xf32>
        tpu.vector_store %arg9[%swap3A_113, %swap3A_114], %swap3A_117 {strides = array<i32>} : memref<40x256xf32, #tpu.memory_space<vmem>>, vector<1x16xf32>,
        %get3A_118 = arith.index_cast %scan3A_77 : i32 to index
        %get3A_119 = arith.constant 48 : index
        %get3A_120 = tpu.vector_load %arg9[%get3A_118, %get3A_119] {strides = array<i32>} : memref<40x256xf32, #tpu.memory_space<vmem>>, vector<1x16xf32>,
        %get3A_121 = vector.shape_cast %get3A_120 : vector<1x16xf32> to vector<16xf32>
        %get3A_122 = arith.index_cast %scan3A_77 : i32 to index
        %get3A_123 = arith.constant 48 : index
        %get3A_124 = tpu.vector_load %arg11[%get3A_122, %get3A_123] {strides = array<i32>} : memref<40x256xf32, #tpu.memory_space<vmem>>, vector<1x16xf32>,
        %get3A_125 = vector.shape_cast %get3A_124 : vector<1x16xf32> to vector<16xf32>
        %add3A_126 = arith.addf %get3A_121, %get3A_125 : vector<16xf32>
        %swap3A_127 = arith.index_cast %scan3A_77 : i32 to index
        %swap3A_128 = arith.constant 48 : index
        %swap3A_129 = tpu.vector_load %arg9[%swap3A_127, %swap3A_128] {strides = array<i32>} : memref<40x256xf32, #tpu.memory_space<vmem>>, vector<1x16xf32>,
        %swap3A_130 = vector.shape_cast %swap3A_129 : vector<1x16xf32> to vector<16xf32>
        %swap3A_131 = vector.shape_cast %add3A_126 : vector<16xf32> to vector<1x16xf32>
        tpu.vector_store %arg9[%swap3A_127, %swap3A_128], %swap3A_131 {strides = array<i32>} : memref<40x256xf32, #tpu.memory_space<vmem>>, vector<1x16xf32>,
        %get3A_132 = arith.index_cast %scan3A_77 : i32 to index
        %get3A_133 = arith.constant 64 : index
        %get3A_134 = tpu.vector_load %arg9[%get3A_132, %get3A_133] {strides = array<i32>} : memref<40x256xf32, #tpu.memory_space<vmem>>, vector<1x16xf32>,
        %get3A_135 = vector.shape_cast %get3A_134 : vector<1x16xf32> to vector<16xf32>
        %get3A_136 = arith.index_cast %scan3A_77 : i32 to index
        %get3A_137 = arith.constant 64 : index
        %get3A_138 = tpu.vector_load %arg11[%get3A_136, %get3A_137] {strides = array<i32>} : memref<40x256xf32, #tpu.memory_space<vmem>>, vector<1x16xf32>,
        %get3A_139 = vector.shape_cast %get3A_138 : vector<1x16xf32> to vector<16xf32>
        %add3A_140 = arith.addf %get3A_135, %get3A_139 : vector<16xf32>
        %swap3A_141 = arith.index_cast %scan3A_77 : i32 to index
        %swap3A_142 = arith.constant 64 : index
        %swap3A_143 = tpu.vector_load %arg9[%swap3A_141, %swap3A_142] {strides = array<i32>} : memref<40x256xf32, #tpu.memory_space<vmem>>, vector<1x16xf32>,
        %swap3A_144 = vector.shape_cast %swap3A_143 : vector<1x16xf32> to vector<16xf32>
        %swap3A_145 = vector.shape_cast %add3A_140 : vector<16xf32> to vector<1x16xf32>
        tpu.vector_store %arg9[%swap3A_141, %swap3A_142], %swap3A_145 {strides = array<i32>} : memref<40x256xf32, #tpu.memory_space<vmem>>, vector<1x16xf32>,
        %get3A_146 = arith.index_cast %scan3A_77 : i32 to index
        %get3A_147 = arith.constant 80 : index
        %get3A_148 = tpu.vector_load %arg9[%get3A_146, %get3A_147] {strides = array<i32>} : memref<40x256xf32, #tpu.memory_space<vmem>>, vector<1x16xf32>,
        %get3A_149 = vector.shape_cast %get3A_148 : vector<1x16xf32> to vector<16xf32>
        %get3A_150 = arith.index_cast %scan3A_77 : i32 to index
        %get3A_151 = arith.constant 80 : index
        %get3A_152 = tpu.vector_load %arg11[%get3A_150, %get3A_151] {strides = array<i32>} : memref<40x256xf32, #tpu.memory_space<vmem>>, vector<1x16xf32>,
        %get3A_153 = vector.shape_cast %get3A_152 : vector<1x16xf32> to vector<16xf32>
        %add3A_154 = arith.addf %get3A_149, %get3A_153 : vector<16xf32>
        %swap3A_155 = arith.index_cast %scan3A_77 : i32 to index
        %swap3A_156 = arith.constant 80 : index
        %swap3A_157 = tpu.vector_load %arg9[%swap3A_155, %swap3A_156] {strides = array<i32>} : memref<40x256xf32, #tpu.memory_space<vmem>>, vector<1x16xf32>,
        %swap3A_158 = vector.shape_cast %swap3A_157 : vector<1x16xf32> to vector<16xf32>
        %swap3A_159 = vector.shape_cast %add3A_154 : vector<16xf32> to vector<1x16xf32>
        tpu.vector_store %arg9[%swap3A_155, %swap3A_156], %swap3A_159 {strides = array<i32>} : memref<40x256xf32, #tpu.memory_space<vmem>>, vector<1x16xf32>,
        %get3A_160 = arith.index_cast %scan3A_77 : i32 to index
        %get3A_161 = arith.constant 96 : index
        %get3A_162 = tpu.vector_load %arg9[%get3A_160, %get3A_161] {strides = array<i32>} : memref<40x256xf32, #tpu.memory_space<vmem>>, vector<1x16xf32>,
        %get3A_163 = vector.shape_cast %get3A_162 : vector<1x16xf32> to vector<16xf32>
        %get3A_164 = arith.index_cast %scan3A_77 : i32 to index
        %get3A_165 = arith.constant 96 : index
        %get3A_166 = tpu.vector_load %arg11[%get3A_164, %get3A_165] {strides = array<i32>} : memref<40x256xf32, #tpu.memory_space<vmem>>, vector<1x16xf32>,
        %get3A_167 = vector.shape_cast %get3A_166 : vector<1x16xf32> to vector<16xf32>
        %add3A_168 = arith.addf %get3A_163, %get3A_167 : vector<16xf32>
        %swap3A_169 = arith.index_cast %scan3A_77 : i32 to index
        %swap3A_170 = arith.constant 96 : index
        %swap3A_171 = tpu.vector_load %arg9[%swap3A_169, %swap3A_170] {strides = array<i32>} : memref<40x256xf32, #tpu.memory_space<vmem>>, vector<1x16xf32>,
        %swap3A_172 = vector.shape_cast %swap3A_171 : vector<1x16xf32> to vector<16xf32>
        %swap3A_173 = vector.shape_cast %add3A_168 : vector<16xf32> to vector<1x16xf32>
        tpu.vector_store %arg9[%swap3A_169, %swap3A_170], %swap3A_173 {strides = array<i32>} : memref<40x256xf32, #tpu.memory_space<vmem>>, vector<1x16xf32>,
        %get3A_174 = arith.index_cast %scan3A_77 : i32 to index
        %get3A_175 = arith.constant 112 : index
        %get3A_176 = tpu.vector_load %arg9[%get3A_174, %get3A_175] {strides = array<i32>} : memref<40x256xf32, #tpu.memory_space<vmem>>, vector<1x16xf32>,
        %get3A_177 = vector.shape_cast %get3A_176 : vector<1x16xf32> to vector<16xf32>
        %get3A_178 = arith.index_cast %scan3A_77 : i32 to index
        %get3A_179 = arith.constant 112 : index
        %get3A_180 = tpu.vector_load %arg11[%get3A_178, %get3A_179] {strides = array<i32>} : memref<40x256xf32, #tpu.memory_space<vmem>>, vector<1x16xf32>,
        %get3A_181 = vector.shape_cast %get3A_180 : vector<1x16xf32> to vector<16xf32>
        %add3A_182 = arith.addf %get3A_177, %get3A_181 : vector<16xf32>
        %swap3A_183 = arith.index_cast %scan3A_77 : i32 to index
        %swap3A_184 = arith.constant 112 : index
        %swap3A_185 = tpu.vector_load %arg9[%swap3A_183, %swap3A_184] {strides = array<i32>} : memref<40x256xf32, #tpu.memory_space<vmem>>, vector<1x16xf32>,
        %swap3A_186 = vector.shape_cast %swap3A_185 : vector<1x16xf32> to vector<16xf32>
        %swap3A_187 = vector.shape_cast %add3A_182 : vector<16xf32> to vector<1x16xf32>
        tpu.vector_store %arg9[%swap3A_183, %swap3A_184], %swap3A_187 {strides = array<i32>} : memref<40x256xf32, #tpu.memory_space<vmem>>, vector<1x16xf32>,
        %get3A_188 = arith.index_cast %scan3A_77 : i32 to index
        %get3A_189 = arith.constant 128 : index
        %get3A_190 = tpu.vector_load %arg9[%get3A_188, %get3A_189] {strides = array<i32>} : memref<40x256xf32, #tpu.memory_space<vmem>>, vector<1x16xf32>,
        %get3A_191 = vector.shape_cast %get3A_190 : vector<1x16xf32> to vector<16xf32>
        %get3A_192 = arith.index_cast %scan3A_77 : i32 to index
        %get3A_193 = arith.constant 128 : index
        %get3A_194 = tpu.vector_load %arg11[%get3A_192, %get3A_193] {strides = array<i32>} : memref<40x256xf32, #tpu.memory_space<vmem>>, vector<1x16xf32>,
        %get3A_195 = vector.shape_cast %get3A_194 : vector<1x16xf32> to vector<16xf32>
        %add3A_196 = arith.addf %get3A_191, %get3A_195 : vector<16xf32>
        %swap3A_197 = arith.index_cast %scan3A_77 : i32 to index
        %swap3A_198 = arith.constant 128 : index
        %swap3A_199 = tpu.vector_load %arg9[%swap3A_197, %swap3A_198] {strides = array<i32>} : memref<40x256xf32, #tpu.memory_space<vmem>>, vector<1x16xf32>,
        %swap3A_200 = vector.shape_cast %swap3A_199 : vector<1x16xf32> to vector<16xf32>
        %swap3A_201 = vector.shape_cast %add3A_196 : vector<16xf32> to vector<1x16xf32>
        tpu.vector_store %arg9[%swap3A_197, %swap3A_198], %swap3A_201 {strides = array<i32>} : memref<40x256xf32, #tpu.memory_space<vmem>>, vector<1x16xf32>,
        %get3A_202 = arith.index_cast %scan3A_77 : i32 to index
        %get3A_203 = arith.constant 144 : index
        %get3A_204 = tpu.vector_load %arg9[%get3A_202, %get3A_203] {strides = array<i32>} : memref<40x256xf32, #tpu.memory_space<vmem>>, vector<1x16xf32>,
        %get3A_205 = vector.shape_cast %get3A_204 : vector<1x16xf32> to vector<16xf32>
        %get3A_206 = arith.index_cast %scan3A_77 : i32 to index
        %get3A_207 = arith.constant 144 : index
        %get3A_208 = tpu.vector_load %arg11[%get3A_206, %get3A_207] {strides = array<i32>} : memref<40x256xf32, #tpu.memory_space<vmem>>, vector<1x16xf32>,
        %get3A_209 = vector.shape_cast %get3A_208 : vector<1x16xf32> to vector<16xf32>
        %add3A_210 = arith.addf %get3A_205, %get3A_209 : vector<16xf32>
        %swap3A_211 = arith.index_cast %scan3A_77 : i32 to index
        %swap3A_212 = arith.constant 144 : index
        %swap3A_213 = tpu.vector_load %arg9[%swap3A_211, %swap3A_212] {strides = array<i32>} : memref<40x256xf32, #tpu.memory_space<vmem>>, vector<1x16xf32>,
        %swap3A_214 = vector.shape_cast %swap3A_213 : vector<1x16xf32> to vector<16xf32>
        %swap3A_215 = vector.shape_cast %add3A_210 : vector<16xf32> to vector<1x16xf32>
        tpu.vector_store %arg9[%swap3A_211, %swap3A_212], %swap3A_215 {strides = array<i32>} : memref<40x256xf32, #tpu.memory_space<vmem>>, vector<1x16xf32>,
        %get3A_216 = arith.index_cast %scan3A_77 : i32 to index
        %get3A_217 = arith.constant 160 : index
        %get3A_218 = tpu.vector_load %arg9[%get3A_216, %get3A_217] {strides = array<i32>} : memref<40x256xf32, #tpu.memory_space<vmem>>, vector<1x16xf32>,
        %get3A_219 = vector.shape_cast %get3A_218 : vector<1x16xf32> to vector<16xf32>
        %get3A_220 = arith.index_cast %scan3A_77 : i32 to index
        %get3A_221 = arith.constant 160 : index
        %get3A_222 = tpu.vector_load %arg11[%get3A_220, %get3A_221] {strides = array<i32>} : memref<40x256xf32, #tpu.memory_space<vmem>>, vector<1x16xf32>,
        %get3A_223 = vector.shape_cast %get3A_222 : vector<1x16xf32> to vector<16xf32>
        %add3A_224 = arith.addf %get3A_219, %get3A_223 : vector<16xf32>
        %swap3A_225 = arith.index_cast %scan3A_77 : i32 to index
        %swap3A_226 = arith.constant 160 : index
        %swap3A_227 = tpu.vector_load %arg9[%swap3A_225, %swap3A_226] {strides = array<i32>} : memref<40x256xf32, #tpu.memory_space<vmem>>, vector<1x16xf32>,
        %swap3A_228 = vector.shape_cast %swap3A_227 : vector<1x16xf32> to vector<16xf32>
        %swap3A_229 = vector.shape_cast %add3A_224 : vector<16xf32> to vector<1x16xf32>
        tpu.vector_store %arg9[%swap3A_225, %swap3A_226], %swap3A_229 {strides = array<i32>} : memref<40x256xf32, #tpu.memory_space<vmem>>, vector<1x16xf32>,
        %get3A_230 = arith.index_cast %scan3A_77 : i32 to index
        %get3A_231 = arith.constant 176 : index
        %get3A_232 = tpu.vector_load %arg9[%get3A_230, %get3A_231] {strides = array<i32>} : memref<40x256xf32, #tpu.memory_space<vmem>>, vector<1x16xf32>,
        %get3A_233 = vector.shape_cast %get3A_232 : vector<1x16xf32> to vector<16xf32>
        %get3A_234 = arith.index_cast %scan3A_77 : i32 to index
        %get3A_235 = arith.constant 176 : index
        %get3A_236 = tpu.vector_load %arg11[%get3A_234, %get3A_235] {strides = array<i32>} : memref<40x256xf32, #tpu.memory_space<vmem>>, vector<1x16xf32>,
        %get3A_237 = vector.shape_cast %get3A_236 : vector<1x16xf32> to vector<16xf32>
        %add3A_238 = arith.addf %get3A_233, %get3A_237 : vector<16xf32>
        %swap3A_239 = arith.index_cast %scan3A_77 : i32 to index
        %swap3A_240 = arith.constant 176 : index
        %swap3A_241 = tpu.vector_load %arg9[%swap3A_239, %swap3A_240] {strides = array<i32>} : memref<40x256xf32, #tpu.memory_space<vmem>>, vector<1x16xf32>,
        %swap3A_242 = vector.shape_cast %swap3A_241 : vector<1x16xf32> to vector<16xf32>
        %swap3A_243 = vector.shape_cast %add3A_238 : vector<16xf32> to vector<1x16xf32>
        tpu.vector_store %arg9[%swap3A_239, %swap3A_240], %swap3A_243 {strides = array<i32>} : memref<40x256xf32, #tpu.memory_space<vmem>>, vector<1x16xf32>,
        %get3A_244 = arith.index_cast %scan3A_77 : i32 to index
        %get3A_245 = arith.constant 192 : index
        %get3A_246 = tpu.vector_load %arg9[%get3A_244, %get3A_245] {strides = array<i32>} : memref<40x256xf32, #tpu.memory_space<vmem>>, vector<1x16xf32>,
        %get3A_247 = vector.shape_cast %get3A_246 : vector<1x16xf32> to vector<16xf32>
        %get3A_248 = arith.index_cast %scan3A_77 : i32 to index
        %get3A_249 = arith.constant 192 : index
        %get3A_250 = tpu.vector_load %arg11[%get3A_248, %get3A_249] {strides = array<i32>} : memref<40x256xf32, #tpu.memory_space<vmem>>, vector<1x16xf32>,
        %get3A_251 = vector.shape_cast %get3A_250 : vector<1x16xf32> to vector<16xf32>
        %add3A_252 = arith.addf %get3A_247, %get3A_251 : vector<16xf32>
        %swap3A_253 = arith.index_cast %scan3A_77 : i32 to index
        %swap3A_254 = arith.constant 192 : index
        %swap3A_255 = tpu.vector_load %arg9[%swap3A_253, %swap3A_254] {strides = array<i32>} : memref<40x256xf32, #tpu.memory_space<vmem>>, vector<1x16xf32>,
        %swap3A_256 = vector.shape_cast %swap3A_255 : vector<1x16xf32> to vector<16xf32>
        %swap3A_257 = vector.shape_cast %add3A_252 : vector<16xf32> to vector<1x16xf32>
        tpu.vector_store %arg9[%swap3A_253, %swap3A_254], %swap3A_257 {strides = array<i32>} : memref<40x256xf32, #tpu.memory_space<vmem>>, vector<1x16xf32>,
        %get3A_258 = arith.index_cast %scan3A_77 : i32 to index
        %get3A_259 = arith.constant 208 : index
        %get3A_260 = tpu.vector_load %arg9[%get3A_258, %get3A_259] {strides = array<i32>} : memref<40x256xf32, #tpu.memory_space<vmem>>, vector<1x16xf32>,
        %get3A_261 = vector.shape_cast %get3A_260 : vector<1x16xf32> to vector<16xf32>
        %get3A_262 = arith.index_cast %scan3A_77 : i32 to index
        %get3A_263 = arith.constant 208 : index
        %get3A_264 = tpu.vector_load %arg11[%get3A_262, %get3A_263] {strides = array<i32>} : memref<40x256xf32, #tpu.memory_space<vmem>>, vector<1x16xf32>,
        %get3A_265 = vector.shape_cast %get3A_264 : vector<1x16xf32> to vector<16xf32>
        %add3A_266 = arith.addf %get3A_261, %get3A_265 : vector<16xf32>
        %swap3A_267 = arith.index_cast %scan3A_77 : i32 to index
        %swap3A_268 = arith.constant 208 : index
        %swap3A_269 = tpu.vector_load %arg9[%swap3A_267, %swap3A_268] {strides = array<i32>} : memref<40x256xf32, #tpu.memory_space<vmem>>, vector<1x16xf32>,
        %swap3A_270 = vector.shape_cast %swap3A_269 : vector<1x16xf32> to vector<16xf32>
        %swap3A_271 = vector.shape_cast %add3A_266 : vector<16xf32> to vector<1x16xf32>
        tpu.vector_store %arg9[%swap3A_267, %swap3A_268], %swap3A_271 {strides = array<i32>} : memref<40x256xf32, #tpu.memory_space<vmem>>, vector<1x16xf32>,
        %get3A_272 = arith.index_cast %scan3A_77 : i32 to index
        %get3A_273 = arith.constant 224 : index
        %get3A_274 = tpu.vector_load %arg9[%get3A_272, %get3A_273] {strides = array<i32>} : memref<40x256xf32, #tpu.memory_space<vmem>>, vector<1x16xf32>,
        %get3A_275 = vector.shape_cast %get3A_274 : vector<1x16xf32> to vector<16xf32>
        %get3A_276 = arith.index_cast %scan3A_77 : i32 to index
        %get3A_277 = arith.constant 224 : index
        %get3A_278 = tpu.vector_load %arg11[%get3A_276, %get3A_277] {strides = array<i32>} : memref<40x256xf32, #tpu.memory_space<vmem>>, vector<1x16xf32>,
        %get3A_279 = vector.shape_cast %get3A_278 : vector<1x16xf32> to vector<16xf32>
        %add3A_280 = arith.addf %get3A_275, %get3A_279 : vector<16xf32>
        %swap3A_281 = arith.index_cast %scan3A_77 : i32 to index
        %swap3A_282 = arith.constant 224 : index
        %swap3A_283 = tpu.vector_load %arg9[%swap3A_281, %swap3A_282] {strides = array<i32>} : memref<40x256xf32, #tpu.memory_space<vmem>>, vector<1x16xf32>,
        %swap3A_284 = vector.shape_cast %swap3A_283 : vector<1x16xf32> to vector<16xf32>
        %swap3A_285 = vector.shape_cast %add3A_280 : vector<16xf32> to vector<1x16xf32>
        tpu.vector_store %arg9[%swap3A_281, %swap3A_282], %swap3A_285 {strides = array<i32>} : memref<40x256xf32, #tpu.memory_space<vmem>>, vector<1x16xf32>,
        %get3A_286 = arith.index_cast %scan3A_77 : i32 to index
        %get3A_287 = arith.constant 240 : index
        %get3A_288 = tpu.vector_load %arg9[%get3A_286, %get3A_287] {strides = array<i32>} : memref<40x256xf32, #tpu.memory_space<vmem>>, vector<1x16xf32>,
        %get3A_289 = vector.shape_cast %get3A_288 : vector<1x16xf32> to vector<16xf32>
        %get3A_290 = arith.index_cast %scan3A_77 : i32 to index
        %get3A_291 = arith.constant 240 : index
        %get3A_292 = tpu.vector_load %arg11[%get3A_290, %get3A_291] {strides = array<i32>} : memref<40x256xf32, #tpu.memory_space<vmem>>, vector<1x16xf32>,
        %get3A_293 = vector.shape_cast %get3A_292 : vector<1x16xf32> to vector<16xf32>
        %add3A_294 = arith.addf %get3A_289, %get3A_293 : vector<16xf32>
        %swap3A_295 = arith.index_cast %scan3A_77 : i32 to index
        %swap3A_296 = arith.constant 240 : index
        %swap3A_297 = tpu.vector_load %arg9[%swap3A_295, %swap3A_296] {strides = array<i32>} : memref<40x256xf32, #tpu.memory_space<vmem>>, vector<1x16xf32>,
        %swap3A_298 = vector.shape_cast %swap3A_297 : vector<1x16xf32> to vector<16xf32>
        %swap3A_299 = vector.shape_cast %add3A_294 : vector<16xf32> to vector<1x16xf32>
        tpu.vector_store %arg9[%swap3A_295, %swap3A_296], %swap3A_299 {strides = array<i32>} : memref<40x256xf32, #tpu.memory_space<vmem>>, vector<1x16xf32>,
      }
      %scan3A_48 = arith.constant 40 : i32
      %mul3A_49 = arith.constant 40 : i32
      %mul3A_50 = arith.muli %mul3A_19, %mul3A_49 : i32
      %add3A_51 = arith.addi %mul3A_2, %mul3A_50 : i32
      "tpu.region"() ({
        %run_scoped3A = tpu.sem_alloc : memref<!tpu.dma_semaphore, #tpu.memory_space<semaphore_mem>>
        %dma_start3A_77 = arith.constant 0 : i32
        %dma_start3A_78 = tpu.memref_slice %arg6[%add3A_51, %dma_start3A_77] : memref<320000x256xf32, #tpu.memory_space<hbm>> -> memref<40x256xf32, #tpu.memory_space<hbm>>
        %dma_start3A_79 = arith.constant 0 : i32
        %dma_start3A_80 = tpu.memref_slice %arg6[%add3A_51, %dma_start3A_79] : memref<320000x256xf32, #tpu.memory_space<hbm>> -> memref<40x256xf32, #tpu.memory_space<hbm>>
        tpu.enqueue_dma source(%arg9 : memref<40x256xf32, #tpu.memory_space<vmem>>) target(%dma_start3A_80 : memref<40x256xf32, #tpu.memory_space<hbm>>) target_semaphore(%run_scoped3A : memref<!tpu.dma_semaphore, #tpu.memory_space<semaphore_mem>>)
        %dma_wait3A_81 = arith.constant 0 : i32
        %dma_wait3A_82 = tpu.memref_slice %arg6[%add3A_51, %dma_wait3A_81] : memref<320000x256xf32, #tpu.memory_space<hbm>> -> memref<40x256xf32, #tpu.memory_space<hbm>>
        %dma_wait3A_83 = arith.constant 0 : i32
        %dma_wait3A_84 = tpu.memref_slice %arg6[%add3A_51, %dma_wait3A_83] : memref<320000x256xf32, #tpu.memory_space<hbm>> -> memref<40x256xf32, #tpu.memory_space<hbm>>
        tpu.wait_dma2 semaphore(%run_scoped3A : memref<!tpu.dma_semaphore, #tpu.memory_space<semaphore_mem>>) src(%arg9 : memref<40x256xf32, #tpu.memory_space<vmem>>) dst(%dma_wait3A_84 : memref<40x256xf32, #tpu.memory_space<hbm>>)
        tpu.yield
      }) : () -> ()
      %add3A_52 = arith.constant 1 : i32
      %add3A_53 = arith.addi %add3A_21, %add3A_52 : i32
      %lt3A = arith.constant 250 : i32
      %lt3A_54 = arith.cmpi slt, %add3A_53, %lt3A : i32
      %convert_element_type3A = arith.extui %lt3A_54 : i1 to i32
      %cond3A = arith.constant 0 : i32
      %cond3A_55 = arith.cmpi ne, %convert_element_type3A, %cond3A : i32
      scf.if %cond3A_55 {
        %add3A_77 = arith.constant 1 : i32
        %add3A_78 = arith.addi %add3A_21, %add3A_77 : i32
        %mul3A_79 = arith.constant 40 : i32
        %mul3A_80 = arith.muli %add3A_78, %mul3A_79 : i32
        %dma_start3A_81 = tpu.memref_slice %arg7[%mul3A_80] : memref<10000xi32, #tpu.memory_space<vmem>> -> memref<40xi32, #tpu.memory_space<vmem>>
        %dma_start3A_82 = arith.constant 0 : i32
        %dma_start3A_83 = arith.constant 0 : i32
        %dma_start3A_84 = tpu.memref_slice %arg2[%dma_start3A_82, %dma_start3A_83] : memref<10000x256xf32, #tpu.memory_space<hbm>> -> memref<10000x256xf32, #tpu.memory_space<hbm>>
        tpu.enqueue_indirect_dma source(%dma_start3A_84 : memref<10000x256xf32, #tpu.memory_space<hbm>>) target(%arg9 : memref<40x256xf32, #tpu.memory_space<vmem>>) offsets(%dma_start3A_81 : memref<40xi32, #tpu.memory_space<vmem>>) semaphore(%arg13 : memref<!tpu.dma_semaphore, #tpu.memory_space<semaphore_mem>>)
        %dma_start3A_85 = tpu.memref_slice %arg8[%mul3A_80] : memref<10000xi32, #tpu.memory_space<vmem>> -> memref<40xi32, #tpu.memory_space<vmem>>
        %dma_start3A_86 = arith.constant 0 : i32
        %dma_start3A_87 = arith.constant 0 : i32
        %dma_start3A_88 = tpu.memref_slice %arg3[%dma_start3A_86, %dma_start3A_87] : memref<10000x256xf32, #tpu.memory_space<hbm>> -> memref<10000x256xf32, #tpu.memory_space<hbm>>
        tpu.enqueue_indirect_dma source(%dma_start3A_88 : memref<10000x256xf32, #tpu.memory_space<hbm>>) target(%arg11 : memref<40x256xf32, #tpu.memory_space<vmem>>) offsets(%dma_start3A_85 : memref<40xi32, #tpu.memory_space<vmem>>) semaphore(%arg15 : memref<!tpu.dma_semaphore, #tpu.memory_space<semaphore_mem>>)
      } else {
      }
      %dma_wait3A_56 = arith.constant 0 : i32
      %dma_wait3A_57 = arith.constant 0 : i32
      %dma_wait3A_58 = tpu.memref_slice %arg2[%dma_wait3A_56, %dma_wait3A_57] : memref<10000x256xf32, #tpu.memory_space<hbm>> -> memref<40x256xf32, #tpu.memory_space<hbm>>
      %dma_wait3A_59 = arith.constant 0 : i32
      %dma_wait3A_60 = arith.constant 0 : i32
      %dma_wait3A_61 = tpu.memref_slice %arg2[%dma_wait3A_59, %dma_wait3A_60] : memref<10000x256xf32, #tpu.memory_space<hbm>> -> memref<40x256xf32, #tpu.memory_space<hbm>>
      tpu.wait_dma2 semaphore(%arg14 : memref<!tpu.dma_semaphore, #tpu.memory_space<semaphore_mem>>) src(%dma_wait3A_61 : memref<40x256xf32, #tpu.memory_space<hbm>>) dst(%arg10 : memref<40x256xf32, #tpu.memory_space<vmem>>)
      %dma_wait3A_62 = arith.constant 0 : i32
      %dma_wait3A_63 = arith.constant 0 : i32
      %dma_wait3A_64 = tpu.memref_slice %arg3[%dma_wait3A_62, %dma_wait3A_63] : memref<10000x256xf32, #tpu.memory_space<hbm>> -> memref<40x256xf32, #tpu.memory_space<hbm>>
      %dma_wait3A_65 = arith.constant 0 : i32
      %dma_wait3A_66 = arith.constant 0 : i32
      %dma_wait3A_67 = tpu.memref_slice %arg3[%dma_wait3A_65, %dma_wait3A_66] : memref<10000x256xf32, #tpu.memory_space<hbm>> -> memref<40x256xf32, #tpu.memory_space<hbm>>
      tpu.wait_dma2 semaphore(%arg16 : memref<!tpu.dma_semaphore, #tpu.memory_space<semaphore_mem>>) src(%dma_wait3A_67 : memref<40x256xf32, #tpu.memory_space<hbm>>) dst(%arg12 : memref<40x256xf32, #tpu.memory_space<vmem>>)
      %scan3A_68 = arith.constant 0 : i32
      %scan3A_69 = arith.constant 0 : i32
      %scan3A_70 = arith.constant 40 : i32
      %scan3A_71 = arith.addi %scan3A_69, %scan3A_70 : i32
      %scan3A_72 = arith.constant 1 : i32
      scf.for %scan3A_77 = %scan3A_69 to %scan3A_71 step %scan3A_72  : i32 {
        %get3A = arith.index_cast %scan3A_77 : i32 to index
        %get3A_78 = arith.constant 0 : index
        %get3A_79 = tpu.vector_load %arg10[%get3A, %get3A_78] {strides = array<i32>} : memref<40x256xf32, #tpu.memory_space<vmem>>, vector<1x16xf32>,
        %get3A_80 = vector.shape_cast %get3A_79 : vector<1x16xf32> to vector<16xf32>
        %get3A_81 = arith.index_cast %scan3A_77 : i32 to index
        %get3A_82 = arith.constant 0 : index
        %get3A_83 = tpu.vector_load %arg12[%get3A_81, %get3A_82] {strides = array<i32>} : memref<40x256xf32, #tpu.memory_space<vmem>>, vector<1x16xf32>,
        %get3A_84 = vector.shape_cast %get3A_83 : vector<1x16xf32> to vector<16xf32>
        %add3A_85 = arith.addf %get3A_80, %get3A_84 : vector<16xf32>
        %swap3A = arith.index_cast %scan3A_77 : i32 to index
        %swap3A_86 = arith.constant 0 : index
        %swap3A_87 = tpu.vector_load %arg10[%swap3A, %swap3A_86] {strides = array<i32>} : memref<40x256xf32, #tpu.memory_space<vmem>>, vector<1x16xf32>,
        %swap3A_88 = vector.shape_cast %swap3A_87 : vector<1x16xf32> to vector<16xf32>
        %swap3A_89 = vector.shape_cast %add3A_85 : vector<16xf32> to vector<1x16xf32>
        tpu.vector_store %arg10[%swap3A, %swap3A_86], %swap3A_89 {strides = array<i32>} : memref<40x256xf32, #tpu.memory_space<vmem>>, vector<1x16xf32>,
        %get3A_90 = arith.index_cast %scan3A_77 : i32 to index
        %get3A_91 = arith.constant 16 : index
        %get3A_92 = tpu.vector_load %arg10[%get3A_90, %get3A_91] {strides = array<i32>} : memref<40x256xf32, #tpu.memory_space<vmem>>, vector<1x16xf32>,
        %get3A_93 = vector.shape_cast %get3A_92 : vector<1x16xf32> to vector<16xf32>
        %get3A_94 = arith.index_cast %scan3A_77 : i32 to index
        %get3A_95 = arith.constant 16 : index
        %get3A_96 = tpu.vector_load %arg12[%get3A_94, %get3A_95] {strides = array<i32>} : memref<40x256xf32, #tpu.memory_space<vmem>>, vector<1x16xf32>,
        %get3A_97 = vector.shape_cast %get3A_96 : vector<1x16xf32> to vector<16xf32>
        %add3A_98 = arith.addf %get3A_93, %get3A_97 : vector<16xf32>
        %swap3A_99 = arith.index_cast %scan3A_77 : i32 to index
        %swap3A_100 = arith.constant 16 : index
        %swap3A_101 = tpu.vector_load %arg10[%swap3A_99, %swap3A_100] {strides = array<i32>} : memref<40x256xf32, #tpu.memory_space<vmem>>, vector<1x16xf32>,
        %swap3A_102 = vector.shape_cast %swap3A_101 : vector<1x16xf32> to vector<16xf32>
        %swap3A_103 = vector.shape_cast %add3A_98 : vector<16xf32> to vector<1x16xf32>
        tpu.vector_store %arg10[%swap3A_99, %swap3A_100], %swap3A_103 {strides = array<i32>} : memref<40x256xf32, #tpu.memory_space<vmem>>, vector<1x16xf32>,
        %get3A_104 = arith.index_cast %scan3A_77 : i32 to index
        %get3A_105 = arith.constant 32 : index
        %get3A_106 = tpu.vector_load %arg10[%get3A_104, %get3A_105] {strides = array<i32>} : memref<40x256xf32, #tpu.memory_space<vmem>>, vector<1x16xf32>,
        %get3A_107 = vector.shape_cast %get3A_106 : vector<1x16xf32> to vector<16xf32>
        %get3A_108 = arith.index_cast %scan3A_77 : i32 to index
        %get3A_109 = arith.constant 32 : index
        %get3A_110 = tpu.vector_load %arg12[%get3A_108, %get3A_109] {strides = array<i32>} : memref<40x256xf32, #tpu.memory_space<vmem>>, vector<1x16xf32>,
        %get3A_111 = vector.shape_cast %get3A_110 : vector<1x16xf32> to vector<16xf32>
        %add3A_112 = arith.addf %get3A_107, %get3A_111 : vector<16xf32>
        %swap3A_113 = arith.index_cast %scan3A_77 : i32 to index
        %swap3A_114 = arith.constant 32 : index
        %swap3A_115 = tpu.vector_load %arg10[%swap3A_113, %swap3A_114] {strides = array<i32>} : memref<40x256xf32, #tpu.memory_space<vmem>>, vector<1x16xf32>,
        %swap3A_116 = vector.shape_cast %swap3A_115 : vector<1x16xf32> to vector<16xf32>
        %swap3A_117 = vector.shape_cast %add3A_112 : vector<16xf32> to vector<1x16xf32>
        tpu.vector_store %arg10[%swap3A_113, %swap3A_114], %swap3A_117 {strides = array<i32>} : memref<40x256xf32, #tpu.memory_space<vmem>>, vector<1x16xf32>,
        %get3A_118 = arith.index_cast %scan3A_77 : i32 to index
        %get3A_119 = arith.constant 48 : index
        %get3A_120 = tpu.vector_load %arg10[%get3A_118, %get3A_119] {strides = array<i32>} : memref<40x256xf32, #tpu.memory_space<vmem>>, vector<1x16xf32>,
        %get3A_121 = vector.shape_cast %get3A_120 : vector<1x16xf32> to vector<16xf32>
        %get3A_122 = arith.index_cast %scan3A_77 : i32 to index
        %get3A_123 = arith.constant 48 : index
        %get3A_124 = tpu.vector_load %arg12[%get3A_122, %get3A_123] {strides = array<i32>} : memref<40x256xf32, #tpu.memory_space<vmem>>, vector<1x16xf32>,
        %get3A_125 = vector.shape_cast %get3A_124 : vector<1x16xf32> to vector<16xf32>
        %add3A_126 = arith.addf %get3A_121, %get3A_125 : vector<16xf32>
        %swap3A_127 = arith.index_cast %scan3A_77 : i32 to index
        %swap3A_128 = arith.constant 48 : index
        %swap3A_129 = tpu.vector_load %arg10[%swap3A_127, %swap3A_128] {strides = array<i32>} : memref<40x256xf32, #tpu.memory_space<vmem>>, vector<1x16xf32>,
        %swap3A_130 = vector.shape_cast %swap3A_129 : vector<1x16xf32> to vector<16xf32>
        %swap3A_131 = vector.shape_cast %add3A_126 : vector<16xf32> to vector<1x16xf32>
        tpu.vector_store %arg10[%swap3A_127, %swap3A_128], %swap3A_131 {strides = array<i32>} : memref<40x256xf32, #tpu.memory_space<vmem>>, vector<1x16xf32>,
        %get3A_132 = arith.index_cast %scan3A_77 : i32 to index
        %get3A_133 = arith.constant 64 : index
        %get3A_134 = tpu.vector_load %arg10[%get3A_132, %get3A_133] {strides = array<i32>} : memref<40x256xf32, #tpu.memory_space<vmem>>, vector<1x16xf32>,
        %get3A_135 = vector.shape_cast %get3A_134 : vector<1x16xf32> to vector<16xf32>
        %get3A_136 = arith.index_cast %scan3A_77 : i32 to index
        %get3A_137 = arith.constant 64 : index
        %get3A_138 = tpu.vector_load %arg12[%get3A_136, %get3A_137] {strides = array<i32>} : memref<40x256xf32, #tpu.memory_space<vmem>>, vector<1x16xf32>,
        %get3A_139 = vector.shape_cast %get3A_138 : vector<1x16xf32> to vector<16xf32>
        %add3A_140 = arith.addf %get3A_135, %get3A_139 : vector<16xf32>
        %swap3A_141 = arith.index_cast %scan3A_77 : i32 to index
        %swap3A_142 = arith.constant 64 : index
        %swap3A_143 = tpu.vector_load %arg10[%swap3A_141, %swap3A_142] {strides = array<i32>} : memref<40x256xf32, #tpu.memory_space<vmem>>, vector<1x16xf32>,
        %swap3A_144 = vector.shape_cast %swap3A_143 : vector<1x16xf32> to vector<16xf32>
        %swap3A_145 = vector.shape_cast %add3A_140 : vector<16xf32> to vector<1x16xf32>
        tpu.vector_store %arg10[%swap3A_141, %swap3A_142], %swap3A_145 {strides = array<i32>} : memref<40x256xf32, #tpu.memory_space<vmem>>, vector<1x16xf32>,
        %get3A_146 = arith.index_cast %scan3A_77 : i32 to index
        %get3A_147 = arith.constant 80 : index
        %get3A_148 = tpu.vector_load %arg10[%get3A_146, %get3A_147] {strides = array<i32>} : memref<40x256xf32, #tpu.memory_space<vmem>>, vector<1x16xf32>,
        %get3A_149 = vector.shape_cast %get3A_148 : vector<1x16xf32> to vector<16xf32>
        %get3A_150 = arith.index_cast %scan3A_77 : i32 to index
        %get3A_151 = arith.constant 80 : index
        %get3A_152 = tpu.vector_load %arg12[%get3A_150, %get3A_151] {strides = array<i32>} : memref<40x256xf32, #tpu.memory_space<vmem>>, vector<1x16xf32>,
        %get3A_153 = vector.shape_cast %get3A_152 : vector<1x16xf32> to vector<16xf32>
        %add3A_154 = arith.addf %get3A_149, %get3A_153 : vector<16xf32>
        %swap3A_155 = arith.index_cast %scan3A_77 : i32 to index
        %swap3A_156 = arith.constant 80 : index
        %swap3A_157 = tpu.vector_load %arg10[%swap3A_155, %swap3A_156] {strides = array<i32>} : memref<40x256xf32, #tpu.memory_space<vmem>>, vector<1x16xf32>,
        %swap3A_158 = vector.shape_cast %swap3A_157 : vector<1x16xf32> to vector<16xf32>
        %swap3A_159 = vector.shape_cast %add3A_154 : vector<16xf32> to vector<1x16xf32>
        tpu.vector_store %arg10[%swap3A_155, %swap3A_156], %swap3A_159 {strides = array<i32>} : memref<40x256xf32, #tpu.memory_space<vmem>>, vector<1x16xf32>,
        %get3A_160 = arith.index_cast %scan3A_77 : i32 to index
        %get3A_161 = arith.constant 96 : index
        %get3A_162 = tpu.vector_load %arg10[%get3A_160, %get3A_161] {strides = array<i32>} : memref<40x256xf32, #tpu.memory_space<vmem>>, vector<1x16xf32>,
        %get3A_163 = vector.shape_cast %get3A_162 : vector<1x16xf32> to vector<16xf32>
        %get3A_164 = arith.index_cast %scan3A_77 : i32 to index
        %get3A_165 = arith.constant 96 : index
        %get3A_166 = tpu.vector_load %arg12[%get3A_164, %get3A_165] {strides = array<i32>} : memref<40x256xf32, #tpu.memory_space<vmem>>, vector<1x16xf32>,
        %get3A_167 = vector.shape_cast %get3A_166 : vector<1x16xf32> to vector<16xf32>
        %add3A_168 = arith.addf %get3A_163, %get3A_167 : vector<16xf32>
        %swap3A_169 = arith.index_cast %scan3A_77 : i32 to index
        %swap3A_170 = arith.constant 96 : index
        %swap3A_171 = tpu.vector_load %arg10[%swap3A_169, %swap3A_170] {strides = array<i32>} : memref<40x256xf32, #tpu.memory_space<vmem>>, vector<1x16xf32>,
        %swap3A_172 = vector.shape_cast %swap3A_171 : vector<1x16xf32> to vector<16xf32>
        %swap3A_173 = vector.shape_cast %add3A_168 : vector<16xf32> to vector<1x16xf32>
        tpu.vector_store %arg10[%swap3A_169, %swap3A_170], %swap3A_173 {strides = array<i32>} : memref<40x256xf32, #tpu.memory_space<vmem>>, vector<1x16xf32>,
        %get3A_174 = arith.index_cast %scan3A_77 : i32 to index
        %get3A_175 = arith.constant 112 : index
        %get3A_176 = tpu.vector_load %arg10[%get3A_174, %get3A_175] {strides = array<i32>} : memref<40x256xf32, #tpu.memory_space<vmem>>, vector<1x16xf32>,
        %get3A_177 = vector.shape_cast %get3A_176 : vector<1x16xf32> to vector<16xf32>
        %get3A_178 = arith.index_cast %scan3A_77 : i32 to index
        %get3A_179 = arith.constant 112 : index
        %get3A_180 = tpu.vector_load %arg12[%get3A_178, %get3A_179] {strides = array<i32>} : memref<40x256xf32, #tpu.memory_space<vmem>>, vector<1x16xf32>,
        %get3A_181 = vector.shape_cast %get3A_180 : vector<1x16xf32> to vector<16xf32>
        %add3A_182 = arith.addf %get3A_177, %get3A_181 : vector<16xf32>
        %swap3A_183 = arith.index_cast %scan3A_77 : i32 to index
        %swap3A_184 = arith.constant 112 : index
        %swap3A_185 = tpu.vector_load %arg10[%swap3A_183, %swap3A_184] {strides = array<i32>} : memref<40x256xf32, #tpu.memory_space<vmem>>, vector<1x16xf32>,
        %swap3A_186 = vector.shape_cast %swap3A_185 : vector<1x16xf32> to vector<16xf32>
        %swap3A_187 = vector.shape_cast %add3A_182 : vector<16xf32> to vector<1x16xf32>
        tpu.vector_store %arg10[%swap3A_183, %swap3A_184], %swap3A_187 {strides = array<i32>} : memref<40x256xf32, #tpu.memory_space<vmem>>, vector<1x16xf32>,
        %get3A_188 = arith.index_cast %scan3A_77 : i32 to index
        %get3A_189 = arith.constant 128 : index
        %get3A_190 = tpu.vector_load %arg10[%get3A_188, %get3A_189] {strides = array<i32>} : memref<40x256xf32, #tpu.memory_space<vmem>>, vector<1x16xf32>,
        %get3A_191 = vector.shape_cast %get3A_190 : vector<1x16xf32> to vector<16xf32>
        %get3A_192 = arith.index_cast %scan3A_77 : i32 to index
        %get3A_193 = arith.constant 128 : index
        %get3A_194 = tpu.vector_load %arg12[%get3A_192, %get3A_193] {strides = array<i32>} : memref<40x256xf32, #tpu.memory_space<vmem>>, vector<1x16xf32>,
        %get3A_195 = vector.shape_cast %get3A_194 : vector<1x16xf32> to vector<16xf32>
        %add3A_196 = arith.addf %get3A_191, %get3A_195 : vector<16xf32>
        %swap3A_197 = arith.index_cast %scan3A_77 : i32 to index
        %swap3A_198 = arith.constant 128 : index
        %swap3A_199 = tpu.vector_load %arg10[%swap3A_197, %swap3A_198] {strides = array<i32>} : memref<40x256xf32, #tpu.memory_space<vmem>>, vector<1x16xf32>,
        %swap3A_200 = vector.shape_cast %swap3A_199 : vector<1x16xf32> to vector<16xf32>
        %swap3A_201 = vector.shape_cast %add3A_196 : vector<16xf32> to vector<1x16xf32>
        tpu.vector_store %arg10[%swap3A_197, %swap3A_198], %swap3A_201 {strides = array<i32>} : memref<40x256xf32, #tpu.memory_space<vmem>>, vector<1x16xf32>,
        %get3A_202 = arith.index_cast %scan3A_77 : i32 to index
        %get3A_203 = arith.constant 144 : index
        %get3A_204 = tpu.vector_load %arg10[%get3A_202, %get3A_203] {strides = array<i32>} : memref<40x256xf32, #tpu.memory_space<vmem>>, vector<1x16xf32>,
        %get3A_205 = vector.shape_cast %get3A_204 : vector<1x16xf32> to vector<16xf32>
        %get3A_206 = arith.index_cast %scan3A_77 : i32 to index
        %get3A_207 = arith.constant 144 : index
        %get3A_208 = tpu.vector_load %arg12[%get3A_206, %get3A_207] {strides = array<i32>} : memref<40x256xf32, #tpu.memory_space<vmem>>, vector<1x16xf32>,
        %get3A_209 = vector.shape_cast %get3A_208 : vector<1x16xf32> to vector<16xf32>
        %add3A_210 = arith.addf %get3A_205, %get3A_209 : vector<16xf32>
        %swap3A_211 = arith.index_cast %scan3A_77 : i32 to index
        %swap3A_212 = arith.constant 144 : index
        %swap3A_213 = tpu.vector_load %arg10[%swap3A_211, %swap3A_212] {strides = array<i32>} : memref<40x256xf32, #tpu.memory_space<vmem>>, vector<1x16xf32>,
        %swap3A_214 = vector.shape_cast %swap3A_213 : vector<1x16xf32> to vector<16xf32>
        %swap3A_215 = vector.shape_cast %add3A_210 : vector<16xf32> to vector<1x16xf32>
        tpu.vector_store %arg10[%swap3A_211, %swap3A_212], %swap3A_215 {strides = array<i32>} : memref<40x256xf32, #tpu.memory_space<vmem>>, vector<1x16xf32>,
        %get3A_216 = arith.index_cast %scan3A_77 : i32 to index
        %get3A_217 = arith.constant 160 : index
        %get3A_218 = tpu.vector_load %arg10[%get3A_216, %get3A_217] {strides = array<i32>} : memref<40x256xf32, #tpu.memory_space<vmem>>, vector<1x16xf32>,
        %get3A_219 = vector.shape_cast %get3A_218 : vector<1x16xf32> to vector<16xf32>
        %get3A_220 = arith.index_cast %scan3A_77 : i32 to index
        %get3A_221 = arith.constant 160 : index
        %get3A_222 = tpu.vector_load %arg12[%get3A_220, %get3A_221] {strides = array<i32>} : memref<40x256xf32, #tpu.memory_space<vmem>>, vector<1x16xf32>,
        %get3A_223 = vector.shape_cast %get3A_222 : vector<1x16xf32> to vector<16xf32>
        %add3A_224 = arith.addf %get3A_219, %get3A_223 : vector<16xf32>
        %swap3A_225 = arith.index_cast %scan3A_77 : i32 to index
        %swap3A_226 = arith.constant 160 : index
        %swap3A_227 = tpu.vector_load %arg10[%swap3A_225, %swap3A_226] {strides = array<i32>} : memref<40x256xf32, #tpu.memory_space<vmem>>, vector<1x16xf32>,
        %swap3A_228 = vector.shape_cast %swap3A_227 : vector<1x16xf32> to vector<16xf32>
        %swap3A_229 = vector.shape_cast %add3A_224 : vector<16xf32> to vector<1x16xf32>
        tpu.vector_store %arg10[%swap3A_225, %swap3A_226], %swap3A_229 {strides = array<i32>} : memref<40x256xf32, #tpu.memory_space<vmem>>, vector<1x16xf32>,
        %get3A_230 = arith.index_cast %scan3A_77 : i32 to index
        %get3A_231 = arith.constant 176 : index
        %get3A_232 = tpu.vector_load %arg10[%get3A_230, %get3A_231] {strides = array<i32>} : memref<40x256xf32, #tpu.memory_space<vmem>>, vector<1x16xf32>,
        %get3A_233 = vector.shape_cast %get3A_232 : vector<1x16xf32> to vector<16xf32>
        %get3A_234 = arith.index_cast %scan3A_77 : i32 to index
        %get3A_235 = arith.constant 176 : index
        %get3A_236 = tpu.vector_load %arg12[%get3A_234, %get3A_235] {strides = array<i32>} : memref<40x256xf32, #tpu.memory_space<vmem>>, vector<1x16xf32>,
        %get3A_237 = vector.shape_cast %get3A_236 : vector<1x16xf32> to vector<16xf32>
        %add3A_238 = arith.addf %get3A_233, %get3A_237 : vector<16xf32>
        %swap3A_239 = arith.index_cast %scan3A_77 : i32 to index
        %swap3A_240 = arith.constant 176 : index
        %swap3A_241 = tpu.vector_load %arg10[%swap3A_239, %swap3A_240] {strides = array<i32>} : memref<40x256xf32, #tpu.memory_space<vmem>>, vector<1x16xf32>,
        %swap3A_242 = vector.shape_cast %swap3A_241 : vector<1x16xf32> to vector<16xf32>
        %swap3A_243 = vector.shape_cast %add3A_238 : vector<16xf32> to vector<1x16xf32>
        tpu.vector_store %arg10[%swap3A_239, %swap3A_240], %swap3A_243 {strides = array<i32>} : memref<40x256xf32, #tpu.memory_space<vmem>>, vector<1x16xf32>,
        %get3A_244 = arith.index_cast %scan3A_77 : i32 to index
        %get3A_245 = arith.constant 192 : index
        %get3A_246 = tpu.vector_load %arg10[%get3A_244, %get3A_245] {strides = array<i32>} : memref<40x256xf32, #tpu.memory_space<vmem>>, vector<1x16xf32>,
        %get3A_247 = vector.shape_cast %get3A_246 : vector<1x16xf32> to vector<16xf32>
        %get3A_248 = arith.index_cast %scan3A_77 : i32 to index
        %get3A_249 = arith.constant 192 : index
        %get3A_250 = tpu.vector_load %arg12[%get3A_248, %get3A_249] {strides = array<i32>} : memref<40x256xf32, #tpu.memory_space<vmem>>, vector<1x16xf32>,
        %get3A_251 = vector.shape_cast %get3A_250 : vector<1x16xf32> to vector<16xf32>
        %add3A_252 = arith.addf %get3A_247, %get3A_251 : vector<16xf32>
        %swap3A_253 = arith.index_cast %scan3A_77 : i32 to index
        %swap3A_254 = arith.constant 192 : index
        %swap3A_255 = tpu.vector_load %arg10[%swap3A_253, %swap3A_254] {strides = array<i32>} : memref<40x256xf32, #tpu.memory_space<vmem>>, vector<1x16xf32>,
        %swap3A_256 = vector.shape_cast %swap3A_255 : vector<1x16xf32> to vector<16xf32>
        %swap3A_257 = vector.shape_cast %add3A_252 : vector<16xf32> to vector<1x16xf32>
        tpu.vector_store %arg10[%swap3A_253, %swap3A_254], %swap3A_257 {strides = array<i32>} : memref<40x256xf32, #tpu.memory_space<vmem>>, vector<1x16xf32>,
        %get3A_258 = arith.index_cast %scan3A_77 : i32 to index
        %get3A_259 = arith.constant 208 : index
        %get3A_260 = tpu.vector_load %arg10[%get3A_258, %get3A_259] {strides = array<i32>} : memref<40x256xf32, #tpu.memory_space<vmem>>, vector<1x16xf32>,
        %get3A_261 = vector.shape_cast %get3A_260 : vector<1x16xf32> to vector<16xf32>
        %get3A_262 = arith.index_cast %scan3A_77 : i32 to index
        %get3A_263 = arith.constant 208 : index
        %get3A_264 = tpu.vector_load %arg12[%get3A_262, %get3A_263] {strides = array<i32>} : memref<40x256xf32, #tpu.memory_space<vmem>>, vector<1x16xf32>,
        %get3A_265 = vector.shape_cast %get3A_264 : vector<1x16xf32> to vector<16xf32>
        %add3A_266 = arith.addf %get3A_261, %get3A_265 : vector<16xf32>
        %swap3A_267 = arith.index_cast %scan3A_77 : i32 to index
        %swap3A_268 = arith.constant 208 : index
        %swap3A_269 = tpu.vector_load %arg10[%swap3A_267, %swap3A_268] {strides = array<i32>} : memref<40x256xf32, #tpu.memory_space<vmem>>, vector<1x16xf32>,
        %swap3A_270 = vector.shape_cast %swap3A_269 : vector<1x16xf32> to vector<16xf32>
        %swap3A_271 = vector.shape_cast %add3A_266 : vector<16xf32> to vector<1x16xf32>
        tpu.vector_store %arg10[%swap3A_267, %swap3A_268], %swap3A_271 {strides = array<i32>} : memref<40x256xf32, #tpu.memory_space<vmem>>, vector<1x16xf32>,
        %get3A_272 = arith.index_cast %scan3A_77 : i32 to index
        %get3A_273 = arith.constant 224 : index
        %get3A_274 = tpu.vector_load %arg10[%get3A_272, %get3A_273] {strides = array<i32>} : memref<40x256xf32, #tpu.memory_space<vmem>>, vector<1x16xf32>,
        %get3A_275 = vector.shape_cast %get3A_274 : vector<1x16xf32> to vector<16xf32>
        %get3A_276 = arith.index_cast %scan3A_77 : i32 to index
        %get3A_277 = arith.constant 224 : index
        %get3A_278 = tpu.vector_load %arg12[%get3A_276, %get3A_277] {strides = array<i32>} : memref<40x256xf32, #tpu.memory_space<vmem>>, vector<1x16xf32>,
        %get3A_279 = vector.shape_cast %get3A_278 : vector<1x16xf32> to vector<16xf32>
        %add3A_280 = arith.addf %get3A_275, %get3A_279 : vector<16xf32>
        %swap3A_281 = arith.index_cast %scan3A_77 : i32 to index
        %swap3A_282 = arith.constant 224 : index
        %swap3A_283 = tpu.vector_load %arg10[%swap3A_281, %swap3A_282] {strides = array<i32>} : memref<40x256xf32, #tpu.memory_space<vmem>>, vector<1x16xf32>,
        %swap3A_284 = vector.shape_cast %swap3A_283 : vector<1x16xf32> to vector<16xf32>
        %swap3A_285 = vector.shape_cast %add3A_280 : vector<16xf32> to vector<1x16xf32>
        tpu.vector_store %arg10[%swap3A_281, %swap3A_282], %swap3A_285 {strides = array<i32>} : memref<40x256xf32, #tpu.memory_space<vmem>>, vector<1x16xf32>,
        %get3A_286 = arith.index_cast %scan3A_77 : i32 to index
        %get3A_287 = arith.constant 240 : index
        %get3A_288 = tpu.vector_load %arg10[%get3A_286, %get3A_287] {strides = array<i32>} : memref<40x256xf32, #tpu.memory_space<vmem>>, vector<1x16xf32>,
        %get3A_289 = vector.shape_cast %get3A_288 : vector<1x16xf32> to vector<16xf32>
        %get3A_290 = arith.index_cast %scan3A_77 : i32 to index
        %get3A_291 = arith.constant 240 : index
        %get3A_292 = tpu.vector_load %arg12[%get3A_290, %get3A_291] {strides = array<i32>} : memref<40x256xf32, #tpu.memory_space<vmem>>, vector<1x16xf32>,
        %get3A_293 = vector.shape_cast %get3A_292 : vector<1x16xf32> to vector<16xf32>
        %add3A_294 = arith.addf %get3A_289, %get3A_293 : vector<16xf32>
        %swap3A_295 = arith.index_cast %scan3A_77 : i32 to index
        %swap3A_296 = arith.constant 240 : index
        %swap3A_297 = tpu.vector_load %arg10[%swap3A_295, %swap3A_296] {strides = array<i32>} : memref<40x256xf32, #tpu.memory_space<vmem>>, vector<1x16xf32>,
        %swap3A_298 = vector.shape_cast %swap3A_297 : vector<1x16xf32> to vector<16xf32>
        %swap3A_299 = vector.shape_cast %add3A_294 : vector<16xf32> to vector<1x16xf32>
        tpu.vector_store %arg10[%swap3A_295, %swap3A_296], %swap3A_299 {strides = array<i32>} : memref<40x256xf32, #tpu.memory_space<vmem>>, vector<1x16xf32>,
      }
      %scan3A_73 = arith.constant 40 : i32
      %mul3A_74 = arith.constant 40 : i32
      %mul3A_75 = arith.muli %add3A_21, %mul3A_74 : i32
      %add3A_76 = arith.addi %mul3A_2, %mul3A_75 : i32
      "tpu.region"() ({
        %run_scoped3A = tpu.sem_alloc : memref<!tpu.dma_semaphore, #tpu.memory_space<semaphore_mem>>
        %dma_start3A_77 = arith.constant 0 : i32
        %dma_start3A_78 = tpu.memref_slice %arg6[%add3A_76, %dma_start3A_77] : memref<320000x256xf32, #tpu.memory_space<hbm>> -> memref<40x256xf32, #tpu.memory_space<hbm>>
        %dma_start3A_79 = arith.constant 0 : i32
        %dma_start3A_80 = tpu.memref_slice %arg6[%add3A_76, %dma_start3A_79] : memref<320000x256xf32, #tpu.memory_space<hbm>> -> memref<40x256xf32, #tpu.memory_space<hbm>>
        tpu.enqueue_dma source(%arg10 : memref<40x256xf32, #tpu.memory_space<vmem>>) target(%dma_start3A_80 : memref<40x256xf32, #tpu.memory_space<hbm>>) target_semaphore(%run_scoped3A : memref<!tpu.dma_semaphore, #tpu.memory_space<semaphore_mem>>)
        %dma_wait3A_81 = arith.constant 0 : i32
        %dma_wait3A_82 = tpu.memref_slice %arg6[%add3A_76, %dma_wait3A_81] : memref<320000x256xf32, #tpu.memory_space<hbm>> -> memref<40x256xf32, #tpu.memory_space<hbm>>
        %dma_wait3A_83 = arith.constant 0 : i32
        %dma_wait3A_84 = tpu.memref_slice %arg6[%add3A_76, %dma_wait3A_83] : memref<320000x256xf32, #tpu.memory_space<hbm>> -> memref<40x256xf32, #tpu.memory_space<hbm>>
        tpu.wait_dma2 semaphore(%run_scoped3A : memref<!tpu.dma_semaphore, #tpu.memory_space<semaphore_mem>>) src(%arg10 : memref<40x256xf32, #tpu.memory_space<vmem>>) dst(%dma_wait3A_84 : memref<40x256xf32, #tpu.memory_space<hbm>>)
        tpu.yield
      }) : () -> ()
    }
    %scan3A_16 = arith.constant 125 : i32
    return
  }
}

#map = affine_map<(d0, d1) -> (0, 0)>
#map1 = affine_map<(d0, d1) -> (0)>
module attributes {stable_mosaic.version = 14 : i64} {
  func.func @_scat_body(%arg0: i32, %arg1: i32, %arg2: memref<320000x128xf32, #tpu.memory_space<hbm>>, %arg3: memref<320000xi32, #tpu.memory_space<hbm>>, %arg4: memref<640x128xf32, #tpu.memory_space<hbm>>, %arg5: memref<10240x128xf32, #tpu.memory_space<hbm>>, %arg6: memref<40xi32, #tpu.memory_space<vmem>>, %arg7: memref<40xi32, #tpu.memory_space<vmem>>, %arg8: memref<40x128xf32, #tpu.memory_space<vmem>>, %arg9: memref<40x128xf32, #tpu.memory_space<vmem>>, %arg10: memref<10240x128xf32, #tpu.memory_space<vmem_shared>>, %arg11: memref<!tpu.dma_semaphore, #tpu.memory_space<semaphore_mem>>, %arg12: memref<!tpu.dma_semaphore, #tpu.memory_space<semaphore_mem>>) attributes {dimension_semantics = [#tpu.dimension_semantics<core_parallel>, #tpu.dimension_semantics<subcore_parallel>], iteration_bounds = array<i64: 1, 16>, scalar_prefetch = 0 : i64, scratch_operands = 7 : i64, tpu.core_type = #tpu.core_type<sc_vector_subcore>, window_params = [{transform_indices = #map}, {transform_indices = #map1}, {transform_indices = #map}, {transform_indices = #map}]} {
    %mul3A = arith.constant 640 : i32
    %mul3A_0 = arith.muli %arg1, %mul3A : i32
    "tpu.region"() ({
      %run_scoped3A = tpu.sem_alloc : memref<!tpu.dma_semaphore, #tpu.memory_space<semaphore_mem>>
      %dma_start3A_19 = arith.constant 0 : i32
      %dma_start3A_20 = tpu.memref_slice %arg10[%mul3A_0, %dma_start3A_19] : memref<10240x128xf32, #tpu.memory_space<vmem_shared>> -> memref<640x128xf32, #tpu.memory_space<vmem_shared>>
      tpu.enqueue_dma source(%arg4 : memref<640x128xf32, #tpu.memory_space<hbm>>) target(%dma_start3A_20 : memref<640x128xf32, #tpu.memory_space<vmem_shared>>) target_semaphore(%run_scoped3A : memref<!tpu.dma_semaphore, #tpu.memory_space<semaphore_mem>>)
      %dma_wait3A = arith.constant 0 : i32
      %dma_wait3A_21 = tpu.memref_slice %arg10[%mul3A_0, %dma_wait3A] : memref<10240x128xf32, #tpu.memory_space<vmem_shared>> -> memref<640x128xf32, #tpu.memory_space<vmem_shared>>
      tpu.wait_dma2 semaphore(%run_scoped3A : memref<!tpu.dma_semaphore, #tpu.memory_space<semaphore_mem>>) src(%arg4 : memref<640x128xf32, #tpu.memory_space<hbm>>) dst(%dma_wait3A_21 : memref<640x128xf32, #tpu.memory_space<vmem_shared>>)
      tpu.yield
    }) : () -> ()
    %barrier3A = arith.constant 0 : index
    tpu.barrier barrier_id(%barrier3A)
    %mul3A_1 = arith.constant 20000 : i32
    %mul3A_2 = arith.muli %arg1, %mul3A_1 : i32
    %add3A = arith.constant 0 : i32
    %add3A_3 = arith.addi %mul3A_2, %add3A : i32
    %dma_start3A = arith.constant 0 : i32
    %dma_start3A_4 = tpu.memref_slice %arg2[%add3A_3, %dma_start3A] : memref<320000x128xf32, #tpu.memory_space<hbm>> -> memref<40x128xf32, #tpu.memory_space<hbm>>
    %dma_start3A_5 = arith.constant 0 : i32
    %dma_start3A_6 = tpu.memref_slice %arg2[%add3A_3, %dma_start3A_5] : memref<320000x128xf32, #tpu.memory_space<hbm>> -> memref<40x128xf32, #tpu.memory_space<hbm>>
    tpu.enqueue_dma source(%dma_start3A_6 : memref<40x128xf32, #tpu.memory_space<hbm>>) target(%arg8 : memref<40x128xf32, #tpu.memory_space<vmem>>) target_semaphore(%arg11 : memref<!tpu.dma_semaphore, #tpu.memory_space<semaphore_mem>>)
    %add3A_7 = arith.constant 0 : i32
    %add3A_8 = arith.addi %mul3A_2, %add3A_7 : i32
    "tpu.region"() ({
      %run_scoped3A = tpu.sem_alloc : memref<!tpu.dma_semaphore, #tpu.memory_space<semaphore_mem>>
      %dma_start3A_19 = tpu.memref_slice %arg3[%add3A_8] : memref<320000xi32, #tpu.memory_space<hbm>> -> memref<40xi32, #tpu.memory_space<hbm>>
      %dma_start3A_20 = tpu.memref_slice %arg3[%add3A_8] : memref<320000xi32, #tpu.memory_space<hbm>> -> memref<40xi32, #tpu.memory_space<hbm>>
      tpu.enqueue_dma source(%dma_start3A_20 : memref<40xi32, #tpu.memory_space<hbm>>) target(%arg6 : memref<40xi32, #tpu.memory_space<vmem>>) target_semaphore(%run_scoped3A : memref<!tpu.dma_semaphore, #tpu.memory_space<semaphore_mem>>)
      %dma_wait3A = tpu.memref_slice %arg3[%add3A_8] : memref<320000xi32, #tpu.memory_space<hbm>> -> memref<40xi32, #tpu.memory_space<hbm>>
      %dma_wait3A_21 = tpu.memref_slice %arg3[%add3A_8] : memref<320000xi32, #tpu.memory_space<hbm>> -> memref<40xi32, #tpu.memory_space<hbm>>
      tpu.wait_dma2 semaphore(%run_scoped3A : memref<!tpu.dma_semaphore, #tpu.memory_space<semaphore_mem>>) src(%dma_wait3A_21 : memref<40xi32, #tpu.memory_space<hbm>>) dst(%arg6 : memref<40xi32, #tpu.memory_space<vmem>>)
      tpu.yield
    }) : () -> ()
    %scan3A = arith.constant 0 : i32
    %scan3A_9 = arith.constant 0 : i32
    %scan3A_10 = arith.constant 250 : i32
    %scan3A_11 = arith.addi %scan3A_9, %scan3A_10 : i32
    %scan3A_12 = arith.constant 1 : i32
    scf.for %scan3A_19 = %scan3A_9 to %scan3A_11 step %scan3A_12  : i32 {
      %mul3A_20 = arith.constant 2 : i32
      %mul3A_21 = arith.muli %mul3A_20, %scan3A_19 : i32
      %add3A_22 = arith.constant 1 : i32
      %add3A_23 = arith.addi %mul3A_21, %add3A_22 : i32
      %mul3A_24 = arith.constant 40 : i32
      %mul3A_25 = arith.muli %add3A_23, %mul3A_24 : i32
      %add3A_26 = arith.addi %mul3A_2, %mul3A_25 : i32
      %dma_start3A_27 = arith.constant 0 : i32
      %dma_start3A_28 = tpu.memref_slice %arg2[%add3A_26, %dma_start3A_27] : memref<320000x128xf32, #tpu.memory_space<hbm>> -> memref<40x128xf32, #tpu.memory_space<hbm>>
      %dma_start3A_29 = arith.constant 0 : i32
      %dma_start3A_30 = tpu.memref_slice %arg2[%add3A_26, %dma_start3A_29] : memref<320000x128xf32, #tpu.memory_space<hbm>> -> memref<40x128xf32, #tpu.memory_space<hbm>>
      tpu.enqueue_dma source(%dma_start3A_30 : memref<40x128xf32, #tpu.memory_space<hbm>>) target(%arg9 : memref<40x128xf32, #tpu.memory_space<vmem>>) target_semaphore(%arg12 : memref<!tpu.dma_semaphore, #tpu.memory_space<semaphore_mem>>)
      %mul3A_31 = arith.constant 40 : i32
      %mul3A_32 = arith.muli %add3A_23, %mul3A_31 : i32
      %add3A_33 = arith.addi %mul3A_2, %mul3A_32 : i32
      "tpu.region"() ({
        %run_scoped3A = tpu.sem_alloc : memref<!tpu.dma_semaphore, #tpu.memory_space<semaphore_mem>>
        %dma_start3A_49 = tpu.memref_slice %arg3[%add3A_33] : memref<320000xi32, #tpu.memory_space<hbm>> -> memref<40xi32, #tpu.memory_space<hbm>>
        %dma_start3A_50 = tpu.memref_slice %arg3[%add3A_33] : memref<320000xi32, #tpu.memory_space<hbm>> -> memref<40xi32, #tpu.memory_space<hbm>>
        tpu.enqueue_dma source(%dma_start3A_50 : memref<40xi32, #tpu.memory_space<hbm>>) target(%arg7 : memref<40xi32, #tpu.memory_space<vmem>>) target_semaphore(%run_scoped3A : memref<!tpu.dma_semaphore, #tpu.memory_space<semaphore_mem>>)
        %dma_wait3A_51 = tpu.memref_slice %arg3[%add3A_33] : memref<320000xi32, #tpu.memory_space<hbm>> -> memref<40xi32, #tpu.memory_space<hbm>>
        %dma_wait3A_52 = tpu.memref_slice %arg3[%add3A_33] : memref<320000xi32, #tpu.memory_space<hbm>> -> memref<40xi32, #tpu.memory_space<hbm>>
        tpu.wait_dma2 semaphore(%run_scoped3A : memref<!tpu.dma_semaphore, #tpu.memory_space<semaphore_mem>>) src(%dma_wait3A_52 : memref<40xi32, #tpu.memory_space<hbm>>) dst(%arg7 : memref<40xi32, #tpu.memory_space<vmem>>)
        tpu.yield
      }) : () -> ()
      %dma_wait3A = arith.constant 0 : i32
      %dma_wait3A_34 = arith.constant 0 : i32
      %dma_wait3A_35 = tpu.memref_slice %arg2[%dma_wait3A, %dma_wait3A_34] : memref<320000x128xf32, #tpu.memory_space<hbm>> -> memref<40x128xf32, #tpu.memory_space<hbm>>
      %dma_wait3A_36 = arith.constant 0 : i32
      %dma_wait3A_37 = arith.constant 0 : i32
      %dma_wait3A_38 = tpu.memref_slice %arg2[%dma_wait3A_36, %dma_wait3A_37] : memref<320000x128xf32, #tpu.memory_space<hbm>> -> memref<40x128xf32, #tpu.memory_space<hbm>>
      tpu.wait_dma2 semaphore(%arg11 : memref<!tpu.dma_semaphore, #tpu.memory_space<semaphore_mem>>) src(%dma_wait3A_38 : memref<40x128xf32, #tpu.memory_space<hbm>>) dst(%arg8 : memref<40x128xf32, #tpu.memory_space<vmem>>)
      "tpu.region"() ({
        %run_scoped3A = tpu.sem_alloc : memref<!tpu.dma_semaphore, #tpu.memory_space<semaphore_mem>>
        %dma_start3A_49 = arith.constant 0 : i32
        %dma_start3A_50 = arith.constant 0 : i32
        %dma_start3A_51 = tpu.memref_slice %arg10[%dma_start3A_49, %dma_start3A_50] : memref<10240x128xf32, #tpu.memory_space<vmem_shared>> -> memref<10240x128xf32, #tpu.memory_space<vmem_shared>>
        tpu.enqueue_indirect_dma source(%arg8 : memref<40x128xf32, #tpu.memory_space<vmem>>) target(%dma_start3A_51 : memref<10240x128xf32, #tpu.memory_space<vmem_shared>>) offsets(%arg6 : memref<40xi32, #tpu.memory_space<vmem>>) semaphore(%run_scoped3A : memref<!tpu.dma_semaphore, #tpu.memory_space<semaphore_mem>>) {add = true}
        %dma_wait3A_52 = arith.constant 0 : i32
        %dma_wait3A_53 = arith.constant 0 : i32
        %dma_wait3A_54 = tpu.memref_slice %arg10[%dma_wait3A_52, %dma_wait3A_53] : memref<10240x128xf32, #tpu.memory_space<vmem_shared>> -> memref<10240x128xf32, #tpu.memory_space<vmem_shared>>
        tpu.wait_indirect_dma semaphore(%run_scoped3A : memref<!tpu.dma_semaphore, #tpu.memory_space<semaphore_mem>>) src(%arg8 : memref<40x128xf32, #tpu.memory_space<vmem>>) dst(%dma_wait3A_54 : memref<10240x128xf32, #tpu.memory_space<vmem_shared>>)
        tpu.yield
      }) : () -> ()
      %add3A_39 = arith.constant 1 : i32
      %add3A_40 = arith.addi %add3A_23, %add3A_39 : i32
      %lt3A = arith.constant 500 : i32
      %lt3A_41 = arith.cmpi slt, %add3A_40, %lt3A : i32
      %convert_element_type3A = arith.extui %lt3A_41 : i1 to i32
      %cond3A = arith.constant 0 : i32
      %cond3A_42 = arith.cmpi ne, %convert_element_type3A, %cond3A : i32
      scf.if %cond3A_42 {
        %add3A_49 = arith.constant 1 : i32
        %add3A_50 = arith.addi %add3A_23, %add3A_49 : i32
        %mul3A_51 = arith.constant 40 : i32
        %mul3A_52 = arith.muli %add3A_50, %mul3A_51 : i32
        %add3A_53 = arith.addi %mul3A_2, %mul3A_52 : i32
        %dma_start3A_54 = arith.constant 0 : i32
        %dma_start3A_55 = tpu.memref_slice %arg2[%add3A_53, %dma_start3A_54] : memref<320000x128xf32, #tpu.memory_space<hbm>> -> memref<40x128xf32, #tpu.memory_space<hbm>>
        %dma_start3A_56 = arith.constant 0 : i32
        %dma_start3A_57 = tpu.memref_slice %arg2[%add3A_53, %dma_start3A_56] : memref<320000x128xf32, #tpu.memory_space<hbm>> -> memref<40x128xf32, #tpu.memory_space<hbm>>
        tpu.enqueue_dma source(%dma_start3A_57 : memref<40x128xf32, #tpu.memory_space<hbm>>) target(%arg8 : memref<40x128xf32, #tpu.memory_space<vmem>>) target_semaphore(%arg11 : memref<!tpu.dma_semaphore, #tpu.memory_space<semaphore_mem>>)
        %mul3A_58 = arith.constant 40 : i32
        %mul3A_59 = arith.muli %add3A_50, %mul3A_58 : i32
        %add3A_60 = arith.addi %mul3A_2, %mul3A_59 : i32
        "tpu.region"() ({
          %run_scoped3A = tpu.sem_alloc : memref<!tpu.dma_semaphore, #tpu.memory_space<semaphore_mem>>
          %dma_start3A_61 = tpu.memref_slice %arg3[%add3A_60] : memref<320000xi32, #tpu.memory_space<hbm>> -> memref<40xi32, #tpu.memory_space<hbm>>
          %dma_start3A_62 = tpu.memref_slice %arg3[%add3A_60] : memref<320000xi32, #tpu.memory_space<hbm>> -> memref<40xi32, #tpu.memory_space<hbm>>
          tpu.enqueue_dma source(%dma_start3A_62 : memref<40xi32, #tpu.memory_space<hbm>>) target(%arg6 : memref<40xi32, #tpu.memory_space<vmem>>) target_semaphore(%run_scoped3A : memref<!tpu.dma_semaphore, #tpu.memory_space<semaphore_mem>>)
          %dma_wait3A_63 = tpu.memref_slice %arg3[%add3A_60] : memref<320000xi32, #tpu.memory_space<hbm>> -> memref<40xi32, #tpu.memory_space<hbm>>
          %dma_wait3A_64 = tpu.memref_slice %arg3[%add3A_60] : memref<320000xi32, #tpu.memory_space<hbm>> -> memref<40xi32, #tpu.memory_space<hbm>>
          tpu.wait_dma2 semaphore(%run_scoped3A : memref<!tpu.dma_semaphore, #tpu.memory_space<semaphore_mem>>) src(%dma_wait3A_64 : memref<40xi32, #tpu.memory_space<hbm>>) dst(%arg6 : memref<40xi32, #tpu.memory_space<vmem>>)
          tpu.yield
        }) : () -> ()
      } else {
      }
      %dma_wait3A_43 = arith.constant 0 : i32
      %dma_wait3A_44 = arith.constant 0 : i32
      %dma_wait3A_45 = tpu.memref_slice %arg2[%dma_wait3A_43, %dma_wait3A_44] : memref<320000x128xf32, #tpu.memory_space<hbm>> -> memref<40x128xf32, #tpu.memory_space<hbm>>
      %dma_wait3A_46 = arith.constant 0 : i32
      %dma_wait3A_47 = arith.constant 0 : i32
      %dma_wait3A_48 = tpu.memref_slice %arg2[%dma_wait3A_46, %dma_wait3A_47] : memref<320000x128xf32, #tpu.memory_space<hbm>> -> memref<40x128xf32, #tpu.memory_space<hbm>>
      tpu.wait_dma2 semaphore(%arg12 : memref<!tpu.dma_semaphore, #tpu.memory_space<semaphore_mem>>) src(%dma_wait3A_48 : memref<40x128xf32, #tpu.memory_space<hbm>>) dst(%arg9 : memref<40x128xf32, #tpu.memory_space<vmem>>)
      "tpu.region"() ({
        %run_scoped3A = tpu.sem_alloc : memref<!tpu.dma_semaphore, #tpu.memory_space<semaphore_mem>>
        %dma_start3A_49 = arith.constant 0 : i32
        %dma_start3A_50 = arith.constant 0 : i32
        %dma_start3A_51 = tpu.memref_slice %arg10[%dma_start3A_49, %dma_start3A_50] : memref<10240x128xf32, #tpu.memory_space<vmem_shared>> -> memref<10240x128xf32, #tpu.memory_space<vmem_shared>>
        tpu.enqueue_indirect_dma source(%arg9 : memref<40x128xf32, #tpu.memory_space<vmem>>) target(%dma_start3A_51 : memref<10240x128xf32, #tpu.memory_space<vmem_shared>>) offsets(%arg7 : memref<40xi32, #tpu.memory_space<vmem>>) semaphore(%run_scoped3A : memref<!tpu.dma_semaphore, #tpu.memory_space<semaphore_mem>>) {add = true}
        %dma_wait3A_52 = arith.constant 0 : i32
        %dma_wait3A_53 = arith.constant 0 : i32
        %dma_wait3A_54 = tpu.memref_slice %arg10[%dma_wait3A_52, %dma_wait3A_53] : memref<10240x128xf32, #tpu.memory_space<vmem_shared>> -> memref<10240x128xf32, #tpu.memory_space<vmem_shared>>
        tpu.wait_indirect_dma semaphore(%run_scoped3A : memref<!tpu.dma_semaphore, #tpu.memory_space<semaphore_mem>>) src(%arg9 : memref<40x128xf32, #tpu.memory_space<vmem>>) dst(%dma_wait3A_54 : memref<10240x128xf32, #tpu.memory_space<vmem_shared>>)
        tpu.yield
      }) : () -> ()
    }
    %scan3A_13 = arith.constant 250 : i32
    %barrier3A_14 = arith.constant 0 : index
    tpu.barrier barrier_id(%barrier3A_14)
    %mul3A_15 = arith.constant 640 : i32
    %mul3A_16 = arith.muli %arg1, %mul3A_15 : i32
    %mul3A_17 = arith.constant 640 : i32
    %mul3A_18 = arith.muli %arg1, %mul3A_17 : i32
    "tpu.region"() ({
      %run_scoped3A = tpu.sem_alloc : memref<!tpu.dma_semaphore, #tpu.memory_space<semaphore_mem>>
      %dma_start3A_19 = arith.constant 0 : i32
      %dma_start3A_20 = tpu.memref_slice %arg5[%mul3A_18, %dma_start3A_19] : memref<10240x128xf32, #tpu.memory_space<hbm>> -> memref<640x128xf32, #tpu.memory_space<hbm>>
      %dma_start3A_21 = arith.constant 0 : i32
      %dma_start3A_22 = tpu.memref_slice %arg10[%mul3A_16, %dma_start3A_21] : memref<10240x128xf32, #tpu.memory_space<vmem_shared>> -> memref<640x128xf32, #tpu.memory_space<vmem_shared>>
      tpu.enqueue_dma source(%dma_start3A_22 : memref<640x128xf32, #tpu.memory_space<vmem_shared>>) target(%dma_start3A_20 : memref<640x128xf32, #tpu.memory_space<hbm>>) target_semaphore(%run_scoped3A : memref<!tpu.dma_semaphore, #tpu.memory_space<semaphore_mem>>)
      %dma_wait3A = arith.constant 0 : i32
      %dma_wait3A_23 = tpu.memref_slice %arg5[%mul3A_18, %dma_wait3A] : memref<10240x128xf32, #tpu.memory_space<hbm>> -> memref<640x128xf32, #tpu.memory_space<hbm>>
      %dma_wait3A_24 = arith.constant 0 : i32
      %dma_wait3A_25 = tpu.memref_slice %arg10[%mul3A_16, %dma_wait3A_24] : memref<10240x128xf32, #tpu.memory_space<vmem_shared>> -> memref<640x128xf32, #tpu.memory_space<vmem_shared>>
      tpu.wait_dma2 semaphore(%run_scoped3A : memref<!tpu.dma_semaphore, #tpu.memory_space<semaphore_mem>>) src(%dma_wait3A_25 : memref<640x128xf32, #tpu.memory_space<vmem_shared>>) dst(%dma_wait3A_23 : memref<640x128xf32, #tpu.memory_space<hbm>>)
      tpu.yield
    }) : () -> ()
    return
  }
}

#map = affine_map<(d0, d1) -> (0, 0)>
#map1 = affine_map<(d0, d1) -> (0)>
module attributes {stable_mosaic.version = 14 : i64} {
  func.func @_scat_body(%arg0: i32, %arg1: i32, %arg2: memref<320000x128xf32, #tpu.memory_space<hbm>>, %arg3: memref<320000xi32, #tpu.memory_space<hbm>>, %arg4: memref<640x128xf32, #tpu.memory_space<hbm>>, %arg5: memref<10240x128xf32, #tpu.memory_space<hbm>>, %arg6: memref<40xi32, #tpu.memory_space<vmem>>, %arg7: memref<40xi32, #tpu.memory_space<vmem>>, %arg8: memref<40x128xf32, #tpu.memory_space<vmem>>, %arg9: memref<40x128xf32, #tpu.memory_space<vmem>>, %arg10: memref<10240x128xf32, #tpu.memory_space<vmem_shared>>, %arg11: memref<!tpu.dma_semaphore, #tpu.memory_space<semaphore_mem>>, %arg12: memref<!tpu.dma_semaphore, #tpu.memory_space<semaphore_mem>>) attributes {dimension_semantics = [#tpu.dimension_semantics<core_parallel>, #tpu.dimension_semantics<subcore_parallel>], iteration_bounds = array<i64: 1, 16>, scalar_prefetch = 0 : i64, scratch_operands = 7 : i64, tpu.core_type = #tpu.core_type<sc_vector_subcore>, window_params = [{transform_indices = #map}, {transform_indices = #map1}, {transform_indices = #map}, {transform_indices = #map}]} {
    %mul3A = arith.constant 640 : i32
    %mul3A_0 = arith.muli %arg1, %mul3A : i32
    "tpu.region"() ({
      %run_scoped3A = tpu.sem_alloc : memref<!tpu.dma_semaphore, #tpu.memory_space<semaphore_mem>>
      %dma_start3A_19 = arith.constant 0 : i32
      %dma_start3A_20 = tpu.memref_slice %arg10[%mul3A_0, %dma_start3A_19] : memref<10240x128xf32, #tpu.memory_space<vmem_shared>> -> memref<640x128xf32, #tpu.memory_space<vmem_shared>>
      tpu.enqueue_dma source(%arg4 : memref<640x128xf32, #tpu.memory_space<hbm>>) target(%dma_start3A_20 : memref<640x128xf32, #tpu.memory_space<vmem_shared>>) target_semaphore(%run_scoped3A : memref<!tpu.dma_semaphore, #tpu.memory_space<semaphore_mem>>)
      %dma_wait3A = arith.constant 0 : i32
      %dma_wait3A_21 = tpu.memref_slice %arg10[%mul3A_0, %dma_wait3A] : memref<10240x128xf32, #tpu.memory_space<vmem_shared>> -> memref<640x128xf32, #tpu.memory_space<vmem_shared>>
      tpu.wait_dma2 semaphore(%run_scoped3A : memref<!tpu.dma_semaphore, #tpu.memory_space<semaphore_mem>>) src(%arg4 : memref<640x128xf32, #tpu.memory_space<hbm>>) dst(%dma_wait3A_21 : memref<640x128xf32, #tpu.memory_space<vmem_shared>>)
      tpu.yield
    }) : () -> ()
    %barrier3A = arith.constant 0 : index
    tpu.barrier barrier_id(%barrier3A)
    %mul3A_1 = arith.constant 20000 : i32
    %mul3A_2 = arith.muli %arg1, %mul3A_1 : i32
    %add3A = arith.constant 0 : i32
    %add3A_3 = arith.addi %mul3A_2, %add3A : i32
    %dma_start3A = arith.constant 0 : i32
    %dma_start3A_4 = tpu.memref_slice %arg2[%add3A_3, %dma_start3A] : memref<320000x128xf32, #tpu.memory_space<hbm>> -> memref<40x128xf32, #tpu.memory_space<hbm>>
    %dma_start3A_5 = arith.constant 0 : i32
    %dma_start3A_6 = tpu.memref_slice %arg2[%add3A_3, %dma_start3A_5] : memref<320000x128xf32, #tpu.memory_space<hbm>> -> memref<40x128xf32, #tpu.memory_space<hbm>>
    tpu.enqueue_dma source(%dma_start3A_6 : memref<40x128xf32, #tpu.memory_space<hbm>>) target(%arg8 : memref<40x128xf32, #tpu.memory_space<vmem>>) target_semaphore(%arg11 : memref<!tpu.dma_semaphore, #tpu.memory_space<semaphore_mem>>)
    %add3A_7 = arith.constant 0 : i32
    %add3A_8 = arith.addi %mul3A_2, %add3A_7 : i32
    "tpu.region"() ({
      %run_scoped3A = tpu.sem_alloc : memref<!tpu.dma_semaphore, #tpu.memory_space<semaphore_mem>>
      %dma_start3A_19 = tpu.memref_slice %arg3[%add3A_8] : memref<320000xi32, #tpu.memory_space<hbm>> -> memref<40xi32, #tpu.memory_space<hbm>>
      %dma_start3A_20 = tpu.memref_slice %arg3[%add3A_8] : memref<320000xi32, #tpu.memory_space<hbm>> -> memref<40xi32, #tpu.memory_space<hbm>>
      tpu.enqueue_dma source(%dma_start3A_20 : memref<40xi32, #tpu.memory_space<hbm>>) target(%arg6 : memref<40xi32, #tpu.memory_space<vmem>>) target_semaphore(%run_scoped3A : memref<!tpu.dma_semaphore, #tpu.memory_space<semaphore_mem>>)
      %dma_wait3A = tpu.memref_slice %arg3[%add3A_8] : memref<320000xi32, #tpu.memory_space<hbm>> -> memref<40xi32, #tpu.memory_space<hbm>>
      %dma_wait3A_21 = tpu.memref_slice %arg3[%add3A_8] : memref<320000xi32, #tpu.memory_space<hbm>> -> memref<40xi32, #tpu.memory_space<hbm>>
      tpu.wait_dma2 semaphore(%run_scoped3A : memref<!tpu.dma_semaphore, #tpu.memory_space<semaphore_mem>>) src(%dma_wait3A_21 : memref<40xi32, #tpu.memory_space<hbm>>) dst(%arg6 : memref<40xi32, #tpu.memory_space<vmem>>)
      tpu.yield
    }) : () -> ()
    %scan3A = arith.constant 0 : i32
    %scan3A_9 = arith.constant 0 : i32
    %scan3A_10 = arith.constant 250 : i32
    %scan3A_11 = arith.addi %scan3A_9, %scan3A_10 : i32
    %scan3A_12 = arith.constant 1 : i32
    scf.for %scan3A_19 = %scan3A_9 to %scan3A_11 step %scan3A_12  : i32 {
      %mul3A_20 = arith.constant 2 : i32
      %mul3A_21 = arith.muli %mul3A_20, %scan3A_19 : i32
      %add3A_22 = arith.constant 1 : i32
      %add3A_23 = arith.addi %mul3A_21, %add3A_22 : i32
      %mul3A_24 = arith.constant 40 : i32
      %mul3A_25 = arith.muli %add3A_23, %mul3A_24 : i32
      %add3A_26 = arith.addi %mul3A_2, %mul3A_25 : i32
      %dma_start3A_27 = arith.constant 0 : i32
      %dma_start3A_28 = tpu.memref_slice %arg2[%add3A_26, %dma_start3A_27] : memref<320000x128xf32, #tpu.memory_space<hbm>> -> memref<40x128xf32, #tpu.memory_space<hbm>>
      %dma_start3A_29 = arith.constant 0 : i32
      %dma_start3A_30 = tpu.memref_slice %arg2[%add3A_26, %dma_start3A_29] : memref<320000x128xf32, #tpu.memory_space<hbm>> -> memref<40x128xf32, #tpu.memory_space<hbm>>
      tpu.enqueue_dma source(%dma_start3A_30 : memref<40x128xf32, #tpu.memory_space<hbm>>) target(%arg9 : memref<40x128xf32, #tpu.memory_space<vmem>>) target_semaphore(%arg12 : memref<!tpu.dma_semaphore, #tpu.memory_space<semaphore_mem>>)
      %mul3A_31 = arith.constant 40 : i32
      %mul3A_32 = arith.muli %add3A_23, %mul3A_31 : i32
      %add3A_33 = arith.addi %mul3A_2, %mul3A_32 : i32
      "tpu.region"() ({
        %run_scoped3A = tpu.sem_alloc : memref<!tpu.dma_semaphore, #tpu.memory_space<semaphore_mem>>
        %dma_start3A_49 = tpu.memref_slice %arg3[%add3A_33] : memref<320000xi32, #tpu.memory_space<hbm>> -> memref<40xi32, #tpu.memory_space<hbm>>
        %dma_start3A_50 = tpu.memref_slice %arg3[%add3A_33] : memref<320000xi32, #tpu.memory_space<hbm>> -> memref<40xi32, #tpu.memory_space<hbm>>
        tpu.enqueue_dma source(%dma_start3A_50 : memref<40xi32, #tpu.memory_space<hbm>>) target(%arg7 : memref<40xi32, #tpu.memory_space<vmem>>) target_semaphore(%run_scoped3A : memref<!tpu.dma_semaphore, #tpu.memory_space<semaphore_mem>>)
        %dma_wait3A_51 = tpu.memref_slice %arg3[%add3A_33] : memref<320000xi32, #tpu.memory_space<hbm>> -> memref<40xi32, #tpu.memory_space<hbm>>
        %dma_wait3A_52 = tpu.memref_slice %arg3[%add3A_33] : memref<320000xi32, #tpu.memory_space<hbm>> -> memref<40xi32, #tpu.memory_space<hbm>>
        tpu.wait_dma2 semaphore(%run_scoped3A : memref<!tpu.dma_semaphore, #tpu.memory_space<semaphore_mem>>) src(%dma_wait3A_52 : memref<40xi32, #tpu.memory_space<hbm>>) dst(%arg7 : memref<40xi32, #tpu.memory_space<vmem>>)
        tpu.yield
      }) : () -> ()
      %dma_wait3A = arith.constant 0 : i32
      %dma_wait3A_34 = arith.constant 0 : i32
      %dma_wait3A_35 = tpu.memref_slice %arg2[%dma_wait3A, %dma_wait3A_34] : memref<320000x128xf32, #tpu.memory_space<hbm>> -> memref<40x128xf32, #tpu.memory_space<hbm>>
      %dma_wait3A_36 = arith.constant 0 : i32
      %dma_wait3A_37 = arith.constant 0 : i32
      %dma_wait3A_38 = tpu.memref_slice %arg2[%dma_wait3A_36, %dma_wait3A_37] : memref<320000x128xf32, #tpu.memory_space<hbm>> -> memref<40x128xf32, #tpu.memory_space<hbm>>
      tpu.wait_dma2 semaphore(%arg11 : memref<!tpu.dma_semaphore, #tpu.memory_space<semaphore_mem>>) src(%dma_wait3A_38 : memref<40x128xf32, #tpu.memory_space<hbm>>) dst(%arg8 : memref<40x128xf32, #tpu.memory_space<vmem>>)
      "tpu.region"() ({
        %run_scoped3A = tpu.sem_alloc : memref<!tpu.dma_semaphore, #tpu.memory_space<semaphore_mem>>
        %dma_start3A_49 = arith.constant 0 : i32
        %dma_start3A_50 = arith.constant 0 : i32
        %dma_start3A_51 = tpu.memref_slice %arg10[%dma_start3A_49, %dma_start3A_50] : memref<10240x128xf32, #tpu.memory_space<vmem_shared>> -> memref<10240x128xf32, #tpu.memory_space<vmem_shared>>
        tpu.enqueue_indirect_dma source(%arg8 : memref<40x128xf32, #tpu.memory_space<vmem>>) target(%dma_start3A_51 : memref<10240x128xf32, #tpu.memory_space<vmem_shared>>) offsets(%arg6 : memref<40xi32, #tpu.memory_space<vmem>>) semaphore(%run_scoped3A : memref<!tpu.dma_semaphore, #tpu.memory_space<semaphore_mem>>) {add = true}
        %dma_wait3A_52 = arith.constant 0 : i32
        %dma_wait3A_53 = arith.constant 0 : i32
        %dma_wait3A_54 = tpu.memref_slice %arg10[%dma_wait3A_52, %dma_wait3A_53] : memref<10240x128xf32, #tpu.memory_space<vmem_shared>> -> memref<10240x128xf32, #tpu.memory_space<vmem_shared>>
        tpu.wait_indirect_dma semaphore(%run_scoped3A : memref<!tpu.dma_semaphore, #tpu.memory_space<semaphore_mem>>) src(%arg8 : memref<40x128xf32, #tpu.memory_space<vmem>>) dst(%dma_wait3A_54 : memref<10240x128xf32, #tpu.memory_space<vmem_shared>>)
        tpu.yield
      }) : () -> ()
      %add3A_39 = arith.constant 1 : i32
      %add3A_40 = arith.addi %add3A_23, %add3A_39 : i32
      %lt3A = arith.constant 500 : i32
      %lt3A_41 = arith.cmpi slt, %add3A_40, %lt3A : i32
      %convert_element_type3A = arith.extui %lt3A_41 : i1 to i32
      %cond3A = arith.constant 0 : i32
      %cond3A_42 = arith.cmpi ne, %convert_element_type3A, %cond3A : i32
      scf.if %cond3A_42 {
        %add3A_49 = arith.constant 1 : i32
        %add3A_50 = arith.addi %add3A_23, %add3A_49 : i32
        %mul3A_51 = arith.constant 40 : i32
        %mul3A_52 = arith.muli %add3A_50, %mul3A_51 : i32
        %add3A_53 = arith.addi %mul3A_2, %mul3A_52 : i32
        %dma_start3A_54 = arith.constant 0 : i32
        %dma_start3A_55 = tpu.memref_slice %arg2[%add3A_53, %dma_start3A_54] : memref<320000x128xf32, #tpu.memory_space<hbm>> -> memref<40x128xf32, #tpu.memory_space<hbm>>
        %dma_start3A_56 = arith.constant 0 : i32
        %dma_start3A_57 = tpu.memref_slice %arg2[%add3A_53, %dma_start3A_56] : memref<320000x128xf32, #tpu.memory_space<hbm>> -> memref<40x128xf32, #tpu.memory_space<hbm>>
        tpu.enqueue_dma source(%dma_start3A_57 : memref<40x128xf32, #tpu.memory_space<hbm>>) target(%arg8 : memref<40x128xf32, #tpu.memory_space<vmem>>) target_semaphore(%arg11 : memref<!tpu.dma_semaphore, #tpu.memory_space<semaphore_mem>>)
        %mul3A_58 = arith.constant 40 : i32
        %mul3A_59 = arith.muli %add3A_50, %mul3A_58 : i32
        %add3A_60 = arith.addi %mul3A_2, %mul3A_59 : i32
        "tpu.region"() ({
          %run_scoped3A = tpu.sem_alloc : memref<!tpu.dma_semaphore, #tpu.memory_space<semaphore_mem>>
          %dma_start3A_61 = tpu.memref_slice %arg3[%add3A_60] : memref<320000xi32, #tpu.memory_space<hbm>> -> memref<40xi32, #tpu.memory_space<hbm>>
          %dma_start3A_62 = tpu.memref_slice %arg3[%add3A_60] : memref<320000xi32, #tpu.memory_space<hbm>> -> memref<40xi32, #tpu.memory_space<hbm>>
          tpu.enqueue_dma source(%dma_start3A_62 : memref<40xi32, #tpu.memory_space<hbm>>) target(%arg6 : memref<40xi32, #tpu.memory_space<vmem>>) target_semaphore(%run_scoped3A : memref<!tpu.dma_semaphore, #tpu.memory_space<semaphore_mem>>)
          %dma_wait3A_63 = tpu.memref_slice %arg3[%add3A_60] : memref<320000xi32, #tpu.memory_space<hbm>> -> memref<40xi32, #tpu.memory_space<hbm>>
          %dma_wait3A_64 = tpu.memref_slice %arg3[%add3A_60] : memref<320000xi32, #tpu.memory_space<hbm>> -> memref<40xi32, #tpu.memory_space<hbm>>
          tpu.wait_dma2 semaphore(%run_scoped3A : memref<!tpu.dma_semaphore, #tpu.memory_space<semaphore_mem>>) src(%dma_wait3A_64 : memref<40xi32, #tpu.memory_space<hbm>>) dst(%arg6 : memref<40xi32, #tpu.memory_space<vmem>>)
          tpu.yield
        }) : () -> ()
      } else {
      }
      %dma_wait3A_43 = arith.constant 0 : i32
      %dma_wait3A_44 = arith.constant 0 : i32
      %dma_wait3A_45 = tpu.memref_slice %arg2[%dma_wait3A_43, %dma_wait3A_44] : memref<320000x128xf32, #tpu.memory_space<hbm>> -> memref<40x128xf32, #tpu.memory_space<hbm>>
      %dma_wait3A_46 = arith.constant 0 : i32
      %dma_wait3A_47 = arith.constant 0 : i32
      %dma_wait3A_48 = tpu.memref_slice %arg2[%dma_wait3A_46, %dma_wait3A_47] : memref<320000x128xf32, #tpu.memory_space<hbm>> -> memref<40x128xf32, #tpu.memory_space<hbm>>
      tpu.wait_dma2 semaphore(%arg12 : memref<!tpu.dma_semaphore, #tpu.memory_space<semaphore_mem>>) src(%dma_wait3A_48 : memref<40x128xf32, #tpu.memory_space<hbm>>) dst(%arg9 : memref<40x128xf32, #tpu.memory_space<vmem>>)
      "tpu.region"() ({
        %run_scoped3A = tpu.sem_alloc : memref<!tpu.dma_semaphore, #tpu.memory_space<semaphore_mem>>
        %dma_start3A_49 = arith.constant 0 : i32
        %dma_start3A_50 = arith.constant 0 : i32
        %dma_start3A_51 = tpu.memref_slice %arg10[%dma_start3A_49, %dma_start3A_50] : memref<10240x128xf32, #tpu.memory_space<vmem_shared>> -> memref<10240x128xf32, #tpu.memory_space<vmem_shared>>
        tpu.enqueue_indirect_dma source(%arg9 : memref<40x128xf32, #tpu.memory_space<vmem>>) target(%dma_start3A_51 : memref<10240x128xf32, #tpu.memory_space<vmem_shared>>) offsets(%arg7 : memref<40xi32, #tpu.memory_space<vmem>>) semaphore(%run_scoped3A : memref<!tpu.dma_semaphore, #tpu.memory_space<semaphore_mem>>) {add = true}
        %dma_wait3A_52 = arith.constant 0 : i32
        %dma_wait3A_53 = arith.constant 0 : i32
        %dma_wait3A_54 = tpu.memref_slice %arg10[%dma_wait3A_52, %dma_wait3A_53] : memref<10240x128xf32, #tpu.memory_space<vmem_shared>> -> memref<10240x128xf32, #tpu.memory_space<vmem_shared>>
        tpu.wait_indirect_dma semaphore(%run_scoped3A : memref<!tpu.dma_semaphore, #tpu.memory_space<semaphore_mem>>) src(%arg9 : memref<40x128xf32, #tpu.memory_space<vmem>>) dst(%dma_wait3A_54 : memref<10240x128xf32, #tpu.memory_space<vmem_shared>>)
        tpu.yield
      }) : () -> ()
    }
    %scan3A_13 = arith.constant 250 : i32
    %barrier3A_14 = arith.constant 0 : index
    tpu.barrier barrier_id(%barrier3A_14)
    %mul3A_15 = arith.constant 640 : i32
    %mul3A_16 = arith.muli %arg1, %mul3A_15 : i32
    %mul3A_17 = arith.constant 640 : i32
    %mul3A_18 = arith.muli %arg1, %mul3A_17 : i32
    "tpu.region"() ({
      %run_scoped3A = tpu.sem_alloc : memref<!tpu.dma_semaphore, #tpu.memory_space<semaphore_mem>>
      %dma_start3A_19 = arith.constant 0 : i32
      %dma_start3A_20 = tpu.memref_slice %arg5[%mul3A_18, %dma_start3A_19] : memref<10240x128xf32, #tpu.memory_space<hbm>> -> memref<640x128xf32, #tpu.memory_space<hbm>>
      %dma_start3A_21 = arith.constant 0 : i32
      %dma_start3A_22 = tpu.memref_slice %arg10[%mul3A_16, %dma_start3A_21] : memref<10240x128xf32, #tpu.memory_space<vmem_shared>> -> memref<640x128xf32, #tpu.memory_space<vmem_shared>>
      tpu.enqueue_dma source(%dma_start3A_22 : memref<640x128xf32, #tpu.memory_space<vmem_shared>>) target(%dma_start3A_20 : memref<640x128xf32, #tpu.memory_space<hbm>>) target_semaphore(%run_scoped3A : memref<!tpu.dma_semaphore, #tpu.memory_space<semaphore_mem>>)
      %dma_wait3A = arith.constant 0 : i32
      %dma_wait3A_23 = tpu.memref_slice %arg5[%mul3A_18, %dma_wait3A] : memref<10240x128xf32, #tpu.memory_space<hbm>> -> memref<640x128xf32, #tpu.memory_space<hbm>>
      %dma_wait3A_24 = arith.constant 0 : i32
      %dma_wait3A_25 = tpu.memref_slice %arg10[%mul3A_16, %dma_wait3A_24] : memref<10240x128xf32, #tpu.memory_space<vmem_shared>> -> memref<640x128xf32, #tpu.memory_space<vmem_shared>>
      tpu.wait_dma2 semaphore(%run_scoped3A : memref<!tpu.dma_semaphore, #tpu.memory_space<semaphore_mem>>) src(%dma_wait3A_25 : memref<640x128xf32, #tpu.memory_space<vmem_shared>>) dst(%dma_wait3A_23 : memref<640x128xf32, #tpu.memory_space<hbm>>)
      tpu.yield
    }) : () -> ()
    return
  }
}

module attributes {stable_mosaic.version = 14 : i64} {
  func.func @_k1_body(%arg0: i32, %arg1: memref<2000x128xf32, #tpu.memory_space<vmem>>, %arg2: memref<2000x1xi32, #tpu.memory_space<vmem>>, %arg3: memref<64x1xi32, #tpu.memory_space<vmem>>, %arg4: memref<138x128xf32, #tpu.memory_space<vmem>>, %arg5: memref<1x128xf32, #tpu.memory_space<vmem>>, %arg6: memref<128x512xf32, #tpu.memory_space<vmem>>, %arg7: memref<2000x128xf32, #tpu.memory_space<vmem>>, %arg8: memref<2000x256xf32, #tpu.memory_space<vmem>>, %arg9: memref<2000x256xf32, #tpu.memory_space<vmem>>) attributes {dimension_semantics = [#tpu.dimension_semantics<arbitrary>], iteration_bounds = array<i64: 5>, scalar_prefetch = 0 : i64, scratch_operands = 0 : i64, tpu.core_type = #tpu.core_type<tc>, window_params = [{transform_indices = @transform_0, window_bounds = array<i64: 2000, 128>}, {transform_indices = @transform_1, window_bounds = array<i64: 2000, 1>}, {pipeline_mode = #tpu.pipeline_mode<synchronous>, transform_indices = @transform_2, window_bounds = array<i64: 64, 1>}, {pipeline_mode = #tpu.pipeline_mode<synchronous>, transform_indices = @transform_3, window_bounds = array<i64: 138, 128>}, {pipeline_mode = #tpu.pipeline_mode<synchronous>, transform_indices = @transform_4, window_bounds = array<i64: 1, 128>}, {pipeline_mode = #tpu.pipeline_mode<synchronous>, transform_indices = @transform_5, window_bounds = array<i64: 128, 512>}, {transform_indices = @transform_6, window_bounds = array<i64: 2000, 128>}, {transform_indices = @transform_7, window_bounds = array<i64: 2000, 256>}, {transform_indices = @transform_8, window_bounds = array<i64: 2000, 256>}]} {
    %get3A = arith.constant 0 : index
    %get3A_0 = arith.constant 0 : index
    %get3A_1 = vector.load %arg2[%get3A, %get3A_0] : memref<2000x1xi32, #tpu.memory_space<vmem>>, vector<2000x1xi32>
    %iota3A = tpu.iota {dimensions = array<i32: 1>} : vector<1x64xi32>
    %eq3A = vector.broadcast %get3A_1 : vector<2000x1xi32> to vector<2000x64xi32>
    %eq3A_2 = vector.broadcast %iota3A : vector<1x64xi32> to vector<2000x64xi32>
    %eq3A_3 = arith.cmpi eq, %eq3A, %eq3A_2 : vector<2000x64xi32>
    %convert_element_type3A = arith.extui %eq3A_3 : vector<2000x64xi1> to vector<2000x64xi32>
    %convert_element_type3A_4 = arith.sitofp %convert_element_type3A : vector<2000x64xi32> to vector<2000x64xf32>
    %get3A_5 = arith.constant 0 : index
    %get3A_6 = arith.constant 0 : index
    %get3A_7 = vector.load %arg3[%get3A_5, %get3A_6] : memref<64x1xi32, #tpu.memory_space<vmem>>, vector<64x1xi32>
    %iota3A_8 = tpu.iota {dimensions = array<i32: 1>} : vector<1x10xi32>
    %eq3A_9 = vector.broadcast %get3A_7 : vector<64x1xi32> to vector<64x10xi32>
    %eq3A_10 = vector.broadcast %iota3A_8 : vector<1x10xi32> to vector<64x10xi32>
    %eq3A_11 = arith.cmpi eq, %eq3A_9, %eq3A_10 : vector<64x10xi32>
    %convert_element_type3A_12 = arith.extui %eq3A_11 : vector<64x10xi1> to vector<64x10xi32>
    %convert_element_type3A_13 = arith.sitofp %convert_element_type3A_12 : vector<64x10xi32> to vector<64x10xf32>
    %get3A_14 = arith.constant 128 : index
    %get3A_15 = arith.constant 0 : index
    %get3A_16 = vector.load %arg4[%get3A_14, %get3A_15] : memref<138x128xf32, #tpu.memory_space<vmem>>, vector<10x128xf32>
    %dot_general3A = arith.constant dense<0.000000e+00> : vector<64x128xf32>
    %dot_general3A_17 = tpu.matmul %convert_element_type3A_13, %get3A_16, %dot_general3A {dimension_numbers = #tpu.dot_dimension_numbers<[1], [0], [0], [1], [0, 0, 1, 1], [], []>, transpose_lhs_hint = false} : vector<64x10xf32>, vector<10x128xf32>, vector<64x128xf32> -> vector<64x128xf32>
    %get3A_18 = arith.constant 0 : index
    %get3A_19 = arith.constant 0 : index
    %get3A_20 = vector.load %arg1[%get3A_18, %get3A_19] : memref<2000x128xf32, #tpu.memory_space<vmem>>, vector<2000x128xf32>
    %get3A_21 = arith.constant 0 : index
    %get3A_22 = arith.constant 0 : index
    %get3A_23 = vector.load %arg4[%get3A_21, %get3A_22] : memref<138x128xf32, #tpu.memory_space<vmem>>, vector<128x128xf32>
    %dot_general3A_24 = arith.constant dense<0.000000e+00> : vector<2000x128xf32>
    %dot_general3A_25 = tpu.matmul %get3A_20, %get3A_23, %dot_general3A_24 {dimension_numbers = #tpu.dot_dimension_numbers<[1], [0], [0], [1], [0, 0, 1, 1], [], []>, transpose_lhs_hint = false} : vector<2000x128xf32>, vector<128x128xf32>, vector<2000x128xf32> -> vector<2000x128xf32>
    %dot_general3A_26 = arith.constant dense<0.000000e+00> : vector<2000x128xf32>
    %dot_general3A_27 = tpu.matmul %convert_element_type3A_4, %dot_general3A_17, %dot_general3A_26 {dimension_numbers = #tpu.dot_dimension_numbers<[1], [0], [0], [1], [0, 0, 1, 1], [], []>, transpose_lhs_hint = false} : vector<2000x64xf32>, vector<64x128xf32>, vector<2000x128xf32> -> vector<2000x128xf32>
    %add3A = arith.addf %dot_general3A_25, %dot_general3A_27 : vector<2000x128xf32>
    %get3A_28 = arith.constant 0 : index
    %get3A_29 = arith.constant 0 : index
    %get3A_30 = vector.load %arg5[%get3A_28, %get3A_29] : memref<1x128xf32, #tpu.memory_space<vmem>>, vector<1x128xf32>
    %add3A_31 = vector.broadcast %get3A_30 : vector<1x128xf32> to vector<2000x128xf32>
    %add3A_32 = arith.addf %add3A, %add3A_31 : vector<2000x128xf32>
    %ge3A = arith.constant 0.000000e+00 : f32
    %ge3A_33 = vector.broadcast %ge3A : f32 to vector<2000x128xf32>
    %ge3A_34 = arith.cmpf oge, %add3A_32, %ge3A_33 : vector<2000x128xf32>
    %mul3A = arith.constant 0.00999999977 : f32
    %mul3A_35 = vector.broadcast %mul3A : f32 to vector<2000x128xf32>
    %mul3A_36 = arith.mulf %mul3A_35, %add3A_32 : vector<2000x128xf32>
    %select_n3A = arith.select %ge3A_34, %add3A_32, %mul3A_36 : vector<2000x128xi1>, vector<2000x128xf32>
    %swap3A = arith.constant 0 : index
    %swap3A_37 = arith.constant 0 : index
    %swap3A_38 = vector.load %arg7[%swap3A, %swap3A_37] : memref<2000x128xf32, #tpu.memory_space<vmem>>, vector<2000x128xf32>
    tpu.vector_store %arg7[%swap3A, %swap3A_37], %select_n3A {strides = array<i32>} : memref<2000x128xf32, #tpu.memory_space<vmem>>, vector<2000x128xf32>,
    %get3A_39 = arith.constant 0 : index
    %get3A_40 = arith.constant 0 : index
    %get3A_41 = vector.load %arg6[%get3A_39, %get3A_40] : memref<128x512xf32, #tpu.memory_space<vmem>>, vector<128x512xf32>
    %dot_general3A_42 = arith.constant dense<0.000000e+00> : vector<2000x512xf32>
    %dot_general3A_43 = tpu.matmul %select_n3A, %get3A_41, %dot_general3A_42 {dimension_numbers = #tpu.dot_dimension_numbers<[1], [0], [0], [1], [0, 0, 1, 1], [], []>, transpose_lhs_hint = false} : vector<2000x128xf32>, vector<128x512xf32>, vector<2000x512xf32> -> vector<2000x512xf32>
    %slice3A = vector.extract_strided_slice %dot_general3A_43 {offsets = [0, 0], sizes = [2000, 256], strides = [1, 1]} : vector<2000x512xf32> to vector<2000x256xf32>
    %swap3A_44 = arith.constant 0 : index
    %swap3A_45 = arith.constant 0 : index
    %swap3A_46 = vector.load %arg8[%swap3A_44, %swap3A_45] : memref<2000x256xf32, #tpu.memory_space<vmem>>, vector<2000x256xf32>
    tpu.vector_store %arg8[%swap3A_44, %swap3A_45], %slice3A {strides = array<i32>} : memref<2000x256xf32, #tpu.memory_space<vmem>>, vector<2000x256xf32>,
    %slice3A_47 = vector.extract_strided_slice %dot_general3A_43 {offsets = [0, 256], sizes = [2000, 256], strides = [1, 1]} : vector<2000x512xf32> to vector<2000x256xf32>
    %swap3A_48 = arith.constant 0 : index
    %swap3A_49 = arith.constant 0 : index
    %swap3A_50 = vector.load %arg9[%swap3A_48, %swap3A_49] : memref<2000x256xf32, #tpu.memory_space<vmem>>, vector<2000x256xf32>
    tpu.vector_store %arg9[%swap3A_48, %swap3A_49], %slice3A_47 {strides = array<i32>} : memref<2000x256xf32, #tpu.memory_space<vmem>>, vector<2000x256xf32>,
    return
  }
  func.func @transform_0(%arg0: i32) -> (i32, i32) {
    %c0_i32 = arith.constant 0 : i32
    %c0_i32_0 = arith.constant 0 : i32
    return %arg0, %c0_i32 : i32, i32
  }
  func.func @transform_1(%arg0: i32) -> (i32, i32) {
    %c0_i32 = arith.constant 0 : i32
    %c0_i32_0 = arith.constant 0 : i32
    return %arg0, %c0_i32 : i32, i32
  }
  func.func @transform_2(%arg0: i32) -> (i32, i32) {
    %c0_i32 = arith.constant 0 : i32
    %c0_i32_0 = arith.constant 0 : i32
    %c0_i32_1 = arith.constant 0 : i32
    return %c0_i32, %c0_i32_0 : i32, i32
  }
  func.func @transform_3(%arg0: i32) -> (i32, i32) {
    %c0_i32 = arith.constant 0 : i32
    %c0_i32_0 = arith.constant 0 : i32
    %c0_i32_1 = arith.constant 0 : i32
    return %c0_i32, %c0_i32_0 : i32, i32
  }
  func.func @transform_4(%arg0: i32) -> (i32, i32) {
    %c0_i32 = arith.constant 0 : i32
    %c0_i32_0 = arith.constant 0 : i32
    %c0_i32_1 = arith.constant 0 : i32
    return %c0_i32, %c0_i32_0 : i32, i32
  }
  func.func @transform_5(%arg0: i32) -> (i32, i32) {
    %c0_i32 = arith.constant 0 : i32
    %c0_i32_0 = arith.constant 0 : i32
    %c0_i32_1 = arith.constant 0 : i32
    return %c0_i32, %c0_i32_0 : i32, i32
  }
  func.func @transform_6(%arg0: i32) -> (i32, i32) {
    %c0_i32 = arith.constant 0 : i32
    %c0_i32_0 = arith.constant 0 : i32
    return %arg0, %c0_i32 : i32, i32
  }
  func.func @transform_7(%arg0: i32) -> (i32, i32) {
    %c0_i32 = arith.constant 0 : i32
    %c0_i32_0 = arith.constant 0 : i32
    return %arg0, %c0_i32 : i32, i32
  }
  func.func @transform_8(%arg0: i32) -> (i32, i32) {
    %c0_i32 = arith.constant 0 : i32
    %c0_i32_0 = arith.constant 0 : i32
    return %arg0, %c0_i32 : i32, i32
  }
}

module attributes {stable_mosaic.version = 14 : i64} {
  func.func @_k3_body(%arg0: i32, %arg1: memref<2000x256xf32, #tpu.memory_space<vmem>>, %arg2: memref<2000x16xf32, #tpu.memory_space<vmem>>, %arg3: memref<16x256xf32, #tpu.memory_space<vmem>>, %arg4: memref<1x256xf32, #tpu.memory_space<vmem>>, %arg5: memref<2000x128xf32, #tpu.memory_space<vmem>>) attributes {dimension_semantics = [#tpu.dimension_semantics<arbitrary>], iteration_bounds = array<i64: 160>, scalar_prefetch = 0 : i64, scratch_operands = 0 : i64, tpu.core_type = #tpu.core_type<tc>, window_params = [{transform_indices = @transform_0, window_bounds = array<i64: 2000, 256>}, {transform_indices = @transform_1, window_bounds = array<i64: 2000, 16>}, {pipeline_mode = #tpu.pipeline_mode<synchronous>, transform_indices = @transform_2, window_bounds = array<i64: 16, 256>}, {pipeline_mode = #tpu.pipeline_mode<synchronous>, transform_indices = @transform_3, window_bounds = array<i64: 1, 256>}, {transform_indices = @transform_4, window_bounds = array<i64: 2000, 128>}]} {
    %get3A = arith.constant 0 : index
    %get3A_0 = arith.constant 0 : index
    %get3A_1 = vector.load %arg1[%get3A, %get3A_0] : memref<2000x256xf32, #tpu.memory_space<vmem>>, vector<2000x256xf32>
    %get3A_2 = arith.constant 0 : index
    %get3A_3 = arith.constant 0 : index
    %get3A_4 = vector.load %arg2[%get3A_2, %get3A_3] : memref<2000x16xf32, #tpu.memory_space<vmem>>, vector<2000x16xf32>
    %get3A_5 = arith.constant 0 : index
    %get3A_6 = arith.constant 0 : index
    %get3A_7 = vector.load %arg3[%get3A_5, %get3A_6] : memref<16x256xf32, #tpu.memory_space<vmem>>, vector<16x256xf32>
    %dot_general3A = arith.constant dense<0.000000e+00> : vector<2000x256xf32>
    %dot_general3A_8 = tpu.matmul %get3A_4, %get3A_7, %dot_general3A {dimension_numbers = #tpu.dot_dimension_numbers<[1], [0], [0], [1], [0, 0, 1, 1], [], []>, transpose_lhs_hint = false} : vector<2000x16xf32>, vector<16x256xf32>, vector<2000x256xf32> -> vector<2000x256xf32>
    %add3A = arith.addf %get3A_1, %dot_general3A_8 : vector<2000x256xf32>
    %get3A_9 = arith.constant 0 : index
    %get3A_10 = arith.constant 0 : index
    %get3A_11 = vector.load %arg4[%get3A_9, %get3A_10] : memref<1x256xf32, #tpu.memory_space<vmem>>, vector<1x256xf32>
    %add3A_12 = vector.broadcast %get3A_11 : vector<1x256xf32> to vector<2000x256xf32>
    %add3A_13 = arith.addf %add3A, %add3A_12 : vector<2000x256xf32>
    %slice3A = vector.extract_strided_slice %add3A_13 {offsets = [0, 0], sizes = [2000, 128], strides = [1, 1]} : vector<2000x256xf32> to vector<2000x128xf32>
    %slice3A_14 = vector.extract_strided_slice %add3A_13 {offsets = [0, 128], sizes = [2000, 128], strides = [1, 1]} : vector<2000x256xf32> to vector<2000x128xf32>
    %neg3A = arith.constant 0.000000e+00 : f32
    %neg3A_15 = vector.broadcast %neg3A : f32 to vector<2000x128xf32>
    %neg3A_16 = arith.subf %neg3A_15, %slice3A : vector<2000x128xf32>
    %exp3A = math.exp %neg3A_16 : vector<2000x128xf32>
    %add3A_17 = arith.constant 1.000000e+00 : f32
    %add3A_18 = vector.broadcast %add3A_17 : f32 to vector<2000x128xf32>
    %add3A_19 = arith.addf %add3A_18, %exp3A : vector<2000x128xf32>
    %div3A = arith.constant 1.000000e+00 : f32
    %div3A_20 = vector.broadcast %div3A : f32 to vector<2000x128xf32>
    %div3A_21 = arith.divf %div3A_20, %add3A_19 : vector<2000x128xf32>
    %max3A = arith.constant 0.000000e+00 : f32
    %max3A_22 = vector.broadcast %max3A : f32 to vector<2000x128xf32>
    %max3A_23 = arith.maximumf %slice3A_14, %max3A_22 : vector<2000x128xf32>
    %abs3A = math.absf %slice3A_14 : vector<2000x128xf32>
    %neg3A_24 = arith.constant 0.000000e+00 : f32
    %neg3A_25 = vector.broadcast %neg3A_24 : f32 to vector<2000x128xf32>
    %neg3A_26 = arith.subf %neg3A_25, %abs3A : vector<2000x128xf32>
    %exp3A_27 = math.exp %neg3A_26 : vector<2000x128xf32>
    %add3A_28 = arith.constant 1.000000e+00 : f32
    %add3A_29 = vector.broadcast %add3A_28 : f32 to vector<2000x128xf32>
    %add3A_30 = arith.addf %add3A_29, %exp3A_27 : vector<2000x128xf32>
    %log3A = math.log %add3A_30 : vector<2000x128xf32>
    %add3A_31 = arith.addf %max3A_23, %log3A : vector<2000x128xf32>
    %mul3A = arith.mulf %div3A_21, %add3A_31 : vector<2000x128xf32>
    %swap3A = arith.constant 0 : index
    %swap3A_32 = arith.constant 0 : index
    %swap3A_33 = vector.load %arg5[%swap3A, %swap3A_32] : memref<2000x128xf32, #tpu.memory_space<vmem>>, vector<2000x128xf32>
    tpu.vector_store %arg5[%swap3A, %swap3A_32], %mul3A {strides = array<i32>} : memref<2000x128xf32, #tpu.memory_space<vmem>>, vector<2000x128xf32>,
    return
  }
  func.func @transform_0(%arg0: i32) -> (i32, i32) {
    %c0_i32 = arith.constant 0 : i32
    %c0_i32_0 = arith.constant 0 : i32
    return %arg0, %c0_i32 : i32, i32
  }
  func.func @transform_1(%arg0: i32) -> (i32, i32) {
    %c0_i32 = arith.constant 0 : i32
    %c0_i32_0 = arith.constant 0 : i32
    return %arg0, %c0_i32 : i32, i32
  }
  func.func @transform_2(%arg0: i32) -> (i32, i32) {
    %c0_i32 = arith.constant 0 : i32
    %c0_i32_0 = arith.constant 0 : i32
    %c0_i32_1 = arith.constant 0 : i32
    return %c0_i32, %c0_i32_0 : i32, i32
  }
  func.func @transform_3(%arg0: i32) -> (i32, i32) {
    %c0_i32 = arith.constant 0 : i32
    %c0_i32_0 = arith.constant 0 : i32
    %c0_i32_1 = arith.constant 0 : i32
    return %c0_i32, %c0_i32_0 : i32, i32
  }
  func.func @transform_4(%arg0: i32) -> (i32, i32) {
    %c0_i32 = arith.constant 0 : i32
    %c0_i32_0 = arith.constant 0 : i32
    return %arg0, %c0_i32 : i32, i32
  }
}

module attributes {stable_mosaic.version = 14 : i64} {
  func.func @_k4_body(%arg0: i32, %arg1: memref<2000x128xf32, #tpu.memory_space<vmem>>, %arg2: memref<2000x128xf32, #tpu.memory_space<vmem>>, %arg3: memref<128x512xf32, #tpu.memory_space<vmem>>, %arg4: memref<2000x128xf32, #tpu.memory_space<vmem>>, %arg5: memref<2000x256xf32, #tpu.memory_space<vmem>>, %arg6: memref<2000x256xf32, #tpu.memory_space<vmem>>) attributes {dimension_semantics = [#tpu.dimension_semantics<arbitrary>], iteration_bounds = array<i64: 5>, scalar_prefetch = 0 : i64, scratch_operands = 0 : i64, tpu.core_type = #tpu.core_type<tc>, window_params = [{transform_indices = @transform_0, window_bounds = array<i64: 2000, 128>}, {transform_indices = @transform_1, window_bounds = array<i64: 2000, 128>}, {pipeline_mode = #tpu.pipeline_mode<synchronous>, transform_indices = @transform_2, window_bounds = array<i64: 128, 512>}, {transform_indices = @transform_3, window_bounds = array<i64: 2000, 128>}, {transform_indices = @transform_4, window_bounds = array<i64: 2000, 256>}, {transform_indices = @transform_5, window_bounds = array<i64: 2000, 256>}]} {
    %get3A = arith.constant 0 : index
    %get3A_0 = arith.constant 0 : index
    %get3A_1 = vector.load %arg1[%get3A, %get3A_0] : memref<2000x128xf32, #tpu.memory_space<vmem>>, vector<2000x128xf32>
    %get3A_2 = arith.constant 0 : index
    %get3A_3 = arith.constant 0 : index
    %get3A_4 = vector.load %arg2[%get3A_2, %get3A_3] : memref<2000x128xf32, #tpu.memory_space<vmem>>, vector<2000x128xf32>
    %add3A = arith.addf %get3A_1, %get3A_4 : vector<2000x128xf32>
    %ge3A = arith.constant 0.000000e+00 : f32
    %ge3A_5 = vector.broadcast %ge3A : f32 to vector<2000x128xf32>
    %ge3A_6 = arith.cmpf oge, %add3A, %ge3A_5 : vector<2000x128xf32>
    %mul3A = arith.constant 0.00999999977 : f32
    %mul3A_7 = vector.broadcast %mul3A : f32 to vector<2000x128xf32>
    %mul3A_8 = arith.mulf %mul3A_7, %add3A : vector<2000x128xf32>
    %select_n3A = arith.select %ge3A_6, %add3A, %mul3A_8 : vector<2000x128xi1>, vector<2000x128xf32>
    %swap3A = arith.constant 0 : index
    %swap3A_9 = arith.constant 0 : index
    %swap3A_10 = vector.load %arg4[%swap3A, %swap3A_9] : memref<2000x128xf32, #tpu.memory_space<vmem>>, vector<2000x128xf32>
    tpu.vector_store %arg4[%swap3A, %swap3A_9], %select_n3A {strides = array<i32>} : memref<2000x128xf32, #tpu.memory_space<vmem>>, vector<2000x128xf32>,
    %get3A_11 = arith.constant 0 : index
    %get3A_12 = arith.constant 0 : index
    %get3A_13 = vector.load %arg3[%get3A_11, %get3A_12] : memref<128x512xf32, #tpu.memory_space<vmem>>, vector<128x512xf32>
    %dot_general3A = arith.constant dense<0.000000e+00> : vector<2000x512xf32>
    %dot_general3A_14 = tpu.matmul %select_n3A, %get3A_13, %dot_general3A {dimension_numbers = #tpu.dot_dimension_numbers<[1], [0], [0], [1], [0, 0, 1, 1], [], []>, transpose_lhs_hint = false} : vector<2000x128xf32>, vector<128x512xf32>, vector<2000x512xf32> -> vector<2000x512xf32>
    %slice3A = vector.extract_strided_slice %dot_general3A_14 {offsets = [0, 0], sizes = [2000, 256], strides = [1, 1]} : vector<2000x512xf32> to vector<2000x256xf32>
    %swap3A_15 = arith.constant 0 : index
    %swap3A_16 = arith.constant 0 : index
    %swap3A_17 = vector.load %arg5[%swap3A_15, %swap3A_16] : memref<2000x256xf32, #tpu.memory_space<vmem>>, vector<2000x256xf32>
    tpu.vector_store %arg5[%swap3A_15, %swap3A_16], %slice3A {strides = array<i32>} : memref<2000x256xf32, #tpu.memory_space<vmem>>, vector<2000x256xf32>,
    %slice3A_18 = vector.extract_strided_slice %dot_general3A_14 {offsets = [0, 256], sizes = [2000, 256], strides = [1, 1]} : vector<2000x512xf32> to vector<2000x256xf32>
    %swap3A_19 = arith.constant 0 : index
    %swap3A_20 = arith.constant 0 : index
    %swap3A_21 = vector.load %arg6[%swap3A_19, %swap3A_20] : memref<2000x256xf32, #tpu.memory_space<vmem>>, vector<2000x256xf32>
    tpu.vector_store %arg6[%swap3A_19, %swap3A_20], %slice3A_18 {strides = array<i32>} : memref<2000x256xf32, #tpu.memory_space<vmem>>, vector<2000x256xf32>,
    return
  }
  func.func @transform_0(%arg0: i32) -> (i32, i32) {
    %c0_i32 = arith.constant 0 : i32
    %c0_i32_0 = arith.constant 0 : i32
    return %arg0, %c0_i32 : i32, i32
  }
  func.func @transform_1(%arg0: i32) -> (i32, i32) {
    %c0_i32 = arith.constant 0 : i32
    %c0_i32_0 = arith.constant 0 : i32
    return %arg0, %c0_i32 : i32, i32
  }
  func.func @transform_2(%arg0: i32) -> (i32, i32) {
    %c0_i32 = arith.constant 0 : i32
    %c0_i32_0 = arith.constant 0 : i32
    %c0_i32_1 = arith.constant 0 : i32
    return %c0_i32, %c0_i32_0 : i32, i32
  }
  func.func @transform_3(%arg0: i32) -> (i32, i32) {
    %c0_i32 = arith.constant 0 : i32
    %c0_i32_0 = arith.constant 0 : i32
    return %arg0, %c0_i32 : i32, i32
  }
  func.func @transform_4(%arg0: i32) -> (i32, i32) {
    %c0_i32 = arith.constant 0 : i32
    %c0_i32_0 = arith.constant 0 : i32
    return %arg0, %c0_i32 : i32, i32
  }
  func.func @transform_5(%arg0: i32) -> (i32, i32) {
    %c0_i32 = arith.constant 0 : i32
    %c0_i32_0 = arith.constant 0 : i32
    return %arg0, %c0_i32 : i32, i32
  }
}

module attributes {stable_mosaic.version = 14 : i64} {
  func.func @_k6_body(%arg0: memref<10000x128xf32, #tpu.memory_space<vmem>>, %arg1: memref<10000x128xf32, #tpu.memory_space<vmem>>, %arg2: memref<1x10000xi32, #tpu.memory_space<vmem>>, %arg3: memref<64x1xi32, #tpu.memory_space<vmem>>, %arg4: memref<138x32xf32, #tpu.memory_space<vmem>>, %arg5: memref<1x32xf32, #tpu.memory_space<vmem>>, %arg6: memref<32x1xf32, #tpu.memory_space<vmem>>, %arg7: memref<1x1xf32, #tpu.memory_space<vmem>>, %arg8: memref<64x1xf32, #tpu.memory_space<vmem>>) attributes {dimension_semantics = [], scalar_prefetch = 0 : i64, scratch_operands = 0 : i64, tpu.core_type = #tpu.core_type<tc>} {
    %get3A = arith.constant 0 : index
    %get3A_0 = arith.constant 0 : index
    %get3A_1 = vector.load %arg0[%get3A, %get3A_0] : memref<10000x128xf32, #tpu.memory_space<vmem>>, vector<10000x128xf32>
    %get3A_2 = arith.constant 0 : index
    %get3A_3 = arith.constant 0 : index
    %get3A_4 = vector.load %arg1[%get3A_2, %get3A_3] : memref<10000x128xf32, #tpu.memory_space<vmem>>, vector<10000x128xf32>
    %add3A = arith.addf %get3A_1, %get3A_4 : vector<10000x128xf32>
    %get3A_5 = arith.constant 0 : index
    %get3A_6 = arith.constant 0 : index
    %get3A_7 = vector.load %arg2[%get3A_5, %get3A_6] : memref<1x10000xi32, #tpu.memory_space<vmem>>, vector<1x10000xi32>
    %iota3A = tpu.iota {dimensions = array<i32: 0>} : vector<64x1xi32>
    %eq3A = vector.broadcast %iota3A : vector<64x1xi32> to vector<64x10000xi32>
    %eq3A_8 = vector.broadcast %get3A_7 : vector<1x10000xi32> to vector<64x10000xi32>
    %eq3A_9 = arith.cmpi eq, %eq3A, %eq3A_8 : vector<64x10000xi32>
    %convert_element_type3A = arith.extui %eq3A_9 : vector<64x10000xi1> to vector<64x10000xi32>
    %convert_element_type3A_10 = arith.sitofp %convert_element_type3A : vector<64x10000xi32> to vector<64x10000xf32>
    %dot_general3A = arith.constant dense<0.000000e+00> : vector<64x128xf32>
    %dot_general3A_11 = tpu.matmul %convert_element_type3A_10, %add3A, %dot_general3A {dimension_numbers = #tpu.dot_dimension_numbers<[1], [0], [0], [1], [0, 0, 1, 1], [], []>, precision = #tpu.contract_precision<fp32>, transpose_lhs_hint = false} : vector<64x10000xf32>, vector<10000x128xf32>, vector<64x128xf32> -> vector<64x128xf32>
    %reduce_sum3A = arith.constant dense<0.000000e+00> : vector<64xf32>
    %reduce_sum3A_12 = vector.multi_reduction <add>, %convert_element_type3A_10, %reduce_sum3A [1] : vector<64x10000xf32> to vector<64xf32>
    %broadcast_in_dim3A = vector.shape_cast %reduce_sum3A_12 : vector<64xf32> to vector<64x1xf32>
    %max3A = arith.constant 1.000000e+00 : f32
    %max3A_13 = vector.broadcast %max3A : f32 to vector<64x1xf32>
    %max3A_14 = arith.maximumf %broadcast_in_dim3A, %max3A_13 : vector<64x1xf32>
    %div3A = vector.broadcast %max3A_14 : vector<64x1xf32> to vector<64x128xf32>
    %div3A_15 = arith.divf %dot_general3A_11, %div3A : vector<64x128xf32>
    %get3A_16 = arith.constant 0 : index
    %get3A_17 = arith.constant 0 : index
    %get3A_18 = vector.load %arg3[%get3A_16, %get3A_17] : memref<64x1xi32, #tpu.memory_space<vmem>>, vector<64x1xi32>
    %iota3A_19 = tpu.iota {dimensions = array<i32: 1>} : vector<1x10xi32>
    %eq3A_20 = vector.broadcast %get3A_18 : vector<64x1xi32> to vector<64x10xi32>
    %eq3A_21 = vector.broadcast %iota3A_19 : vector<1x10xi32> to vector<64x10xi32>
    %eq3A_22 = arith.cmpi eq, %eq3A_20, %eq3A_21 : vector<64x10xi32>
    %convert_element_type3A_23 = arith.extui %eq3A_22 : vector<64x10xi1> to vector<64x10xi32>
    %convert_element_type3A_24 = arith.sitofp %convert_element_type3A_23 : vector<64x10xi32> to vector<64x10xf32>
    %get3A_25 = arith.constant 0 : index
    %get3A_26 = arith.constant 0 : index
    %get3A_27 = vector.load %arg4[%get3A_25, %get3A_26] : memref<138x32xf32, #tpu.memory_space<vmem>>, vector<128x32xf32>
    %dot_general3A_28 = arith.constant dense<0.000000e+00> : vector<64x32xf32>
    %dot_general3A_29 = tpu.matmul %div3A_15, %get3A_27, %dot_general3A_28 {dimension_numbers = #tpu.dot_dimension_numbers<[1], [0], [0], [1], [0, 0, 1, 1], [], []>, transpose_lhs_hint = false} : vector<64x128xf32>, vector<128x32xf32>, vector<64x32xf32> -> vector<64x32xf32>
    %get3A_30 = arith.constant 128 : index
    %get3A_31 = arith.constant 0 : index
    %get3A_32 = vector.load %arg4[%get3A_30, %get3A_31] : memref<138x32xf32, #tpu.memory_space<vmem>>, vector<10x32xf32>
    %dot_general3A_33 = arith.constant dense<0.000000e+00> : vector<64x32xf32>
    %dot_general3A_34 = tpu.matmul %convert_element_type3A_24, %get3A_32, %dot_general3A_33 {dimension_numbers = #tpu.dot_dimension_numbers<[1], [0], [0], [1], [0, 0, 1, 1], [], []>, transpose_lhs_hint = false} : vector<64x10xf32>, vector<10x32xf32>, vector<64x32xf32> -> vector<64x32xf32>
    %add3A_35 = arith.addf %dot_general3A_29, %dot_general3A_34 : vector<64x32xf32>
    %get3A_36 = arith.constant 0 : index
    %get3A_37 = arith.constant 0 : index
    %get3A_38 = vector.load %arg5[%get3A_36, %get3A_37] : memref<1x32xf32, #tpu.memory_space<vmem>>, vector<1x32xf32>
    %add3A_39 = vector.broadcast %get3A_38 : vector<1x32xf32> to vector<64x32xf32>
    %add3A_40 = arith.addf %add3A_35, %add3A_39 : vector<64x32xf32>
    %ge3A = arith.constant 0.000000e+00 : f32
    %ge3A_41 = vector.broadcast %ge3A : f32 to vector<64x32xf32>
    %ge3A_42 = arith.cmpf oge, %add3A_40, %ge3A_41 : vector<64x32xf32>
    %mul3A = arith.constant 0.00999999977 : f32
    %mul3A_43 = vector.broadcast %mul3A : f32 to vector<64x32xf32>
    %mul3A_44 = arith.mulf %mul3A_43, %add3A_40 : vector<64x32xf32>
    %select_n3A = arith.select %ge3A_42, %add3A_40, %mul3A_44 : vector<64x32xi1>, vector<64x32xf32>
    %get3A_45 = arith.constant 0 : index
    %get3A_46 = arith.constant 0 : index
    %get3A_47 = vector.load %arg6[%get3A_45, %get3A_46] : memref<32x1xf32, #tpu.memory_space<vmem>>, vector<32x1xf32>
    %dot_general3A_48 = arith.constant dense<0.000000e+00> : vector<64x1xf32>
    %dot_general3A_49 = tpu.matmul %select_n3A, %get3A_47, %dot_general3A_48 {dimension_numbers = #tpu.dot_dimension_numbers<[1], [0], [0], [1], [0, 0, 1, 1], [], []>, transpose_lhs_hint = false} : vector<64x32xf32>, vector<32x1xf32>, vector<64x1xf32> -> vector<64x1xf32>
    %get3A_50 = arith.constant 0 : index
    %get3A_51 = arith.constant 0 : index
    %get3A_52 = vector.load %arg7[%get3A_50, %get3A_51] : memref<1x1xf32, #tpu.memory_space<vmem>>, vector<1x1xf32>
    %add3A_53 = vector.broadcast %get3A_52 : vector<1x1xf32> to vector<64x1xf32>
    %add3A_54 = arith.addf %dot_general3A_49, %add3A_53 : vector<64x1xf32>
    %neg3A = arith.constant 0.000000e+00 : f32
    %neg3A_55 = vector.broadcast %neg3A : f32 to vector<64x1xf32>
    %neg3A_56 = arith.subf %neg3A_55, %add3A_54 : vector<64x1xf32>
    %exp3A = math.exp %neg3A_56 : vector<64x1xf32>
    %add3A_57 = arith.constant 1.000000e+00 : f32
    %add3A_58 = vector.broadcast %add3A_57 : f32 to vector<64x1xf32>
    %add3A_59 = arith.addf %add3A_58, %exp3A : vector<64x1xf32>
    %div3A_60 = arith.constant 1.000000e+00 : f32
    %div3A_61 = vector.broadcast %div3A_60 : f32 to vector<64x1xf32>
    %div3A_62 = arith.divf %div3A_61, %add3A_59 : vector<64x1xf32>
    %swap3A = arith.constant 0 : index
    %swap3A_63 = arith.constant 0 : index
    %swap3A_64 = vector.load %arg8[%swap3A, %swap3A_63] : memref<64x1xf32, #tpu.memory_space<vmem>>, vector<64x1xf32>
    tpu.vector_store %arg8[%swap3A, %swap3A_63], %div3A_62 {strides = array<i32>} : memref<64x1xf32, #tpu.memory_space<vmem>>, vector<64x1xf32>,
    return
  }
}

</mosaic_0001>

<sc_bundles>
// kernel: kernel.11.cloned.1.call-start
scs
__scs_entry_jumppad:
0x0: {  	(pc) =	sbr.rel $0x88, $3  }
0x1: {  	(tag) =	ssettag $0x0;
	lr =	simm.s32 $0x1  }
0x2: {  	[smem:$0x3F8E] =	sst lr;
	_ =	strace $0xD0000000  }
0x3: {  	_ = 	snop  }
0x4: {  	_ = 	snop  }
0x5: {  	_ = 	snop  }
0x6: {  	_ = 	snop  }
0x7: {  	_ = 	snop  }
__scs_overlays_trampoline_lowered:
0x8: {  	[smem:$0x3F9D] =	sst s0  }
0x9: {  	[smem:$0x3F9E] =	sst s1  }
0xa: {  	[smem:$0x3F9F] =	sst s2  }
0xb: {  	[smem:$0x3FA0] =	sst s3  }
0xc: {  	[smem:$0x3FA1] =	sst s4  }
0xd: {  	[smem:$0x3FA2] =	sst s5  }
0xe: {  	[smem:$0x3FA3] =	sst s6  }
0xf: {  	[smem:$0x3FA4] =	sst s7  }
0x10: {  	[smem:$0x3FA5] =	sst s8  }
0x11: {  	[smem:$0x3FA6] =	sst s9;
	s0 =	simm.s32 @!p0 $0x0  }
0x12: {  	s1 =	sld [smem:$0x3F8C];
	s0 =	simm.s32 @p0 $0x1  }
0x13: {  	[smem:$0x3FA7] =	sst s0;
	s0 =	simm.s32 @!p1 $0x0  }
0x14: {  	s2 =	sld [smem:$0x3F8B];
	s0 =	simm.s32 @p1 $0x1  }
0x15: {  	[smem:$0x3FA8] =	sst s0;
	s0 =	simm.s32 @!p2 $0x0  }
0x16: {  	s3 =	sld [smem:$0x3FDB];
	s0 =	simm.s32 @p2 $0x1  }
0x17: {  	s4 =	simm.s32 $0x1BF5;
	[smem:$0x3FAA] =	sst s0  }
0x18: {  	s0 =	sld [smem:$0x3F8D];
	_ =	swait.ge [sflag:s4], $0x0  }
0x19: {  	s7 =	sld [smem:$0x3F8E]  }
0x1a: {  	s8 =	sadd.s32 $0xFFFFE003, lr  }
0x1b: {  	s9 =	sadd.s32 $0xFFFFFEF7, lr;
	s5 =	simm.s32 $0xFFFFFFFF;
	p2 =	slt.u32 s8, $0xFFFFF086  }
0x1c: {  	p1 =	slt.u32 s9, $0xF7A;
	s5 =	simm.s32 @!p2 $0x0  }
0x1d: {  	s5 =	simm.s32 @p1 $0x1;
	p0 =	seq.s32 s7, s2  }
0x1e: {  	s7 =	smul.u32 @!p0 $0xF7A, s2;
	p2 =	seq.s32 @!p0 s5, $0x0  }
0x1f: {  	s9 =	smul.u32 $0xF7A, s1;
	s8 =	simm.s32 @!p0 $0x1BF5;
	p2 =	por !p2, p0  }
0x20: {  	[sflag:s8] =	ssyncset.s32 @!p0 $0xFFFFF086;
	s6 =	sadd.s32 @!p0 s3, s7;
	s7 =	simm.s32 @!p0 $0x108  }
0x21: {  	s3 =	sadd.s32 s3, s9;
	s6 =	sadd.s32 @!p0 $0x88, s6;
	s7 =	simm.s32 @p2 $0x1082  }
0x22: {  	[simem:s7], [sflag:s8] =	dma.local @!p0 [hbm:s6], $0xF7A  }
0x23: {  	s9 =	sor.u32 $0xD0000000, s2;
	s6 =	simm.s32 $0x108;
	_ =	swait.ge @!p0 [sflag:s8], $0x0  }
0x24: {  	s3 =	sadd.s32 $0x88, s3;
	s6 =	simm.s32 @!p1 $0x1082;
	[sflag:s4] =	ssyncset.s32 $0xFFFFF086  }
0x25: {  	[simem:s6], [sflag:s4] =	dma.local [hbm:s3], $0xF7A  }
0x26: {  	[smem:$0x3F8E] =	sst s1;
	(tag) =	ssettag s2;
	_ =	strace s9  }
0x27: {  	s1 =	sld [smem:$0x3F9E]  }
0x28: {  	s2 =	sld [smem:$0x3F9F]  }
0x29: {  	s4 =	sld [smem:$0x3FA1]  }
0x2a: {  	p0 =	seq.s32 s5, $0x0;
	s5 =	sld [smem:$0x3FA2]  }
0x2b: {  	s6 =	sld [smem:$0x3FA3]  }
0x2c: {  	s7 =	sld [smem:$0x3FA4]  }
0x2d: {  	s3 =	simm.s32 $0x108;
	s8 =	sld [smem:$0x3FA5]  }
0x2e: {  	s3 =	simm.s32 @!p0 $0x1082;
	s9 =	sld [smem:$0x3FA6]  }
0x2f: {  	lr =	sadd.s32 s0, s3;
	s0 =	sld [smem:$0x3F9D]  }
0x30: {  	s3 =	sld [smem:$0x3FA0]  }
0x31: {  	[smem:$0x3FA9] =	sst s10  }
0x32: {  	s10 =	sld [smem:$0x3FA7];
	_ =	sdelay $0x3  }
0x33: {  	p0 =	seq.s32 s10, $0x1;
	s10 =	sld [smem:$0x3FA9];
	_ =	sdelay $0x3  }
0x34: {  	[smem:$0x3FA9] =	sst s10  }
0x35: {  	s10 =	sld [smem:$0x3FA8];
	_ =	sdelay $0x3  }
0x36: {  	p1 =	seq.s32 s10, $0x1;
	s10 =	sld [smem:$0x3FA9];
	_ =	sdelay $0x3  }
0x37: {  	[smem:$0x3FA9] =	sst s10  }
0x38: {  	s10 =	sld [smem:$0x3FAA]  }
0x39: {  	_ = 	snop;
	(pc) =	sbr.ind lr, $3  }
0x3a: {  	_ = 	snop  }
0x3b: {  	_ = 	snop  }
0x3c: {  	p2 =	seq.s32 s10, $0x1;
	s10 =	sld [smem:$0x3FA9]  }
0x3d: {  	_ =	shalt  }
0x3e: {  	_ =	shalt  }
0x3f: {  	_ =	shalt  }
0x40: {  	_ =	shalt  }
0x41: {  	_ =	shalt  }
0x42: {  	_ =	shalt  }
0x43: {  	_ =	shalt  }
0x44: {  	_ =	shalt  }
0x45: {  	_ =	shalt  }
0x46: {  	_ =	shalt  }
0x47: {  	_ =	shalt  }
0x48: {  	_ =	shalt  }
0x49: {  	_ =	shalt  }
0x4a: {  	_ =	shalt  }
0x4b: {  	_ =	shalt  }
0x4c: {  	_ =	shalt  }
0x4d: {  	_ =	shalt  }
0x4e: {  	_ =	shalt  }
0x4f: {  	_ =	shalt  }
0x50: {  	_ =	shalt  }
0x51: {  	_ =	shalt  }
0x52: {  	_ =	shalt  }
0x53: {  	_ =	shalt  }
0x54: {  	_ =	shalt  }
0x55: {  	_ =	shalt  }
0x56: {  	_ =	shalt  }
0x57: {  	_ =	shalt  }
0x58: {  	_ =	shalt  }
0x59: {  	_ =	shalt  }
0x5a: {  	_ =	shalt  }
0x5b: {  	_ =	shalt  }
0x5c: {  	_ =	shalt  }
0x5d: {  	_ =	shalt  }
0x5e: {  	_ =	shalt  }
0x5f: {  	_ =	shalt  }
0x60: {  	_ =	shalt  }
0x61: {  	_ =	shalt  }
0x62: {  	_ =	shalt  }
0x63: {  	_ =	shalt  }
0x64: {  	_ =	shalt  }
0x65: {  	_ =	shalt  }
0x66: {  	_ =	shalt  }
0x67: {  	_ =	shalt  }
0x68: {  	_ =	shalt  }
0x69: {  	_ =	shalt  }
0x6a: {  	_ =	shalt  }
0x6b: {  	_ =	shalt  }
0x6c: {  	_ =	shalt  }
0x6d: {  	_ =	shalt  }
0x6e: {  	_ =	shalt  }
0x6f: {  	_ =	shalt  }
0x70: {  	_ =	shalt  }
0x71: {  	_ =	shalt  }
0x72: {  	_ =	shalt  }
0x73: {  	_ =	shalt  }
0x74: {  	_ =	shalt  }
0x75: {  	_ =	shalt  }
0x76: {  	_ =	shalt  }
0x77: {  	_ =	shalt  }
0x78: {  	_ =	shalt  }
0x79: {  	_ =	shalt  }
0x7a: {  	_ =	shalt  }
0x7b: {  	_ =	shalt  }
0x7c: {  	_ =	shalt  }
0x7d: {  	_ =	shalt  }
0x7e: {  	_ =	shalt  }
0x7f: {  	_ =	shalt  }
0x80: {  	_ =	shalt  }
0x81: {  	_ =	shalt  }
0x82: {  	_ =	shalt  }
0x83: {  	_ =	shalt  }
0x84: {  	_ =	shalt  }
0x85: {  	_ =	shalt  }
0x86: {  	_ =	shalt  }
0x87: {  	_ =	shalt  }
.Lfunc_end0:
.L_simem_size_0:
called_computation_lowered:
.L_overlay_start_0:
0x88: {  	s2 =	sld [smem:$0x3FD9]  }
0x89: {  	s3 =	sld [smem:$0x3FFE];
	_ =	sdelay $0x1  }
0x8a: {  	s1 =	srdreg.scid  }
0x8b: {  	s0 =	sand.u32 $0x1, s1  }
0x8c: {  	s16 =	sshll.u32 s0, $0xA;
	s2 =	sadd.s32 s3, s2  }
0x8d: {  	s2 =	sadd.s32 s2, s16  }
0x8e: {  	[smem:$0x3FB5] =	sst s2  }
0x8f: {  	_ = 	snop  }
0x90: {  	(tm) =	ssettm $0x1  }
0x91: {  	s17 =	sld [smem:$0x3FFB];
	_ =	sdelay $0x3  }
0x92: {  	_ =	strace s17  }
0x93: {  	s2 =	sld [smem:$0x3FFC];
	_ =	sdelay $0x3  }
0x94: {  	_ =	strace s2  }
0x95: {  	s2 =	sld [smem:$0x3FFD];
	_ =	sdelay $0x3  }
0x96: {  	_ =	strace s2  }
0x97: {  	_ =	strace $0x8FFFFFFF  }
0x98: {  	s18 =	sld [smem:$0x3FDB];
	_ =	sdelay $0x1  }
0x99: {  	s19 =	simm.s32 $_scs_section_size  }
0x9a: {  	s4 =	simm.s32 $_size__tile_overlayer_lowered;
	s5 =	simm.s32 $_tile_overlayer_lowered  }
0x9b: {  	s22 =	simm.s32 $0x1BFF;
	s21 =	sshll.u32 s5, $0x1;
	s2 =	sadd.s32 s19, s18  }
0x9c: {  	s6 =	simm.s32 $0x0;
	s20 =	sshll.u32 s4, $0x1;
	s4 =	sadd.s32 s21, s2  }
0x9d: {  	[timem:s6], [sflag:s22] =	dma.local [hbm:s4], s20  }
0x9e: {  	_ =	swait.ge [sflag:s22], s20  }
0x9f: {  	s3 =	ssub.s32 $0x0, s20;
	[sflag:s22] =	ssyncset.done $0x0  }
0xa0: {  	[sflag:s22] =	ssyncadd.s32 s3;
	_ =	sdelay $0x1  }
0xa1: {  	s23 =	simm.s32 $0x1B8B  }
0xa2: {  	_ =	swait.ge [sflag:s23], $0x1  }
0xa3: {  	[sflag:s23] =	ssyncset.done $0x0  }
0xa4: {  	s25 =	simm.s32 $0x1B8E;
	s24 =	sld [smem:$0x3FFE];
	[sflag:s23] =	ssyncadd.s32 $0xFFFFFFFF  }
0xa5: {  	s26 =	simm.s32 $execute0_lowered;
	[smem:$0x3FD2] =	sst s25  }
0xa6: {  	s4 =	sshll.u32 s26, $0x1;
	_ =	strace $0x80000046;
	[dreg:$0x1] =	wrdreg $0xFFFFFFFF  }
0xa7: {  	s28 =	simm.s32 $_size_execute0_lowered;
	s2 =	sadd.s32 s2, s4;
	[dreg:$0x0] =	wrdreg $0x0  }
0xa8: {  	s4 =	sshll.u32 s28, $0x1;
	[dreg:$0x2] =	wrdreg s2  }
0xa9: {  	[dreg:$0x3] =	wrdreg s4  }
0xaa: {  	[dreg:$0x4] =	wrdreg $0xC0  }
0xab: {  	_ =	task [dreg:s6], $0x5FFFF  }
0xac: {  	[dreg:$0x1] =	wrdreg $0xFFFFFFFF  }
0xad: {  	[dreg:$0x0] =	wrdreg $0x60  }
0xae: {  	[dreg:$0x2] =	wrdreg s24  }
0xaf: {  	[dreg:$0x3] =	wrdreg $0x9  }
0xb0: {  	_ =	task.clear_ibuf [dreg:s6], $0x4FFFF;
	_ =	strace $0x90000046  }
0xb1: {  	s29 =	simm.s32 $0x9;
	_ =	strace $0x80000048  }
0xb2: {  	_ =	swait.ge [sflag:s29], $0x1  }
0xb3: {  	[sflag:s29] =	ssyncadd.s32 $0xFFFFFFFF  }
0xb4: {  	_ =	strace $0x90000048  }
0xb5: {  	_ =	sfence  }
0xb6: {  	s30 =	sld [smem:$0x0];
	_ =	sdelay $0x2  }
0xb7: {  	s31 =	sshll.u32 s1, $0xD;
	s1 =	sshrl.u32 s1, $0x2  }
0xb8: {  	s3 =	sand.u32 $0x4000, s31;
	s1 =	sadd.s32 s1, s30  }
0xb9: {  	s0 =	sor.u32 s3, s0;
	s1 =	sshll.u32 s1, $0x11  }
0xba: {  	s0 =	sor.u32 s1, s0  }
0xbb: {  	s0 =	sadd.s32 $0x8F2B, s0  }
0xbc: {  	[sflag:s0] =	ssyncadd.remote.s32 $0x1  }
0xbd: {  	_ =	sfence.sel $0xFFFF  }
0xbe: {  	[dreg:$0x0] =	wrdreg $0xFFFFFFFF;
	(pc) =	sbr.abs _section_cstart, $3  }
0xbf: {  	[dreg:$0x1] =	wrdreg $0xFFFFFFFF  }
0xc0: {  	_ =	task.clear_ibuf [dreg:s6], $0x2FFFF;
	_ =	strace $0x9FFFFFFF  }
0xc1: {  	(tm) =	ssettm $0x7FFFFFFF  }
tec
execute0_lowered:
.L_overlay_start_1:
0x0: {  	(tag) =	ssettag $0x1  }
0x1: {  	s0 =	srdreg.scid  }
0x2: {  	s1 =	rddreg [dreg:$0x0];
	s4 =	stileid.u32;
	s2 =	simm.s32 $0x0  }
0x3: {  	s10 =	simm.s32 $0x5;
	s12 =	simm.s32 $0x4F00;
	s20 =	simm.s32 $0xB700  }
0x4: {  	s21 =	simm.s32 $0xBF00;
	s22 =	simm.s32 $0x7700;
	s23 =	simm.s32 $0x7F00  }
0x5: {  	s24 =	simm.s32 $0x8700;
	s28 =	simm.s32 $0xC700;
	s29 =	simm.s32 $0xCF00  }
0x6: {  	s30 =	simm.s32 $0xD700;
	s31 =	simm.s32 $0xDF00;
	s0 =	sand.u32 $0x1, s0  }
0x7: {  	s11 =	simm.s32 $0x3;
	s13 =	simm.s32 $0x0;
	s3 =	sshll.u32 s0, $0x4  }
0x8: {  	[smem:$0x7FF] =	sst s2;
	s0 =	ssub.s32 $0x2, s0;
	s3 =	sor.u32 s4, s3  }
0x9: {  	s5 =	sadd.s32 $0x67C00, s1;
	s7 =	sshrl.u32 s0, $0x1;
	s3 =	smul.u32 $0x2710, s3  }
0xa: {  	_ =	strace $0x80000047;
	s4 =	sadd.s32 $0x19A00, s1;
	s0 =	ssub.s32 s0, s7  }
0xb: {  	s7 =	simm.s32 $0x2;
	s0 =	smax.u32 s0, $0x1;
	s6 =	sshrl.u32 s3, $0x3  }
0xc: {  	[dreg:$0x4] =	wrdreg s0;
	s0 =	simm.s32 $0xE700;
	s8 =	sadd.s32 s6, s1  }
0xd: {  	v2 =	vlaneseq.u32;
	s6 =	sadd.s32 $0xDD000, s1;
	s1 =	simm.s32 $0x1;
	s25 =	sadd.s32 $0xFC00, s8  }
0xe: {  	vm0 =	vmmov $0xffff;
	v1 =	vshrl.u32 v2, $0x3;
	s26 =	sadd.s32 $0x5E00, s8;
	s8 =	simm.s32 $0x4;
	[dreg:$0x2] =	wrdreg s25  }
0xf: {  	v0 =	vand.u32 $0x7, v2;
	v2 =	vor.u32 $0x8, v2;
	v1 =	vmul.u32 $0x8, v1;
	[dreg:$0x3] =	wrdreg s26;
	s25 =	simm.s32 $0x8F00;
	s26 =	simm.s32 $0x9700  }
.LBB2_1:
0x10: {  	[dreg:$0x5] =	wrdreg s13  }
0x11: {  	s9 =	rddreg [dreg:$0x2]  }
0x12: {  	[tilespmem:s2], [sflag:$0x5] =	stream.linear.gather [hbm4b:s9+s2], $0x2710, $0x38;
	[tilespmem:$0xEF00] =	vst v63  }
0x13: {  	_ =	swait.ge [sflag:s10], $0x2710  }
0x14: {  	[sflag:s10] =	ssyncset.done $0x0  }
0x15: {  	s19 =	simm.s32 $0x2780;
	s18 =	rddreg [dreg:$0x3];
	[sflag:s10] =	ssyncadd.s32 $0xFFFFD8F0  }
0x16: {  	[tilespmem:s19], [sflag:$0x5] =	stream.linear.gather [hbm4b:s18+s2], $0x2710, $0x38;
	[tilespmem:$0xEF00] =	vst v63  }
0x17: {  	_ =	swait.ge [sflag:s10], $0x2710  }
0x18: {  	[sflag:s10] =	ssyncset.done $0x0  }
0x19: {  	[sflag:s10] =	ssyncadd.s32 $0xFFFFD8F0  }
0x1a: {  	v3 =	vld [tilespmem:$0x0];
	_ =	sdelay $0x4  }
0x1b: {  	v4 =	vshll.u32 v3, $0x1  }
0x1c: {  	v3 =	vand.u32 $0x7, v3;
	v4 =	vand.u32 $0xFFFFFFF0, v4  }
0x1d: {  	v3 =	vor.u32 v3, v4  }
0x1e: {  	v4 =	vperm.xlane v3, v0;
	_ =	sdelay $0x1  }
0x1f: {  	v3 =	vperm.xlane v3, v2;
	v4 =	vadd.s32 v1, v4;
	_ =	sdelay $0x1  }
0x20: {  	v3 =	vadd.s32 v1, v3;
	_ =	sdelay $0x2  }
0x21: {  	[tilespmem:s12], [sflag:$0x1] =	stream.indirect_vreg.gather [hbm4b:s4+s2], $0x80, v4, vm0, $0xb8;
	[tilespmem:$0xEF00] =	vst v63  }
0x22: {  	s13 =	simm.s32 $0x5700  }
0x23: {  	[tilespmem:s13], [sflag:$0x1] =	stream.indirect_vreg.gather [hbm4b:s4+s2], $0x80, v3, vm0, $0xb8;
	[tilespmem:$0xEF00] =	vst v63  }
0x24: {  	v3 =	vld [tilespmem:$0x10];
	_ =	sdelay $0x4  }
0x25: {  	v59 =	vshll.u32 v3, $0x1  }
0x26: {  	v3 =	vand.u32 $0x7, v3;
	v4 =	vand.u32 $0xFFFFFFF0, v59  }
0x27: {  	v3 =	vor.u32 v3, v4  }
0x28: {  	v4 =	vperm.xlane v3, v0;
	_ =	sdelay $0x1  }
0x29: {  	v3 =	vperm.xlane v3, v2;
	v4 =	vadd.s32 v1, v4;
	_ =	sdelay $0x1  }
0x2a: {  	v3 =	vadd.s32 v1, v3;
	_ =	sdelay $0x1  }
0x2b: {  	s14 =	simm.s32 $0x5F00  }
0x2c: {  	[tilespmem:s14], [sflag:$0x1] =	stream.indirect_vreg.gather [hbm4b:s4+s2], $0x80, v4, vm0, $0xb8;
	[tilespmem:$0xEF00] =	vst v63  }
0x2d: {  	s15 =	simm.s32 $0x6700  }
0x2e: {  	[tilespmem:s15], [sflag:$0x1] =	stream.indirect_vreg.gather [hbm4b:s4+s2], $0x80, v3, vm0, $0xb8;
	[tilespmem:$0xEF00] =	vst v63  }
0x2f: {  	v3 =	vld.msk [tilespmem:$0x20], $0xff;
	_ =	sdelay $0x4  }
0x30: {  	v60 =	vshll.u32 v3, $0x1  }
0x31: {  	v3 =	vand.u32 $0x7, v3;
	v4 =	vand.u32 $0xFFFFFFF0, v60  }
0x32: {  	v3 =	vor.u32 v3, v4  }
0x33: {  	v3 =	vperm.xlane v3, v0;
	_ =	sdelay $0x1  }
0x34: {  	v3 =	vadd.s32 v1, v3;
	_ =	sdelay $0x3  }
0x35: {  	s16 =	simm.s32 $0x6F00  }
0x36: {  	[tilespmem:s16], [sflag:$0x1] =	stream.indirect_vreg.gather [hbm4b:s4+s2], $0x80, v3, vm0, $0xb8;
	[tilespmem:$0xEF00] =	vst v63  }
0x37: {  	v3 =	vld [tilespmem:$0x2780];
	_ =	sdelay $0x4  }
0x38: {  	v61 =	vshll.u32 v3, $0x1  }
0x39: {  	v3 =	vand.u32 $0x7, v3;
	v4 =	vand.u32 $0xFFFFFFF0, v61  }
0x3a: {  	v3 =	vor.u32 v3, v4  }
0x3b: {  	v4 =	vperm.xlane v3, v0;
	_ =	sdelay $0x1  }
0x3c: {  	v3 =	vperm.xlane v3, v2;
	v4 =	vadd.s32 v1, v4;
	_ =	sdelay $0x1  }
0x3d: {  	v3 =	vadd.s32 v1, v3;
	_ =	sdelay $0x1  }
0x3e: {  	s17 =	simm.s32 $0x9F00  }
0x3f: {  	[tilespmem:s17], [sflag:$0x3] =	stream.indirect_vreg.gather [hbm4b:s5+s2], $0x80, v4, vm0, $0xb8;
	[tilespmem:$0xEF00] =	vst v63  }
0x40: {  	s18 =	simm.s32 $0xA700  }
0x41: {  	[tilespmem:s18], [sflag:$0x3] =	stream.indirect_vreg.gather [hbm4b:s5+s2], $0x80, v3, vm0, $0xb8;
	[tilespmem:$0xEF00] =	vst v63  }
0x42: {  	v3 =	vld [tilespmem:$0x2790];
	_ =	sdelay $0x4  }
0x43: {  	v62 =	vshll.u32 v3, $0x1  }
0x44: {  	v3 =	vand.u32 $0x7, v3;
	v4 =	vand.u32 $0xFFFFFFF0, v62  }
0x45: {  	v3 =	vor.u32 v3, v4  }
0x46: {  	v4 =	vperm.xlane v3, v0;
	_ =	sdelay $0x1  }
0x47: {  	v3 =	vperm.xlane v3, v2;
	v4 =	vadd.s32 v1, v4;
	_ =	sdelay $0x1  }
0x48: {  	v3 =	vadd.s32 v1, v3;
	_ =	sdelay $0x1  }
0x49: {  	s19 =	simm.s32 $0xAF00  }
0x4a: {  	[tilespmem:s19], [sflag:$0x3] =	stream.indirect_vreg.gather [hbm4b:s5+s2], $0x80, v4, vm0, $0xb8;
	[tilespmem:$0xEF00] =	vst v63  }
0x4b: {  	_ = 	snop  }
0x4c: {  	[tilespmem:s20], [sflag:$0x3] =	stream.indirect_vreg.gather [hbm4b:s5+s2], $0x80, v3, vm0, $0xb8;
	[tilespmem:$0xEF00] =	vst v63  }
0x4d: {  	v3 =	vld.msk [tilespmem:$0x27A0], $0xff;
	_ =	sdelay $0x4  }
0x4e: {  	v63 =	vshll.u32 v3, $0x1  }
0x4f: {  	v3 =	vand.u32 $0x7, v3;
	v4 =	vand.u32 $0xFFFFFFF0, v63  }
0x50: {  	v3 =	vor.u32 v3, v4  }
0x51: {  	v3 =	vperm.xlane v3, v0;
	_ =	sdelay $0x1  }
0x52: {  	v3 =	vadd.s32 v1, v3;
	_ =	sdelay $0x3  }
0x53: {  	s9 =	simm.s32 $0x0  }
0x54: {  	[tilespmem:s21], [sflag:$0x3] =	stream.indirect_vreg.gather [hbm4b:s5+s2], $0x80, v3, vm0, $0xb8;
	[tilespmem:$0xEF00] =	vst v63  }
.LBB2_2:
0x55: {  	s14 =	smul.u32 $0x50, s9;
	_ =	sdelay $0x1  }
0x56: {  	v3 =	vld [tilespmem:s14+$0x28];
	_ =	sdelay $0x4  }
0x57: {  	v4 =	vshll.u32 v3, $0x1  }
0x58: {  	v3 =	vand.u32 $0x7, v3;
	v4 =	vand.u32 $0xFFFFFFF0, v4  }
0x59: {  	v3 =	vor.u32 v3, v4  }
0x5a: {  	v4 =	vperm.xlane v3, v0;
	_ =	sdelay $0x1  }
0x5b: {  	v3 =	vperm.xlane v3, v2;
	v4 =	vadd.s32 v1, v4;
	_ =	sdelay $0x1  }
0x5c: {  	v3 =	vadd.s32 v1, v3;
	_ =	sdelay $0x1  }
0x5d: {  	s13 =	simm.s32 $0x0  }
0x5e: {  	[tilespmem:s22], [sflag:$0x2] =	stream.indirect_vreg.gather [hbm4b:s4+s13], $0x80, v4, vm0, $0xb8;
	[tilespmem:$0xEF00] =	vst v63  }
0x5f: {  	_ = 	snop  }
0x60: {  	[tilespmem:s23], [sflag:$0x2] =	stream.indirect_vreg.gather [hbm4b:s4+s13], $0x80, v3, vm0, $0xb8;
	[tilespmem:$0xEF00] =	vst v63  }
0x61: {  	v3 =	vld [tilespmem:s14+$0x38];
	_ =	sdelay $0x4  }
0x62: {  	v4 =	vshll.u32 v3, $0x1  }
0x63: {  	v3 =	vand.u32 $0x7, v3;
	v4 =	vand.u32 $0xFFFFFFF0, v4  }
0x64: {  	v3 =	vor.u32 v3, v4  }
0x65: {  	v4 =	vperm.xlane v3, v0;
	_ =	sdelay $0x1  }
0x66: {  	v3 =	vperm.xlane v3, v2;
	v4 =	vadd.s32 v1, v4;
	_ =	sdelay $0x1  }
0x67: {  	v3 =	vadd.s32 v1, v3;
	_ =	sdelay $0x2  }
0x68: {  	[tilespmem:s24], [sflag:$0x2] =	stream.indirect_vreg.gather [hbm4b:s4+s13], $0x80, v4, vm0, $0xb8;
	[tilespmem:$0xEF00] =	vst v63  }
0x69: {  	_ = 	snop  }
0x6a: {  	[tilespmem:s25], [sflag:$0x2] =	stream.indirect_vreg.gather [hbm4b:s4+s13], $0x80, v3, vm0, $0xb8;
	[tilespmem:$0xEF00] =	vst v63  }
0x6b: {  	v3 =	vld.msk [tilespmem:s14+$0x48], $0xff;
	_ =	sdelay $0x4  }
0x6c: {  	v4 =	vshll.u32 v3, $0x1  }
0x6d: {  	v3 =	vand.u32 $0x7, v3;
	v4 =	vand.u32 $0xFFFFFFF0, v4  }
0x6e: {  	v3 =	vor.u32 v3, v4  }
0x6f: {  	v3 =	vperm.xlane v3, v0;
	_ =	sdelay $0x1  }
0x70: {  	v3 =	vadd.s32 v1, v3;
	_ =	sdelay $0x4  }
0x71: {  	[tilespmem:s26], [sflag:$0x2] =	stream.indirect_vreg.gather [hbm4b:s4+s13], $0x80, v3, vm0, $0xb8;
	[tilespmem:$0xEF00] =	vst v63  }
0x72: {  	v3 =	vld [tilespmem:s14+$0x27A8];
	_ =	sdelay $0x4  }
0x73: {  	v4 =	vshll.u32 v3, $0x1  }
0x74: {  	v3 =	vand.u32 $0x7, v3;
	v4 =	vand.u32 $0xFFFFFFF0, v4  }
0x75: {  	v3 =	vor.u32 v3, v4  }
0x76: {  	v4 =	vperm.xlane v3, v0;
	_ =	sdelay $0x1  }
0x77: {  	v3 =	vperm.xlane v3, v2;
	v4 =	vadd.s32 v1, v4;
	_ =	sdelay $0x1  }
0x78: {  	v3 =	vadd.s32 v1, v3;
	_ =	sdelay $0x2  }
0x79: {  	[tilespmem:s28], [sflag:$0x4] =	stream.indirect_vreg.gather [hbm4b:s5+s13], $0x80, v4, vm0, $0xb8;
	[tilespmem:$0xEF00] =	vst v63  }
0x7a: {  	_ = 	snop  }
0x7b: {  	[tilespmem:s29], [sflag:$0x4] =	stream.indirect_vreg.gather [hbm4b:s5+s13], $0x80, v3, vm0, $0xb8;
	[tilespmem:$0xEF00] =	vst v63  }
0x7c: {  	v3 =	vld [tilespmem:s14+$0x27B8];
	_ =	sdelay $0x4  }
0x7d: {  	v4 =	vshll.u32 v3, $0x1  }
0x7e: {  	v3 =	vand.u32 $0x7, v3;
	v4 =	vand.u32 $0xFFFFFFF0, v4  }
0x7f: {  	v3 =	vor.u32 v3, v4  }
0x80: {  	v4 =	vperm.xlane v3, v0;
	_ =	sdelay $0x1  }
0x81: {  	v3 =	vperm.xlane v3, v2;
	v4 =	vadd.s32 v1, v4;
	_ =	sdelay $0x1  }
0x82: {  	v3 =	vadd.s32 v1, v3;
	_ =	sdelay $0x2  }
0x83: {  	[tilespmem:s30], [sflag:$0x4] =	stream.indirect_vreg.gather [hbm4b:s5+s13], $0x80, v4, vm0, $0xb8;
	[tilespmem:$0xEF00] =	vst v63  }
0x84: {  	_ = 	snop  }
0x85: {  	[tilespmem:s31], [sflag:$0x4] =	stream.indirect_vreg.gather [hbm4b:s5+s13], $0x80, v3, vm0, $0xb8;
	[tilespmem:$0xEF00] =	vst v63  }
0x86: {  	v3 =	vld.msk [tilespmem:s14+$0x27C8], $0xff;
	_ =	sdelay $0x4  }
0x87: {  	v4 =	vshll.u32 v3, $0x1  }
0x88: {  	v3 =	vand.u32 $0x7, v3;
	v4 =	vand.u32 $0xFFFFFFF0, v4  }
0x89: {  	v3 =	vor.u32 v3, v4  }
0x8a: {  	v3 =	vperm.xlane v3, v0;
	_ =	sdelay $0x1  }
0x8b: {  	v3 =	vadd.s32 v1, v3;
	_ =	sdelay $0x4  }
0x8c: {  	[tilespmem:s0], [sflag:$0x4] =	stream.indirect_vreg.gather [hbm4b:s5+s13], $0x80, v3, vm0, $0xb8;
	[tilespmem:$0xEF00] =	vst v63  }
0x8d: {  	_ =	swait.ge [sflag:s1], $0x2800  }
0x8e: {  	[sflag:s1] =	ssyncset.done $0x0  }
0x8f: {  	[sflag:s1] =	ssyncadd.s32 $0xFFFFD800  }
0x90: {  	_ =	swait.ge [sflag:s11], $0x2800  }
0x91: {  	s15 =	sand.u32 $0x3800, s13;
	s13 =	sand.u32 $0x380, s13;
	[sflag:s11] =	ssyncset.done $0x0  }
0x92: {  	s15 =	sor.u32 s13, s15;
	[sflag:s11] =	ssyncadd.s32 $0xFFFFD800  }
0x93: {  	v10 =	vld [tilespmem:s15+$0x9F00]  }
0x94: {  	v11 =	vld [tilespmem:s15+$0x9F10]  }
0x95: {  	v12 =	vld [tilespmem:s15+$0x9F20]  }
0x96: {  	v13 =	vld [tilespmem:s15+$0x9F30]  }
0x97: {  	v14 =	vld [tilespmem:s15+$0x9F40]  }
0x98: {  	v15 =	vld [tilespmem:s15+$0x9F50]  }
0x99: {  	v16 =	vld [tilespmem:s15+$0x9F60]  }
0x9a: {  	v17 =	vld [tilespmem:s15+$0x9F70]  }
0x9b: {  	v18 =	vld [tilespmem:s15+$0xA300]  }
0x9c: {  	v9 =	vld [tilespmem:s15+$0xA310]  }
0x9d: {  	v8 =	vld [tilespmem:s15+$0xA320]  }
0x9e: {  	v7 =	vld [tilespmem:s15+$0xA330]  }
0x9f: {  	v6 =	vld [tilespmem:s15+$0xA340]  }
0xa0: {  	v5 =	vld [tilespmem:s15+$0xA350]  }
0xa1: {  	v4 =	vld [tilespmem:s15+$0xA360]  }
0xa2: {  	v3 =	vld [tilespmem:s15+$0xA370]  }
0xa3: {  	v19 =	vld [tilespmem:s15+$0x4F00]  }
0xa4: {  	v20 =	vld [tilespmem:s15+$0x4F10]  }
0xa5: {  	v21 =	vld [tilespmem:s15+$0x4F20]  }
0xa6: {  	v22 =	vld [tilespmem:s15+$0x4F30]  }
0xa7: {  	v23 =	vld [tilespmem:s15+$0x4F40]  }
0xa8: {  	v10 =	vadd.f32 v10, v19;
	v19 =	vld [tilespmem:s15+$0x4F50]  }
0xa9: {  	v61 =	vld [tilespmem:s15+$0x4F60];
	v11 =	vadd.f32 v11, v20  }
0xaa: {  	v62 =	vld [tilespmem:s15+$0x4F70];
	[tilespmem:s15+$0x4F00] =	vst v10;
	v10 =	vadd.f32 v12, v21  }
0xab: {  	v63 =	vld [tilespmem:s15+$0x5300];
	[tilespmem:s15+$0x4F10] =	vst v11;
	v11 =	vadd.f32 v13, v22  }
0xac: {  	v13 =	vld [tilespmem:s15+$0x5310];
	[tilespmem:s15+$0x4F20] =	vst v10;
	v10 =	vadd.f32 v14, v23  }
0xad: {  	v12 =	vld [tilespmem:s15+$0x5320];
	[tilespmem:s15+$0x4F30] =	vst v11;
	v11 =	vadd.f32 v15, v19  }
0xae: {  	v14 =	vadd.f32 v16, v61;
	[tilespmem:s15+$0x4F40] =	vst v10;
	v10 =	vld [tilespmem:s15+$0x5330]  }
0xaf: {  	v16 =	vadd.f32 v17, v62;
	[tilespmem:s15+$0x4F50] =	vst v11;
	v11 =	vld [tilespmem:s15+$0x5340]  }
0xb0: {  	s16 =	simm.s32 $0x80;
	s17 =	simm.s32 $0x100;
	s13 =	sadd.s32 $0x28, s14;
	v15 =	vadd.f32 v18, v63;
	[tilespmem:s15+$0x4F60] =	vst v14;
	v14 =	vld [tilespmem:s15+$0x5350]  }
.LBB2_3:
0xb1: {  	s18 =	sand.u32 $0x3800, s17;
	s19 =	sand.u32 $0x380, s16;
	p0 =	sne.s32 s17, $0x2700;
	[tilespmem:s15+$0x4F70] =	vst v16;
	v9 =	vadd.f32 v9, v13;
	v13 =	vld [tilespmem:s15+$0x5360]  }
0xb2: {  	s18 =	sor.u32 s19, s18;
	[tilespmem:s15+$0x5300] =	vst v15;
	v8 =	vadd.f32 v8, v12;
	v12 =	vld [tilespmem:s15+$0x5370]  }
0xb3: {  	v15 =	vld [tilespmem:s18+$0x9F00];
	[tilespmem:s15+$0x5310] =	vst v9;
	v7 =	vadd.f32 v7, v10  }
0xb4: {  	v10 =	vld [tilespmem:s18+$0x9F10];
	[tilespmem:s15+$0x5320] =	vst v8;
	v6 =	vadd.f32 v6, v11  }
0xb5: {  	v11 =	vld [tilespmem:s18+$0x9F20];
	[tilespmem:s15+$0x5330] =	vst v7;
	v5 =	vadd.f32 v5, v14  }
0xb6: {  	v14 =	vld [tilespmem:s18+$0x9F30];
	[tilespmem:s15+$0x5340] =	vst v6;
	v4 =	vadd.f32 v4, v13  }
0xb7: {  	v13 =	vld [tilespmem:s18+$0x9F40];
	[tilespmem:s15+$0x5350] =	vst v5;
	v3 =	vadd.f32 v3, v12  }
0xb8: {  	v12 =	vld [tilespmem:s18+$0x9F50];
	[tilespmem:s15+$0x5360] =	vst v4  }
0xb9: {  	v16 =	vld [tilespmem:s18+$0x9F60];
	[tilespmem:s15+$0x5370] =	vst v3;
	s15 =	smov.u32 s18  }
0xba: {  	v17 =	vld [tilespmem:s15+$0x9F70]  }
0xbb: {  	v18 =	vld [tilespmem:s15+$0xA300]  }
0xbc: {  	v9 =	vld [tilespmem:s15+$0xA310]  }
0xbd: {  	v8 =	vld [tilespmem:s15+$0xA320]  }
0xbe: {  	v7 =	vld [tilespmem:s15+$0xA330]  }
0xbf: {  	v6 =	vld [tilespmem:s15+$0xA340]  }
0xc0: {  	v5 =	vld [tilespmem:s15+$0xA350]  }
0xc1: {  	v4 =	vld [tilespmem:s15+$0xA360]  }
0xc2: {  	v3 =	vld [tilespmem:s15+$0xA370]  }
0xc3: {  	v19 =	vld [tilespmem:s15+$0x4F00]  }
0xc4: {  	v20 =	vld [tilespmem:s15+$0x4F10]  }
0xc5: {  	v21 =	vld [tilespmem:s15+$0x4F20]  }
0xc6: {  	v22 =	vld [tilespmem:s15+$0x4F30]  }
0xc7: {  	v23 =	vld [tilespmem:s15+$0x4F40]  }
0xc8: {  	v15 =	vadd.f32 v15, v19;
	v19 =	vld [tilespmem:s15+$0x4F50]  }
0xc9: {  	v10 =	vadd.f32 v10, v20;
	v20 =	vld [tilespmem:s15+$0x4F60]  }
0xca: {  	[tilespmem:s15+$0x4F00] =	vst v15;
	v11 =	vadd.f32 v11, v21;
	v15 =	vld [tilespmem:s15+$0x4F70]  }
0xcb: {  	[tilespmem:s15+$0x4F10] =	vst v10;
	v10 =	vadd.f32 v14, v22;
	v14 =	vld [tilespmem:s15+$0x5300]  }
.Ltmp0:
0xcc: {  	[tilespmem:s15+$0x4F20] =	vst v11;
	v11 =	vadd.f32 v13, v23;
	v13 =	vld [tilespmem:s15+$0x5310];
	(pc) =	sbr.rel @p0 .LBB2_3-.Ltmp0, $4  }
0xcd: {  	[tilespmem:s15+$0x4F30] =	vst v10;
	v19 =	vadd.f32 v12, v19;
	v12 =	vld [tilespmem:s15+$0x5320]  }
0xce: {  	[tilespmem:s15+$0x4F40] =	vst v11;
	v20 =	vadd.f32 v16, v20;
	v10 =	vld [tilespmem:s15+$0x5330]  }
0xcf: {  	[tilespmem:s15+$0x4F50] =	vst v19;
	v16 =	vadd.f32 v17, v15;
	v11 =	vld [tilespmem:s15+$0x5340]  }
0xd0: {  	s16 =	sadd.s32 $0x80, s16;
	s17 =	sadd.s32 $0x100, s17;
	[tilespmem:s15+$0x4F60] =	vst v20;
	v15 =	vadd.f32 v18, v14;
	v14 =	vld [tilespmem:s15+$0x5350]  }
0xd1: {  	[tilespmem:s15+$0x4F70] =	vst v16;
	v9 =	vadd.f32 v9, v13;
	v62 =	vld [tilespmem:s15+$0x5360]  }
0xd2: {  	v63 =	vld [tilespmem:s15+$0x5370];
	[tilespmem:s15+$0x5300] =	vst v15;
	v8 =	vadd.f32 v8, v12  }
0xd3: {  	[tilespmem:s15+$0x5310] =	vst v9;
	v7 =	vadd.f32 v7, v10  }
0xd4: {  	[tilespmem:s15+$0x5320] =	vst v8;
	v6 =	vadd.f32 v6, v11  }
0xd5: {  	[tilespmem:s15+$0x5330] =	vst v7;
	v5 =	vadd.f32 v5, v14  }
0xd6: {  	[tilespmem:s15+$0x5340] =	vst v6;
	v4 =	vadd.f32 v4, v62  }
0xd7: {  	s16 =	sadd.s32 s3, s14;
	v3 =	vadd.f32 v3, v63;
	[tilespmem:s15+$0x5350] =	vst v5  }
0xd8: {  	p0 =	seq.s32 s9, $0x7C;
	s16 =	sshll.u32 s16, $0x5;
	[tilespmem:s15+$0x5360] =	vst v4  }
.Ltmp1:
0xd9: {  	s19 =	sadd.s32 s6, s16;
	[tilespmem:s15+$0x5370] =	vst v3;
	(pc) =	sbr.rel @p0 .LBB2_6-.Ltmp1, $4  }
0xda: {  	[hbm4b:s19+s2] =	stream.linear.scatter [tilespmem:s12], [sflag:$0x5], $0x2800, $0x38;
	[tilespmem:$0xEF00] =	vst v63  }
0xdb: {  	_ =	swait.ge [sflag:s10], $0x2800  }
0xdc: {  	[sflag:s10] =	ssyncset.done $0x0  }
0xdd: {  	[sflag:s10] =	ssyncadd.s32 $0xFFFFD800  }
0xde: {  	v3 =	vld [tilespmem:s14+$0x50];
	_ =	sdelay $0x4  }
0xdf: {  	v4 =	vshll.u32 v3, $0x1  }
0xe0: {  	v3 =	vand.u32 $0x7, v3;
	v4 =	vand.u32 $0xFFFFFFF0, v4  }
0xe1: {  	v3 =	vor.u32 v3, v4  }
0xe2: {  	v4 =	vperm.xlane v3, v0;
	_ =	sdelay $0x1  }
0xe3: {  	v3 =	vperm.xlane v3, v2;
	v4 =	vadd.s32 v1, v4;
	_ =	sdelay $0x1  }
0xe4: {  	v3 =	vadd.s32 v1, v3;
	_ =	sdelay $0x2  }
0xe5: {  	[tilespmem:s12], [sflag:$0x1] =	stream.indirect_vreg.gather [hbm4b:s4+s2], $0x80, v4, vm0, $0xb8;
	[tilespmem:$0xEF00] =	vst v63  }
0xe6: {  	s15 =	simm.s32 $0x5700  }
0xe7: {  	[tilespmem:s15], [sflag:$0x1] =	stream.indirect_vreg.gather [hbm4b:s4+s2], $0x80, v3, vm0, $0xb8;
	[tilespmem:$0xEF00] =	vst v63  }
0xe8: {  	v3 =	vld [tilespmem:s14+$0x60];
	_ =	sdelay $0x4  }
0xe9: {  	v59 =	vshll.u32 v3, $0x1  }
0xea: {  	v3 =	vand.u32 $0x7, v3;
	v4 =	vand.u32 $0xFFFFFFF0, v59  }
0xeb: {  	v3 =	vor.u32 v3, v4  }
0xec: {  	v4 =	vperm.xlane v3, v0;
	_ =	sdelay $0x1  }
0xed: {  	v3 =	vperm.xlane v3, v2;
	v4 =	vadd.s32 v1, v4;
	_ =	sdelay $0x1  }
0xee: {  	v3 =	vadd.s32 v1, v3;
	_ =	sdelay $0x1  }
0xef: {  	s18 =	simm.s32 $0x5F00  }
0xf0: {  	[tilespmem:s18], [sflag:$0x1] =	stream.indirect_vreg.gather [hbm4b:s4+s2], $0x80, v4, vm0, $0xb8;
	[tilespmem:$0xEF00] =	vst v63  }
0xf1: {  	s19 =	simm.s32 $0x6700  }
0xf2: {  	[tilespmem:s19], [sflag:$0x1] =	stream.indirect_vreg.gather [hbm4b:s4+s2], $0x80, v3, vm0, $0xb8;
	[tilespmem:$0xEF00] =	vst v63  }
0xf3: {  	v3 =	vld.msk [tilespmem:s14+$0x70], $0xff;
	_ =	sdelay $0x4  }
0xf4: {  	v60 =	vshll.u32 v3, $0x1  }
0xf5: {  	v3 =	vand.u32 $0x7, v3;
	v4 =	vand.u32 $0xFFFFFFF0, v60  }
0xf6: {  	v3 =	vor.u32 v3, v4  }
0xf7: {  	v3 =	vperm.xlane v3, v0;
	_ =	sdelay $0x1  }
0xf8: {  	v3 =	vadd.s32 v1, v3;
	_ =	sdelay $0x3  }
0xf9: {  	s16 =	simm.s32 $0x6F00  }
0xfa: {  	[tilespmem:s16], [sflag:$0x1] =	stream.indirect_vreg.gather [hbm4b:s4+s2], $0x80, v3, vm0, $0xb8;
	[tilespmem:$0xEF00] =	vst v63  }
0xfb: {  	v3 =	vld [tilespmem:s14+$0x27D0];
	_ =	sdelay $0x4  }
0xfc: {  	v61 =	vshll.u32 v3, $0x1  }
0xfd: {  	v3 =	vand.u32 $0x7, v3;
	v4 =	vand.u32 $0xFFFFFFF0, v61  }
0xfe: {  	v3 =	vor.u32 v3, v4  }
0xff: {  	v4 =	vperm.xlane v3, v0;
	_ =	sdelay $0x1  }
0x100: {  	v3 =	vperm.xlane v3, v2;
	v4 =	vadd.s32 v1, v4;
	_ =	sdelay $0x1  }
0x101: {  	v3 =	vadd.s32 v1, v3;
	_ =	sdelay $0x1  }
0x102: {  	s17 =	simm.s32 $0x9F00  }
0x103: {  	[tilespmem:s17], [sflag:$0x3] =	stream.indirect_vreg.gather [hbm4b:s5+s2], $0x80, v4, vm0, $0xb8;
	[tilespmem:$0xEF00] =	vst v63  }
0x104: {  	s18 =	simm.s32 $0xA700  }
0x105: {  	[tilespmem:s18], [sflag:$0x3] =	stream.indirect_vreg.gather [hbm4b:s5+s2], $0x80, v3, vm0, $0xb8;
	[tilespmem:$0xEF00] =	vst v63  }
0x106: {  	v3 =	vld [tilespmem:s14+$0x27E0];
	_ =	sdelay $0x4  }
0x107: {  	v62 =	vshll.u32 v3, $0x1  }
0x108: {  	v3 =	vand.u32 $0x7, v3;
	v4 =	vand.u32 $0xFFFFFFF0, v62  }
0x109: {  	v3 =	vor.u32 v3, v4  }
0x10a: {  	v4 =	vperm.xlane v3, v0;
	_ =	sdelay $0x1  }
0x10b: {  	v3 =	vperm.xlane v3, v2;
	v4 =	vadd.s32 v1, v4;
	_ =	sdelay $0x1  }
0x10c: {  	v3 =	vadd.s32 v1, v3;
	_ =	sdelay $0x1  }
0x10d: {  	s19 =	simm.s32 $0xAF00  }
0x10e: {  	[tilespmem:s19], [sflag:$0x3] =	stream.indirect_vreg.gather [hbm4b:s5+s2], $0x80, v4, vm0, $0xb8;
	[tilespmem:$0xEF00] =	vst v63  }
0x10f: {  	_ = 	snop  }
0x110: {  	[tilespmem:s20], [sflag:$0x3] =	stream.indirect_vreg.gather [hbm4b:s5+s2], $0x80, v3, vm0, $0xb8;
	[tilespmem:$0xEF00] =	vst v63  }
0x111: {  	v3 =	vld.msk [tilespmem:s14+$0x27F0], $0xff;
	_ =	sdelay $0x4  }
0x112: {  	v63 =	vshll.u32 v3, $0x1  }
0x113: {  	v3 =	vand.u32 $0x7, v3;
	v4 =	vand.u32 $0xFFFFFFF0, v63  }
0x114: {  	v3 =	vor.u32 v3, v4  }
0x115: {  	v3 =	vperm.xlane v3, v0;
	_ =	sdelay $0x1  }
0x116: {  	v3 =	vadd.s32 v1, v3;
	_ =	sdelay $0x4  }
0x117: {  	[tilespmem:s21], [sflag:$0x3] =	stream.indirect_vreg.gather [hbm4b:s5+s2], $0x80, v3, vm0, $0xb8;
	[tilespmem:$0xEF00] =	vst v63  }
.LBB2_6:
0x118: {  	_ =	swait.ge [sflag:s7], $0x2800  }
0x119: {  	[sflag:s7] =	ssyncset.done $0x0  }
0x11a: {  	[sflag:s7] =	ssyncadd.s32 $0xFFFFD800  }
0x11b: {  	s14 =	simm.s32 $0x0;
	_ =	swait.ge [sflag:s8], $0x2800  }
0x11c: {  	s15 =	sand.u32 $0x3800, s14;
	s14 =	sand.u32 $0x380, s14;
	[sflag:s8] =	ssyncset.done $0x0  }
0x11d: {  	s14 =	sor.u32 s14, s15;
	[sflag:s8] =	ssyncadd.s32 $0xFFFFD800  }
0x11e: {  	v10 =	vld [tilespmem:s14+$0xC700]  }
0x11f: {  	v11 =	vld [tilespmem:s14+$0xC710]  }
0x120: {  	v12 =	vld [tilespmem:s14+$0xC720]  }
0x121: {  	v13 =	vld [tilespmem:s14+$0xC730]  }
0x122: {  	v14 =	vld [tilespmem:s14+$0xC740]  }
0x123: {  	v15 =	vld [tilespmem:s14+$0xC750]  }
0x124: {  	v16 =	vld [tilespmem:s14+$0xC760]  }
0x125: {  	v17 =	vld [tilespmem:s14+$0xC770]  }
0x126: {  	v18 =	vld [tilespmem:s14+$0xCB00]  }
0x127: {  	v9 =	vld [tilespmem:s14+$0xCB10]  }
0x128: {  	v8 =	vld [tilespmem:s14+$0xCB20]  }
0x129: {  	v7 =	vld [tilespmem:s14+$0xCB30]  }
0x12a: {  	v6 =	vld [tilespmem:s14+$0xCB40]  }
0x12b: {  	v5 =	vld [tilespmem:s14+$0xCB50]  }
0x12c: {  	v4 =	vld [tilespmem:s14+$0xCB60]  }
0x12d: {  	v3 =	vld [tilespmem:s14+$0xCB70]  }
0x12e: {  	v19 =	vld [tilespmem:s14+$0x7700]  }
0x12f: {  	v20 =	vld [tilespmem:s14+$0x7710]  }
0x130: {  	v21 =	vld [tilespmem:s14+$0x7720]  }
0x131: {  	v22 =	vld [tilespmem:s14+$0x7730]  }
0x132: {  	v23 =	vld [tilespmem:s14+$0x7740]  }
0x133: {  	v10 =	vadd.f32 v10, v19;
	v19 =	vld [tilespmem:s14+$0x7750]  }
0x134: {  	v61 =	vld [tilespmem:s14+$0x7760];
	v11 =	vadd.f32 v11, v20  }
0x135: {  	v62 =	vld [tilespmem:s14+$0x7770];
	[tilespmem:s14+$0x7700] =	vst v10;
	v10 =	vadd.f32 v12, v21  }
0x136: {  	v63 =	vld [tilespmem:s14+$0x7B00];
	[tilespmem:s14+$0x7710] =	vst v11;
	v11 =	vadd.f32 v13, v22  }
0x137: {  	v13 =	vld [tilespmem:s14+$0x7B10];
	[tilespmem:s14+$0x7720] =	vst v10;
	v10 =	vadd.f32 v14, v23  }
0x138: {  	v12 =	vld [tilespmem:s14+$0x7B20];
	[tilespmem:s14+$0x7730] =	vst v11;
	v11 =	vadd.f32 v15, v19  }
0x139: {  	v14 =	vadd.f32 v16, v61;
	[tilespmem:s14+$0x7740] =	vst v10;
	v10 =	vld [tilespmem:s14+$0x7B30]  }
0x13a: {  	v16 =	vadd.f32 v17, v62;
	[tilespmem:s14+$0x7750] =	vst v11;
	v11 =	vld [tilespmem:s14+$0x7B40]  }
0x13b: {  	s16 =	simm.s32 $0x100;
	s15 =	simm.s32 $0x80;
	v15 =	vadd.f32 v18, v63;
	[tilespmem:s14+$0x7760] =	vst v14;
	v14 =	vld [tilespmem:s14+$0x7B50]  }
.LBB2_7:
0x13c: {  	s17 =	sand.u32 $0x3800, s16;
	s18 =	sand.u32 $0x380, s15;
	p0 =	sne.s32 s16, $0x2700;
	[tilespmem:s14+$0x7770] =	vst v16;
	v9 =	vadd.f32 v9, v13;
	v13 =	vld [tilespmem:s14+$0x7B60]  }
0x13d: {  	s17 =	sor.u32 s18, s17;
	[tilespmem:s14+$0x7B00] =	vst v15;
	v8 =	vadd.f32 v8, v12;
	v12 =	vld [tilespmem:s14+$0x7B70]  }
0x13e: {  	v15 =	vld [tilespmem:s17+$0xC700];
	[tilespmem:s14+$0x7B10] =	vst v9;
	v7 =	vadd.f32 v7, v10  }
0x13f: {  	v10 =	vld [tilespmem:s17+$0xC710];
	[tilespmem:s14+$0x7B20] =	vst v8;
	v6 =	vadd.f32 v6, v11  }
0x140: {  	v11 =	vld [tilespmem:s17+$0xC720];
	[tilespmem:s14+$0x7B30] =	vst v7;
	v5 =	vadd.f32 v5, v14  }
0x141: {  	v14 =	vld [tilespmem:s17+$0xC730];
	[tilespmem:s14+$0x7B40] =	vst v6;
	v4 =	vadd.f32 v4, v13  }
0x142: {  	v13 =	vld [tilespmem:s17+$0xC740];
	[tilespmem:s14+$0x7B50] =	vst v5;
	v3 =	vadd.f32 v3, v12  }
0x143: {  	v12 =	vld [tilespmem:s17+$0xC750];
	[tilespmem:s14+$0x7B60] =	vst v4  }
0x144: {  	v16 =	vld [tilespmem:s17+$0xC760];
	[tilespmem:s14+$0x7B70] =	vst v3;
	s14 =	smov.u32 s17  }
0x145: {  	v17 =	vld [tilespmem:s14+$0xC770]  }
0x146: {  	v18 =	vld [tilespmem:s14+$0xCB00]  }
0x147: {  	v9 =	vld [tilespmem:s14+$0xCB10]  }
0x148: {  	v8 =	vld [tilespmem:s14+$0xCB20]  }
0x149: {  	v7 =	vld [tilespmem:s14+$0xCB30]  }
0x14a: {  	v6 =	vld [tilespmem:s14+$0xCB40]  }
0x14b: {  	v5 =	vld [tilespmem:s14+$0xCB50]  }
0x14c: {  	v4 =	vld [tilespmem:s14+$0xCB60]  }
0x14d: {  	v3 =	vld [tilespmem:s14+$0xCB70]  }
0x14e: {  	v19 =	vld [tilespmem:s14+$0x7700]  }
0x14f: {  	v20 =	vld [tilespmem:s14+$0x7710]  }
0x150: {  	v21 =	vld [tilespmem:s14+$0x7720]  }
0x151: {  	v22 =	vld [tilespmem:s14+$0x7730]  }
0x152: {  	v23 =	vld [tilespmem:s14+$0x7740]  }
0x153: {  	v15 =	vadd.f32 v15, v19;
	v19 =	vld [tilespmem:s14+$0x7750]  }
0x154: {  	v10 =	vadd.f32 v10, v20;
	v20 =	vld [tilespmem:s14+$0x7760]  }
0x155: {  	[tilespmem:s14+$0x7700] =	vst v15;
	v11 =	vadd.f32 v11, v21;
	v15 =	vld [tilespmem:s14+$0x7770]  }
0x156: {  	[tilespmem:s14+$0x7710] =	vst v10;
	v10 =	vadd.f32 v14, v22;
	v14 =	vld [tilespmem:s14+$0x7B00]  }
.Ltmp2:
0x157: {  	[tilespmem:s14+$0x7720] =	vst v11;
	v11 =	vadd.f32 v13, v23;
	v13 =	vld [tilespmem:s14+$0x7B10];
	(pc) =	sbr.rel @p0 .LBB2_7-.Ltmp2, $4  }
0x158: {  	[tilespmem:s14+$0x7730] =	vst v10;
	v19 =	vadd.f32 v12, v19;
	v12 =	vld [tilespmem:s14+$0x7B20]  }
0x159: {  	[tilespmem:s14+$0x7740] =	vst v11;
	v20 =	vadd.f32 v16, v20;
	v10 =	vld [tilespmem:s14+$0x7B30]  }
0x15a: {  	[tilespmem:s14+$0x7750] =	vst v19;
	v16 =	vadd.f32 v17, v15;
	v11 =	vld [tilespmem:s14+$0x7B40]  }
0x15b: {  	s15 =	sadd.s32 $0x80, s15;
	s16 =	sadd.s32 $0x100, s16;
	[tilespmem:s14+$0x7760] =	vst v20;
	v15 =	vadd.f32 v18, v14;
	v14 =	vld [tilespmem:s14+$0x7B50]  }
0x15c: {  	[tilespmem:s14+$0x7770] =	vst v16;
	v9 =	vadd.f32 v9, v13;
	v62 =	vld [tilespmem:s14+$0x7B60]  }
0x15d: {  	v63 =	vld [tilespmem:s14+$0x7B70];
	[tilespmem:s14+$0x7B00] =	vst v15;
	v8 =	vadd.f32 v8, v12  }
0x15e: {  	[tilespmem:s14+$0x7B10] =	vst v9;
	v7 =	vadd.f32 v7, v10  }
0x15f: {  	[tilespmem:s14+$0x7B20] =	vst v8;
	v6 =	vadd.f32 v6, v11  }
0x160: {  	[tilespmem:s14+$0x7B30] =	vst v7;
	v5 =	vadd.f32 v5, v14  }
0x161: {  	[tilespmem:s14+$0x7B40] =	vst v6;
	v4 =	vadd.f32 v4, v62  }
0x162: {  	s13 =	sadd.s32 s3, s13;
	s9 =	sadd.s32 $0x1, s9;
	v3 =	vadd.f32 v3, v63;
	[tilespmem:s14+$0x7B50] =	vst v5  }
0x163: {  	s13 =	sshll.u32 s13, $0x5;
	p0 =	sne.s32 s9, $0x7D;
	[tilespmem:s14+$0x7B60] =	vst v4  }
.Ltmp3:
0x164: {  	s13 =	sadd.s32 s6, s13;
	[tilespmem:s14+$0x7B70] =	vst v3;
	(pc) =	sbr.rel @p0 .LBB2_2-.Ltmp3, $4  }
0x165: {  	[hbm4b:s13+s2] =	stream.linear.scatter [tilespmem:s22], [sflag:$0x5], $0x2800, $0x38;
	[tilespmem:$0xEF00] =	vst v63  }
0x166: {  	_ =	swait.ge [sflag:s10], $0x2800  }
0x167: {  	[sflag:s10] =	ssyncset.done $0x0  }
0x168: {  	[sflag:s10] =	ssyncadd.s32 $0xFFFFD800  }
0x169: {  	s13 =	rddreg [dreg:$0x5]  }
0x16a: {  	s9 =	rddreg [dreg:$0x4];
	s13 =	sadd.s32 $0x1, s13  }
0x16b: {  	p0 =	sne.s32 s13, s9  }
.Ltmp4:
0x16c: {  	_ = 	snop;
	(pc) =	sbr.rel @p0 .LBB2_1-.Ltmp4, $1  }
0x16d: {  	_ =	sdelay $0x3  }
0x16e: {  	_ =	sfence.sel $0x180000  }
0x16f: {  	[bflag:$0x0] =	sbarrier.arrive $0xFFFF  }
0x170: {  	_ =	strace $0x90000047  }
0x171: {  	s0 =	stileid.u32;
	[bflag:$0x2] =	sbarrier.arrive $0xFFFF  }
0x172: {  	p0 =	sne.s32 s0, $0x0;
	s0 =	rddreg [dreg:$0x1]  }
0x173: {  	s0 =	sadd.s32 @!p0 $0x100000, s0  }
0x174: {  	[sflag:s0] =	ssyncadd.tile.s32 @!p0 $0x1;
	_ =	shalt  }
.Lfunc_end2:
_tile_overlayer_lowered:
.L_overlay_start_2:
0x175: {  	(tag) =	ssettag $0x2  }
0x176: {  	s0 =	rddreg [dreg:$0x0];
	s2 =	stileid.u32  }
0x177: {  	s1 =	rddreg [dreg:$0x1];
	p0 =	sne.s32 s2, $0x0  }
0x178: {  	s3 =	rddreg [dreg:$0x2];
	[bflag:$0x3] =	sbarrier.arrive $0xFFFF;
	s2 =	simm.s32 @!p0 $0x1C05  }
0x179: {  	[timem:s3], [sflag:s2] =	dma.local @!p0 [hbm:s0], s1  }
0x17a: {  	s0 =	simm.s32 @!p0 $0x5  }
0x17b: {  	_ =	swait.ge @!p0 [sflag:s0], s1  }
0x17c: {  	s1 =	ssub.s32 @!p0 $0x0, s1;
	[sflag:s0] =	ssyncset.done @!p0 $0x0  }
0x17d: {  	[sflag:s0] =	ssyncadd.s32 @!p0 s1  }
0x17e: {  	[bflag:$0x3] =	sbarrier.arrive $0xFFFF  }
0x17f: {  	_ =	shalt  }

// kernel: kernel.14.cloned.1.call-start
scs
__scs_entry_jumppad:
0x0: {  	(pc) =	sbr.rel $0x88, $3  }
0x1: {  	(tag) =	ssettag $0x0;
	lr =	simm.s32 $0x1  }
0x2: {  	[smem:$0x3F8E] =	sst lr;
	_ =	strace $0xD0000000  }
0x3: {  	_ = 	snop  }
0x4: {  	_ = 	snop  }
0x5: {  	_ = 	snop  }
0x6: {  	_ = 	snop  }
0x7: {  	_ = 	snop  }
__scs_overlays_trampoline_lowered:
0x8: {  	[smem:$0x3F9D] =	sst s0  }
0x9: {  	[smem:$0x3F9E] =	sst s1  }
0xa: {  	[smem:$0x3F9F] =	sst s2  }
0xb: {  	[smem:$0x3FA0] =	sst s3  }
0xc: {  	[smem:$0x3FA1] =	sst s4  }
0xd: {  	[smem:$0x3FA2] =	sst s5  }
0xe: {  	[smem:$0x3FA3] =	sst s6  }
0xf: {  	[smem:$0x3FA4] =	sst s7  }
0x10: {  	[smem:$0x3FA5] =	sst s8  }
0x11: {  	[smem:$0x3FA6] =	sst s9;
	s0 =	simm.s32 @!p0 $0x0  }
0x12: {  	s1 =	sld [smem:$0x3F8C];
	s0 =	simm.s32 @p0 $0x1  }
0x13: {  	[smem:$0x3FA7] =	sst s0;
	s0 =	simm.s32 @!p1 $0x0  }
0x14: {  	s2 =	sld [smem:$0x3F8B];
	s0 =	simm.s32 @p1 $0x1  }
0x15: {  	[smem:$0x3FA8] =	sst s0;
	s0 =	simm.s32 @!p2 $0x0  }
0x16: {  	s3 =	sld [smem:$0x3FDB];
	s0 =	simm.s32 @p2 $0x1  }
0x17: {  	s4 =	simm.s32 $0x1BF5;
	[smem:$0x3FAA] =	sst s0  }
0x18: {  	s0 =	sld [smem:$0x3F8D];
	_ =	swait.ge [sflag:s4], $0x0  }
0x19: {  	s7 =	sld [smem:$0x3F8E]  }
0x1a: {  	s8 =	sadd.s32 $0xFFFFE003, lr  }
0x1b: {  	s9 =	sadd.s32 $0xFFFFFEF7, lr;
	s5 =	simm.s32 $0xFFFFFFFF;
	p2 =	slt.u32 s8, $0xFFFFF086  }
0x1c: {  	p1 =	slt.u32 s9, $0xF7A;
	s5 =	simm.s32 @!p2 $0x0  }
0x1d: {  	s5 =	simm.s32 @p1 $0x1;
	p0 =	seq.s32 s7, s2  }
0x1e: {  	s7 =	smul.u32 @!p0 $0xF7A, s2;
	p2 =	seq.s32 @!p0 s5, $0x0  }
0x1f: {  	s9 =	smul.u32 $0xF7A, s1;
	s8 =	simm.s32 @!p0 $0x1BF5;
	p2 =	por !p2, p0  }
0x20: {  	[sflag:s8] =	ssyncset.s32 @!p0 $0xFFFFF086;
	s6 =	sadd.s32 @!p0 s3, s7;
	s7 =	simm.s32 @!p0 $0x108  }
0x21: {  	s3 =	sadd.s32 s3, s9;
	s6 =	sadd.s32 @!p0 $0x88, s6;
	s7 =	simm.s32 @p2 $0x1082  }
0x22: {  	[simem:s7], [sflag:s8] =	dma.local @!p0 [hbm:s6], $0xF7A  }
0x23: {  	s9 =	sor.u32 $0xD0000000, s2;
	s6 =	simm.s32 $0x108;
	_ =	swait.ge @!p0 [sflag:s8], $0x0  }
0x24: {  	s3 =	sadd.s32 $0x88, s3;
	s6 =	simm.s32 @!p1 $0x1082;
	[sflag:s4] =	ssyncset.s32 $0xFFFFF086  }
0x25: {  	[simem:s6], [sflag:s4] =	dma.local [hbm:s3], $0xF7A  }
0x26: {  	[smem:$0x3F8E] =	sst s1;
	(tag) =	ssettag s2;
	_ =	strace s9  }
0x27: {  	s1 =	sld [smem:$0x3F9E]  }
0x28: {  	s2 =	sld [smem:$0x3F9F]  }
0x29: {  	s4 =	sld [smem:$0x3FA1]  }
0x2a: {  	p0 =	seq.s32 s5, $0x0;
	s5 =	sld [smem:$0x3FA2]  }
0x2b: {  	s6 =	sld [smem:$0x3FA3]  }
0x2c: {  	s7 =	sld [smem:$0x3FA4]  }
0x2d: {  	s3 =	simm.s32 $0x108;
	s8 =	sld [smem:$0x3FA5]  }
0x2e: {  	s3 =	simm.s32 @!p0 $0x1082;
	s9 =	sld [smem:$0x3FA6]  }
0x2f: {  	lr =	sadd.s32 s0, s3;
	s0 =	sld [smem:$0x3F9D]  }
0x30: {  	s3 =	sld [smem:$0x3FA0]  }
0x31: {  	[smem:$0x3FA9] =	sst s10  }
0x32: {  	s10 =	sld [smem:$0x3FA7];
	_ =	sdelay $0x3  }
0x33: {  	p0 =	seq.s32 s10, $0x1;
	s10 =	sld [smem:$0x3FA9];
	_ =	sdelay $0x3  }
0x34: {  	[smem:$0x3FA9] =	sst s10  }
0x35: {  	s10 =	sld [smem:$0x3FA8];
	_ =	sdelay $0x3  }
0x36: {  	p1 =	seq.s32 s10, $0x1;
	s10 =	sld [smem:$0x3FA9];
	_ =	sdelay $0x3  }
0x37: {  	[smem:$0x3FA9] =	sst s10  }
0x38: {  	s10 =	sld [smem:$0x3FAA]  }
0x39: {  	_ = 	snop;
	(pc) =	sbr.ind lr, $3  }
0x3a: {  	_ = 	snop  }
0x3b: {  	_ = 	snop  }
0x3c: {  	p2 =	seq.s32 s10, $0x1;
	s10 =	sld [smem:$0x3FA9]  }
0x3d: {  	_ =	shalt  }
0x3e: {  	_ =	shalt  }
0x3f: {  	_ =	shalt  }
0x40: {  	_ =	shalt  }
0x41: {  	_ =	shalt  }
0x42: {  	_ =	shalt  }
0x43: {  	_ =	shalt  }
0x44: {  	_ =	shalt  }
0x45: {  	_ =	shalt  }
0x46: {  	_ =	shalt  }
0x47: {  	_ =	shalt  }
0x48: {  	_ =	shalt  }
0x49: {  	_ =	shalt  }
0x4a: {  	_ =	shalt  }
0x4b: {  	_ =	shalt  }
0x4c: {  	_ =	shalt  }
0x4d: {  	_ =	shalt  }
0x4e: {  	_ =	shalt  }
0x4f: {  	_ =	shalt  }
0x50: {  	_ =	shalt  }
0x51: {  	_ =	shalt  }
0x52: {  	_ =	shalt  }
0x53: {  	_ =	shalt  }
0x54: {  	_ =	shalt  }
0x55: {  	_ =	shalt  }
0x56: {  	_ =	shalt  }
0x57: {  	_ =	shalt  }
0x58: {  	_ =	shalt  }
0x59: {  	_ =	shalt  }
0x5a: {  	_ =	shalt  }
0x5b: {  	_ =	shalt  }
0x5c: {  	_ =	shalt  }
0x5d: {  	_ =	shalt  }
0x5e: {  	_ =	shalt  }
0x5f: {  	_ =	shalt  }
0x60: {  	_ =	shalt  }
0x61: {  	_ =	shalt  }
0x62: {  	_ =	shalt  }
0x63: {  	_ =	shalt  }
0x64: {  	_ =	shalt  }
0x65: {  	_ =	shalt  }
0x66: {  	_ =	shalt  }
0x67: {  	_ =	shalt  }
0x68: {  	_ =	shalt  }
0x69: {  	_ =	shalt  }
0x6a: {  	_ =	shalt  }
0x6b: {  	_ =	shalt  }
0x6c: {  	_ =	shalt  }
0x6d: {  	_ =	shalt  }
0x6e: {  	_ =	shalt  }
0x6f: {  	_ =	shalt  }
0x70: {  	_ =	shalt  }
0x71: {  	_ =	shalt  }
0x72: {  	_ =	shalt  }
0x73: {  	_ =	shalt  }
0x74: {  	_ =	shalt  }
0x75: {  	_ =	shalt  }
0x76: {  	_ =	shalt  }
0x77: {  	_ =	shalt  }
0x78: {  	_ =	shalt  }
0x79: {  	_ =	shalt  }
0x7a: {  	_ =	shalt  }
0x7b: {  	_ =	shalt  }
0x7c: {  	_ =	shalt  }
0x7d: {  	_ =	shalt  }
0x7e: {  	_ =	shalt  }
0x7f: {  	_ =	shalt  }
0x80: {  	_ =	shalt  }
0x81: {  	_ =	shalt  }
0x82: {  	_ =	shalt  }
0x83: {  	_ =	shalt  }
0x84: {  	_ =	shalt  }
0x85: {  	_ =	shalt  }
0x86: {  	_ =	shalt  }
0x87: {  	_ =	shalt  }
.Lfunc_end0:
.L_simem_size_0:
called_computation.1_lowered:
.L_overlay_start_0:
0x88: {  	s0 =	sld [smem:$0x3FD9]  }
0x89: {  	s1 =	sld [smem:$0x3FFE];
	_ =	sdelay $0x3  }
0x8a: {  	s0 =	sadd.s32 s1, s0  }
0x8b: {  	[smem:$0x3FB5] =	sst s0  }
0x8c: {  	_ = 	snop  }
0x8d: {  	(tm) =	ssettm $0x1  }
0x8e: {  	s15 =	sld [smem:$0x3FFB];
	_ =	sdelay $0x3  }
0x8f: {  	_ =	strace s15  }
0x90: {  	s0 =	sld [smem:$0x3FFC];
	_ =	sdelay $0x3  }
0x91: {  	_ =	strace s0  }
0x92: {  	s0 =	sld [smem:$0x3FFD];
	_ =	sdelay $0x3  }
0x93: {  	_ =	strace s0  }
0x94: {  	_ =	strace $0x8FFFFFFF  }
0x95: {  	s16 =	sld [smem:$0x3FDB];
	_ =	sdelay $0x1  }
0x96: {  	s17 =	simm.s32 $_scs_section_size  }
0x97: {  	s2 =	simm.s32 $_size__tile_overlayer_lowered;
	s3 =	simm.s32 $_tile_overlayer_lowered  }
0x98: {  	s20 =	simm.s32 $0x1BFF;
	s19 =	sshll.u32 s3, $0x1;
	s0 =	sadd.s32 s17, s16  }
0x99: {  	s4 =	simm.s32 $0x0;
	s18 =	sshll.u32 s2, $0x1;
	s2 =	sadd.s32 s19, s0  }
0x9a: {  	[timem:s4], [sflag:s20] =	dma.local [hbm:s2], s18  }
0x9b: {  	_ =	swait.ge [sflag:s20], s18  }
0x9c: {  	s1 =	ssub.s32 $0x0, s18;
	[sflag:s20] =	ssyncset.done $0x0  }
0x9d: {  	[sflag:s20] =	ssyncadd.s32 s1;
	_ =	sdelay $0x1  }
0x9e: {  	s21 =	simm.s32 $0x1B8B  }
0x9f: {  	_ =	swait.ge [sflag:s21], $0x1  }
0xa0: {  	[sflag:s21] =	ssyncset.done $0x0  }
0xa1: {  	s23 =	simm.s32 $0x1B8E;
	s22 =	sld [smem:$0x3FFE];
	[sflag:s21] =	ssyncadd.s32 $0xFFFFFFFF  }
0xa2: {  	s24 =	simm.s32 $execute0_lowered;
	[smem:$0x3FD2] =	sst s23  }
0xa3: {  	s2 =	sshll.u32 s24, $0x1;
	_ =	strace $0x80000049;
	[dreg:$0x1] =	wrdreg $0xFFFFFFFF  }
0xa4: {  	s25 =	simm.s32 $_size_execute0_lowered;
	s0 =	sadd.s32 s0, s2;
	[dreg:$0x0] =	wrdreg $0x0  }
0xa5: {  	s2 =	sshll.u32 s25, $0x1;
	[dreg:$0x2] =	wrdreg s0  }
0xa6: {  	[dreg:$0x3] =	wrdreg s2  }
0xa7: {  	[dreg:$0x4] =	wrdreg $0xC0  }
0xa8: {  	_ =	task [dreg:s4], $0x5FFFF  }
0xa9: {  	[dreg:$0x1] =	wrdreg $0xFFFFFFFF  }
0xaa: {  	[dreg:$0x0] =	wrdreg $0x60  }
0xab: {  	[dreg:$0x2] =	wrdreg s22  }
0xac: {  	[dreg:$0x3] =	wrdreg $0x29000  }
0xad: {  	[dreg:$0x4] =	wrdreg $0x9  }
0xae: {  	_ =	task.clear_ibuf [dreg:s4], $0x5FFFF;
	_ =	strace $0x90000049  }
0xaf: {  	s26 =	simm.s32 $0x9;
	_ =	strace $0x8000004B  }
0xb0: {  	_ =	swait.ge [sflag:s26], $0x1  }
0xb1: {  	[sflag:s26] =	ssyncadd.s32 $0xFFFFFFFF  }
0xb2: {  	_ =	strace $0x9000004B  }
0xb3: {  	_ =	sfence  }
0xb4: {  	s28 =	sld [smem:$0x0];
	_ =	sdelay $0x1  }
0xb5: {  	s29 =	srdreg.scid  }
0xb6: {  	s30 =	sshll.u32 s29, $0xD;
	s31 =	sshrl.u32 s29, $0x2  }
0xb7: {  	s1 =	sand.u32 $0x1, s29;
	s2 =	sand.u32 $0x4000, s30;
	s0 =	sadd.s32 s31, s28  }
0xb8: {  	s1 =	sor.u32 s2, s1;
	s0 =	sshll.u32 s0, $0x11  }
0xb9: {  	s0 =	sor.u32 s0, s1  }
0xba: {  	s0 =	sadd.s32 $0x8F2B, s0  }
0xbb: {  	[sflag:s0] =	ssyncadd.remote.s32 $0x1  }
0xbc: {  	_ =	sfence.sel $0xFFFF  }
0xbd: {  	[dreg:$0x0] =	wrdreg $0xFFFFFFFF;
	(pc) =	sbr.abs _section_cstart, $3  }
0xbe: {  	[dreg:$0x1] =	wrdreg $0xFFFFFFFF  }
0xbf: {  	_ =	task.clear_ibuf [dreg:s4], $0x2FFFF;
	_ =	strace $0x9FFFFFFF  }
0xc0: {  	(tm) =	ssettm $0x7FFFFFFF  }
0xc1: {  	_ =	shalt  }
tec
execute0_lowered:
.L_overlay_start_1:
0x0: {  	(tag) =	ssettag $0x1  }
0x1: {  	s10 =	rddreg [dreg:$0x0];
	s0 =	stileid.u32  }
0x2: {  	s2 =	rddreg [dreg:$0x1];
	s3 =	smul.u32 $0x50000, s0  }
0x3: {  	s1 =	rddreg [dreg:$0x2];
	s8 =	simm.s32 $0x0;
	s6 =	simm.s32 $0x3  }
0x4: {  	[smem:$0x7FF] =	sst s8;
	s30 =	sshll.u32 s0, $0x6;
	s3 =	sshrl.u32 s3, $0x2  }
0x5: {  	s5 =	sadd.s32 $0x19A00, s10;
	s11 =	smul.u32 $0x4E200, s0;
	s4 =	sadd.s32 s3, s2  }
0x6: {  	_ =	strace $0x8000004A;
	s3 =	sor.u32 $0x1C03, s30;
	s4 =	sshrl.u32 s4, $0x3  }
0x7: {  	[spmem:s4], [sflag:s3] =	dma.local [hbm:s5], $0x2800  }
0x8: {  	s9 =	smul.u32 $0x4E20, s0;
	_ =	swait.ge [sflag:s6], $0x2800  }
0x9: {  	s7 =	sadd.s32 $0xF83000, s10;
	[sflag:s6] =	ssyncset.done $0x0  }
0xa: {  	s14 =	sadd.s32 s7, s11;
	s12 =	sshrl.u32 s9, $0x3;
	[sflag:s6] =	ssyncadd.s32 $0xFFFFD800  }
0xb: {  	s11 =	simm.s32 $0x100;
	s5 =	sadd.s32 $0xFC00, s10;
	[bflag:$0x0] =	sbarrier.arrive $0xFFFF  }
0xc: {  	[tilespmem:s11], [sflag:$0x1] =	stream.linear.gather [hbm4b:s14+s8], $0x1400, $0x38;
	[tilespmem:$0x16900] =	vst v63  }
0xd: {  	s31 =	smul.u32 $0x9C4, s0;
	s12 =	sadd.s32 s5, s12  }
0xe: {  	[tilespmem:s8], [sflag:$0x3] =	stream.linear.gather [hbm4b:s12+s8], $0x28, $0x38;
	[tilespmem:$0x16900] =	vst v63  }
0xf: {  	s17 =	sadd.s32 $0x0, s14;
	_ =	swait.ge [sflag:s6], $0x28  }
0x10: {  	s13 =	sadd.s32 $0x280, s17;
	s12 =	sadd.s32 s31, s5;
	[sflag:s6] =	ssyncset.done $0x0  }
0x11: {  	s18 =	sadd.s32 $0xA, s12;
	s12 =	simm.s32 $0x1500;
	[sflag:s6] =	ssyncadd.s32 $0xFFFFFFD8  }
0x12: {  	[tilespmem:s12], [sflag:$0x2] =	stream.linear.gather [hbm4b:s13+s8], $0x1400, $0x38;
	[tilespmem:$0x16900] =	vst v63  }
0x13: {  	s15 =	sadd.s32 $0xFFFFFFFB, s18;
	s13 =	simm.s32 $0x80  }
0x14: {  	[tilespmem:s13], [sflag:$0x3] =	stream.linear.gather [hbm4b:s15+s8], $0x28, $0x38;
	[tilespmem:$0x16900] =	vst v63  }
0x15: {  	_ =	swait.ge [sflag:s6], $0x28  }
0x16: {  	[sflag:s6] =	ssyncset.done $0x0  }
0x17: {  	s16 =	simm.s32 $0x1;
	[sflag:s6] =	ssyncadd.s32 $0xFFFFFFD8  }
0x18: {  	_ =	swait.ge [sflag:s16], $0x1400  }
0x19: {  	[sflag:s16] =	ssyncset.done $0x0  }
0x1a: {  	s15 =	simm.s32 $0x28;
	[sflag:s16] =	ssyncadd.s32 $0xFFFFEC00  }
0x1b: {  	[spmem:s2] =	stream.indirect.scatter.add.f32 [tilespmem:s11], [sflag:$0x3], $0x80, s8, s15, $0xb8;
	[tilespmem:$0x16900] =	vst v63  }
0x1c: {  	_ =	swait.ge [sflag:s6], $0x1400  }
0x1d: {  	[sflag:s6] =	ssyncset.done $0x0  }
0x1e: {  	s17 =	sadd.s32 $0x500, s17;
	[sflag:s6] =	ssyncadd.s32 $0xFFFFEC00  }
0x1f: {  	[tilespmem:s11], [sflag:$0x1] =	stream.linear.gather [hbm4b:s17+s8], $0x1400, $0x38;
	[tilespmem:$0x16900] =	vst v63  }
0x20: {  	_ = 	snop  }
0x21: {  	[tilespmem:s8], [sflag:$0x3] =	stream.linear.gather [hbm4b:s18+s8], $0x28, $0x38;
	[tilespmem:$0x16900] =	vst v63  }
0x22: {  	_ =	swait.ge [sflag:s6], $0x28  }
0x23: {  	[sflag:s6] =	ssyncset.done $0x0  }
0x24: {  	s17 =	simm.s32 $0x2;
	[sflag:s6] =	ssyncadd.s32 $0xFFFFFFD8  }
0x25: {  	_ =	swait.ge [sflag:s17], $0x1400  }
0x26: {  	[sflag:s17] =	ssyncset.done $0x0  }
0x27: {  	[sflag:s17] =	ssyncadd.s32 $0xFFFFEC00  }
0x28: {  	[spmem:s2] =	stream.indirect.scatter.add.f32 [tilespmem:s12], [sflag:$0x3], $0x80, s13, s15, $0xb8;
	[tilespmem:$0x16900] =	vst v63  }
0x29: {  	s20 =	simm.s32 $0xA00;
	s19 =	sadd.s32 $0x500, s14;
	_ =	swait.ge [sflag:s6], $0x1400  }
0x2a: {  	s10 =	sadd.s32 $0x1C200, s10;
	s18 =	sadd.s32 $0xA, s18;
	[sflag:s6] =	ssyncset.done $0x0  }
.LBB2_1:
0x2b: {  	s21 =	sadd.s32 $0x280, s19  }
0x2c: {  	[sflag:s6] =	ssyncadd.s32 $0xFFFFEC00;
	s22 =	smov.u32 s20;
	s23 =	sadd.s32 $0x500, s20  }
0x2d: {  	[tilespmem:s12], [sflag:$0x2] =	stream.linear.gather [hbm4b:s21+s8], $0x1400, $0x38;
	[tilespmem:$0x16900] =	vst v63  }
0x2e: {  	p0 =	sne.s32 s20, $0x4D800;
	s20 =	sadd.s32 $0xFFFFFFFB, s18  }
0x2f: {  	[tilespmem:s13], [sflag:$0x3] =	stream.linear.gather [hbm4b:s20+s8], $0x28, $0x38;
	[tilespmem:$0x16900] =	vst v63  }
0x30: {  	_ =	swait.ge [sflag:s6], $0x28  }
0x31: {  	[sflag:s6] =	ssyncset.done $0x0  }
0x32: {  	[sflag:s6] =	ssyncadd.s32 $0xFFFFFFD8  }
0x33: {  	_ =	swait.ge [sflag:s16], $0x1400  }
0x34: {  	[sflag:s16] =	ssyncset.done $0x0  }
0x35: {  	[sflag:s16] =	ssyncadd.s32 $0xFFFFEC00  }
0x36: {  	[spmem:s2] =	stream.indirect.scatter.add.f32 [tilespmem:s11], [sflag:$0x3], $0x80, s8, s15, $0xb8;
	[tilespmem:$0x16900] =	vst v63  }
0x37: {  	_ =	swait.ge [sflag:s6], $0x1400  }
0x38: {  	[sflag:s6] =	ssyncset.done $0x0  }
0x39: {  	s19 =	sadd.s32 $0x500, s19;
	[sflag:s6] =	ssyncadd.s32 $0xFFFFEC00  }
0x3a: {  	[tilespmem:s11], [sflag:$0x1] =	stream.linear.gather [hbm4b:s19+s8], $0x1400, $0x38;
	[tilespmem:$0x16900] =	vst v63  }
0x3b: {  	_ = 	snop  }
0x3c: {  	[tilespmem:s8], [sflag:$0x3] =	stream.linear.gather [hbm4b:s18+s8], $0x28, $0x38;
	[tilespmem:$0x16900] =	vst v63  }
0x3d: {  	_ =	swait.ge [sflag:s6], $0x28  }
0x3e: {  	[sflag:s6] =	ssyncset.done $0x0  }
0x3f: {  	[sflag:s6] =	ssyncadd.s32 $0xFFFFFFD8  }
0x40: {  	_ =	swait.ge [sflag:s17], $0x1400  }
.Ltmp0:
0x41: {  	[sflag:s17] =	ssyncset.done $0x0;
	(pc) =	sbr.rel @p0 .LBB2_1-.Ltmp0, $4  }
0x42: {  	[sflag:s17] =	ssyncadd.s32 $0xFFFFEC00  }
0x43: {  	[spmem:s2] =	stream.indirect.scatter.add.f32 [tilespmem:s12], [sflag:$0x3], $0x80, s13, s15, $0xb8;
	[tilespmem:$0x16900] =	vst v63  }
0x44: {  	s20 =	smov.u32 s23;
	_ =	swait.ge [sflag:s6], $0x1400  }
0x45: {  	s19 =	sadd.s32 s22, s14;
	s18 =	sadd.s32 $0xA, s18;
	[sflag:s6] =	ssyncset.done $0x0  }
0x46: {  	s14 =	sadd.s32 $0x280, s19;
	[sflag:s6] =	ssyncadd.s32 $0xFFFFEC00  }
0x47: {  	[tilespmem:s12], [sflag:$0x2] =	stream.linear.gather [hbm4b:s14+s8], $0x1400, $0x38;
	[tilespmem:$0x16900] =	vst v63  }
0x48: {  	s31 =	sadd.s32 $0xFFFFFFFB, s18  }
0x49: {  	[tilespmem:s13], [sflag:$0x3] =	stream.linear.gather [hbm4b:s31+s8], $0x28, $0x38;
	[tilespmem:$0x16900] =	vst v63  }
0x4a: {  	_ =	swait.ge [sflag:s6], $0x28  }
0x4b: {  	[sflag:s6] =	ssyncset.done $0x0  }
0x4c: {  	[sflag:s6] =	ssyncadd.s32 $0xFFFFFFD8  }
0x4d: {  	_ =	swait.ge [sflag:s16], $0x1400  }
0x4e: {  	[sflag:s16] =	ssyncset.done $0x0  }
0x4f: {  	[sflag:s16] =	ssyncadd.s32 $0xFFFFEC00  }
0x50: {  	[spmem:s2] =	stream.indirect.scatter.add.f32 [tilespmem:s11], [sflag:$0x3], $0x80, s8, s15, $0xb8;
	[tilespmem:$0x16900] =	vst v63  }
0x51: {  	_ =	swait.ge [sflag:s6], $0x1400  }
0x52: {  	[sflag:s6] =	ssyncset.done $0x0  }
0x53: {  	s16 =	sadd.s32 $0x500, s19;
	[sflag:s6] =	ssyncadd.s32 $0xFFFFEC00  }
0x54: {  	[tilespmem:s11], [sflag:$0x1] =	stream.linear.gather [hbm4b:s16+s8], $0x1400, $0x38;
	[tilespmem:$0x16900] =	vst v63  }
0x55: {  	_ = 	snop  }
0x56: {  	[tilespmem:s8], [sflag:$0x3] =	stream.linear.gather [hbm4b:s18+s8], $0x28, $0x38;
	[tilespmem:$0x16900] =	vst v63  }
0x57: {  	_ =	swait.ge [sflag:s6], $0x28  }
0x58: {  	[sflag:s6] =	ssyncset.done $0x0  }
0x59: {  	[sflag:s6] =	ssyncadd.s32 $0xFFFFFFD8  }
0x5a: {  	_ =	swait.ge [sflag:s17], $0x1400  }
0x5b: {  	[sflag:s17] =	ssyncset.done $0x0  }
0x5c: {  	[sflag:s17] =	ssyncadd.s32 $0xFFFFEC00  }
0x5d: {  	[spmem:s2] =	stream.indirect.scatter.add.f32 [tilespmem:s12], [sflag:$0x3], $0x80, s13, s15, $0xb8;
	[tilespmem:$0x16900] =	vst v63  }
0x5e: {  	s21 =	simm.s32 $0x0;
	s19 =	sadd.s32 $0x4DF8, s9;
	_ =	swait.ge [sflag:s6], $0x1400  }
0x5f: {  	s22 =	simm.s32 $0x1500;
	s20 =	sshll.u32 s19, $0x4;
	[sflag:s6] =	ssyncset.done $0x0  }
0x60: {  	s23 =	sshrl.u32 s19, $0x3;
	[sflag:s6] =	ssyncadd.s32 $0xFFFFEC00;
	s6 =	sadd.s32 s7, s20  }
0x61: {  	[tilespmem:s22], [sflag:$0x2] =	stream.linear.gather [hbm4b:s6+s21], $0x1400, $0x38;
	[tilespmem:$0x16900] =	vst v63  }
0x62: {  	s24 =	simm.s32 $0x80;
	s25 =	simm.s32 $0x3;
	s5 =	sadd.s32 s5, s23  }
0x63: {  	[tilespmem:s24], [sflag:$0x3] =	stream.linear.gather [hbm4b:s5+s21], $0x28, $0x38;
	[tilespmem:$0x16900] =	vst v63  }
0x64: {  	_ =	swait.ge [sflag:s25], $0x28  }
0x65: {  	[sflag:s25] =	ssyncset.done $0x0  }
0x66: {  	s26 =	simm.s32 $0x1;
	[sflag:s25] =	ssyncadd.s32 $0xFFFFFFD8  }
0x67: {  	_ =	swait.ge [sflag:s26], $0x1400  }
0x68: {  	[sflag:s26] =	ssyncset.done $0x0  }
0x69: {  	s28 =	simm.s32 $0x28;
	s29 =	simm.s32 $0x100;
	[sflag:s26] =	ssyncadd.s32 $0xFFFFEC00  }
0x6a: {  	[spmem:s2] =	stream.indirect.scatter.add.f32 [tilespmem:s29], [sflag:$0x3], $0x80, s21, s28, $0xb8;
	[tilespmem:$0x16900] =	vst v63  }
0x6b: {  	_ =	swait.ge [sflag:s25], $0x1400  }
0x6c: {  	[sflag:s25] =	ssyncset.done $0x0  }
0x6d: {  	s30 =	simm.s32 $0x2;
	[sflag:s25] =	ssyncadd.s32 $0xFFFFEC00  }
0x6e: {  	_ =	swait.ge [sflag:s30], $0x1400  }
0x6f: {  	[sflag:s30] =	ssyncset.done $0x0  }
0x70: {  	[sflag:s30] =	ssyncadd.s32 $0xFFFFEC00  }
0x71: {  	[spmem:s2] =	stream.indirect.scatter.add.f32 [tilespmem:s22], [sflag:$0x3], $0x80, s24, s28, $0xb8;
	[tilespmem:$0x16900] =	vst v63  }
0x72: {  	_ =	swait.ge [sflag:s25], $0x1400  }
0x73: {  	s31 =	smul.u32 $0x2800, s0;
	[sflag:s25] =	ssyncset.done $0x0  }
0x74: {  	[sflag:s25] =	ssyncadd.s32 $0xFFFFEC00  }
0x75: {  	s2 =	sadd.s32 s10, s31;
	[bflag:$0x0] =	sbarrier.arrive $0xFFFF  }
0x76: {  	[hbm:s2], [sflag:s3] =	dma.local [spmem:s4], $0x2800  }
0x77: {  	_ =	swait.ge [sflag:s25], $0x2800  }
0x78: {  	[sflag:s25] =	ssyncset.done $0x0  }
0x79: {  	[sflag:s25] =	ssyncadd.s32 $0xFFFFD800  }
0x7a: {  	_ =	sfence.sel $0x180000  }
0x7b: {  	[bflag:$0x0] =	sbarrier.arrive $0xFFFF  }
0x7c: {  	p0 =	sne.s32 s0, $0x0;
	_ =	strace $0x9000004A  }
0x7d: {  	s0 =	sadd.s32 @!p0 $0x100000, s1;
	[bflag:$0x2] =	sbarrier.arrive $0xFFFF  }
0x7e: {  	[sflag:s0] =	ssyncadd.tile.s32 @!p0 $0x1;
	_ =	shalt  }
.Lfunc_end2:
_tile_overlayer_lowered:
.L_overlay_start_2:
0x7f: {  	(tag) =	ssettag $0x2  }
0x80: {  	s0 =	rddreg [dreg:$0x0];
	s2 =	stileid.u32  }
0x81: {  	s1 =	rddreg [dreg:$0x1];
	p0 =	sne.s32 s2, $0x0  }
0x82: {  	s3 =	rddreg [dreg:$0x2];
	[bflag:$0x3] =	sbarrier.arrive $0xFFFF;
	s2 =	simm.s32 @!p0 $0x1C03  }
0x83: {  	[timem:s3], [sflag:s2] =	dma.local @!p0 [hbm:s0], s1  }
0x84: {  	s0 =	simm.s32 @!p0 $0x3  }
0x85: {  	_ =	swait.ge @!p0 [sflag:s0], s1  }
0x86: {  	s1 =	ssub.s32 @!p0 $0x0, s1;
	[sflag:s0] =	ssyncset.done @!p0 $0x0  }
0x87: {  	[sflag:s0] =	ssyncadd.s32 @!p0 s1  }
0x88: {  	[bflag:$0x3] =	sbarrier.arrive $0xFFFF  }
0x89: {  	_ =	shalt  }

// kernel: kernel.17.cloned.1.call-start
scs
__scs_entry_jumppad:
0x0: {  	(pc) =	sbr.rel $0x88, $3  }
0x1: {  	(tag) =	ssettag $0x0;
	lr =	simm.s32 $0x1  }
0x2: {  	[smem:$0x3F8E] =	sst lr;
	_ =	strace $0xD0000000  }
0x3: {  	_ = 	snop  }
0x4: {  	_ = 	snop  }
0x5: {  	_ = 	snop  }
0x6: {  	_ = 	snop  }
0x7: {  	_ = 	snop  }
__scs_overlays_trampoline_lowered:
0x8: {  	[smem:$0x3F9D] =	sst s0  }
0x9: {  	[smem:$0x3F9E] =	sst s1  }
0xa: {  	[smem:$0x3F9F] =	sst s2  }
0xb: {  	[smem:$0x3FA0] =	sst s3  }
0xc: {  	[smem:$0x3FA1] =	sst s4  }
0xd: {  	[smem:$0x3FA2] =	sst s5  }
0xe: {  	[smem:$0x3FA3] =	sst s6  }
0xf: {  	[smem:$0x3FA4] =	sst s7  }
0x10: {  	[smem:$0x3FA5] =	sst s8  }
0x11: {  	[smem:$0x3FA6] =	sst s9;
	s0 =	simm.s32 @!p0 $0x0  }
0x12: {  	s1 =	sld [smem:$0x3F8C];
	s0 =	simm.s32 @p0 $0x1  }
0x13: {  	[smem:$0x3FA7] =	sst s0;
	s0 =	simm.s32 @!p1 $0x0  }
0x14: {  	s2 =	sld [smem:$0x3F8B];
	s0 =	simm.s32 @p1 $0x1  }
0x15: {  	[smem:$0x3FA8] =	sst s0;
	s0 =	simm.s32 @!p2 $0x0  }
0x16: {  	s3 =	sld [smem:$0x3FDB];
	s0 =	simm.s32 @p2 $0x1  }
0x17: {  	s4 =	simm.s32 $0x1BF5;
	[smem:$0x3FAA] =	sst s0  }
0x18: {  	s0 =	sld [smem:$0x3F8D];
	_ =	swait.ge [sflag:s4], $0x0  }
0x19: {  	s7 =	sld [smem:$0x3F8E]  }
0x1a: {  	s8 =	sadd.s32 $0xFFFFE003, lr  }
0x1b: {  	s9 =	sadd.s32 $0xFFFFFEF7, lr;
	s5 =	simm.s32 $0xFFFFFFFF;
	p2 =	slt.u32 s8, $0xFFFFF086  }
0x1c: {  	p1 =	slt.u32 s9, $0xF7A;
	s5 =	simm.s32 @!p2 $0x0  }
0x1d: {  	s5 =	simm.s32 @p1 $0x1;
	p0 =	seq.s32 s7, s2  }
0x1e: {  	s7 =	smul.u32 @!p0 $0xF7A, s2;
	p2 =	seq.s32 @!p0 s5, $0x0  }
0x1f: {  	s9 =	smul.u32 $0xF7A, s1;
	s8 =	simm.s32 @!p0 $0x1BF5;
	p2 =	por !p2, p0  }
0x20: {  	[sflag:s8] =	ssyncset.s32 @!p0 $0xFFFFF086;
	s6 =	sadd.s32 @!p0 s3, s7;
	s7 =	simm.s32 @!p0 $0x108  }
0x21: {  	s3 =	sadd.s32 s3, s9;
	s6 =	sadd.s32 @!p0 $0x88, s6;
	s7 =	simm.s32 @p2 $0x1082  }
0x22: {  	[simem:s7], [sflag:s8] =	dma.local @!p0 [hbm:s6], $0xF7A  }
0x23: {  	s9 =	sor.u32 $0xD0000000, s2;
	s6 =	simm.s32 $0x108;
	_ =	swait.ge @!p0 [sflag:s8], $0x0  }
0x24: {  	s3 =	sadd.s32 $0x88, s3;
	s6 =	simm.s32 @!p1 $0x1082;
	[sflag:s4] =	ssyncset.s32 $0xFFFFF086  }
0x25: {  	[simem:s6], [sflag:s4] =	dma.local [hbm:s3], $0xF7A  }
0x26: {  	[smem:$0x3F8E] =	sst s1;
	(tag) =	ssettag s2;
	_ =	strace s9  }
0x27: {  	s1 =	sld [smem:$0x3F9E]  }
0x28: {  	s2 =	sld [smem:$0x3F9F]  }
0x29: {  	s4 =	sld [smem:$0x3FA1]  }
0x2a: {  	p0 =	seq.s32 s5, $0x0;
	s5 =	sld [smem:$0x3FA2]  }
0x2b: {  	s6 =	sld [smem:$0x3FA3]  }
0x2c: {  	s7 =	sld [smem:$0x3FA4]  }
0x2d: {  	s3 =	simm.s32 $0x108;
	s8 =	sld [smem:$0x3FA5]  }
0x2e: {  	s3 =	simm.s32 @!p0 $0x1082;
	s9 =	sld [smem:$0x3FA6]  }
0x2f: {  	lr =	sadd.s32 s0, s3;
	s0 =	sld [smem:$0x3F9D]  }
0x30: {  	s3 =	sld [smem:$0x3FA0]  }
0x31: {  	[smem:$0x3FA9] =	sst s10  }
0x32: {  	s10 =	sld [smem:$0x3FA7];
	_ =	sdelay $0x3  }
0x33: {  	p0 =	seq.s32 s10, $0x1;
	s10 =	sld [smem:$0x3FA9];
	_ =	sdelay $0x3  }
0x34: {  	[smem:$0x3FA9] =	sst s10  }
0x35: {  	s10 =	sld [smem:$0x3FA8];
	_ =	sdelay $0x3  }
0x36: {  	p1 =	seq.s32 s10, $0x1;
	s10 =	sld [smem:$0x3FA9];
	_ =	sdelay $0x3  }
0x37: {  	[smem:$0x3FA9] =	sst s10  }
0x38: {  	s10 =	sld [smem:$0x3FAA]  }
0x39: {  	_ = 	snop;
	(pc) =	sbr.ind lr, $3  }
0x3a: {  	_ = 	snop  }
0x3b: {  	_ = 	snop  }
0x3c: {  	p2 =	seq.s32 s10, $0x1;
	s10 =	sld [smem:$0x3FA9]  }
0x3d: {  	_ =	shalt  }
0x3e: {  	_ =	shalt  }
0x3f: {  	_ =	shalt  }
0x40: {  	_ =	shalt  }
0x41: {  	_ =	shalt  }
0x42: {  	_ =	shalt  }
0x43: {  	_ =	shalt  }
0x44: {  	_ =	shalt  }
0x45: {  	_ =	shalt  }
0x46: {  	_ =	shalt  }
0x47: {  	_ =	shalt  }
0x48: {  	_ =	shalt  }
0x49: {  	_ =	shalt  }
0x4a: {  	_ =	shalt  }
0x4b: {  	_ =	shalt  }
0x4c: {  	_ =	shalt  }
0x4d: {  	_ =	shalt  }
0x4e: {  	_ =	shalt  }
0x4f: {  	_ =	shalt  }
0x50: {  	_ =	shalt  }
0x51: {  	_ =	shalt  }
0x52: {  	_ =	shalt  }
0x53: {  	_ =	shalt  }
0x54: {  	_ =	shalt  }
0x55: {  	_ =	shalt  }
0x56: {  	_ =	shalt  }
0x57: {  	_ =	shalt  }
0x58: {  	_ =	shalt  }
0x59: {  	_ =	shalt  }
0x5a: {  	_ =	shalt  }
0x5b: {  	_ =	shalt  }
0x5c: {  	_ =	shalt  }
0x5d: {  	_ =	shalt  }
0x5e: {  	_ =	shalt  }
0x5f: {  	_ =	shalt  }
0x60: {  	_ =	shalt  }
0x61: {  	_ =	shalt  }
0x62: {  	_ =	shalt  }
0x63: {  	_ =	shalt  }
0x64: {  	_ =	shalt  }
0x65: {  	_ =	shalt  }
0x66: {  	_ =	shalt  }
0x67: {  	_ =	shalt  }
0x68: {  	_ =	shalt  }
0x69: {  	_ =	shalt  }
0x6a: {  	_ =	shalt  }
0x6b: {  	_ =	shalt  }
0x6c: {  	_ =	shalt  }
0x6d: {  	_ =	shalt  }
0x6e: {  	_ =	shalt  }
0x6f: {  	_ =	shalt  }
0x70: {  	_ =	shalt  }
0x71: {  	_ =	shalt  }
0x72: {  	_ =	shalt  }
0x73: {  	_ =	shalt  }
0x74: {  	_ =	shalt  }
0x75: {  	_ =	shalt  }
0x76: {  	_ =	shalt  }
0x77: {  	_ =	shalt  }
0x78: {  	_ =	shalt  }
0x79: {  	_ =	shalt  }
0x7a: {  	_ =	shalt  }
0x7b: {  	_ =	shalt  }
0x7c: {  	_ =	shalt  }
0x7d: {  	_ =	shalt  }
0x7e: {  	_ =	shalt  }
0x7f: {  	_ =	shalt  }
0x80: {  	_ =	shalt  }
0x81: {  	_ =	shalt  }
0x82: {  	_ =	shalt  }
0x83: {  	_ =	shalt  }
0x84: {  	_ =	shalt  }
0x85: {  	_ =	shalt  }
0x86: {  	_ =	shalt  }
0x87: {  	_ =	shalt  }
.Lfunc_end0:
.L_simem_size_0:
called_computation.2_lowered:
.L_overlay_start_0:
0x88: {  	s2 =	sld [smem:$0x3FD9]  }
0x89: {  	s3 =	sld [smem:$0x3FFE];
	_ =	sdelay $0x1  }
0x8a: {  	s1 =	srdreg.scid  }
0x8b: {  	s0 =	sand.u32 $0x1, s1  }
0x8c: {  	s16 =	sshll.u32 s0, $0xA;
	s2 =	sadd.s32 s3, s2  }
0x8d: {  	s2 =	sadd.s32 s2, s16  }
0x8e: {  	[smem:$0x3FB5] =	sst s2  }
0x8f: {  	_ = 	snop  }
0x90: {  	(tm) =	ssettm $0x1  }
0x91: {  	s17 =	sld [smem:$0x3FFB];
	_ =	sdelay $0x3  }
0x92: {  	_ =	strace s17  }
0x93: {  	s2 =	sld [smem:$0x3FFC];
	_ =	sdelay $0x3  }
0x94: {  	_ =	strace s2  }
0x95: {  	s2 =	sld [smem:$0x3FFD];
	_ =	sdelay $0x3  }
0x96: {  	_ =	strace s2  }
0x97: {  	_ =	strace $0x8FFFFFFF  }
0x98: {  	s18 =	sld [smem:$0x3FDB];
	_ =	sdelay $0x1  }
0x99: {  	s19 =	simm.s32 $_scs_section_size  }
0x9a: {  	s4 =	simm.s32 $_size__tile_overlayer_lowered;
	s5 =	simm.s32 $_tile_overlayer_lowered  }
0x9b: {  	s22 =	simm.s32 $0x1BFF;
	s21 =	sshll.u32 s5, $0x1;
	s2 =	sadd.s32 s19, s18  }
0x9c: {  	s6 =	simm.s32 $0x0;
	s20 =	sshll.u32 s4, $0x1;
	s4 =	sadd.s32 s21, s2  }
0x9d: {  	[timem:s6], [sflag:s22] =	dma.local [hbm:s4], s20  }
0x9e: {  	_ =	swait.ge [sflag:s22], s20  }
0x9f: {  	s3 =	ssub.s32 $0x0, s20;
	[sflag:s22] =	ssyncset.done $0x0  }
0xa0: {  	[sflag:s22] =	ssyncadd.s32 s3;
	_ =	sdelay $0x1  }
0xa1: {  	s23 =	simm.s32 $0x1B8B  }
0xa2: {  	_ =	swait.ge [sflag:s23], $0x1  }
0xa3: {  	[sflag:s23] =	ssyncset.done $0x0  }
0xa4: {  	s25 =	simm.s32 $0x1B8E;
	s24 =	sld [smem:$0x3FFE];
	[sflag:s23] =	ssyncadd.s32 $0xFFFFFFFF  }
0xa5: {  	s26 =	simm.s32 $execute0_lowered;
	[smem:$0x3FD2] =	sst s25  }
0xa6: {  	s4 =	sshll.u32 s26, $0x1;
	_ =	strace $0x8000004C;
	[dreg:$0x1] =	wrdreg $0xFFFFFFFF  }
0xa7: {  	s28 =	simm.s32 $_size_execute0_lowered;
	s2 =	sadd.s32 s2, s4;
	[dreg:$0x0] =	wrdreg $0x0  }
0xa8: {  	s4 =	sshll.u32 s28, $0x1;
	[dreg:$0x2] =	wrdreg s2  }
0xa9: {  	[dreg:$0x3] =	wrdreg s4  }
0xaa: {  	[dreg:$0x4] =	wrdreg $0xC0  }
0xab: {  	_ =	task [dreg:s6], $0x5FFFF  }
0xac: {  	[dreg:$0x1] =	wrdreg $0xFFFFFFFF  }
0xad: {  	[dreg:$0x0] =	wrdreg $0x60  }
0xae: {  	[dreg:$0x2] =	wrdreg s24  }
0xaf: {  	[dreg:$0x3] =	wrdreg $0x9  }
0xb0: {  	_ =	task.clear_ibuf [dreg:s6], $0x4FFFF;
	_ =	strace $0x9000004C  }
0xb1: {  	s29 =	simm.s32 $0x9;
	_ =	strace $0x8000004E  }
0xb2: {  	_ =	swait.ge [sflag:s29], $0x1  }
0xb3: {  	[sflag:s29] =	ssyncadd.s32 $0xFFFFFFFF  }
0xb4: {  	_ =	strace $0x9000004E  }
0xb5: {  	_ =	sfence  }
0xb6: {  	s30 =	sld [smem:$0x0];
	_ =	sdelay $0x2  }
0xb7: {  	s31 =	sshll.u32 s1, $0xD;
	s1 =	sshrl.u32 s1, $0x2  }
0xb8: {  	s3 =	sand.u32 $0x4000, s31;
	s1 =	sadd.s32 s1, s30  }
0xb9: {  	s0 =	sor.u32 s3, s0;
	s1 =	sshll.u32 s1, $0x11  }
0xba: {  	s0 =	sor.u32 s1, s0  }
0xbb: {  	s0 =	sadd.s32 $0x8F2B, s0  }
0xbc: {  	[sflag:s0] =	ssyncadd.remote.s32 $0x1  }
0xbd: {  	_ =	sfence.sel $0xFFFF  }
0xbe: {  	[dreg:$0x0] =	wrdreg $0xFFFFFFFF;
	(pc) =	sbr.abs _section_cstart, $3  }
0xbf: {  	[dreg:$0x1] =	wrdreg $0xFFFFFFFF  }
0xc0: {  	_ =	task.clear_ibuf [dreg:s6], $0x2FFFF;
	_ =	strace $0x9FFFFFFF  }
0xc1: {  	(tm) =	ssettm $0x7FFFFFFF  }
tec
execute0_lowered:
.L_overlay_start_1:
0x0: {  	(tag) =	ssettag $0x1  }
0x1: {  	s0 =	srdreg.scid  }
0x2: {  	s1 =	rddreg [dreg:$0x0];
	s4 =	stileid.u32;
	s2 =	simm.s32 $0x0  }
0x3: {  	s10 =	simm.s32 $0x5;
	s12 =	simm.s32 $0x4F00;
	s20 =	simm.s32 $0xB700  }
0x4: {  	s21 =	simm.s32 $0xBF00;
	s22 =	simm.s32 $0x7700;
	s23 =	simm.s32 $0x7F00  }
0x5: {  	s24 =	simm.s32 $0x8700;
	s28 =	simm.s32 $0xC700;
	s29 =	simm.s32 $0xCF00  }
0x6: {  	s30 =	simm.s32 $0xD700;
	s31 =	simm.s32 $0xDF00;
	s0 =	sand.u32 $0x1, s0  }
0x7: {  	s11 =	simm.s32 $0x3;
	s13 =	simm.s32 $0x0;
	s3 =	sshll.u32 s0, $0x4  }
0x8: {  	[smem:$0x7FF] =	sst s2;
	s0 =	ssub.s32 $0x2, s0;
	s3 =	sor.u32 s4, s3  }
0x9: {  	s5 =	sadd.s32 $0x6A400, s1;
	s7 =	sshrl.u32 s0, $0x1;
	s3 =	smul.u32 $0x2710, s3  }
0xa: {  	_ =	strace $0x8000004D;
	s4 =	sadd.s32 $0x1C200, s1;
	s0 =	ssub.s32 s0, s7  }
0xb: {  	s7 =	simm.s32 $0x2;
	s0 =	smax.u32 s0, $0x1;
	s6 =	sshrl.u32 s3, $0x3  }
0xc: {  	[dreg:$0x4] =	wrdreg s0;
	s0 =	simm.s32 $0xE700;
	s8 =	sadd.s32 s6, s1  }
0xd: {  	v2 =	vlaneseq.u32;
	s6 =	sadd.s32 $0xF83000, s1;
	s1 =	simm.s32 $0x1;
	s25 =	sadd.s32 $0xFC00, s8  }
0xe: {  	vm0 =	vmmov $0xffff;
	v1 =	vshrl.u32 v2, $0x3;
	s26 =	sadd.s32 $0x5E00, s8;
	s8 =	simm.s32 $0x4;
	[dreg:$0x2] =	wrdreg s25  }
0xf: {  	v0 =	vand.u32 $0x7, v2;
	v2 =	vor.u32 $0x8, v2;
	v1 =	vmul.u32 $0x8, v1;
	[dreg:$0x3] =	wrdreg s26;
	s25 =	simm.s32 $0x8F00;
	s26 =	simm.s32 $0x9700  }
.LBB2_1:
0x10: {  	[dreg:$0x5] =	wrdreg s13  }
0x11: {  	s9 =	rddreg [dreg:$0x2]  }
0x12: {  	[tilespmem:s2], [sflag:$0x5] =	stream.linear.gather [hbm4b:s9+s2], $0x2710, $0x38;
	[tilespmem:$0xEF00] =	vst v63  }
0x13: {  	_ =	swait.ge [sflag:s10], $0x2710  }
0x14: {  	[sflag:s10] =	ssyncset.done $0x0  }
0x15: {  	s19 =	simm.s32 $0x2780;
	s18 =	rddreg [dreg:$0x3];
	[sflag:s10] =	ssyncadd.s32 $0xFFFFD8F0  }
0x16: {  	[tilespmem:s19], [sflag:$0x5] =	stream.linear.gather [hbm4b:s18+s2], $0x2710, $0x38;
	[tilespmem:$0xEF00] =	vst v63  }
0x17: {  	_ =	swait.ge [sflag:s10], $0x2710  }
0x18: {  	[sflag:s10] =	ssyncset.done $0x0  }
0x19: {  	[sflag:s10] =	ssyncadd.s32 $0xFFFFD8F0  }
0x1a: {  	v3 =	vld [tilespmem:$0x0];
	_ =	sdelay $0x4  }
0x1b: {  	v4 =	vshll.u32 v3, $0x1  }
0x1c: {  	v3 =	vand.u32 $0x7, v3;
	v4 =	vand.u32 $0xFFFFFFF0, v4  }
0x1d: {  	v3 =	vor.u32 v3, v4  }
0x1e: {  	v4 =	vperm.xlane v3, v0;
	_ =	sdelay $0x1  }
0x1f: {  	v3 =	vperm.xlane v3, v2;
	v4 =	vadd.s32 v1, v4;
	_ =	sdelay $0x1  }
0x20: {  	v3 =	vadd.s32 v1, v3;
	_ =	sdelay $0x2  }
0x21: {  	[tilespmem:s12], [sflag:$0x1] =	stream.indirect_vreg.gather [hbm4b:s4+s2], $0x80, v4, vm0, $0xb8;
	[tilespmem:$0xEF00] =	vst v63  }
0x22: {  	s13 =	simm.s32 $0x5700  }
0x23: {  	[tilespmem:s13], [sflag:$0x1] =	stream.indirect_vreg.gather [hbm4b:s4+s2], $0x80, v3, vm0, $0xb8;
	[tilespmem:$0xEF00] =	vst v63  }
0x24: {  	v3 =	vld [tilespmem:$0x10];
	_ =	sdelay $0x4  }
0x25: {  	v59 =	vshll.u32 v3, $0x1  }
0x26: {  	v3 =	vand.u32 $0x7, v3;
	v4 =	vand.u32 $0xFFFFFFF0, v59  }
0x27: {  	v3 =	vor.u32 v3, v4  }
0x28: {  	v4 =	vperm.xlane v3, v0;
	_ =	sdelay $0x1  }
0x29: {  	v3 =	vperm.xlane v3, v2;
	v4 =	vadd.s32 v1, v4;
	_ =	sdelay $0x1  }
0x2a: {  	v3 =	vadd.s32 v1, v3;
	_ =	sdelay $0x1  }
0x2b: {  	s14 =	simm.s32 $0x5F00  }
0x2c: {  	[tilespmem:s14], [sflag:$0x1] =	stream.indirect_vreg.gather [hbm4b:s4+s2], $0x80, v4, vm0, $0xb8;
	[tilespmem:$0xEF00] =	vst v63  }
0x2d: {  	s15 =	simm.s32 $0x6700  }
0x2e: {  	[tilespmem:s15], [sflag:$0x1] =	stream.indirect_vreg.gather [hbm4b:s4+s2], $0x80, v3, vm0, $0xb8;
	[tilespmem:$0xEF00] =	vst v63  }
0x2f: {  	v3 =	vld.msk [tilespmem:$0x20], $0xff;
	_ =	sdelay $0x4  }
0x30: {  	v60 =	vshll.u32 v3, $0x1  }
0x31: {  	v3 =	vand.u32 $0x7, v3;
	v4 =	vand.u32 $0xFFFFFFF0, v60  }
0x32: {  	v3 =	vor.u32 v3, v4  }
0x33: {  	v3 =	vperm.xlane v3, v0;
	_ =	sdelay $0x1  }
0x34: {  	v3 =	vadd.s32 v1, v3;
	_ =	sdelay $0x3  }
0x35: {  	s16 =	simm.s32 $0x6F00  }
0x36: {  	[tilespmem:s16], [sflag:$0x1] =	stream.indirect_vreg.gather [hbm4b:s4+s2], $0x80, v3, vm0, $0xb8;
	[tilespmem:$0xEF00] =	vst v63  }
0x37: {  	v3 =	vld [tilespmem:$0x2780];
	_ =	sdelay $0x4  }
0x38: {  	v61 =	vshll.u32 v3, $0x1  }
0x39: {  	v3 =	vand.u32 $0x7, v3;
	v4 =	vand.u32 $0xFFFFFFF0, v61  }
0x3a: {  	v3 =	vor.u32 v3, v4  }
0x3b: {  	v4 =	vperm.xlane v3, v0;
	_ =	sdelay $0x1  }
0x3c: {  	v3 =	vperm.xlane v3, v2;
	v4 =	vadd.s32 v1, v4;
	_ =	sdelay $0x1  }
0x3d: {  	v3 =	vadd.s32 v1, v3;
	_ =	sdelay $0x1  }
0x3e: {  	s17 =	simm.s32 $0x9F00  }
0x3f: {  	[tilespmem:s17], [sflag:$0x3] =	stream.indirect_vreg.gather [hbm4b:s5+s2], $0x80, v4, vm0, $0xb8;
	[tilespmem:$0xEF00] =	vst v63  }
0x40: {  	s18 =	simm.s32 $0xA700  }
0x41: {  	[tilespmem:s18], [sflag:$0x3] =	stream.indirect_vreg.gather [hbm4b:s5+s2], $0x80, v3, vm0, $0xb8;
	[tilespmem:$0xEF00] =	vst v63  }
0x42: {  	v3 =	vld [tilespmem:$0x2790];
	_ =	sdelay $0x4  }
0x43: {  	v62 =	vshll.u32 v3, $0x1  }
0x44: {  	v3 =	vand.u32 $0x7, v3;
	v4 =	vand.u32 $0xFFFFFFF0, v62  }
0x45: {  	v3 =	vor.u32 v3, v4  }
0x46: {  	v4 =	vperm.xlane v3, v0;
	_ =	sdelay $0x1  }
0x47: {  	v3 =	vperm.xlane v3, v2;
	v4 =	vadd.s32 v1, v4;
	_ =	sdelay $0x1  }
0x48: {  	v3 =	vadd.s32 v1, v3;
	_ =	sdelay $0x1  }
0x49: {  	s19 =	simm.s32 $0xAF00  }
0x4a: {  	[tilespmem:s19], [sflag:$0x3] =	stream.indirect_vreg.gather [hbm4b:s5+s2], $0x80, v4, vm0, $0xb8;
	[tilespmem:$0xEF00] =	vst v63  }
0x4b: {  	_ = 	snop  }
0x4c: {  	[tilespmem:s20], [sflag:$0x3] =	stream.indirect_vreg.gather [hbm4b:s5+s2], $0x80, v3, vm0, $0xb8;
	[tilespmem:$0xEF00] =	vst v63  }
0x4d: {  	v3 =	vld.msk [tilespmem:$0x27A0], $0xff;
	_ =	sdelay $0x4  }
0x4e: {  	v63 =	vshll.u32 v3, $0x1  }
0x4f: {  	v3 =	vand.u32 $0x7, v3;
	v4 =	vand.u32 $0xFFFFFFF0, v63  }
0x50: {  	v3 =	vor.u32 v3, v4  }
0x51: {  	v3 =	vperm.xlane v3, v0;
	_ =	sdelay $0x1  }
0x52: {  	v3 =	vadd.s32 v1, v3;
	_ =	sdelay $0x3  }
0x53: {  	s9 =	simm.s32 $0x0  }
0x54: {  	[tilespmem:s21], [sflag:$0x3] =	stream.indirect_vreg.gather [hbm4b:s5+s2], $0x80, v3, vm0, $0xb8;
	[tilespmem:$0xEF00] =	vst v63  }
.LBB2_2:
0x55: {  	s14 =	smul.u32 $0x50, s9;
	_ =	sdelay $0x1  }
0x56: {  	v3 =	vld [tilespmem:s14+$0x28];
	_ =	sdelay $0x4  }
0x57: {  	v4 =	vshll.u32 v3, $0x1  }
0x58: {  	v3 =	vand.u32 $0x7, v3;
	v4 =	vand.u32 $0xFFFFFFF0, v4  }
0x59: {  	v3 =	vor.u32 v3, v4  }
0x5a: {  	v4 =	vperm.xlane v3, v0;
	_ =	sdelay $0x1  }
0x5b: {  	v3 =	vperm.xlane v3, v2;
	v4 =	vadd.s32 v1, v4;
	_ =	sdelay $0x1  }
0x5c: {  	v3 =	vadd.s32 v1, v3;
	_ =	sdelay $0x1  }
0x5d: {  	s13 =	simm.s32 $0x0  }
0x5e: {  	[tilespmem:s22], [sflag:$0x2] =	stream.indirect_vreg.gather [hbm4b:s4+s13], $0x80, v4, vm0, $0xb8;
	[tilespmem:$0xEF00] =	vst v63  }
0x5f: {  	_ = 	snop  }
0x60: {  	[tilespmem:s23], [sflag:$0x2] =	stream.indirect_vreg.gather [hbm4b:s4+s13], $0x80, v3, vm0, $0xb8;
	[tilespmem:$0xEF00] =	vst v63  }
0x61: {  	v3 =	vld [tilespmem:s14+$0x38];
	_ =	sdelay $0x4  }
0x62: {  	v4 =	vshll.u32 v3, $0x1  }
0x63: {  	v3 =	vand.u32 $0x7, v3;
	v4 =	vand.u32 $0xFFFFFFF0, v4  }
0x64: {  	v3 =	vor.u32 v3, v4  }
0x65: {  	v4 =	vperm.xlane v3, v0;
	_ =	sdelay $0x1  }
0x66: {  	v3 =	vperm.xlane v3, v2;
	v4 =	vadd.s32 v1, v4;
	_ =	sdelay $0x1  }
0x67: {  	v3 =	vadd.s32 v1, v3;
	_ =	sdelay $0x2  }
0x68: {  	[tilespmem:s24], [sflag:$0x2] =	stream.indirect_vreg.gather [hbm4b:s4+s13], $0x80, v4, vm0, $0xb8;
	[tilespmem:$0xEF00] =	vst v63  }
0x69: {  	_ = 	snop  }
0x6a: {  	[tilespmem:s25], [sflag:$0x2] =	stream.indirect_vreg.gather [hbm4b:s4+s13], $0x80, v3, vm0, $0xb8;
	[tilespmem:$0xEF00] =	vst v63  }
0x6b: {  	v3 =	vld.msk [tilespmem:s14+$0x48], $0xff;
	_ =	sdelay $0x4  }
0x6c: {  	v4 =	vshll.u32 v3, $0x1  }
0x6d: {  	v3 =	vand.u32 $0x7, v3;
	v4 =	vand.u32 $0xFFFFFFF0, v4  }
0x6e: {  	v3 =	vor.u32 v3, v4  }
0x6f: {  	v3 =	vperm.xlane v3, v0;
	_ =	sdelay $0x1  }
0x70: {  	v3 =	vadd.s32 v1, v3;
	_ =	sdelay $0x4  }
0x71: {  	[tilespmem:s26], [sflag:$0x2] =	stream.indirect_vreg.gather [hbm4b:s4+s13], $0x80, v3, vm0, $0xb8;
	[tilespmem:$0xEF00] =	vst v63  }
0x72: {  	v3 =	vld [tilespmem:s14+$0x27A8];
	_ =	sdelay $0x4  }
0x73: {  	v4 =	vshll.u32 v3, $0x1  }
0x74: {  	v3 =	vand.u32 $0x7, v3;
	v4 =	vand.u32 $0xFFFFFFF0, v4  }
0x75: {  	v3 =	vor.u32 v3, v4  }
0x76: {  	v4 =	vperm.xlane v3, v0;
	_ =	sdelay $0x1  }
0x77: {  	v3 =	vperm.xlane v3, v2;
	v4 =	vadd.s32 v1, v4;
	_ =	sdelay $0x1  }
0x78: {  	v3 =	vadd.s32 v1, v3;
	_ =	sdelay $0x2  }
0x79: {  	[tilespmem:s28], [sflag:$0x4] =	stream.indirect_vreg.gather [hbm4b:s5+s13], $0x80, v4, vm0, $0xb8;
	[tilespmem:$0xEF00] =	vst v63  }
0x7a: {  	_ = 	snop  }
0x7b: {  	[tilespmem:s29], [sflag:$0x4] =	stream.indirect_vreg.gather [hbm4b:s5+s13], $0x80, v3, vm0, $0xb8;
	[tilespmem:$0xEF00] =	vst v63  }
0x7c: {  	v3 =	vld [tilespmem:s14+$0x27B8];
	_ =	sdelay $0x4  }
0x7d: {  	v4 =	vshll.u32 v3, $0x1  }
0x7e: {  	v3 =	vand.u32 $0x7, v3;
	v4 =	vand.u32 $0xFFFFFFF0, v4  }
0x7f: {  	v3 =	vor.u32 v3, v4  }
0x80: {  	v4 =	vperm.xlane v3, v0;
	_ =	sdelay $0x1  }
0x81: {  	v3 =	vperm.xlane v3, v2;
	v4 =	vadd.s32 v1, v4;
	_ =	sdelay $0x1  }
0x82: {  	v3 =	vadd.s32 v1, v3;
	_ =	sdelay $0x2  }
0x83: {  	[tilespmem:s30], [sflag:$0x4] =	stream.indirect_vreg.gather [hbm4b:s5+s13], $0x80, v4, vm0, $0xb8;
	[tilespmem:$0xEF00] =	vst v63  }
0x84: {  	_ = 	snop  }
0x85: {  	[tilespmem:s31], [sflag:$0x4] =	stream.indirect_vreg.gather [hbm4b:s5+s13], $0x80, v3, vm0, $0xb8;
	[tilespmem:$0xEF00] =	vst v63  }
0x86: {  	v3 =	vld.msk [tilespmem:s14+$0x27C8], $0xff;
	_ =	sdelay $0x4  }
0x87: {  	v4 =	vshll.u32 v3, $0x1  }
0x88: {  	v3 =	vand.u32 $0x7, v3;
	v4 =	vand.u32 $0xFFFFFFF0, v4  }
0x89: {  	v3 =	vor.u32 v3, v4  }
0x8a: {  	v3 =	vperm.xlane v3, v0;
	_ =	sdelay $0x1  }
0x8b: {  	v3 =	vadd.s32 v1, v3;
	_ =	sdelay $0x4  }
0x8c: {  	[tilespmem:s0], [sflag:$0x4] =	stream.indirect_vreg.gather [hbm4b:s5+s13], $0x80, v3, vm0, $0xb8;
	[tilespmem:$0xEF00] =	vst v63  }
0x8d: {  	_ =	swait.ge [sflag:s1], $0x2800  }
0x8e: {  	[sflag:s1] =	ssyncset.done $0x0  }
0x8f: {  	[sflag:s1] =	ssyncadd.s32 $0xFFFFD800  }
0x90: {  	_ =	swait.ge [sflag:s11], $0x2800  }
0x91: {  	s15 =	sand.u32 $0x3800, s13;
	s13 =	sand.u32 $0x380, s13;
	[sflag:s11] =	ssyncset.done $0x0  }
0x92: {  	s15 =	sor.u32 s13, s15;
	[sflag:s11] =	ssyncadd.s32 $0xFFFFD800  }
0x93: {  	v10 =	vld [tilespmem:s15+$0x9F00]  }
0x94: {  	v11 =	vld [tilespmem:s15+$0x9F10]  }
0x95: {  	v12 =	vld [tilespmem:s15+$0x9F20]  }
0x96: {  	v13 =	vld [tilespmem:s15+$0x9F30]  }
0x97: {  	v14 =	vld [tilespmem:s15+$0x9F40]  }
0x98: {  	v15 =	vld [tilespmem:s15+$0x9F50]  }
0x99: {  	v16 =	vld [tilespmem:s15+$0x9F60]  }
0x9a: {  	v17 =	vld [tilespmem:s15+$0x9F70]  }
0x9b: {  	v18 =	vld [tilespmem:s15+$0xA300]  }
0x9c: {  	v9 =	vld [tilespmem:s15+$0xA310]  }
0x9d: {  	v8 =	vld [tilespmem:s15+$0xA320]  }
0x9e: {  	v7 =	vld [tilespmem:s15+$0xA330]  }
0x9f: {  	v6 =	vld [tilespmem:s15+$0xA340]  }
0xa0: {  	v5 =	vld [tilespmem:s15+$0xA350]  }
0xa1: {  	v4 =	vld [tilespmem:s15+$0xA360]  }
0xa2: {  	v3 =	vld [tilespmem:s15+$0xA370]  }
0xa3: {  	v19 =	vld [tilespmem:s15+$0x4F00]  }
0xa4: {  	v20 =	vld [tilespmem:s15+$0x4F10]  }
0xa5: {  	v21 =	vld [tilespmem:s15+$0x4F20]  }
0xa6: {  	v22 =	vld [tilespmem:s15+$0x4F30]  }
0xa7: {  	v23 =	vld [tilespmem:s15+$0x4F40]  }
0xa8: {  	v10 =	vadd.f32 v10, v19;
	v19 =	vld [tilespmem:s15+$0x4F50]  }
0xa9: {  	v61 =	vld [tilespmem:s15+$0x4F60];
	v11 =	vadd.f32 v11, v20  }
0xaa: {  	v62 =	vld [tilespmem:s15+$0x4F70];
	[tilespmem:s15+$0x4F00] =	vst v10;
	v10 =	vadd.f32 v12, v21  }
0xab: {  	v63 =	vld [tilespmem:s15+$0x5300];
	[tilespmem:s15+$0x4F10] =	vst v11;
	v11 =	vadd.f32 v13, v22  }
0xac: {  	v13 =	vld [tilespmem:s15+$0x5310];
	[tilespmem:s15+$0x4F20] =	vst v10;
	v10 =	vadd.f32 v14, v23  }
0xad: {  	v12 =	vld [tilespmem:s15+$0x5320];
	[tilespmem:s15+$0x4F30] =	vst v11;
	v11 =	vadd.f32 v15, v19  }
0xae: {  	v14 =	vadd.f32 v16, v61;
	[tilespmem:s15+$0x4F40] =	vst v10;
	v10 =	vld [tilespmem:s15+$0x5330]  }
0xaf: {  	v16 =	vadd.f32 v17, v62;
	[tilespmem:s15+$0x4F50] =	vst v11;
	v11 =	vld [tilespmem:s15+$0x5340]  }
0xb0: {  	s16 =	simm.s32 $0x80;
	s17 =	simm.s32 $0x100;
	s13 =	sadd.s32 $0x28, s14;
	v15 =	vadd.f32 v18, v63;
	[tilespmem:s15+$0x4F60] =	vst v14;
	v14 =	vld [tilespmem:s15+$0x5350]  }
.LBB2_3:
0xb1: {  	s18 =	sand.u32 $0x3800, s17;
	s19 =	sand.u32 $0x380, s16;
	p0 =	sne.s32 s17, $0x2700;
	[tilespmem:s15+$0x4F70] =	vst v16;
	v9 =	vadd.f32 v9, v13;
	v13 =	vld [tilespmem:s15+$0x5360]  }
0xb2: {  	s18 =	sor.u32 s19, s18;
	[tilespmem:s15+$0x5300] =	vst v15;
	v8 =	vadd.f32 v8, v12;
	v12 =	vld [tilespmem:s15+$0x5370]  }
0xb3: {  	v15 =	vld [tilespmem:s18+$0x9F00];
	[tilespmem:s15+$0x5310] =	vst v9;
	v7 =	vadd.f32 v7, v10  }
0xb4: {  	v10 =	vld [tilespmem:s18+$0x9F10];
	[tilespmem:s15+$0x5320] =	vst v8;
	v6 =	vadd.f32 v6, v11  }
0xb5: {  	v11 =	vld [tilespmem:s18+$0x9F20];
	[tilespmem:s15+$0x5330] =	vst v7;
	v5 =	vadd.f32 v5, v14  }
0xb6: {  	v14 =	vld [tilespmem:s18+$0x9F30];
	[tilespmem:s15+$0x5340] =	vst v6;
	v4 =	vadd.f32 v4, v13  }
0xb7: {  	v13 =	vld [tilespmem:s18+$0x9F40];
	[tilespmem:s15+$0x5350] =	vst v5;
	v3 =	vadd.f32 v3, v12  }
0xb8: {  	v12 =	vld [tilespmem:s18+$0x9F50];
	[tilespmem:s15+$0x5360] =	vst v4  }
0xb9: {  	v16 =	vld [tilespmem:s18+$0x9F60];
	[tilespmem:s15+$0x5370] =	vst v3;
	s15 =	smov.u32 s18  }
0xba: {  	v17 =	vld [tilespmem:s15+$0x9F70]  }
0xbb: {  	v18 =	vld [tilespmem:s15+$0xA300]  }
0xbc: {  	v9 =	vld [tilespmem:s15+$0xA310]  }
0xbd: {  	v8 =	vld [tilespmem:s15+$0xA320]  }
0xbe: {  	v7 =	vld [tilespmem:s15+$0xA330]  }
0xbf: {  	v6 =	vld [tilespmem:s15+$0xA340]  }
0xc0: {  	v5 =	vld [tilespmem:s15+$0xA350]  }
0xc1: {  	v4 =	vld [tilespmem:s15+$0xA360]  }
0xc2: {  	v3 =	vld [tilespmem:s15+$0xA370]  }
0xc3: {  	v19 =	vld [tilespmem:s15+$0x4F00]  }
0xc4: {  	v20 =	vld [tilespmem:s15+$0x4F10]  }
0xc5: {  	v21 =	vld [tilespmem:s15+$0x4F20]  }
0xc6: {  	v22 =	vld [tilespmem:s15+$0x4F30]  }
0xc7: {  	v23 =	vld [tilespmem:s15+$0x4F40]  }
0xc8: {  	v15 =	vadd.f32 v15, v19;
	v19 =	vld [tilespmem:s15+$0x4F50]  }
0xc9: {  	v10 =	vadd.f32 v10, v20;
	v20 =	vld [tilespmem:s15+$0x4F60]  }
0xca: {  	[tilespmem:s15+$0x4F00] =	vst v15;
	v11 =	vadd.f32 v11, v21;
	v15 =	vld [tilespmem:s15+$0x4F70]  }
0xcb: {  	[tilespmem:s15+$0x4F10] =	vst v10;
	v10 =	vadd.f32 v14, v22;
	v14 =	vld [tilespmem:s15+$0x5300]  }
.Ltmp0:
0xcc: {  	[tilespmem:s15+$0x4F20] =	vst v11;
	v11 =	vadd.f32 v13, v23;
	v13 =	vld [tilespmem:s15+$0x5310];
	(pc) =	sbr.rel @p0 .LBB2_3-.Ltmp0, $4  }
0xcd: {  	[tilespmem:s15+$0x4F30] =	vst v10;
	v19 =	vadd.f32 v12, v19;
	v12 =	vld [tilespmem:s15+$0x5320]  }
0xce: {  	[tilespmem:s15+$0x4F40] =	vst v11;
	v20 =	vadd.f32 v16, v20;
	v10 =	vld [tilespmem:s15+$0x5330]  }
0xcf: {  	[tilespmem:s15+$0x4F50] =	vst v19;
	v16 =	vadd.f32 v17, v15;
	v11 =	vld [tilespmem:s15+$0x5340]  }
0xd0: {  	s16 =	sadd.s32 $0x80, s16;
	s17 =	sadd.s32 $0x100, s17;
	[tilespmem:s15+$0x4F60] =	vst v20;
	v15 =	vadd.f32 v18, v14;
	v14 =	vld [tilespmem:s15+$0x5350]  }
0xd1: {  	[tilespmem:s15+$0x4F70] =	vst v16;
	v9 =	vadd.f32 v9, v13;
	v62 =	vld [tilespmem:s15+$0x5360]  }
0xd2: {  	v63 =	vld [tilespmem:s15+$0x5370];
	[tilespmem:s15+$0x5300] =	vst v15;
	v8 =	vadd.f32 v8, v12  }
0xd3: {  	[tilespmem:s15+$0x5310] =	vst v9;
	v7 =	vadd.f32 v7, v10  }
0xd4: {  	[tilespmem:s15+$0x5320] =	vst v8;
	v6 =	vadd.f32 v6, v11  }
0xd5: {  	[tilespmem:s15+$0x5330] =	vst v7;
	v5 =	vadd.f32 v5, v14  }
0xd6: {  	[tilespmem:s15+$0x5340] =	vst v6;
	v4 =	vadd.f32 v4, v62  }
0xd7: {  	s16 =	sadd.s32 s3, s14;
	v3 =	vadd.f32 v3, v63;
	[tilespmem:s15+$0x5350] =	vst v5  }
0xd8: {  	p0 =	seq.s32 s9, $0x7C;
	s16 =	sshll.u32 s16, $0x5;
	[tilespmem:s15+$0x5360] =	vst v4  }
.Ltmp1:
0xd9: {  	s19 =	sadd.s32 s6, s16;
	[tilespmem:s15+$0x5370] =	vst v3;
	(pc) =	sbr.rel @p0 .LBB2_6-.Ltmp1, $4  }
0xda: {  	[hbm4b:s19+s2] =	stream.linear.scatter [tilespmem:s12], [sflag:$0x5], $0x2800, $0x38;
	[tilespmem:$0xEF00] =	vst v63  }
0xdb: {  	_ =	swait.ge [sflag:s10], $0x2800  }
0xdc: {  	[sflag:s10] =	ssyncset.done $0x0  }
0xdd: {  	[sflag:s10] =	ssyncadd.s32 $0xFFFFD800  }
0xde: {  	v3 =	vld [tilespmem:s14+$0x50];
	_ =	sdelay $0x4  }
0xdf: {  	v4 =	vshll.u32 v3, $0x1  }
0xe0: {  	v3 =	vand.u32 $0x7, v3;
	v4 =	vand.u32 $0xFFFFFFF0, v4  }
0xe1: {  	v3 =	vor.u32 v3, v4  }
0xe2: {  	v4 =	vperm.xlane v3, v0;
	_ =	sdelay $0x1  }
0xe3: {  	v3 =	vperm.xlane v3, v2;
	v4 =	vadd.s32 v1, v4;
	_ =	sdelay $0x1  }
0xe4: {  	v3 =	vadd.s32 v1, v3;
	_ =	sdelay $0x2  }
0xe5: {  	[tilespmem:s12], [sflag:$0x1] =	stream.indirect_vreg.gather [hbm4b:s4+s2], $0x80, v4, vm0, $0xb8;
	[tilespmem:$0xEF00] =	vst v63  }
0xe6: {  	s15 =	simm.s32 $0x5700  }
0xe7: {  	[tilespmem:s15], [sflag:$0x1] =	stream.indirect_vreg.gather [hbm4b:s4+s2], $0x80, v3, vm0, $0xb8;
	[tilespmem:$0xEF00] =	vst v63  }
0xe8: {  	v3 =	vld [tilespmem:s14+$0x60];
	_ =	sdelay $0x4  }
0xe9: {  	v59 =	vshll.u32 v3, $0x1  }
0xea: {  	v3 =	vand.u32 $0x7, v3;
	v4 =	vand.u32 $0xFFFFFFF0, v59  }
0xeb: {  	v3 =	vor.u32 v3, v4  }
0xec: {  	v4 =	vperm.xlane v3, v0;
	_ =	sdelay $0x1  }
0xed: {  	v3 =	vperm.xlane v3, v2;
	v4 =	vadd.s32 v1, v4;
	_ =	sdelay $0x1  }
0xee: {  	v3 =	vadd.s32 v1, v3;
	_ =	sdelay $0x1  }
0xef: {  	s18 =	simm.s32 $0x5F00  }
0xf0: {  	[tilespmem:s18], [sflag:$0x1] =	stream.indirect_vreg.gather [hbm4b:s4+s2], $0x80, v4, vm0, $0xb8;
	[tilespmem:$0xEF00] =	vst v63  }
0xf1: {  	s19 =	simm.s32 $0x6700  }
0xf2: {  	[tilespmem:s19], [sflag:$0x1] =	stream.indirect_vreg.gather [hbm4b:s4+s2], $0x80, v3, vm0, $0xb8;
	[tilespmem:$0xEF00] =	vst v63  }
0xf3: {  	v3 =	vld.msk [tilespmem:s14+$0x70], $0xff;
	_ =	sdelay $0x4  }
0xf4: {  	v60 =	vshll.u32 v3, $0x1  }
0xf5: {  	v3 =	vand.u32 $0x7, v3;
	v4 =	vand.u32 $0xFFFFFFF0, v60  }
0xf6: {  	v3 =	vor.u32 v3, v4  }
0xf7: {  	v3 =	vperm.xlane v3, v0;
	_ =	sdelay $0x1  }
0xf8: {  	v3 =	vadd.s32 v1, v3;
	_ =	sdelay $0x3  }
0xf9: {  	s16 =	simm.s32 $0x6F00  }
0xfa: {  	[tilespmem:s16], [sflag:$0x1] =	stream.indirect_vreg.gather [hbm4b:s4+s2], $0x80, v3, vm0, $0xb8;
	[tilespmem:$0xEF00] =	vst v63  }
0xfb: {  	v3 =	vld [tilespmem:s14+$0x27D0];
	_ =	sdelay $0x4  }
0xfc: {  	v61 =	vshll.u32 v3, $0x1  }
0xfd: {  	v3 =	vand.u32 $0x7, v3;
	v4 =	vand.u32 $0xFFFFFFF0, v61  }
0xfe: {  	v3 =	vor.u32 v3, v4  }
0xff: {  	v4 =	vperm.xlane v3, v0;
	_ =	sdelay $0x1  }
0x100: {  	v3 =	vperm.xlane v3, v2;
	v4 =	vadd.s32 v1, v4;
	_ =	sdelay $0x1  }
0x101: {  	v3 =	vadd.s32 v1, v3;
	_ =	sdelay $0x1  }
0x102: {  	s17 =	simm.s32 $0x9F00  }
0x103: {  	[tilespmem:s17], [sflag:$0x3] =	stream.indirect_vreg.gather [hbm4b:s5+s2], $0x80, v4, vm0, $0xb8;
	[tilespmem:$0xEF00] =	vst v63  }
0x104: {  	s18 =	simm.s32 $0xA700  }
0x105: {  	[tilespmem:s18], [sflag:$0x3] =	stream.indirect_vreg.gather [hbm4b:s5+s2], $0x80, v3, vm0, $0xb8;
	[tilespmem:$0xEF00] =	vst v63  }
0x106: {  	v3 =	vld [tilespmem:s14+$0x27E0];
	_ =	sdelay $0x4  }
0x107: {  	v62 =	vshll.u32 v3, $0x1  }
0x108: {  	v3 =	vand.u32 $0x7, v3;
	v4 =	vand.u32 $0xFFFFFFF0, v62  }
0x109: {  	v3 =	vor.u32 v3, v4  }
0x10a: {  	v4 =	vperm.xlane v3, v0;
	_ =	sdelay $0x1  }
0x10b: {  	v3 =	vperm.xlane v3, v2;
	v4 =	vadd.s32 v1, v4;
	_ =	sdelay $0x1  }
0x10c: {  	v3 =	vadd.s32 v1, v3;
	_ =	sdelay $0x1  }
0x10d: {  	s19 =	simm.s32 $0xAF00  }
0x10e: {  	[tilespmem:s19], [sflag:$0x3] =	stream.indirect_vreg.gather [hbm4b:s5+s2], $0x80, v4, vm0, $0xb8;
	[tilespmem:$0xEF00] =	vst v63  }
0x10f: {  	_ = 	snop  }
0x110: {  	[tilespmem:s20], [sflag:$0x3] =	stream.indirect_vreg.gather [hbm4b:s5+s2], $0x80, v3, vm0, $0xb8;
	[tilespmem:$0xEF00] =	vst v63  }
0x111: {  	v3 =	vld.msk [tilespmem:s14+$0x27F0], $0xff;
	_ =	sdelay $0x4  }
0x112: {  	v63 =	vshll.u32 v3, $0x1  }
0x113: {  	v3 =	vand.u32 $0x7, v3;
	v4 =	vand.u32 $0xFFFFFFF0, v63  }
0x114: {  	v3 =	vor.u32 v3, v4  }
0x115: {  	v3 =	vperm.xlane v3, v0;
	_ =	sdelay $0x1  }
0x116: {  	v3 =	vadd.s32 v1, v3;
	_ =	sdelay $0x4  }
0x117: {  	[tilespmem:s21], [sflag:$0x3] =	stream.indirect_vreg.gather [hbm4b:s5+s2], $0x80, v3, vm0, $0xb8;
	[tilespmem:$0xEF00] =	vst v63  }
.LBB2_6:
0x118: {  	_ =	swait.ge [sflag:s7], $0x2800  }
0x119: {  	[sflag:s7] =	ssyncset.done $0x0  }
0x11a: {  	[sflag:s7] =	ssyncadd.s32 $0xFFFFD800  }
0x11b: {  	s14 =	simm.s32 $0x0;
	_ =	swait.ge [sflag:s8], $0x2800  }
0x11c: {  	s15 =	sand.u32 $0x3800, s14;
	s14 =	sand.u32 $0x380, s14;
	[sflag:s8] =	ssyncset.done $0x0  }
0x11d: {  	s14 =	sor.u32 s14, s15;
	[sflag:s8] =	ssyncadd.s32 $0xFFFFD800  }
0x11e: {  	v10 =	vld [tilespmem:s14+$0xC700]  }
0x11f: {  	v11 =	vld [tilespmem:s14+$0xC710]  }
0x120: {  	v12 =	vld [tilespmem:s14+$0xC720]  }
0x121: {  	v13 =	vld [tilespmem:s14+$0xC730]  }
0x122: {  	v14 =	vld [tilespmem:s14+$0xC740]  }
0x123: {  	v15 =	vld [tilespmem:s14+$0xC750]  }
0x124: {  	v16 =	vld [tilespmem:s14+$0xC760]  }
0x125: {  	v17 =	vld [tilespmem:s14+$0xC770]  }
0x126: {  	v18 =	vld [tilespmem:s14+$0xCB00]  }
0x127: {  	v9 =	vld [tilespmem:s14+$0xCB10]  }
0x128: {  	v8 =	vld [tilespmem:s14+$0xCB20]  }
0x129: {  	v7 =	vld [tilespmem:s14+$0xCB30]  }
0x12a: {  	v6 =	vld [tilespmem:s14+$0xCB40]  }
0x12b: {  	v5 =	vld [tilespmem:s14+$0xCB50]  }
0x12c: {  	v4 =	vld [tilespmem:s14+$0xCB60]  }
0x12d: {  	v3 =	vld [tilespmem:s14+$0xCB70]  }
0x12e: {  	v19 =	vld [tilespmem:s14+$0x7700]  }
0x12f: {  	v20 =	vld [tilespmem:s14+$0x7710]  }
0x130: {  	v21 =	vld [tilespmem:s14+$0x7720]  }
0x131: {  	v22 =	vld [tilespmem:s14+$0x7730]  }
0x132: {  	v23 =	vld [tilespmem:s14+$0x7740]  }
0x133: {  	v10 =	vadd.f32 v10, v19;
	v19 =	vld [tilespmem:s14+$0x7750]  }
0x134: {  	v61 =	vld [tilespmem:s14+$0x7760];
	v11 =	vadd.f32 v11, v20  }
0x135: {  	v62 =	vld [tilespmem:s14+$0x7770];
	[tilespmem:s14+$0x7700] =	vst v10;
	v10 =	vadd.f32 v12, v21  }
0x136: {  	v63 =	vld [tilespmem:s14+$0x7B00];
	[tilespmem:s14+$0x7710] =	vst v11;
	v11 =	vadd.f32 v13, v22  }
0x137: {  	v13 =	vld [tilespmem:s14+$0x7B10];
	[tilespmem:s14+$0x7720] =	vst v10;
	v10 =	vadd.f32 v14, v23  }
0x138: {  	v12 =	vld [tilespmem:s14+$0x7B20];
	[tilespmem:s14+$0x7730] =	vst v11;
	v11 =	vadd.f32 v15, v19  }
0x139: {  	v14 =	vadd.f32 v16, v61;
	[tilespmem:s14+$0x7740] =	vst v10;
	v10 =	vld [tilespmem:s14+$0x7B30]  }
0x13a: {  	v16 =	vadd.f32 v17, v62;
	[tilespmem:s14+$0x7750] =	vst v11;
	v11 =	vld [tilespmem:s14+$0x7B40]  }
0x13b: {  	s16 =	simm.s32 $0x100;
	s15 =	simm.s32 $0x80;
	v15 =	vadd.f32 v18, v63;
	[tilespmem:s14+$0x7760] =	vst v14;
	v14 =	vld [tilespmem:s14+$0x7B50]  }
.LBB2_7:
0x13c: {  	s17 =	sand.u32 $0x3800, s16;
	s18 =	sand.u32 $0x380, s15;
	p0 =	sne.s32 s16, $0x2700;
	[tilespmem:s14+$0x7770] =	vst v16;
	v9 =	vadd.f32 v9, v13;
	v13 =	vld [tilespmem:s14+$0x7B60]  }
0x13d: {  	s17 =	sor.u32 s18, s17;
	[tilespmem:s14+$0x7B00] =	vst v15;
	v8 =	vadd.f32 v8, v12;
	v12 =	vld [tilespmem:s14+$0x7B70]  }
0x13e: {  	v15 =	vld [tilespmem:s17+$0xC700];
	[tilespmem:s14+$0x7B10] =	vst v9;
	v7 =	vadd.f32 v7, v10  }
0x13f: {  	v10 =	vld [tilespmem:s17+$0xC710];
	[tilespmem:s14+$0x7B20] =	vst v8;
	v6 =	vadd.f32 v6, v11  }
0x140: {  	v11 =	vld [tilespmem:s17+$0xC720];
	[tilespmem:s14+$0x7B30] =	vst v7;
	v5 =	vadd.f32 v5, v14  }
0x141: {  	v14 =	vld [tilespmem:s17+$0xC730];
	[tilespmem:s14+$0x7B40] =	vst v6;
	v4 =	vadd.f32 v4, v13  }
0x142: {  	v13 =	vld [tilespmem:s17+$0xC740];
	[tilespmem:s14+$0x7B50] =	vst v5;
	v3 =	vadd.f32 v3, v12  }
0x143: {  	v12 =	vld [tilespmem:s17+$0xC750];
	[tilespmem:s14+$0x7B60] =	vst v4  }
0x144: {  	v16 =	vld [tilespmem:s17+$0xC760];
	[tilespmem:s14+$0x7B70] =	vst v3;
	s14 =	smov.u32 s17  }
0x145: {  	v17 =	vld [tilespmem:s14+$0xC770]  }
0x146: {  	v18 =	vld [tilespmem:s14+$0xCB00]  }
0x147: {  	v9 =	vld [tilespmem:s14+$0xCB10]  }
0x148: {  	v8 =	vld [tilespmem:s14+$0xCB20]  }
0x149: {  	v7 =	vld [tilespmem:s14+$0xCB30]  }
0x14a: {  	v6 =	vld [tilespmem:s14+$0xCB40]  }
0x14b: {  	v5 =	vld [tilespmem:s14+$0xCB50]  }
0x14c: {  	v4 =	vld [tilespmem:s14+$0xCB60]  }
0x14d: {  	v3 =	vld [tilespmem:s14+$0xCB70]  }
0x14e: {  	v19 =	vld [tilespmem:s14+$0x7700]  }
0x14f: {  	v20 =	vld [tilespmem:s14+$0x7710]  }
0x150: {  	v21 =	vld [tilespmem:s14+$0x7720]  }
0x151: {  	v22 =	vld [tilespmem:s14+$0x7730]  }
0x152: {  	v23 =	vld [tilespmem:s14+$0x7740]  }
0x153: {  	v15 =	vadd.f32 v15, v19;
	v19 =	vld [tilespmem:s14+$0x7750]  }
0x154: {  	v10 =	vadd.f32 v10, v20;
	v20 =	vld [tilespmem:s14+$0x7760]  }
0x155: {  	[tilespmem:s14+$0x7700] =	vst v15;
	v11 =	vadd.f32 v11, v21;
	v15 =	vld [tilespmem:s14+$0x7770]  }
0x156: {  	[tilespmem:s14+$0x7710] =	vst v10;
	v10 =	vadd.f32 v14, v22;
	v14 =	vld [tilespmem:s14+$0x7B00]  }
.Ltmp2:
0x157: {  	[tilespmem:s14+$0x7720] =	vst v11;
	v11 =	vadd.f32 v13, v23;
	v13 =	vld [tilespmem:s14+$0x7B10];
	(pc) =	sbr.rel @p0 .LBB2_7-.Ltmp2, $4  }
0x158: {  	[tilespmem:s14+$0x7730] =	vst v10;
	v19 =	vadd.f32 v12, v19;
	v12 =	vld [tilespmem:s14+$0x7B20]  }
0x159: {  	[tilespmem:s14+$0x7740] =	vst v11;
	v20 =	vadd.f32 v16, v20;
	v10 =	vld [tilespmem:s14+$0x7B30]  }
0x15a: {  	[tilespmem:s14+$0x7750] =	vst v19;
	v16 =	vadd.f32 v17, v15;
	v11 =	vld [tilespmem:s14+$0x7B40]  }
0x15b: {  	s15 =	sadd.s32 $0x80, s15;
	s16 =	sadd.s32 $0x100, s16;
	[tilespmem:s14+$0x7760] =	vst v20;
	v15 =	vadd.f32 v18, v14;
	v14 =	vld [tilespmem:s14+$0x7B50]  }
0x15c: {  	[tilespmem:s14+$0x7770] =	vst v16;
	v9 =	vadd.f32 v9, v13;
	v62 =	vld [tilespmem:s14+$0x7B60]  }
0x15d: {  	v63 =	vld [tilespmem:s14+$0x7B70];
	[tilespmem:s14+$0x7B00] =	vst v15;
	v8 =	vadd.f32 v8, v12  }
0x15e: {  	[tilespmem:s14+$0x7B10] =	vst v9;
	v7 =	vadd.f32 v7, v10  }
0x15f: {  	[tilespmem:s14+$0x7B20] =	vst v8;
	v6 =	vadd.f32 v6, v11  }
0x160: {  	[tilespmem:s14+$0x7B30] =	vst v7;
	v5 =	vadd.f32 v5, v14  }
0x161: {  	[tilespmem:s14+$0x7B40] =	vst v6;
	v4 =	vadd.f32 v4, v62  }
0x162: {  	s13 =	sadd.s32 s3, s13;
	s9 =	sadd.s32 $0x1, s9;
	v3 =	vadd.f32 v3, v63;
	[tilespmem:s14+$0x7B50] =	vst v5  }
0x163: {  	s13 =	sshll.u32 s13, $0x5;
	p0 =	sne.s32 s9, $0x7D;
	[tilespmem:s14+$0x7B60] =	vst v4  }
.Ltmp3:
0x164: {  	s13 =	sadd.s32 s6, s13;
	[tilespmem:s14+$0x7B70] =	vst v3;
	(pc) =	sbr.rel @p0 .LBB2_2-.Ltmp3, $4  }
0x165: {  	[hbm4b:s13+s2] =	stream.linear.scatter [tilespmem:s22], [sflag:$0x5], $0x2800, $0x38;
	[tilespmem:$0xEF00] =	vst v63  }
0x166: {  	_ =	swait.ge [sflag:s10], $0x2800  }
0x167: {  	[sflag:s10] =	ssyncset.done $0x0  }
0x168: {  	[sflag:s10] =	ssyncadd.s32 $0xFFFFD800  }
0x169: {  	s13 =	rddreg [dreg:$0x5]  }
0x16a: {  	s9 =	rddreg [dreg:$0x4];
	s13 =	sadd.s32 $0x1, s13  }
0x16b: {  	p0 =	sne.s32 s13, s9  }
.Ltmp4:
0x16c: {  	_ = 	snop;
	(pc) =	sbr.rel @p0 .LBB2_1-.Ltmp4, $1  }
0x16d: {  	_ =	sdelay $0x3  }
0x16e: {  	_ =	sfence.sel $0x180000  }
0x16f: {  	[bflag:$0x0] =	sbarrier.arrive $0xFFFF  }
0x170: {  	_ =	strace $0x9000004D  }
0x171: {  	s0 =	stileid.u32;
	[bflag:$0x2] =	sbarrier.arrive $0xFFFF  }
0x172: {  	p0 =	sne.s32 s0, $0x0;
	s0 =	rddreg [dreg:$0x1]  }
0x173: {  	s0 =	sadd.s32 @!p0 $0x100000, s0  }
0x174: {  	[sflag:s0] =	ssyncadd.tile.s32 @!p0 $0x1;
	_ =	shalt  }
.Lfunc_end2:
_tile_overlayer_lowered:
.L_overlay_start_2:
0x175: {  	(tag) =	ssettag $0x2  }
0x176: {  	s0 =	rddreg [dreg:$0x0];
	s2 =	stileid.u32  }
0x177: {  	s1 =	rddreg [dreg:$0x1];
	p0 =	sne.s32 s2, $0x0  }
0x178: {  	s3 =	rddreg [dreg:$0x2];
	[bflag:$0x3] =	sbarrier.arrive $0xFFFF;
	s2 =	simm.s32 @!p0 $0x1C05  }
0x179: {  	[timem:s3], [sflag:s2] =	dma.local @!p0 [hbm:s0], s1  }
0x17a: {  	s0 =	simm.s32 @!p0 $0x5  }
0x17b: {  	_ =	swait.ge @!p0 [sflag:s0], s1  }
0x17c: {  	s1 =	ssub.s32 @!p0 $0x0, s1;
	[sflag:s0] =	ssyncset.done @!p0 $0x0  }
0x17d: {  	[sflag:s0] =	ssyncadd.s32 @!p0 s1  }
0x17e: {  	[bflag:$0x3] =	sbarrier.arrive $0xFFFF  }
0x17f: {  	_ =	shalt  }

// kernel: kernel.20.cloned.1.call-start
scs
__scs_entry_jumppad:
0x0: {  	(pc) =	sbr.rel $0x88, $3  }
0x1: {  	(tag) =	ssettag $0x0;
	lr =	simm.s32 $0x1  }
0x2: {  	[smem:$0x3F8E] =	sst lr;
	_ =	strace $0xD0000000  }
0x3: {  	_ = 	snop  }
0x4: {  	_ = 	snop  }
0x5: {  	_ = 	snop  }
0x6: {  	_ = 	snop  }
0x7: {  	_ = 	snop  }
__scs_overlays_trampoline_lowered:
0x8: {  	[smem:$0x3F9D] =	sst s0  }
0x9: {  	[smem:$0x3F9E] =	sst s1  }
0xa: {  	[smem:$0x3F9F] =	sst s2  }
0xb: {  	[smem:$0x3FA0] =	sst s3  }
0xc: {  	[smem:$0x3FA1] =	sst s4  }
0xd: {  	[smem:$0x3FA2] =	sst s5  }
0xe: {  	[smem:$0x3FA3] =	sst s6  }
0xf: {  	[smem:$0x3FA4] =	sst s7  }
0x10: {  	[smem:$0x3FA5] =	sst s8  }
0x11: {  	[smem:$0x3FA6] =	sst s9;
	s0 =	simm.s32 @!p0 $0x0  }
0x12: {  	s1 =	sld [smem:$0x3F8C];
	s0 =	simm.s32 @p0 $0x1  }
0x13: {  	[smem:$0x3FA7] =	sst s0;
	s0 =	simm.s32 @!p1 $0x0  }
0x14: {  	s2 =	sld [smem:$0x3F8B];
	s0 =	simm.s32 @p1 $0x1  }
0x15: {  	[smem:$0x3FA8] =	sst s0;
	s0 =	simm.s32 @!p2 $0x0  }
0x16: {  	s3 =	sld [smem:$0x3FDB];
	s0 =	simm.s32 @p2 $0x1  }
0x17: {  	s4 =	simm.s32 $0x1BF5;
	[smem:$0x3FAA] =	sst s0  }
0x18: {  	s0 =	sld [smem:$0x3F8D];
	_ =	swait.ge [sflag:s4], $0x0  }
0x19: {  	s7 =	sld [smem:$0x3F8E]  }
0x1a: {  	s8 =	sadd.s32 $0xFFFFE003, lr  }
0x1b: {  	s9 =	sadd.s32 $0xFFFFFEF7, lr;
	s5 =	simm.s32 $0xFFFFFFFF;
	p2 =	slt.u32 s8, $0xFFFFF086  }
0x1c: {  	p1 =	slt.u32 s9, $0xF7A;
	s5 =	simm.s32 @!p2 $0x0  }
0x1d: {  	s5 =	simm.s32 @p1 $0x1;
	p0 =	seq.s32 s7, s2  }
0x1e: {  	s7 =	smul.u32 @!p0 $0xF7A, s2;
	p2 =	seq.s32 @!p0 s5, $0x0  }
0x1f: {  	s9 =	smul.u32 $0xF7A, s1;
	s8 =	simm.s32 @!p0 $0x1BF5;
	p2 =	por !p2, p0  }
0x20: {  	[sflag:s8] =	ssyncset.s32 @!p0 $0xFFFFF086;
	s6 =	sadd.s32 @!p0 s3, s7;
	s7 =	simm.s32 @!p0 $0x108  }
0x21: {  	s3 =	sadd.s32 s3, s9;
	s6 =	sadd.s32 @!p0 $0x88, s6;
	s7 =	simm.s32 @p2 $0x1082  }
0x22: {  	[simem:s7], [sflag:s8] =	dma.local @!p0 [hbm:s6], $0xF7A  }
0x23: {  	s9 =	sor.u32 $0xD0000000, s2;
	s6 =	simm.s32 $0x108;
	_ =	swait.ge @!p0 [sflag:s8], $0x0  }
0x24: {  	s3 =	sadd.s32 $0x88, s3;
	s6 =	simm.s32 @!p1 $0x1082;
	[sflag:s4] =	ssyncset.s32 $0xFFFFF086  }
0x25: {  	[simem:s6], [sflag:s4] =	dma.local [hbm:s3], $0xF7A  }
0x26: {  	[smem:$0x3F8E] =	sst s1;
	(tag) =	ssettag s2;
	_ =	strace s9  }
0x27: {  	s1 =	sld [smem:$0x3F9E]  }
0x28: {  	s2 =	sld [smem:$0x3F9F]  }
0x29: {  	s4 =	sld [smem:$0x3FA1]  }
0x2a: {  	p0 =	seq.s32 s5, $0x0;
	s5 =	sld [smem:$0x3FA2]  }
0x2b: {  	s6 =	sld [smem:$0x3FA3]  }
0x2c: {  	s7 =	sld [smem:$0x3FA4]  }
0x2d: {  	s3 =	simm.s32 $0x108;
	s8 =	sld [smem:$0x3FA5]  }
0x2e: {  	s3 =	simm.s32 @!p0 $0x1082;
	s9 =	sld [smem:$0x3FA6]  }
0x2f: {  	lr =	sadd.s32 s0, s3;
	s0 =	sld [smem:$0x3F9D]  }
0x30: {  	s3 =	sld [smem:$0x3FA0]  }
0x31: {  	[smem:$0x3FA9] =	sst s10  }
0x32: {  	s10 =	sld [smem:$0x3FA7];
	_ =	sdelay $0x3  }
0x33: {  	p0 =	seq.s32 s10, $0x1;
	s10 =	sld [smem:$0x3FA9];
	_ =	sdelay $0x3  }
0x34: {  	[smem:$0x3FA9] =	sst s10  }
0x35: {  	s10 =	sld [smem:$0x3FA8];
	_ =	sdelay $0x3  }
0x36: {  	p1 =	seq.s32 s10, $0x1;
	s10 =	sld [smem:$0x3FA9];
	_ =	sdelay $0x3  }
0x37: {  	[smem:$0x3FA9] =	sst s10  }
0x38: {  	s10 =	sld [smem:$0x3FAA]  }
0x39: {  	_ = 	snop;
	(pc) =	sbr.ind lr, $3  }
0x3a: {  	_ = 	snop  }
0x3b: {  	_ = 	snop  }
0x3c: {  	p2 =	seq.s32 s10, $0x1;
	s10 =	sld [smem:$0x3FA9]  }
0x3d: {  	_ =	shalt  }
0x3e: {  	_ =	shalt  }
0x3f: {  	_ =	shalt  }
0x40: {  	_ =	shalt  }
0x41: {  	_ =	shalt  }
0x42: {  	_ =	shalt  }
0x43: {  	_ =	shalt  }
0x44: {  	_ =	shalt  }
0x45: {  	_ =	shalt  }
0x46: {  	_ =	shalt  }
0x47: {  	_ =	shalt  }
0x48: {  	_ =	shalt  }
0x49: {  	_ =	shalt  }
0x4a: {  	_ =	shalt  }
0x4b: {  	_ =	shalt  }
0x4c: {  	_ =	shalt  }
0x4d: {  	_ =	shalt  }
0x4e: {  	_ =	shalt  }
0x4f: {  	_ =	shalt  }
0x50: {  	_ =	shalt  }
0x51: {  	_ =	shalt  }
0x52: {  	_ =	shalt  }
0x53: {  	_ =	shalt  }
0x54: {  	_ =	shalt  }
0x55: {  	_ =	shalt  }
0x56: {  	_ =	shalt  }
0x57: {  	_ =	shalt  }
0x58: {  	_ =	shalt  }
0x59: {  	_ =	shalt  }
0x5a: {  	_ =	shalt  }
0x5b: {  	_ =	shalt  }
0x5c: {  	_ =	shalt  }
0x5d: {  	_ =	shalt  }
0x5e: {  	_ =	shalt  }
0x5f: {  	_ =	shalt  }
0x60: {  	_ =	shalt  }
0x61: {  	_ =	shalt  }
0x62: {  	_ =	shalt  }
0x63: {  	_ =	shalt  }
0x64: {  	_ =	shalt  }
0x65: {  	_ =	shalt  }
0x66: {  	_ =	shalt  }
0x67: {  	_ =	shalt  }
0x68: {  	_ =	shalt  }
0x69: {  	_ =	shalt  }
0x6a: {  	_ =	shalt  }
0x6b: {  	_ =	shalt  }
0x6c: {  	_ =	shalt  }
0x6d: {  	_ =	shalt  }
0x6e: {  	_ =	shalt  }
0x6f: {  	_ =	shalt  }
0x70: {  	_ =	shalt  }
0x71: {  	_ =	shalt  }
0x72: {  	_ =	shalt  }
0x73: {  	_ =	shalt  }
0x74: {  	_ =	shalt  }
0x75: {  	_ =	shalt  }
0x76: {  	_ =	shalt  }
0x77: {  	_ =	shalt  }
0x78: {  	_ =	shalt  }
0x79: {  	_ =	shalt  }
0x7a: {  	_ =	shalt  }
0x7b: {  	_ =	shalt  }
0x7c: {  	_ =	shalt  }
0x7d: {  	_ =	shalt  }
0x7e: {  	_ =	shalt  }
0x7f: {  	_ =	shalt  }
0x80: {  	_ =	shalt  }
0x81: {  	_ =	shalt  }
0x82: {  	_ =	shalt  }
0x83: {  	_ =	shalt  }
0x84: {  	_ =	shalt  }
0x85: {  	_ =	shalt  }
0x86: {  	_ =	shalt  }
0x87: {  	_ =	shalt  }
.Lfunc_end0:
.L_simem_size_0:
called_computation.3_lowered:
.L_overlay_start_0:
0x88: {  	s0 =	sld [smem:$0x3FD9]  }
0x89: {  	s1 =	sld [smem:$0x3FFE];
	_ =	sdelay $0x3  }
0x8a: {  	s0 =	sadd.s32 s1, s0  }
0x8b: {  	[smem:$0x3FB5] =	sst s0  }
0x8c: {  	_ = 	snop  }
0x8d: {  	(tm) =	ssettm $0x1  }
0x8e: {  	s15 =	sld [smem:$0x3FFB];
	_ =	sdelay $0x3  }
0x8f: {  	_ =	strace s15  }
0x90: {  	s0 =	sld [smem:$0x3FFC];
	_ =	sdelay $0x3  }
0x91: {  	_ =	strace s0  }
0x92: {  	s0 =	sld [smem:$0x3FFD];
	_ =	sdelay $0x3  }
0x93: {  	_ =	strace s0  }
0x94: {  	_ =	strace $0x8FFFFFFF  }
0x95: {  	s16 =	sld [smem:$0x3FDB];
	_ =	sdelay $0x1  }
0x96: {  	s17 =	simm.s32 $_scs_section_size  }
0x97: {  	s2 =	simm.s32 $_size__tile_overlayer_lowered;
	s3 =	simm.s32 $_tile_overlayer_lowered  }
0x98: {  	s20 =	simm.s32 $0x1BFF;
	s19 =	sshll.u32 s3, $0x1;
	s0 =	sadd.s32 s17, s16  }
0x99: {  	s4 =	simm.s32 $0x0;
	s18 =	sshll.u32 s2, $0x1;
	s2 =	sadd.s32 s19, s0  }
0x9a: {  	[timem:s4], [sflag:s20] =	dma.local [hbm:s2], s18  }
0x9b: {  	_ =	swait.ge [sflag:s20], s18  }
0x9c: {  	s1 =	ssub.s32 $0x0, s18;
	[sflag:s20] =	ssyncset.done $0x0  }
0x9d: {  	[sflag:s20] =	ssyncadd.s32 s1;
	_ =	sdelay $0x1  }
0x9e: {  	s21 =	simm.s32 $0x1B8B  }
0x9f: {  	_ =	swait.ge [sflag:s21], $0x1  }
0xa0: {  	[sflag:s21] =	ssyncset.done $0x0  }
0xa1: {  	s23 =	simm.s32 $0x1B8E;
	s22 =	sld [smem:$0x3FFE];
	[sflag:s21] =	ssyncadd.s32 $0xFFFFFFFF  }
0xa2: {  	s24 =	simm.s32 $execute0_lowered;
	[smem:$0x3FD2] =	sst s23  }
0xa3: {  	s2 =	sshll.u32 s24, $0x1;
	_ =	strace $0x8000004F;
	[dreg:$0x1] =	wrdreg $0xFFFFFFFF  }
0xa4: {  	s25 =	simm.s32 $_size_execute0_lowered;
	s0 =	sadd.s32 s0, s2;
	[dreg:$0x0] =	wrdreg $0x0  }
0xa5: {  	s2 =	sshll.u32 s25, $0x1;
	[dreg:$0x2] =	wrdreg s0  }
0xa6: {  	[dreg:$0x3] =	wrdreg s2  }
0xa7: {  	[dreg:$0x4] =	wrdreg $0xC0  }
0xa8: {  	_ =	task [dreg:s4], $0x5FFFF  }
0xa9: {  	[dreg:$0x1] =	wrdreg $0xFFFFFFFF  }
0xaa: {  	[dreg:$0x0] =	wrdreg $0x60  }
0xab: {  	[dreg:$0x2] =	wrdreg s22  }
0xac: {  	[dreg:$0x3] =	wrdreg $0x29000  }
0xad: {  	[dreg:$0x4] =	wrdreg $0x9  }
0xae: {  	_ =	task.clear_ibuf [dreg:s4], $0x5FFFF;
	_ =	strace $0x9000004F  }
0xaf: {  	s26 =	simm.s32 $0x9;
	_ =	strace $0x80000051  }
0xb0: {  	_ =	swait.ge [sflag:s26], $0x1  }
0xb1: {  	[sflag:s26] =	ssyncadd.s32 $0xFFFFFFFF  }
0xb2: {  	_ =	strace $0x90000051  }
0xb3: {  	_ =	sfence  }
0xb4: {  	s28 =	sld [smem:$0x0];
	_ =	sdelay $0x1  }
0xb5: {  	s29 =	srdreg.scid  }
0xb6: {  	s30 =	sshll.u32 s29, $0xD;
	s31 =	sshrl.u32 s29, $0x2  }
0xb7: {  	s1 =	sand.u32 $0x1, s29;
	s2 =	sand.u32 $0x4000, s30;
	s0 =	sadd.s32 s31, s28  }
0xb8: {  	s1 =	sor.u32 s2, s1;
	s0 =	sshll.u32 s0, $0x11  }
0xb9: {  	s0 =	sor.u32 s0, s1  }
0xba: {  	s0 =	sadd.s32 $0x8F2B, s0  }
0xbb: {  	[sflag:s0] =	ssyncadd.remote.s32 $0x1  }
0xbc: {  	_ =	sfence.sel $0xFFFF  }
0xbd: {  	[dreg:$0x0] =	wrdreg $0xFFFFFFFF;
	(pc) =	sbr.abs _section_cstart, $3  }
0xbe: {  	[dreg:$0x1] =	wrdreg $0xFFFFFFFF  }
0xbf: {  	_ =	task.clear_ibuf [dreg:s4], $0x2FFFF;
	_ =	strace $0x9FFFFFFF  }
0xc0: {  	(tm) =	ssettm $0x7FFFFFFF  }
0xc1: {  	_ =	shalt  }
tec
execute0_lowered:
.L_overlay_start_1:
0x0: {  	(tag) =	ssettag $0x1  }
0x1: {  	s10 =	rddreg [dreg:$0x0];
	s0 =	stileid.u32  }
0x2: {  	s2 =	rddreg [dreg:$0x1];
	s3 =	smul.u32 $0x50000, s0  }
0x3: {  	s1 =	rddreg [dreg:$0x2];
	s8 =	simm.s32 $0x0;
	s6 =	simm.s32 $0x3  }
0x4: {  	[smem:$0x7FF] =	sst s8;
	s30 =	sshll.u32 s0, $0x6;
	s3 =	sshrl.u32 s3, $0x2  }
0x5: {  	s5 =	sadd.s32 $0x19A00, s10;
	s11 =	smul.u32 $0x4E200, s0;
	s4 =	sadd.s32 s3, s2  }
0x6: {  	_ =	strace $0x80000050;
	s3 =	sor.u32 $0x1C03, s30;
	s4 =	sshrl.u32 s4, $0x3  }
0x7: {  	[spmem:s4], [sflag:s3] =	dma.local [hbm:s5], $0x2800  }
0x8: {  	s9 =	smul.u32 $0x4E20, s0;
	_ =	swait.ge [sflag:s6], $0x2800  }
0x9: {  	s7 =	sadd.s32 $0xDF800, s10;
	[sflag:s6] =	ssyncset.done $0x0  }
0xa: {  	s14 =	sadd.s32 s7, s11;
	s12 =	sshrl.u32 s9, $0x3;
	[sflag:s6] =	ssyncadd.s32 $0xFFFFD800  }
0xb: {  	s11 =	simm.s32 $0x100;
	s5 =	sadd.s32 $0xFC00, s10;
	[bflag:$0x0] =	sbarrier.arrive $0xFFFF  }
0xc: {  	[tilespmem:s11], [sflag:$0x1] =	stream.linear.gather [hbm4b:s14+s8], $0x1400, $0x38;
	[tilespmem:$0x16900] =	vst v63  }
0xd: {  	s31 =	smul.u32 $0x9C4, s0;
	s12 =	sadd.s32 s5, s12  }
0xe: {  	[tilespmem:s8], [sflag:$0x3] =	stream.linear.gather [hbm4b:s12+s8], $0x28, $0x38;
	[tilespmem:$0x16900] =	vst v63  }
0xf: {  	s17 =	sadd.s32 $0x0, s14;
	_ =	swait.ge [sflag:s6], $0x28  }
0x10: {  	s13 =	sadd.s32 $0x280, s17;
	s12 =	sadd.s32 s31, s5;
	[sflag:s6] =	ssyncset.done $0x0  }
0x11: {  	s18 =	sadd.s32 $0xA, s12;
	s12 =	simm.s32 $0x1500;
	[sflag:s6] =	ssyncadd.s32 $0xFFFFFFD8  }
0x12: {  	[tilespmem:s12], [sflag:$0x2] =	stream.linear.gather [hbm4b:s13+s8], $0x1400, $0x38;
	[tilespmem:$0x16900] =	vst v63  }
0x13: {  	s15 =	sadd.s32 $0xFFFFFFFB, s18;
	s13 =	simm.s32 $0x80  }
0x14: {  	[tilespmem:s13], [sflag:$0x3] =	stream.linear.gather [hbm4b:s15+s8], $0x28, $0x38;
	[tilespmem:$0x16900] =	vst v63  }
0x15: {  	_ =	swait.ge [sflag:s6], $0x28  }
0x16: {  	[sflag:s6] =	ssyncset.done $0x0  }
0x17: {  	s16 =	simm.s32 $0x1;
	[sflag:s6] =	ssyncadd.s32 $0xFFFFFFD8  }
0x18: {  	_ =	swait.ge [sflag:s16], $0x1400  }
0x19: {  	[sflag:s16] =	ssyncset.done $0x0  }
0x1a: {  	s15 =	simm.s32 $0x28;
	[sflag:s16] =	ssyncadd.s32 $0xFFFFEC00  }
0x1b: {  	[spmem:s2] =	stream.indirect.scatter.add.f32 [tilespmem:s11], [sflag:$0x3], $0x80, s8, s15, $0xb8;
	[tilespmem:$0x16900] =	vst v63  }
0x1c: {  	_ =	swait.ge [sflag:s6], $0x1400  }
0x1d: {  	[sflag:s6] =	ssyncset.done $0x0  }
0x1e: {  	s17 =	sadd.s32 $0x500, s17;
	[sflag:s6] =	ssyncadd.s32 $0xFFFFEC00  }
0x1f: {  	[tilespmem:s11], [sflag:$0x1] =	stream.linear.gather [hbm4b:s17+s8], $0x1400, $0x38;
	[tilespmem:$0x16900] =	vst v63  }
0x20: {  	_ = 	snop  }
0x21: {  	[tilespmem:s8], [sflag:$0x3] =	stream.linear.gather [hbm4b:s18+s8], $0x28, $0x38;
	[tilespmem:$0x16900] =	vst v63  }
0x22: {  	_ =	swait.ge [sflag:s6], $0x28  }
0x23: {  	[sflag:s6] =	ssyncset.done $0x0  }
0x24: {  	s17 =	simm.s32 $0x2;
	[sflag:s6] =	ssyncadd.s32 $0xFFFFFFD8  }
0x25: {  	_ =	swait.ge [sflag:s17], $0x1400  }
0x26: {  	[sflag:s17] =	ssyncset.done $0x0  }
0x27: {  	[sflag:s17] =	ssyncadd.s32 $0xFFFFEC00  }
0x28: {  	[spmem:s2] =	stream.indirect.scatter.add.f32 [tilespmem:s12], [sflag:$0x3], $0x80, s13, s15, $0xb8;
	[tilespmem:$0x16900] =	vst v63  }
0x29: {  	s20 =	simm.s32 $0xA00;
	s19 =	sadd.s32 $0x500, s14;
	_ =	swait.ge [sflag:s6], $0x1400  }
0x2a: {  	s10 =	sadd.s32 $0x1C200, s10;
	s18 =	sadd.s32 $0xA, s18;
	[sflag:s6] =	ssyncset.done $0x0  }
.LBB2_1:
0x2b: {  	s21 =	sadd.s32 $0x280, s19  }
0x2c: {  	[sflag:s6] =	ssyncadd.s32 $0xFFFFEC00;
	s22 =	smov.u32 s20;
	s23 =	sadd.s32 $0x500, s20  }
0x2d: {  	[tilespmem:s12], [sflag:$0x2] =	stream.linear.gather [hbm4b:s21+s8], $0x1400, $0x38;
	[tilespmem:$0x16900] =	vst v63  }
0x2e: {  	p0 =	sne.s32 s20, $0x4D800;
	s20 =	sadd.s32 $0xFFFFFFFB, s18  }
0x2f: {  	[tilespmem:s13], [sflag:$0x3] =	stream.linear.gather [hbm4b:s20+s8], $0x28, $0x38;
	[tilespmem:$0x16900] =	vst v63  }
0x30: {  	_ =	swait.ge [sflag:s6], $0x28  }
0x31: {  	[sflag:s6] =	ssyncset.done $0x0  }
0x32: {  	[sflag:s6] =	ssyncadd.s32 $0xFFFFFFD8  }
0x33: {  	_ =	swait.ge [sflag:s16], $0x1400  }
0x34: {  	[sflag:s16] =	ssyncset.done $0x0  }
0x35: {  	[sflag:s16] =	ssyncadd.s32 $0xFFFFEC00  }
0x36: {  	[spmem:s2] =	stream.indirect.scatter.add.f32 [tilespmem:s11], [sflag:$0x3], $0x80, s8, s15, $0xb8;
	[tilespmem:$0x16900] =	vst v63  }
0x37: {  	_ =	swait.ge [sflag:s6], $0x1400  }
0x38: {  	[sflag:s6] =	ssyncset.done $0x0  }
0x39: {  	s19 =	sadd.s32 $0x500, s19;
	[sflag:s6] =	ssyncadd.s32 $0xFFFFEC00  }
0x3a: {  	[tilespmem:s11], [sflag:$0x1] =	stream.linear.gather [hbm4b:s19+s8], $0x1400, $0x38;
	[tilespmem:$0x16900] =	vst v63  }
0x3b: {  	_ = 	snop  }
0x3c: {  	[tilespmem:s8], [sflag:$0x3] =	stream.linear.gather [hbm4b:s18+s8], $0x28, $0x38;
	[tilespmem:$0x16900] =	vst v63  }
0x3d: {  	_ =	swait.ge [sflag:s6], $0x28  }
0x3e: {  	[sflag:s6] =	ssyncset.done $0x0  }
0x3f: {  	[sflag:s6] =	ssyncadd.s32 $0xFFFFFFD8  }
0x40: {  	_ =	swait.ge [sflag:s17], $0x1400  }
.Ltmp0:
0x41: {  	[sflag:s17] =	ssyncset.done $0x0;
	(pc) =	sbr.rel @p0 .LBB2_1-.Ltmp0, $4  }
0x42: {  	[sflag:s17] =	ssyncadd.s32 $0xFFFFEC00  }
0x43: {  	[spmem:s2] =	stream.indirect.scatter.add.f32 [tilespmem:s12], [sflag:$0x3], $0x80, s13, s15, $0xb8;
	[tilespmem:$0x16900] =	vst v63  }
0x44: {  	s20 =	smov.u32 s23;
	_ =	swait.ge [sflag:s6], $0x1400  }
0x45: {  	s19 =	sadd.s32 s22, s14;
	s18 =	sadd.s32 $0xA, s18;
	[sflag:s6] =	ssyncset.done $0x0  }
0x46: {  	s14 =	sadd.s32 $0x280, s19;
	[sflag:s6] =	ssyncadd.s32 $0xFFFFEC00  }
0x47: {  	[tilespmem:s12], [sflag:$0x2] =	stream.linear.gather [hbm4b:s14+s8], $0x1400, $0x38;
	[tilespmem:$0x16900] =	vst v63  }
0x48: {  	s31 =	sadd.s32 $0xFFFFFFFB, s18  }
0x49: {  	[tilespmem:s13], [sflag:$0x3] =	stream.linear.gather [hbm4b:s31+s8], $0x28, $0x38;
	[tilespmem:$0x16900] =	vst v63  }
0x4a: {  	_ =	swait.ge [sflag:s6], $0x28  }
0x4b: {  	[sflag:s6] =	ssyncset.done $0x0  }
0x4c: {  	[sflag:s6] =	ssyncadd.s32 $0xFFFFFFD8  }
0x4d: {  	_ =	swait.ge [sflag:s16], $0x1400  }
0x4e: {  	[sflag:s16] =	ssyncset.done $0x0  }
0x4f: {  	[sflag:s16] =	ssyncadd.s32 $0xFFFFEC00  }
0x50: {  	[spmem:s2] =	stream.indirect.scatter.add.f32 [tilespmem:s11], [sflag:$0x3], $0x80, s8, s15, $0xb8;
	[tilespmem:$0x16900] =	vst v63  }
0x51: {  	_ =	swait.ge [sflag:s6], $0x1400  }
0x52: {  	[sflag:s6] =	ssyncset.done $0x0  }
0x53: {  	s16 =	sadd.s32 $0x500, s19;
	[sflag:s6] =	ssyncadd.s32 $0xFFFFEC00  }
0x54: {  	[tilespmem:s11], [sflag:$0x1] =	stream.linear.gather [hbm4b:s16+s8], $0x1400, $0x38;
	[tilespmem:$0x16900] =	vst v63  }
0x55: {  	_ = 	snop  }
0x56: {  	[tilespmem:s8], [sflag:$0x3] =	stream.linear.gather [hbm4b:s18+s8], $0x28, $0x38;
	[tilespmem:$0x16900] =	vst v63  }
0x57: {  	_ =	swait.ge [sflag:s6], $0x28  }
0x58: {  	[sflag:s6] =	ssyncset.done $0x0  }
0x59: {  	[sflag:s6] =	ssyncadd.s32 $0xFFFFFFD8  }
0x5a: {  	_ =	swait.ge [sflag:s17], $0x1400  }
0x5b: {  	[sflag:s17] =	ssyncset.done $0x0  }
0x5c: {  	[sflag:s17] =	ssyncadd.s32 $0xFFFFEC00  }
0x5d: {  	[spmem:s2] =	stream.indirect.scatter.add.f32 [tilespmem:s12], [sflag:$0x3], $0x80, s13, s15, $0xb8;
	[tilespmem:$0x16900] =	vst v63  }
0x5e: {  	s21 =	simm.s32 $0x0;
	s19 =	sadd.s32 $0x4DF8, s9;
	_ =	swait.ge [sflag:s6], $0x1400  }
0x5f: {  	s22 =	simm.s32 $0x1500;
	s20 =	sshll.u32 s19, $0x4;
	[sflag:s6] =	ssyncset.done $0x0  }
0x60: {  	s23 =	sshrl.u32 s19, $0x3;
	[sflag:s6] =	ssyncadd.s32 $0xFFFFEC00;
	s6 =	sadd.s32 s7, s20  }
0x61: {  	[tilespmem:s22], [sflag:$0x2] =	stream.linear.gather [hbm4b:s6+s21], $0x1400, $0x38;
	[tilespmem:$0x16900] =	vst v63  }
0x62: {  	s24 =	simm.s32 $0x80;
	s25 =	simm.s32 $0x3;
	s5 =	sadd.s32 s5, s23  }
0x63: {  	[tilespmem:s24], [sflag:$0x3] =	stream.linear.gather [hbm4b:s5+s21], $0x28, $0x38;
	[tilespmem:$0x16900] =	vst v63  }
0x64: {  	_ =	swait.ge [sflag:s25], $0x28  }
0x65: {  	[sflag:s25] =	ssyncset.done $0x0  }
0x66: {  	s26 =	simm.s32 $0x1;
	[sflag:s25] =	ssyncadd.s32 $0xFFFFFFD8  }
0x67: {  	_ =	swait.ge [sflag:s26], $0x1400  }
0x68: {  	[sflag:s26] =	ssyncset.done $0x0  }
0x69: {  	s28 =	simm.s32 $0x28;
	s29 =	simm.s32 $0x100;
	[sflag:s26] =	ssyncadd.s32 $0xFFFFEC00  }
0x6a: {  	[spmem:s2] =	stream.indirect.scatter.add.f32 [tilespmem:s29], [sflag:$0x3], $0x80, s21, s28, $0xb8;
	[tilespmem:$0x16900] =	vst v63  }
0x6b: {  	_ =	swait.ge [sflag:s25], $0x1400  }
0x6c: {  	[sflag:s25] =	ssyncset.done $0x0  }
0x6d: {  	s30 =	simm.s32 $0x2;
	[sflag:s25] =	ssyncadd.s32 $0xFFFFEC00  }
0x6e: {  	_ =	swait.ge [sflag:s30], $0x1400  }
0x6f: {  	[sflag:s30] =	ssyncset.done $0x0  }
0x70: {  	[sflag:s30] =	ssyncadd.s32 $0xFFFFEC00  }
0x71: {  	[spmem:s2] =	stream.indirect.scatter.add.f32 [tilespmem:s22], [sflag:$0x3], $0x80, s24, s28, $0xb8;
	[tilespmem:$0x16900] =	vst v63  }
0x72: {  	_ =	swait.ge [sflag:s25], $0x1400  }
0x73: {  	s31 =	smul.u32 $0x2800, s0;
	[sflag:s25] =	ssyncset.done $0x0  }
0x74: {  	[sflag:s25] =	ssyncadd.s32 $0xFFFFEC00  }
0x75: {  	s2 =	sadd.s32 s10, s31;
	[bflag:$0x0] =	sbarrier.arrive $0xFFFF  }
0x76: {  	[hbm:s2], [sflag:s3] =	dma.local [spmem:s4], $0x2800  }
0x77: {  	_ =	swait.ge [sflag:s25], $0x2800  }
0x78: {  	[sflag:s25] =	ssyncset.done $0x0  }
0x79: {  	[sflag:s25] =	ssyncadd.s32 $0xFFFFD800  }
0x7a: {  	_ =	sfence.sel $0x180000  }
0x7b: {  	[bflag:$0x0] =	sbarrier.arrive $0xFFFF  }
0x7c: {  	p0 =	sne.s32 s0, $0x0;
	_ =	strace $0x90000050  }
0x7d: {  	s0 =	sadd.s32 @!p0 $0x100000, s1;
	[bflag:$0x2] =	sbarrier.arrive $0xFFFF  }
0x7e: {  	[sflag:s0] =	ssyncadd.tile.s32 @!p0 $0x1;
	_ =	shalt  }
.Lfunc_end2:
_tile_overlayer_lowered:
.L_overlay_start_2:
0x7f: {  	(tag) =	ssettag $0x2  }
0x80: {  	s0 =	rddreg [dreg:$0x0];
	s2 =	stileid.u32  }
0x81: {  	s1 =	rddreg [dreg:$0x1];
	p0 =	sne.s32 s2, $0x0  }
0x82: {  	s3 =	rddreg [dreg:$0x2];
	[bflag:$0x3] =	sbarrier.arrive $0xFFFF;
	s2 =	simm.s32 @!p0 $0x1C03  }
0x83: {  	[timem:s3], [sflag:s2] =	dma.local @!p0 [hbm:s0], s1  }
0x84: {  	s0 =	simm.s32 @!p0 $0x3  }
0x85: {  	_ =	swait.ge @!p0 [sflag:s0], s1  }
0x86: {  	s1 =	ssub.s32 @!p0 $0x0, s1;
	[sflag:s0] =	ssyncset.done @!p0 $0x0  }
0x87: {  	[sflag:s0] =	ssyncadd.s32 @!p0 s1  }
0x88: {  	[bflag:$0x3] =	sbarrier.arrive $0xFFFF  }
0x89: {  	_ =	shalt  }

</sc_bundles>
